<compile_context>
chip_gen: v7x
topology: tpu7x:2x2x1
jax: 0.10.2.dev20260603
libtpu: 0.0.44.dev20260713+nightly
codegen_flags: <defaults>
</compile_context>

<pallas_src>
import functools

import jax
import jax.numpy as jnp
from jax import lax
from jax.experimental import pallas as pl
from jax.experimental.pallas import tpu as pltpu
from jax.experimental.pallas import tpu_sc as plsc

N = 10000
E = 320000
D = 128
B = 64
D_CAT = 3 * D
D_POOL = 3 * D_CAT
EPS = 1e-5

NC = 2
NS = 16
NW = NC * NS
EPW = E // NW
CH = 80
NCHUNK = EPW // CH
RQ = 624
REM = N - NS * RQ
REM_OFF = NS * RQ

_mesh = plsc.VectorSubcoreMesh(core_axis_name="c", subcore_axis_name="s")



@functools.partial(
    pl.kernel,
    out_type=jax.ShapeDtypeStruct((NC, N, 16), jnp.float32),
    mesh=_mesh,
    scratch_types=[
        pltpu.VMEM((EPW,), jnp.int32),
        pltpu.VMEM((CH, 16), jnp.float32),
        pltpu.VMEM_SHARED((N, 16), jnp.float32),
        pltpu.SemaphoreType.DMA,
    ],
    compiler_params=pltpu.CompilerParams(use_tc_tiling_on_sc=False),
)
def _sc_deg(edge_hbm, zeros16_hbm, ones16_hbm, out_hbm,
            dst_all, ones_v, acc_sh, sem):
    cid = lax.axis_index("c")
    sid = lax.axis_index("s")
    wid = sid * NC + cid
    pltpu.async_copy(zeros16_hbm, acc_sh.at[pl.ds(sid * RQ, RQ)], sem)

    @pl.when(sid == NS - 1)
    def _():
        pltpu.async_copy(zeros16_hbm.at[pl.ds(0, REM)],
                         acc_sh.at[pl.ds(REM_OFF, REM)], sem)

    pltpu.sync_copy(ones16_hbm, ones_v)
    pltpu.sync_copy(edge_hbm.at[1, pl.ds(wid * EPW, EPW)], dst_all)
    pltpu.make_async_copy(zeros16_hbm, acc_sh.at[pl.ds(sid * RQ, RQ)],
                          sem).wait()

    @pl.when(sid == NS - 1)
    def _():
        pltpu.make_async_copy(zeros16_hbm.at[pl.ds(0, REM)],
                              acc_sh.at[pl.ds(REM_OFF, REM)], sem).wait()

    plsc.subcore_barrier()

    def body(t, carry):
        pltpu.async_copy(ones_v, acc_sh.at[dst_all.at[pl.ds(t * CH, CH)]],
                         sem, add=True)
        return carry

    lax.fori_loop(0, NCHUNK, body, 0)

    def drain(t, carry):
        pltpu.make_async_copy(
            ones_v, acc_sh.at[dst_all.at[pl.ds(0, CH)]], sem).wait()
        return carry

    lax.fori_loop(0, NCHUNK, drain, 0)
    plsc.subcore_barrier()
    pltpu.sync_copy(acc_sh.at[pl.ds(sid * RQ, RQ)],
                    out_hbm.at[cid, pl.ds(sid * RQ, RQ)])

    @pl.when(sid == NS - 1)
    def _():
        pltpu.sync_copy(acc_sh.at[pl.ds(REM_OFF, REM)],
                        out_hbm.at[cid, pl.ds(REM_OFF, REM)])


@functools.partial(
    pl.kernel,
    out_type=jax.ShapeDtypeStruct((NC, N, D), jnp.float32),
    mesh=_mesh,
    scratch_types=[
        pltpu.VMEM((EPW,), jnp.int32),
        pltpu.VMEM((EPW,), jnp.int32),
        pltpu.VMEM((CH, D), jnp.float32),
        pltpu.VMEM((CH, D), jnp.float32),
        pltpu.VMEM((CH, D), jnp.float32),
        pltpu.VMEM_SHARED((N, D), jnp.float32),
        pltpu.SemaphoreType.DMA,
        pltpu.SemaphoreType.DMA,
        pltpu.SemaphoreType.DMA,
        pltpu.SemaphoreType.DMA,
        pltpu.SemaphoreType.DMA,
        pltpu.SemaphoreType.DMA,
        pltpu.SemaphoreType.DMA,
    ],
    compiler_params=pltpu.CompilerParams(use_tc_tiling_on_sc=False),
)
def _sc_agg(hws_hbm, edge_hbm, zerosd_hbm, out_hbm,
            src_all, dst_all, rows_a, rows_b, rows_c, acc_sh,
            sg_a, sg_b, sg_c, ss_a, ss_b, ss_c, sz):
    cid = lax.axis_index("c")
    sid = lax.axis_index("s")
    wid = sid * NC + cid
    base = wid * EPW
    pltpu.async_copy(zerosd_hbm, acc_sh.at[pl.ds(sid * RQ, RQ)], sz)

    @pl.when(sid == NS - 1)
    def _():
        pltpu.async_copy(zerosd_hbm.at[pl.ds(0, REM)],
                         acc_sh.at[pl.ds(REM_OFF, REM)], sz)

    pltpu.sync_copy(edge_hbm.at[0, pl.ds(base, EPW)], src_all)
    pltpu.sync_copy(edge_hbm.at[1, pl.ds(base, EPW)], dst_all)

    def gissue(t, rows, sem):
        pltpu.async_copy(hws_hbm.at[src_all.at[pl.ds(t * CH, CH)]], rows, sem)

    def gwait(rows, sem):
        pltpu.make_async_copy(
            hws_hbm.at[src_all.at[pl.ds(0, CH)]], rows, sem).wait()

    def sissue(t, rows, sem):
        pltpu.async_copy(rows, acc_sh.at[dst_all.at[pl.ds(t * CH, CH)]], sem,
                         add=True)

    def swait(rows, sem):
        pltpu.make_async_copy(
            rows, acc_sh.at[dst_all.at[pl.ds(0, CH)]], sem).wait()

    gissue(0, rows_a, sg_a)
    gissue(1, rows_b, sg_b)
    pltpu.make_async_copy(zerosd_hbm, acc_sh.at[pl.ds(sid * RQ, RQ)],
                          sz).wait()

    @pl.when(sid == NS - 1)
    def _():
        pltpu.make_async_copy(zerosd_hbm.at[pl.ds(0, REM)],
                              acc_sh.at[pl.ds(REM_OFF, REM)], sz).wait()

    plsc.subcore_barrier()

    bufs = ((rows_a, sg_a, ss_a), (rows_b, sg_b, ss_b), (rows_c, sg_c, ss_c))

    def body(t, carry):
        for r in range(3):
            rows_p, sg_p, ss_p = bufs[r]
            rows_q, sg_q, ss_q = bufs[(r + 2) % 3]

            @pl.when(t % 3 == r)
            def _(rows_p=rows_p, sg_p=sg_p, ss_p=ss_p,
                  rows_q=rows_q, sg_q=sg_q, ss_q=ss_q):
                gwait(rows_p, sg_p)
                sissue(t, rows_p, ss_p)

                @pl.when(t + 2 < NCHUNK)
                def _():
                    @pl.when(t > 0)
                    def _():
                        swait(rows_q, ss_q)
                    gissue(t + 2, rows_q, sg_q)

        return carry

    lax.fori_loop(0, NCHUNK, body, 0)
    swait(rows_b, ss_b)
    swait(rows_a, ss_a)
    swait(rows_c, ss_c)
    plsc.subcore_barrier()
    pltpu.sync_copy(acc_sh.at[pl.ds(sid * RQ, RQ)],
                    out_hbm.at[cid, pl.ds(sid * RQ, RQ)])

    @pl.when(sid == NS - 1)
    def _():
        pltpu.sync_copy(acc_sh.at[pl.ds(REM_OFF, REM)],
                        out_hbm.at[cid, pl.ds(REM_OFF, REM)])


BPW = B // NW
CHP = 64
NOFF = 80


@functools.partial(
    pl.kernel,
    out_type=(jax.ShapeDtypeStruct((B, D_CAT), jnp.float32),
              jax.ShapeDtypeStruct((B, D_CAT), jnp.float32)),
    mesh=_mesh,
    scratch_types=[
        pltpu.VMEM((NOFF,), jnp.int32),
        pltpu.VMEM((CHP, D), jnp.float32),
        pltpu.VMEM((D_CAT,), jnp.float32),
        pltpu.VMEM((D_CAT,), jnp.float32),
        pltpu.SemaphoreType.DMA,
    ],
    compiler_params=pltpu.CompilerParams(use_tc_tiling_on_sc=False,
                                         needs_layout_passes=False),
)
def _sc_pool(h1_hbm, h2_hbm, h3_hbm, offs_hbm, sums_hbm, maxs_hbm,
             offs_v, hbuf_v, sstage_v, mstage_v, sem):
    cid = lax.axis_index("c")
    sid = lax.axis_index("s")
    wid = sid * NC + cid
    pltpu.sync_copy(offs_hbm, offs_v)

    def sel(k):
        acc = jnp.int32(0)
        for j in range(NOFF // 16):
            v = offs_v[pl.ds(j * 16, 16)]
            idx = lax.iota(jnp.int32, 16) + j * 16
            acc = acc + jnp.sum(jnp.where(idx == k, v, jnp.int32(0)))
        return acc

    for gi in range(BPW):
        g = wid * BPW + gi
        start = sel(g)
        end = sel(g + 1)
        nch = (end - start + CHP - 1) // CHP
        for ti, h_hbm in enumerate((h1_hbm, h2_hbm, h3_hbm)):
            def chunk_body(c, carry, h_hbm=h_hbm):
                row0 = start + c * CHP
                base = jnp.minimum(row0, N - CHP)
                jlo = row0 - base
                jhi = jnp.minimum(end, base + CHP) - base
                pltpu.sync_copy(h_hbm.at[pl.ds(base, CHP)], hbuf_v)

                def row_body(j, rc):
                    sums = []
                    maxs = []
                    for k in range(8):
                        v = hbuf_v[j, pl.ds(k * 16, 16)]
                        sums.append(rc[k] + v)
                        maxs.append(jnp.maximum(rc[8 + k], v))
                    return tuple(sums) + tuple(maxs)

                return lax.fori_loop(jlo, jhi, row_body, carry)

            init = tuple(jnp.zeros((16,), jnp.float32) for _ in range(8)) \
                + tuple(jnp.full((16,), -jnp.inf, jnp.float32)
                        for _ in range(8))
            accs = lax.fori_loop(0, nch, chunk_body, init)
            for k in range(8):
                sstage_v[pl.ds(ti * D + k * 16, 16)] = accs[k]
                mstage_v[pl.ds(ti * D + k * 16, 16)] = accs[8 + k]
        pltpu.sync_copy(sstage_v, sums_hbm.at[g])
        pltpu.sync_copy(mstage_v, maxs_hbm.at[g])



def _dinv_from_degp(degp):
    deg = degp[0, :, :1] + degp[1, :, :1] + 1.0
    return lax.rsqrt(deg)


def _tc_pre_body(x_ref, w_ref, degp_ref, hws_ref):
    dinv = _dinv_from_degp(degp_ref[...])
    hw = jnp.dot(x_ref[...], w_ref[...], preferred_element_type=jnp.float32)
    hws_ref[...] = hw * dinv


def _tc_layer_body(sp_ref, hws_ref, degp_ref, b_ref, g_ref, bb_ref, wn_ref,
                   h_ref, hwsn_ref):
    dinv = _dinv_from_degp(degp_ref[...])
    s = sp_ref[0] + sp_ref[1]
    pre = dinv * (s + hws_ref[...]) + b_ref[...]
    mu = jnp.mean(pre, axis=0, keepdims=True)
    var = jnp.mean((pre - mu) ** 2, axis=0, keepdims=True)
    h = (pre - mu) * lax.rsqrt(var + EPS) * g_ref[...] + bb_ref[...]
    h_ref[...] = h
    if hwsn_ref is not None:
        hwsn_ref[...] = jnp.dot(
            h, wn_ref[...], preferred_element_type=jnp.float32) * dinv


def _tc_layer_last_body(sp_ref, hws_ref, degp_ref, b_ref, g_ref, bb_ref,
                        batch_ref, h_ref, offs_ref):
    _tc_layer_body(sp_ref, hws_ref, degp_ref, b_ref, g_ref, bb_ref, None,
                   h_ref, None)
    bcol = batch_ref[...]
    seg = lax.broadcasted_iota(jnp.int32, (N, B), 1)
    m = (bcol == seg).astype(jnp.float32)
    cnt = jnp.sum(m, axis=0)
    tri = (lax.broadcasted_iota(jnp.int32, (B, B), 0)
           < lax.broadcasted_iota(jnp.int32, (B, B), 1)).astype(jnp.float32)
    offs = lax.dot_general(cnt, tri, (((0,), (0,)), ((), ())),
                           preferred_element_type=jnp.float32)
    offs_full = jnp.concatenate(
        [offs, jnp.full((NOFF - B,), float(N), jnp.float32)])
    offs_ref[...] = offs_full.astype(jnp.int32)


def _tc_head_body(sums_ref, maxs_ref, offs_ref, bg_ref, bbo_ref,
                  w1_ref, b1_ref, w2_ref, b2_ref, w3_ref, b3_ref,
                  out_ref):
    sums = sums_ref[...]
    maxs = maxs_ref[...]
    offs = offs_ref[...].astype(jnp.float32)
    cnt = offs[1:B + 1] - offs[0:B]
    avg = sums / jnp.maximum(cnt, 1.0)[:, None]
    hp = jnp.concatenate([avg, sums, maxs], axis=1)
    mu = jnp.mean(hp, axis=0, keepdims=True)
    var = jnp.mean((hp - mu) ** 2, axis=0, keepdims=True)
    z = (hp - mu) * lax.rsqrt(var + EPS) * bg_ref[...] + bbo_ref[...]
    z = jnp.maximum(
        jnp.dot(z, w1_ref[...], preferred_element_type=jnp.float32)
        + b1_ref[...], 0.0)
    z = jnp.maximum(
        jnp.dot(z, w2_ref[...], preferred_element_type=jnp.float32)
        + b2_ref[...], 0.0)
    zl = jnp.dot(z, w3_ref[...], preferred_element_type=jnp.float32) \
        + b3_ref[...]
    zmax = jnp.max(zl, axis=1, keepdims=True)
    lse = zmax + jnp.log(jnp.sum(jnp.exp(zl - zmax), axis=1, keepdims=True))
    out_ref[...] = zl - lse


_f32 = jnp.float32


def _call_tc(body, out_shape, *args, scratch_shapes=()):
    return pl.pallas_call(
        body,
        out_shape=out_shape,
        scratch_shapes=list(scratch_shapes),
    )(*args)



def kernel(x, edge_index, batch, conv_W, conv_b, bn_g, bn_b, bno_g, bno_b,
           W1, b1, W2, b2, W3, b3):
    zeros16 = jnp.zeros((RQ, 16), _f32)
    ones16 = jnp.ones((CH, 16), _f32)
    zerosd = jnp.zeros((RQ, D), _f32)

    degp = _sc_deg(edge_index, zeros16, ones16)

    hws = _call_tc(_tc_pre_body, jax.ShapeDtypeStruct((N, D), _f32),
                   x, conv_W[0], degp)

    hs = []
    for i in range(2):
        sp = _sc_agg(hws, edge_index, zerosd)
        h, hws = _call_tc(
            _tc_layer_body,
            (jax.ShapeDtypeStruct((N, D), _f32),
             jax.ShapeDtypeStruct((N, D), _f32)),
            sp, hws, degp, conv_b[i].reshape(1, D), bn_g[i].reshape(1, D),
            bn_b[i].reshape(1, D), conv_W[i + 1])
        hs.append(h)

    sp = _sc_agg(hws, edge_index, zerosd)
    h3, offs = _call_tc(
        _tc_layer_last_body,
        (jax.ShapeDtypeStruct((N, D), _f32),
         jax.ShapeDtypeStruct((NOFF,), jnp.int32)),
        sp, hws, degp, conv_b[2].reshape(1, D), bn_g[2].reshape(1, D),
        bn_b[2].reshape(1, D), batch.reshape(N, 1))
    sums, maxs = _sc_pool(hs[0], hs[1], h3, offs)
    out = _call_tc(
        _tc_head_body, jax.ShapeDtypeStruct((B, 10), _f32),
        sums, maxs, offs,
        bno_g.reshape(1, D_POOL), bno_b.reshape(1, D_POOL),
        W1, b1.reshape(1, -1), W2, b2.reshape(1, -1), W3, b3.reshape(1, -1))
    return out

# --- scband reference (transcript-rebuilt; emitter-appended) ---
"""Pipeline reference for scband-base-gc-net-49151605735515 (READ-ONLY COPY).

The authoritative reference and input builder live on the scoring server;
editing this copy changes nothing except your own understanding.
"""

import jax, jax.numpy as jnp
import numpy as np

N = 10000
E = 320000
D_IN = 128
D_H = 128
N_LAYER = 3
N_CLASS = 10
B = 64
D_CAT = N_LAYER * D_H          # 384
D_POOL = 3 * D_CAT             # 1152
D_L1 = 2 * D_CAT               # 768
EPS = 1e-5


def setup_inputs(seed: int = 0) -> dict:
    key = jax.random.key(seed)
    ks = jax.random.split(key, 16)
    x = jax.random.normal(ks[0], (N, D_IN), dtype=jnp.float32)
    edge_index = jax.random.randint(ks[1], (2, E), 0, N, dtype=jnp.int32)
    batch = jnp.sort(jax.random.randint(ks[2], (N,), 0, B, dtype=jnp.int32))
    s = 1.0 / np.sqrt(D_H)
    conv_W = jax.random.uniform(ks[3], (N_LAYER, D_H, D_H), jnp.float32, -s, s)
    conv_b = jax.random.uniform(ks[4], (N_LAYER, D_H), jnp.float32, -s, s)
    bn_g = jnp.ones((N_LAYER, D_H), jnp.float32)
    bn_b = jnp.zeros((N_LAYER, D_H), jnp.float32)
    bno_g = jnp.ones((D_POOL,), jnp.float32)
    bno_b = jnp.zeros((D_POOL,), jnp.float32)
    s1 = 1.0 / np.sqrt(D_POOL)
    W1 = jax.random.uniform(ks[5], (D_POOL, D_L1), jnp.float32, -s1, s1)
    b1 = jax.random.uniform(ks[6], (D_L1,), jnp.float32, -s1, s1)
    s2 = 1.0 / np.sqrt(D_L1)
    W2 = jax.random.uniform(ks[7], (D_L1, D_CAT), jnp.float32, -s2, s2)
    b2 = jax.random.uniform(ks[8], (D_CAT,), jnp.float32, -s2, s2)
    s3 = 1.0 / np.sqrt(D_CAT)
    W3 = jax.random.uniform(ks[9], (D_CAT, N_CLASS), jnp.float32, -s3, s3)
    b3 = jax.random.uniform(ks[10], (N_CLASS,), jnp.float32, -s3, s3)
    return {"x": x, "edge_index": edge_index, "batch": batch,
            "conv_W": conv_W, "conv_b": conv_b, "bn_g": bn_g, "bn_b": bn_b,
            "bno_g": bno_g, "bno_b": bno_b,
            "W1": W1, "b1": b1, "W2": W2, "b2": b2, "W3": W3, "b3": b3}


def _batchnorm(h, g, b):
    mu = jnp.mean(h, axis=0)
    var = jnp.var(h, axis=0)
    return (h - mu) / jnp.sqrt(var + EPS) * g + b


def _gcn_conv(h, src, dst, norm, W, bias):
    hW = h @ W
    msg = hW[src] * norm[:, None]
    agg = jax.ops.segment_sum(msg, dst, num_segments=N)
    return agg + bias


def reference(x, edge_index, batch, conv_W, conv_b, bn_g, bn_b, bno_g, bno_b, W1, b1, W2, b2, W3, b3):
    loop = jnp.arange(N, dtype=edge_index.dtype)
    src = jnp.concatenate([edge_index[0], loop])
    dst = jnp.concatenate([edge_index[1], loop])
    deg = jax.ops.segment_sum(jnp.ones_like(src, dtype=jnp.float32), dst, num_segments=N)
    dinv = jnp.where(deg > 0, 1.0 / jnp.sqrt(jnp.maximum(deg, 1e-12)), 0.0)
    norm = dinv[src] * dinv[dst]

    h = x
    Hs = []
    for i in range(N_LAYER):
        h = _gcn_conv(h, src, dst, norm, conv_W[i], conv_b[i])
        # conv_act is identity (default)
        h = _batchnorm(h, bn_g[i], bn_b[i])
        Hs.append(h)
    H = jnp.concatenate(Hs, axis=1)  # [N, 384]

    ones = jnp.ones((N,), jnp.float32)
    cnt = jax.ops.segment_sum(ones, batch, num_segments=B)
    H_add = jax.ops.segment_sum(H, batch, num_segments=B)
    H_avg = H_add / jnp.maximum(cnt, 1.0)[:, None]
    H_max = jax.ops.segment_max(H, batch, num_segments=B)
    Hp = jnp.concatenate([H_avg, H_add, H_max], axis=1)  # [B, 1152]

    z = _batchnorm(Hp, bno_g, bno_b)
    z = jax.nn.relu(z @ W1 + b1)
    z = jax.nn.relu(z @ W2 + b2)
    out = jax.nn.log_softmax(z @ W3 + b3, axis=1)
    return out

if __name__ == "__main__":
    import jax
    _d = setup_inputs()
    print(jax.jit(kernel)(*tuple(_d.values())))

</pallas_src>

<mosaic_0001>
#map = affine_map<(d0, d1) -> (0, 0)>
#map1 = affine_map<(d0, d1) -> (0, 0, 0)>
module attributes {stable_mosaic.version = 14 : i64} {
  func.func @_sc_agg(%arg0: i32, %arg1: i32, %arg2: memref<10000x128xf32, #tpu.memory_space<hbm>>, %arg3: memref<2x320000xi32, #tpu.memory_space<hbm>>, %arg4: memref<624x128xf32, #tpu.memory_space<hbm>>, %arg5: memref<2x10000x128xf32, #tpu.memory_space<hbm>>, %arg6: memref<10000xi32, #tpu.memory_space<vmem>>, %arg7: memref<10000xi32, #tpu.memory_space<vmem>>, %arg8: memref<80x128xf32, #tpu.memory_space<vmem>>, %arg9: memref<80x128xf32, #tpu.memory_space<vmem>>, %arg10: memref<80x128xf32, #tpu.memory_space<vmem>>, %arg11: memref<10000x128xf32, #tpu.memory_space<vmem_shared>>, %arg12: memref<!tpu.dma_semaphore, #tpu.memory_space<semaphore_mem>>, %arg13: memref<!tpu.dma_semaphore, #tpu.memory_space<semaphore_mem>>, %arg14: memref<!tpu.dma_semaphore, #tpu.memory_space<semaphore_mem>>, %arg15: memref<!tpu.dma_semaphore, #tpu.memory_space<semaphore_mem>>, %arg16: memref<!tpu.dma_semaphore, #tpu.memory_space<semaphore_mem>>, %arg17: memref<!tpu.dma_semaphore, #tpu.memory_space<semaphore_mem>>, %arg18: memref<!tpu.dma_semaphore, #tpu.memory_space<semaphore_mem>>) attributes {dimension_semantics = [#tpu.dimension_semantics<core_parallel>, #tpu.dimension_semantics<subcore_parallel>], iteration_bounds = array<i64: 2, 16>, scalar_prefetch = 0 : i64, scratch_operands = 13 : i64, tpu.core_type = #tpu.core_type<sc_vector_subcore>, window_params = [{transform_indices = #map}, {transform_indices = #map}, {transform_indices = #map}, {transform_indices = #map1}]} {
    %mul3A = arith.constant 2 : i32
    %mul3A_0 = arith.muli %arg1, %mul3A : i32
    %add3A = arith.addi %mul3A_0, %arg0 : i32
    %mul3A_1 = arith.constant 10000 : i32
    %mul3A_2 = arith.muli %add3A, %mul3A_1 : i32
    %mul3A_3 = arith.constant 624 : i32
    %mul3A_4 = arith.muli %arg1, %mul3A_3 : i32
    %dma_start3A = arith.constant 0 : i32
    %dma_start3A_5 = tpu.memref_slice %arg11[%mul3A_4, %dma_start3A] : memref<10000x128xf32, #tpu.memory_space<vmem_shared>> -> memref<624x128xf32, #tpu.memory_space<vmem_shared>>
    tpu.enqueue_dma source(%arg4 : memref<624x128xf32, #tpu.memory_space<hbm>>) target(%dma_start3A_5 : memref<624x128xf32, #tpu.memory_space<vmem_shared>>) target_semaphore(%arg18 : memref<!tpu.dma_semaphore, #tpu.memory_space<semaphore_mem>>)
    %eq3A = arith.constant 15 : i32
    %eq3A_6 = arith.cmpi eq, %arg1, %eq3A : i32
    %convert_element_type3A = arith.extui %eq3A_6 : i1 to i32
    %cond3A = arith.constant 0 : i32
    %cond3A_7 = arith.cmpi ne, %convert_element_type3A, %cond3A : i32
    scf.if %cond3A_7 {
      %dma_start3A_57 = arith.constant 9984 : i32
      %dma_start3A_58 = arith.constant 0 : i32
      %dma_start3A_59 = tpu.memref_slice %arg11[%dma_start3A_57, %dma_start3A_58] : memref<10000x128xf32, #tpu.memory_space<vmem_shared>> -> memref<16x128xf32, #tpu.memory_space<vmem_shared>>
      %dma_start3A_60 = arith.constant 0 : i32
      %dma_start3A_61 = arith.constant 0 : i32
      %dma_start3A_62 = tpu.memref_slice %arg4[%dma_start3A_60, %dma_start3A_61] : memref<624x128xf32, #tpu.memory_space<hbm>> -> memref<16x128xf32, #tpu.memory_space<hbm>>
      tpu.enqueue_dma source(%dma_start3A_62 : memref<16x128xf32, #tpu.memory_space<hbm>>) target(%dma_start3A_59 : memref<16x128xf32, #tpu.memory_space<vmem_shared>>) target_semaphore(%arg18 : memref<!tpu.dma_semaphore, #tpu.memory_space<semaphore_mem>>)
    } else {
    }
    %run_scoped3A = arith.constant 0 : i32
    "tpu.region"() ({
      %run_scoped3A_57 = tpu.sem_alloc : memref<!tpu.dma_semaphore, #tpu.memory_space<semaphore_mem>>
      %dma_start3A_58 = tpu.memref_slice %arg3[%run_scoped3A, %mul3A_2] : memref<2x320000xi32, #tpu.memory_space<hbm>> -> memref<1x10000xi32, #tpu.memory_space<hbm>>
      %dma_start3A_59 = tpu.memref_squeeze %dma_start3A_58 : memref<1x10000xi32, #tpu.memory_space<hbm>> -> memref<10000xi32, #tpu.memory_space<hbm>>
      %dma_start3A_60 = tpu.memref_slice %arg3[%run_scoped3A, %mul3A_2] : memref<2x320000xi32, #tpu.memory_space<hbm>> -> memref<1x10000xi32, #tpu.memory_space<hbm>>
      %dma_start3A_61 = tpu.memref_squeeze %dma_start3A_60 : memref<1x10000xi32, #tpu.memory_space<hbm>> -> memref<10000xi32, #tpu.memory_space<hbm>>
      tpu.enqueue_dma source(%dma_start3A_61 : memref<10000xi32, #tpu.memory_space<hbm>>) target(%arg6 : memref<10000xi32, #tpu.memory_space<vmem>>) target_semaphore(%run_scoped3A_57 : memref<!tpu.dma_semaphore, #tpu.memory_space<semaphore_mem>>)
      %dma_wait3A_62 = tpu.memref_slice %arg3[%run_scoped3A, %mul3A_2] : memref<2x320000xi32, #tpu.memory_space<hbm>> -> memref<1x10000xi32, #tpu.memory_space<hbm>>
      %dma_wait3A_63 = tpu.memref_squeeze %dma_wait3A_62 : memref<1x10000xi32, #tpu.memory_space<hbm>> -> memref<10000xi32, #tpu.memory_space<hbm>>
      %dma_wait3A_64 = tpu.memref_slice %arg3[%run_scoped3A, %mul3A_2] : memref<2x320000xi32, #tpu.memory_space<hbm>> -> memref<1x10000xi32, #tpu.memory_space<hbm>>
      %dma_wait3A_65 = tpu.memref_squeeze %dma_wait3A_64 : memref<1x10000xi32, #tpu.memory_space<hbm>> -> memref<10000xi32, #tpu.memory_space<hbm>>
      tpu.wait_dma2 semaphore(%run_scoped3A_57 : memref<!tpu.dma_semaphore, #tpu.memory_space<semaphore_mem>>) src(%dma_wait3A_65 : memref<10000xi32, #tpu.memory_space<hbm>>) dst(%arg6 : memref<10000xi32, #tpu.memory_space<vmem>>)
      tpu.yield
    }) : () -> ()
    %run_scoped3A_8 = arith.constant 1 : i32
    "tpu.region"() ({
      %run_scoped3A_57 = tpu.sem_alloc : memref<!tpu.dma_semaphore, #tpu.memory_space<semaphore_mem>>
      %dma_start3A_58 = tpu.memref_slice %arg3[%run_scoped3A_8, %mul3A_2] : memref<2x320000xi32, #tpu.memory_space<hbm>> -> memref<1x10000xi32, #tpu.memory_space<hbm>>
      %dma_start3A_59 = tpu.memref_squeeze %dma_start3A_58 : memref<1x10000xi32, #tpu.memory_space<hbm>> -> memref<10000xi32, #tpu.memory_space<hbm>>
      %dma_start3A_60 = tpu.memref_slice %arg3[%run_scoped3A_8, %mul3A_2] : memref<2x320000xi32, #tpu.memory_space<hbm>> -> memref<1x10000xi32, #tpu.memory_space<hbm>>
      %dma_start3A_61 = tpu.memref_squeeze %dma_start3A_60 : memref<1x10000xi32, #tpu.memory_space<hbm>> -> memref<10000xi32, #tpu.memory_space<hbm>>
      tpu.enqueue_dma source(%dma_start3A_61 : memref<10000xi32, #tpu.memory_space<hbm>>) target(%arg7 : memref<10000xi32, #tpu.memory_space<vmem>>) target_semaphore(%run_scoped3A_57 : memref<!tpu.dma_semaphore, #tpu.memory_space<semaphore_mem>>)
      %dma_wait3A_62 = tpu.memref_slice %arg3[%run_scoped3A_8, %mul3A_2] : memref<2x320000xi32, #tpu.memory_space<hbm>> -> memref<1x10000xi32, #tpu.memory_space<hbm>>
      %dma_wait3A_63 = tpu.memref_squeeze %dma_wait3A_62 : memref<1x10000xi32, #tpu.memory_space<hbm>> -> memref<10000xi32, #tpu.memory_space<hbm>>
      %dma_wait3A_64 = tpu.memref_slice %arg3[%run_scoped3A_8, %mul3A_2] : memref<2x320000xi32, #tpu.memory_space<hbm>> -> memref<1x10000xi32, #tpu.memory_space<hbm>>
      %dma_wait3A_65 = tpu.memref_squeeze %dma_wait3A_64 : memref<1x10000xi32, #tpu.memory_space<hbm>> -> memref<10000xi32, #tpu.memory_space<hbm>>
      tpu.wait_dma2 semaphore(%run_scoped3A_57 : memref<!tpu.dma_semaphore, #tpu.memory_space<semaphore_mem>>) src(%dma_wait3A_65 : memref<10000xi32, #tpu.memory_space<hbm>>) dst(%arg7 : memref<10000xi32, #tpu.memory_space<vmem>>)
      tpu.yield
    }) : () -> ()
    %dma_start3A_9 = arith.constant 0 : i32
    %dma_start3A_10 = tpu.memref_slice %arg6[%dma_start3A_9] : memref<10000xi32, #tpu.memory_space<vmem>> -> memref<80xi32, #tpu.memory_space<vmem>>
    %dma_start3A_11 = arith.constant 0 : i32
    %dma_start3A_12 = arith.constant 0 : i32
    %dma_start3A_13 = tpu.memref_slice %arg2[%dma_start3A_11, %dma_start3A_12] : memref<10000x128xf32, #tpu.memory_space<hbm>> -> memref<10000x128xf32, #tpu.memory_space<hbm>>
    tpu.enqueue_indirect_dma source(%dma_start3A_13 : memref<10000x128xf32, #tpu.memory_space<hbm>>) target(%arg8 : memref<80x128xf32, #tpu.memory_space<vmem>>) offsets(%dma_start3A_10 : memref<80xi32, #tpu.memory_space<vmem>>) semaphore(%arg12 : memref<!tpu.dma_semaphore, #tpu.memory_space<semaphore_mem>>)
    %dma_start3A_14 = arith.constant 80 : i32
    %dma_start3A_15 = tpu.memref_slice %arg6[%dma_start3A_14] : memref<10000xi32, #tpu.memory_space<vmem>> -> memref<80xi32, #tpu.memory_space<vmem>>
    %dma_start3A_16 = arith.constant 0 : i32
    %dma_start3A_17 = arith.constant 0 : i32
    %dma_start3A_18 = tpu.memref_slice %arg2[%dma_start3A_16, %dma_start3A_17] : memref<10000x128xf32, #tpu.memory_space<hbm>> -> memref<10000x128xf32, #tpu.memory_space<hbm>>
    tpu.enqueue_indirect_dma source(%dma_start3A_18 : memref<10000x128xf32, #tpu.memory_space<hbm>>) target(%arg9 : memref<80x128xf32, #tpu.memory_space<vmem>>) offsets(%dma_start3A_15 : memref<80xi32, #tpu.memory_space<vmem>>) semaphore(%arg13 : memref<!tpu.dma_semaphore, #tpu.memory_space<semaphore_mem>>)
    %mul3A_19 = arith.constant 624 : i32
    %mul3A_20 = arith.muli %arg1, %mul3A_19 : i32
    %dma_wait3A = arith.constant 0 : i32
    %dma_wait3A_21 = tpu.memref_slice %arg11[%mul3A_20, %dma_wait3A] : memref<10000x128xf32, #tpu.memory_space<vmem_shared>> -> memref<624x128xf32, #tpu.memory_space<vmem_shared>>
    tpu.wait_dma2 semaphore(%arg18 : memref<!tpu.dma_semaphore, #tpu.memory_space<semaphore_mem>>) src(%arg4 : memref<624x128xf32, #tpu.memory_space<hbm>>) dst(%dma_wait3A_21 : memref<624x128xf32, #tpu.memory_space<vmem_shared>>)
    %eq3A_22 = arith.constant 15 : i32
    %eq3A_23 = arith.cmpi eq, %arg1, %eq3A_22 : i32
    %convert_element_type3A_24 = arith.extui %eq3A_23 : i1 to i32
    %cond3A_25 = arith.constant 0 : i32
    %cond3A_26 = arith.cmpi ne, %convert_element_type3A_24, %cond3A_25 : i32
    scf.if %cond3A_26 {
      %dma_wait3A_57 = arith.constant 9984 : i32
      %dma_wait3A_58 = arith.constant 0 : i32
      %dma_wait3A_59 = tpu.memref_slice %arg11[%dma_wait3A_57, %dma_wait3A_58] : memref<10000x128xf32, #tpu.memory_space<vmem_shared>> -> memref<16x128xf32, #tpu.memory_space<vmem_shared>>
      %dma_wait3A_60 = arith.constant 0 : i32
      %dma_wait3A_61 = arith.constant 0 : i32
      %dma_wait3A_62 = tpu.memref_slice %arg4[%dma_wait3A_60, %dma_wait3A_61] : memref<624x128xf32, #tpu.memory_space<hbm>> -> memref<16x128xf32, #tpu.memory_space<hbm>>
      tpu.wait_dma2 semaphore(%arg18 : memref<!tpu.dma_semaphore, #tpu.memory_space<semaphore_mem>>) src(%dma_wait3A_62 : memref<16x128xf32, #tpu.memory_space<hbm>>) dst(%dma_wait3A_59 : memref<16x128xf32, #tpu.memory_space<vmem_shared>>)
    } else {
    }
    %barrier3A = arith.constant 0 : index
    tpu.barrier barrier_id(%barrier3A)
    %scan3A = arith.constant 0 : i32
    %scan3A_27 = arith.constant 0 : i32
    %scan3A_28 = arith.constant 125 : i32
    %scan3A_29 = arith.addi %scan3A_27, %scan3A_28 : i32
    %scan3A_30 = arith.constant 1 : i32
    scf.for %scan3A_57 = %scan3A_27 to %scan3A_29 step %scan3A_30  : i32 {
      %jit3A = arith.constant 3 : i32
      %eq3A_58 = arith.constant 0 : i32
      %eq3A_59 = arith.cmpi eq, %jit3A, %eq3A_58 : i32
      %jit3A_60 = arith.constant 1 : i32
      %select_n3A = arith.select %eq3A_59, %jit3A_60, %jit3A : i32
      %rem3A = arith.remsi %scan3A_57, %select_n3A : i32
      %ne3A = arith.constant 0 : i32
      %ne3A_61 = arith.cmpi ne, %rem3A, %ne3A : i32
      %lt3A = arith.constant 0 : i32
      %lt3A_62 = arith.cmpi slt, %rem3A, %lt3A : i32
      %lt3A_63 = arith.constant 0 : i32
      %lt3A_64 = arith.cmpi slt, %select_n3A, %lt3A_63 : i32
      %ne3A_65 = arith.xori %lt3A_62, %lt3A_64 : i1
      %and3A = arith.andi %ne3A_65, %ne3A_61 : i1
      %add3A_66 = arith.addi %rem3A, %select_n3A : i32
      %select_n3A_67 = arith.select %and3A, %add3A_66, %rem3A : i32
      %eq3A_68 = arith.constant 0 : i32
      %eq3A_69 = arith.cmpi eq, %select_n3A_67, %eq3A_68 : i32
      %convert_element_type3A_70 = arith.extui %eq3A_69 : i1 to i32
      %cond3A_71 = arith.constant 0 : i32
      %cond3A_72 = arith.cmpi ne, %convert_element_type3A_70, %cond3A_71 : i32
      scf.if %cond3A_72 {
        %dma_wait3A_115 = arith.constant 0 : i32
        %dma_wait3A_116 = tpu.memref_slice %arg6[%dma_wait3A_115] : memref<10000xi32, #tpu.memory_space<vmem>> -> memref<80xi32, #tpu.memory_space<vmem>>
        %dma_wait3A_117 = arith.constant 0 : i32
        %dma_wait3A_118 = arith.constant 0 : i32
        %dma_wait3A_119 = tpu.memref_slice %arg2[%dma_wait3A_117, %dma_wait3A_118] : memref<10000x128xf32, #tpu.memory_space<hbm>> -> memref<10000x128xf32, #tpu.memory_space<hbm>>
        tpu.wait_indirect_dma semaphore(%arg12 : memref<!tpu.dma_semaphore, #tpu.memory_space<semaphore_mem>>) src(%dma_wait3A_119 : memref<10000x128xf32, #tpu.memory_space<hbm>>) dst(%arg8 : memref<80x128xf32, #tpu.memory_space<vmem>>)
        %mul3A_120 = arith.constant 80 : i32
        %mul3A_121 = arith.muli %scan3A_57, %mul3A_120 : i32
        %dma_start3A_122 = tpu.memref_slice %arg7[%mul3A_121] : memref<10000xi32, #tpu.memory_space<vmem>> -> memref<80xi32, #tpu.memory_space<vmem>>
        %dma_start3A_123 = arith.constant 0 : i32
        %dma_start3A_124 = arith.constant 0 : i32
        %dma_start3A_125 = tpu.memref_slice %arg11[%dma_start3A_123, %dma_start3A_124] : memref<10000x128xf32, #tpu.memory_space<vmem_shared>> -> memref<10000x128xf32, #tpu.memory_space<vmem_shared>>
        tpu.enqueue_indirect_dma source(%arg8 : memref<80x128xf32, #tpu.memory_space<vmem>>) target(%dma_start3A_125 : memref<10000x128xf32, #tpu.memory_space<vmem_shared>>) offsets(%dma_start3A_122 : memref<80xi32, #tpu.memory_space<vmem>>) semaphore(%arg15 : memref<!tpu.dma_semaphore, #tpu.memory_space<semaphore_mem>>) {add = true}
        %add3A_126 = arith.constant 2 : i32
        %add3A_127 = arith.addi %scan3A_57, %add3A_126 : i32
        %lt3A_128 = arith.constant 125 : i32
        %lt3A_129 = arith.cmpi slt, %add3A_127, %lt3A_128 : i32
        %convert_element_type3A_130 = arith.extui %lt3A_129 : i1 to i32
        %cond3A_131 = arith.constant 0 : i32
        %cond3A_132 = arith.cmpi ne, %convert_element_type3A_130, %cond3A_131 : i32
        scf.if %cond3A_132 {
          %gt3A = arith.constant 0 : i32
          %gt3A_133 = arith.cmpi sgt, %scan3A_57, %gt3A : i32
          %convert_element_type3A_134 = arith.extui %gt3A_133 : i1 to i32
          %cond3A_135 = arith.constant 0 : i32
          %cond3A_136 = arith.cmpi ne, %convert_element_type3A_134, %cond3A_135 : i32
          scf.if %cond3A_136 {
            %dma_wait3A_145 = arith.constant 0 : i32
            %dma_wait3A_146 = tpu.memref_slice %arg7[%dma_wait3A_145] : memref<10000xi32, #tpu.memory_space<vmem>> -> memref<80xi32, #tpu.memory_space<vmem>>
            %dma_wait3A_147 = arith.constant 0 : i32
            %dma_wait3A_148 = arith.constant 0 : i32
            %dma_wait3A_149 = tpu.memref_slice %arg11[%dma_wait3A_147, %dma_wait3A_148] : memref<10000x128xf32, #tpu.memory_space<vmem_shared>> -> memref<10000x128xf32, #tpu.memory_space<vmem_shared>>
            tpu.wait_indirect_dma semaphore(%arg17 : memref<!tpu.dma_semaphore, #tpu.memory_space<semaphore_mem>>) src(%arg10 : memref<80x128xf32, #tpu.memory_space<vmem>>) dst(%dma_wait3A_149 : memref<10000x128xf32, #tpu.memory_space<vmem_shared>>)
          } else {
          }
          %add3A_137 = arith.constant 2 : i32
          %add3A_138 = arith.addi %scan3A_57, %add3A_137 : i32
          %mul3A_139 = arith.constant 80 : i32
          %mul3A_140 = arith.muli %add3A_138, %mul3A_139 : i32
          %dma_start3A_141 = tpu.memref_slice %arg6[%mul3A_140] : memref<10000xi32, #tpu.memory_space<vmem>> -> memref<80xi32, #tpu.memory_space<vmem>>
          %dma_start3A_142 = arith.constant 0 : i32
          %dma_start3A_143 = arith.constant 0 : i32
          %dma_start3A_144 = tpu.memref_slice %arg2[%dma_start3A_142, %dma_start3A_143] : memref<10000x128xf32, #tpu.memory_space<hbm>> -> memref<10000x128xf32, #tpu.memory_space<hbm>>
          tpu.enqueue_indirect_dma source(%dma_start3A_144 : memref<10000x128xf32, #tpu.memory_space<hbm>>) target(%arg10 : memref<80x128xf32, #tpu.memory_space<vmem>>) offsets(%dma_start3A_141 : memref<80xi32, #tpu.memory_space<vmem>>) semaphore(%arg14 : memref<!tpu.dma_semaphore, #tpu.memory_space<semaphore_mem>>)
        } else {
        }
      } else {
      }
      %jit3A_73 = arith.constant 3 : i32
      %eq3A_74 = arith.constant 0 : i32
      %eq3A_75 = arith.cmpi eq, %jit3A_73, %eq3A_74 : i32
      %jit3A_76 = arith.constant 1 : i32
      %select_n3A_77 = arith.select %eq3A_75, %jit3A_76, %jit3A_73 : i32
      %rem3A_78 = arith.remsi %scan3A_57, %select_n3A_77 : i32
      %ne3A_79 = arith.constant 0 : i32
      %ne3A_80 = arith.cmpi ne, %rem3A_78, %ne3A_79 : i32
      %lt3A_81 = arith.constant 0 : i32
      %lt3A_82 = arith.cmpi slt, %rem3A_78, %lt3A_81 : i32
      %lt3A_83 = arith.constant 0 : i32
      %lt3A_84 = arith.cmpi slt, %select_n3A_77, %lt3A_83 : i32
      %ne3A_85 = arith.xori %lt3A_82, %lt3A_84 : i1
      %and3A_86 = arith.andi %ne3A_85, %ne3A_80 : i1
      %add3A_87 = arith.addi %rem3A_78, %select_n3A_77 : i32
      %select_n3A_88 = arith.select %and3A_86, %add3A_87, %rem3A_78 : i32
      %eq3A_89 = arith.constant 1 : i32
      %eq3A_90 = arith.cmpi eq, %select_n3A_88, %eq3A_89 : i32
      %convert_element_type3A_91 = arith.extui %eq3A_90 : i1 to i32
      %cond3A_92 = arith.constant 0 : i32
      %cond3A_93 = arith.cmpi ne, %convert_element_type3A_91, %cond3A_92 : i32
      scf.if %cond3A_93 {
        %dma_wait3A_115 = arith.constant 0 : i32
        %dma_wait3A_116 = tpu.memref_slice %arg6[%dma_wait3A_115] : memref<10000xi32, #tpu.memory_space<vmem>> -> memref<80xi32, #tpu.memory_space<vmem>>
        %dma_wait3A_117 = arith.constant 0 : i32
        %dma_wait3A_118 = arith.constant 0 : i32
        %dma_wait3A_119 = tpu.memref_slice %arg2[%dma_wait3A_117, %dma_wait3A_118] : memref<10000x128xf32, #tpu.memory_space<hbm>> -> memref<10000x128xf32, #tpu.memory_space<hbm>>
        tpu.wait_indirect_dma semaphore(%arg13 : memref<!tpu.dma_semaphore, #tpu.memory_space<semaphore_mem>>) src(%dma_wait3A_119 : memref<10000x128xf32, #tpu.memory_space<hbm>>) dst(%arg9 : memref<80x128xf32, #tpu.memory_space<vmem>>)
        %mul3A_120 = arith.constant 80 : i32
        %mul3A_121 = arith.muli %scan3A_57, %mul3A_120 : i32
        %dma_start3A_122 = tpu.memref_slice %arg7[%mul3A_121] : memref<10000xi32, #tpu.memory_space<vmem>> -> memref<80xi32, #tpu.memory_space<vmem>>
        %dma_start3A_123 = arith.constant 0 : i32
        %dma_start3A_124 = arith.constant 0 : i32
        %dma_start3A_125 = tpu.memref_slice %arg11[%dma_start3A_123, %dma_start3A_124] : memref<10000x128xf32, #tpu.memory_space<vmem_shared>> -> memref<10000x128xf32, #tpu.memory_space<vmem_shared>>
        tpu.enqueue_indirect_dma source(%arg9 : memref<80x128xf32, #tpu.memory_space<vmem>>) target(%dma_start3A_125 : memref<10000x128xf32, #tpu.memory_space<vmem_shared>>) offsets(%dma_start3A_122 : memref<80xi32, #tpu.memory_space<vmem>>) semaphore(%arg16 : memref<!tpu.dma_semaphore, #tpu.memory_space<semaphore_mem>>) {add = true}
        %add3A_126 = arith.constant 2 : i32
        %add3A_127 = arith.addi %scan3A_57, %add3A_126 : i32
        %lt3A_128 = arith.constant 125 : i32
        %lt3A_129 = arith.cmpi slt, %add3A_127, %lt3A_128 : i32
        %convert_element_type3A_130 = arith.extui %lt3A_129 : i1 to i32
        %cond3A_131 = arith.constant 0 : i32
        %cond3A_132 = arith.cmpi ne, %convert_element_type3A_130, %cond3A_131 : i32
        scf.if %cond3A_132 {
          %gt3A = arith.constant 0 : i32
          %gt3A_133 = arith.cmpi sgt, %scan3A_57, %gt3A : i32
          %convert_element_type3A_134 = arith.extui %gt3A_133 : i1 to i32
          %cond3A_135 = arith.constant 0 : i32
          %cond3A_136 = arith.cmpi ne, %convert_element_type3A_134, %cond3A_135 : i32
          scf.if %cond3A_136 {
            %dma_wait3A_145 = arith.constant 0 : i32
            %dma_wait3A_146 = tpu.memref_slice %arg7[%dma_wait3A_145] : memref<10000xi32, #tpu.memory_space<vmem>> -> memref<80xi32, #tpu.memory_space<vmem>>
            %dma_wait3A_147 = arith.constant 0 : i32
            %dma_wait3A_148 = arith.constant 0 : i32
            %dma_wait3A_149 = tpu.memref_slice %arg11[%dma_wait3A_147, %dma_wait3A_148] : memref<10000x128xf32, #tpu.memory_space<vmem_shared>> -> memref<10000x128xf32, #tpu.memory_space<vmem_shared>>
            tpu.wait_indirect_dma semaphore(%arg15 : memref<!tpu.dma_semaphore, #tpu.memory_space<semaphore_mem>>) src(%arg8 : memref<80x128xf32, #tpu.memory_space<vmem>>) dst(%dma_wait3A_149 : memref<10000x128xf32, #tpu.memory_space<vmem_shared>>)
          } else {
          }
          %add3A_137 = arith.constant 2 : i32
          %add3A_138 = arith.addi %scan3A_57, %add3A_137 : i32
          %mul3A_139 = arith.constant 80 : i32
          %mul3A_140 = arith.muli %add3A_138, %mul3A_139 : i32
          %dma_start3A_141 = tpu.memref_slice %arg6[%mul3A_140] : memref<10000xi32, #tpu.memory_space<vmem>> -> memref<80xi32, #tpu.memory_space<vmem>>
          %dma_start3A_142 = arith.constant 0 : i32
          %dma_start3A_143 = arith.constant 0 : i32
          %dma_start3A_144 = tpu.memref_slice %arg2[%dma_start3A_142, %dma_start3A_143] : memref<10000x128xf32, #tpu.memory_space<hbm>> -> memref<10000x128xf32, #tpu.memory_space<hbm>>
          tpu.enqueue_indirect_dma source(%dma_start3A_144 : memref<10000x128xf32, #tpu.memory_space<hbm>>) target(%arg8 : memref<80x128xf32, #tpu.memory_space<vmem>>) offsets(%dma_start3A_141 : memref<80xi32, #tpu.memory_space<vmem>>) semaphore(%arg12 : memref<!tpu.dma_semaphore, #tpu.memory_space<semaphore_mem>>)
        } else {
        }
      } else {
      }
      %jit3A_94 = arith.constant 3 : i32
      %eq3A_95 = arith.constant 0 : i32
      %eq3A_96 = arith.cmpi eq, %jit3A_94, %eq3A_95 : i32
      %jit3A_97 = arith.constant 1 : i32
      %select_n3A_98 = arith.select %eq3A_96, %jit3A_97, %jit3A_94 : i32
      %rem3A_99 = arith.remsi %scan3A_57, %select_n3A_98 : i32
      %ne3A_100 = arith.constant 0 : i32
      %ne3A_101 = arith.cmpi ne, %rem3A_99, %ne3A_100 : i32
      %lt3A_102 = arith.constant 0 : i32
      %lt3A_103 = arith.cmpi slt, %rem3A_99, %lt3A_102 : i32
      %lt3A_104 = arith.constant 0 : i32
      %lt3A_105 = arith.cmpi slt, %select_n3A_98, %lt3A_104 : i32
      %ne3A_106 = arith.xori %lt3A_103, %lt3A_105 : i1
      %and3A_107 = arith.andi %ne3A_106, %ne3A_101 : i1
      %add3A_108 = arith.addi %rem3A_99, %select_n3A_98 : i32
      %select_n3A_109 = arith.select %and3A_107, %add3A_108, %rem3A_99 : i32
      %eq3A_110 = arith.constant 2 : i32
      %eq3A_111 = arith.cmpi eq, %select_n3A_109, %eq3A_110 : i32
      %convert_element_type3A_112 = arith.extui %eq3A_111 : i1 to i32
      %cond3A_113 = arith.constant 0 : i32
      %cond3A_114 = arith.cmpi ne, %convert_element_type3A_112, %cond3A_113 : i32
      scf.if %cond3A_114 {
        %dma_wait3A_115 = arith.constant 0 : i32
        %dma_wait3A_116 = tpu.memref_slice %arg6[%dma_wait3A_115] : memref<10000xi32, #tpu.memory_space<vmem>> -> memref<80xi32, #tpu.memory_space<vmem>>
        %dma_wait3A_117 = arith.constant 0 : i32
        %dma_wait3A_118 = arith.constant 0 : i32
        %dma_wait3A_119 = tpu.memref_slice %arg2[%dma_wait3A_117, %dma_wait3A_118] : memref<10000x128xf32, #tpu.memory_space<hbm>> -> memref<10000x128xf32, #tpu.memory_space<hbm>>
        tpu.wait_indirect_dma semaphore(%arg14 : memref<!tpu.dma_semaphore, #tpu.memory_space<semaphore_mem>>) src(%dma_wait3A_119 : memref<10000x128xf32, #tpu.memory_space<hbm>>) dst(%arg10 : memref<80x128xf32, #tpu.memory_space<vmem>>)
        %mul3A_120 = arith.constant 80 : i32
        %mul3A_121 = arith.muli %scan3A_57, %mul3A_120 : i32
        %dma_start3A_122 = tpu.memref_slice %arg7[%mul3A_121] : memref<10000xi32, #tpu.memory_space<vmem>> -> memref<80xi32, #tpu.memory_space<vmem>>
        %dma_start3A_123 = arith.constant 0 : i32
        %dma_start3A_124 = arith.constant 0 : i32
        %dma_start3A_125 = tpu.memref_slice %arg11[%dma_start3A_123, %dma_start3A_124] : memref<10000x128xf32, #tpu.memory_space<vmem_shared>> -> memref<10000x128xf32, #tpu.memory_space<vmem_shared>>
        tpu.enqueue_indirect_dma source(%arg10 : memref<80x128xf32, #tpu.memory_space<vmem>>) target(%dma_start3A_125 : memref<10000x128xf32, #tpu.memory_space<vmem_shared>>) offsets(%dma_start3A_122 : memref<80xi32, #tpu.memory_space<vmem>>) semaphore(%arg17 : memref<!tpu.dma_semaphore, #tpu.memory_space<semaphore_mem>>) {add = true}
        %add3A_126 = arith.constant 2 : i32
        %add3A_127 = arith.addi %scan3A_57, %add3A_126 : i32
        %lt3A_128 = arith.constant 125 : i32
        %lt3A_129 = arith.cmpi slt, %add3A_127, %lt3A_128 : i32
        %convert_element_type3A_130 = arith.extui %lt3A_129 : i1 to i32
        %cond3A_131 = arith.constant 0 : i32
        %cond3A_132 = arith.cmpi ne, %convert_element_type3A_130, %cond3A_131 : i32
        scf.if %cond3A_132 {
          %gt3A = arith.constant 0 : i32
          %gt3A_133 = arith.cmpi sgt, %scan3A_57, %gt3A : i32
          %convert_element_type3A_134 = arith.extui %gt3A_133 : i1 to i32
          %cond3A_135 = arith.constant 0 : i32
          %cond3A_136 = arith.cmpi ne, %convert_element_type3A_134, %cond3A_135 : i32
          scf.if %cond3A_136 {
            %dma_wait3A_145 = arith.constant 0 : i32
            %dma_wait3A_146 = tpu.memref_slice %arg7[%dma_wait3A_145] : memref<10000xi32, #tpu.memory_space<vmem>> -> memref<80xi32, #tpu.memory_space<vmem>>
            %dma_wait3A_147 = arith.constant 0 : i32
            %dma_wait3A_148 = arith.constant 0 : i32
            %dma_wait3A_149 = tpu.memref_slice %arg11[%dma_wait3A_147, %dma_wait3A_148] : memref<10000x128xf32, #tpu.memory_space<vmem_shared>> -> memref<10000x128xf32, #tpu.memory_space<vmem_shared>>
            tpu.wait_indirect_dma semaphore(%arg16 : memref<!tpu.dma_semaphore, #tpu.memory_space<semaphore_mem>>) src(%arg9 : memref<80x128xf32, #tpu.memory_space<vmem>>) dst(%dma_wait3A_149 : memref<10000x128xf32, #tpu.memory_space<vmem_shared>>)
          } else {
          }
          %add3A_137 = arith.constant 2 : i32
          %add3A_138 = arith.addi %scan3A_57, %add3A_137 : i32
          %mul3A_139 = arith.constant 80 : i32
          %mul3A_140 = arith.muli %add3A_138, %mul3A_139 : i32
          %dma_start3A_141 = tpu.memref_slice %arg6[%mul3A_140] : memref<10000xi32, #tpu.memory_space<vmem>> -> memref<80xi32, #tpu.memory_space<vmem>>
          %dma_start3A_142 = arith.constant 0 : i32
          %dma_start3A_143 = arith.constant 0 : i32
          %dma_start3A_144 = tpu.memref_slice %arg2[%dma_start3A_142, %dma_start3A_143] : memref<10000x128xf32, #tpu.memory_space<hbm>> -> memref<10000x128xf32, #tpu.memory_space<hbm>>
          tpu.enqueue_indirect_dma source(%dma_start3A_144 : memref<10000x128xf32, #tpu.memory_space<hbm>>) target(%arg9 : memref<80x128xf32, #tpu.memory_space<vmem>>) offsets(%dma_start3A_141 : memref<80xi32, #tpu.memory_space<vmem>>) semaphore(%arg13 : memref<!tpu.dma_semaphore, #tpu.memory_space<semaphore_mem>>)
        } else {
        }
      } else {
      }
    }
    %scan3A_31 = arith.constant 125 : i32
    %dma_wait3A_32 = arith.constant 0 : i32
    %dma_wait3A_33 = tpu.memref_slice %arg7[%dma_wait3A_32] : memref<10000xi32, #tpu.memory_space<vmem>> -> memref<80xi32, #tpu.memory_space<vmem>>
    %dma_wait3A_34 = arith.constant 0 : i32
    %dma_wait3A_35 = arith.constant 0 : i32
    %dma_wait3A_36 = tpu.memref_slice %arg11[%dma_wait3A_34, %dma_wait3A_35] : memref<10000x128xf32, #tpu.memory_space<vmem_shared>> -> memref<10000x128xf32, #tpu.memory_space<vmem_shared>>
    tpu.wait_indirect_dma semaphore(%arg16 : memref<!tpu.dma_semaphore, #tpu.memory_space<semaphore_mem>>) src(%arg9 : memref<80x128xf32, #tpu.memory_space<vmem>>) dst(%dma_wait3A_36 : memref<10000x128xf32, #tpu.memory_space<vmem_shared>>)
    %dma_wait3A_37 = arith.constant 0 : i32
    %dma_wait3A_38 = tpu.memref_slice %arg7[%dma_wait3A_37] : memref<10000xi32, #tpu.memory_space<vmem>> -> memref<80xi32, #tpu.memory_space<vmem>>
    %dma_wait3A_39 = arith.constant 0 : i32
    %dma_wait3A_40 = arith.constant 0 : i32
    %dma_wait3A_41 = tpu.memref_slice %arg11[%dma_wait3A_39, %dma_wait3A_40] : memref<10000x128xf32, #tpu.memory_space<vmem_shared>> -> memref<10000x128xf32, #tpu.memory_space<vmem_shared>>
    tpu.wait_indirect_dma semaphore(%arg15 : memref<!tpu.dma_semaphore, #tpu.memory_space<semaphore_mem>>) src(%arg8 : memref<80x128xf32, #tpu.memory_space<vmem>>) dst(%dma_wait3A_41 : memref<10000x128xf32, #tpu.memory_space<vmem_shared>>)
    %dma_wait3A_42 = arith.constant 0 : i32
    %dma_wait3A_43 = tpu.memref_slice %arg7[%dma_wait3A_42] : memref<10000xi32, #tpu.memory_space<vmem>> -> memref<80xi32, #tpu.memory_space<vmem>>
    %dma_wait3A_44 = arith.constant 0 : i32
    %dma_wait3A_45 = arith.constant 0 : i32
    %dma_wait3A_46 = tpu.memref_slice %arg11[%dma_wait3A_44, %dma_wait3A_45] : memref<10000x128xf32, #tpu.memory_space<vmem_shared>> -> memref<10000x128xf32, #tpu.memory_space<vmem_shared>>
    tpu.wait_indirect_dma semaphore(%arg17 : memref<!tpu.dma_semaphore, #tpu.memory_space<semaphore_mem>>) src(%arg10 : memref<80x128xf32, #tpu.memory_space<vmem>>) dst(%dma_wait3A_46 : memref<10000x128xf32, #tpu.memory_space<vmem_shared>>)
    %barrier3A_47 = arith.constant 0 : index
    tpu.barrier barrier_id(%barrier3A_47)
    %mul3A_48 = arith.constant 624 : i32
    %mul3A_49 = arith.muli %arg1, %mul3A_48 : i32
    %mul3A_50 = arith.constant 624 : i32
    %mul3A_51 = arith.muli %arg1, %mul3A_50 : i32
    "tpu.region"() ({
      %run_scoped3A_57 = tpu.sem_alloc : memref<!tpu.dma_semaphore, #tpu.memory_space<semaphore_mem>>
      %dma_start3A_58 = arith.constant 0 : i32
      %dma_start3A_59 = tpu.memref_slice %arg5[%arg0, %mul3A_51, %dma_start3A_58] : memref<2x10000x128xf32, #tpu.memory_space<hbm>> -> memref<1x624x128xf32, #tpu.memory_space<hbm>>
      %dma_start3A_60 = tpu.memref_squeeze %dma_start3A_59 : memref<1x624x128xf32, #tpu.memory_space<hbm>> -> memref<624x128xf32, #tpu.memory_space<hbm>>
      %dma_start3A_61 = arith.constant 0 : i32
      %dma_start3A_62 = tpu.memref_slice %arg11[%mul3A_49, %dma_start3A_61] : memref<10000x128xf32, #tpu.memory_space<vmem_shared>> -> memref<624x128xf32, #tpu.memory_space<vmem_shared>>
      tpu.enqueue_dma source(%dma_start3A_62 : memref<624x128xf32, #tpu.memory_space<vmem_shared>>) target(%dma_start3A_60 : memref<624x128xf32, #tpu.memory_space<hbm>>) target_semaphore(%run_scoped3A_57 : memref<!tpu.dma_semaphore, #tpu.memory_space<semaphore_mem>>)
      %dma_wait3A_63 = arith.constant 0 : i32
      %dma_wait3A_64 = tpu.memref_slice %arg5[%arg0, %mul3A_51, %dma_wait3A_63] : memref<2x10000x128xf32, #tpu.memory_space<hbm>> -> memref<1x624x128xf32, #tpu.memory_space<hbm>>
      %dma_wait3A_65 = tpu.memref_squeeze %dma_wait3A_64 : memref<1x624x128xf32, #tpu.memory_space<hbm>> -> memref<624x128xf32, #tpu.memory_space<hbm>>
      %dma_wait3A_66 = arith.constant 0 : i32
      %dma_wait3A_67 = tpu.memref_slice %arg11[%mul3A_49, %dma_wait3A_66] : memref<10000x128xf32, #tpu.memory_space<vmem_shared>> -> memref<624x128xf32, #tpu.memory_space<vmem_shared>>
      tpu.wait_dma2 semaphore(%run_scoped3A_57 : memref<!tpu.dma_semaphore, #tpu.memory_space<semaphore_mem>>) src(%dma_wait3A_67 : memref<624x128xf32, #tpu.memory_space<vmem_shared>>) dst(%dma_wait3A_65 : memref<624x128xf32, #tpu.memory_space<hbm>>)
      tpu.yield
    }) : () -> ()
    %eq3A_52 = arith.constant 15 : i32
    %eq3A_53 = arith.cmpi eq, %arg1, %eq3A_52 : i32
    %convert_element_type3A_54 = arith.extui %eq3A_53 : i1 to i32
    %cond3A_55 = arith.constant 0 : i32
    %cond3A_56 = arith.cmpi ne, %convert_element_type3A_54, %cond3A_55 : i32
    scf.if %cond3A_56 {
      "tpu.region"() ({
        %run_scoped3A_57 = tpu.sem_alloc : memref<!tpu.dma_semaphore, #tpu.memory_space<semaphore_mem>>
        %dma_start3A_58 = arith.constant 9984 : i32
        %dma_start3A_59 = arith.constant 0 : i32
        %dma_start3A_60 = tpu.memref_slice %arg5[%arg0, %dma_start3A_58, %dma_start3A_59] : memref<2x10000x128xf32, #tpu.memory_space<hbm>> -> memref<1x16x128xf32, #tpu.memory_space<hbm>>
        %dma_start3A_61 = tpu.memref_squeeze %dma_start3A_60 : memref<1x16x128xf32, #tpu.memory_space<hbm>> -> memref<16x128xf32, #tpu.memory_space<hbm>>
        %dma_start3A_62 = arith.constant 9984 : i32
        %dma_start3A_63 = arith.constant 0 : i32
        %dma_start3A_64 = tpu.memref_slice %arg11[%dma_start3A_62, %dma_start3A_63] : memref<10000x128xf32, #tpu.memory_space<vmem_shared>> -> memref<16x128xf32, #tpu.memory_space<vmem_shared>>
        tpu.enqueue_dma source(%dma_start3A_64 : memref<16x128xf32, #tpu.memory_space<vmem_shared>>) target(%dma_start3A_61 : memref<16x128xf32, #tpu.memory_space<hbm>>) target_semaphore(%run_scoped3A_57 : memref<!tpu.dma_semaphore, #tpu.memory_space<semaphore_mem>>)
        %dma_wait3A_65 = arith.constant 9984 : i32
        %dma_wait3A_66 = arith.constant 0 : i32
        %dma_wait3A_67 = tpu.memref_slice %arg5[%arg0, %dma_wait3A_65, %dma_wait3A_66] : memref<2x10000x128xf32, #tpu.memory_space<hbm>> -> memref<1x16x128xf32, #tpu.memory_space<hbm>>
        %dma_wait3A_68 = tpu.memref_squeeze %dma_wait3A_67 : memref<1x16x128xf32, #tpu.memory_space<hbm>> -> memref<16x128xf32, #tpu.memory_space<hbm>>
        %dma_wait3A_69 = arith.constant 9984 : i32
        %dma_wait3A_70 = arith.constant 0 : i32
        %dma_wait3A_71 = tpu.memref_slice %arg11[%dma_wait3A_69, %dma_wait3A_70] : memref<10000x128xf32, #tpu.memory_space<vmem_shared>> -> memref<16x128xf32, #tpu.memory_space<vmem_shared>>
        tpu.wait_dma2 semaphore(%run_scoped3A_57 : memref<!tpu.dma_semaphore, #tpu.memory_space<semaphore_mem>>) src(%dma_wait3A_71 : memref<16x128xf32, #tpu.memory_space<vmem_shared>>) dst(%dma_wait3A_68 : memref<16x128xf32, #tpu.memory_space<hbm>>)
        tpu.yield
      }) : () -> ()
    } else {
    }
    return
  }
}

#map = affine_map<(d0, d1) -> (0, 0)>
#map1 = affine_map<(d0, d1) -> (0, 0, 0)>
module attributes {stable_mosaic.version = 14 : i64} {
  func.func @_sc_deg(%arg0: i32, %arg1: i32, %arg2: memref<2x320000xi32, #tpu.memory_space<hbm>>, %arg3: memref<624x16xf32, #tpu.memory_space<hbm>>, %arg4: memref<80x16xf32, #tpu.memory_space<hbm>>, %arg5: memref<2x10000x16xf32, #tpu.memory_space<hbm>>, %arg6: memref<10000xi32, #tpu.memory_space<vmem>>, %arg7: memref<80x16xf32, #tpu.memory_space<vmem>>, %arg8: memref<10000x16xf32, #tpu.memory_space<vmem_shared>>, %arg9: memref<!tpu.dma_semaphore, #tpu.memory_space<semaphore_mem>>) attributes {dimension_semantics = [#tpu.dimension_semantics<core_parallel>, #tpu.dimension_semantics<subcore_parallel>], iteration_bounds = array<i64: 2, 16>, scalar_prefetch = 0 : i64, scratch_operands = 4 : i64, tpu.core_type = #tpu.core_type<sc_vector_subcore>, window_params = [{transform_indices = #map}, {transform_indices = #map}, {transform_indices = #map}, {transform_indices = #map1}]} {
    %mul3A = arith.constant 2 : i32
    %mul3A_0 = arith.muli %arg1, %mul3A : i32
    %add3A = arith.addi %mul3A_0, %arg0 : i32
    %mul3A_1 = arith.constant 624 : i32
    %mul3A_2 = arith.muli %arg1, %mul3A_1 : i32
    %dma_start3A = arith.constant 0 : i32
    %dma_start3A_3 = tpu.memref_slice %arg8[%mul3A_2, %dma_start3A] : memref<10000x16xf32, #tpu.memory_space<vmem_shared>> -> memref<624x16xf32, #tpu.memory_space<vmem_shared>>
    tpu.enqueue_dma source(%arg3 : memref<624x16xf32, #tpu.memory_space<hbm>>) target(%dma_start3A_3 : memref<624x16xf32, #tpu.memory_space<vmem_shared>>) target_semaphore(%arg9 : memref<!tpu.dma_semaphore, #tpu.memory_space<semaphore_mem>>)
    %eq3A = arith.constant 15 : i32
    %eq3A_4 = arith.cmpi eq, %arg1, %eq3A : i32
    %convert_element_type3A = arith.extui %eq3A_4 : i1 to i32
    %cond3A = arith.constant 0 : i32
    %cond3A_5 = arith.cmpi ne, %convert_element_type3A, %cond3A : i32
    scf.if %cond3A_5 {
      %dma_start3A_37 = arith.constant 9984 : i32
      %dma_start3A_38 = arith.constant 0 : i32
      %dma_start3A_39 = tpu.memref_slice %arg8[%dma_start3A_37, %dma_start3A_38] : memref<10000x16xf32, #tpu.memory_space<vmem_shared>> -> memref<16x16xf32, #tpu.memory_space<vmem_shared>>
      %dma_start3A_40 = arith.constant 0 : i32
      %dma_start3A_41 = arith.constant 0 : i32
      %dma_start3A_42 = tpu.memref_slice %arg3[%dma_start3A_40, %dma_start3A_41] : memref<624x16xf32, #tpu.memory_space<hbm>> -> memref<16x16xf32, #tpu.memory_space<hbm>>
      tpu.enqueue_dma source(%dma_start3A_42 : memref<16x16xf32, #tpu.memory_space<hbm>>) target(%dma_start3A_39 : memref<16x16xf32, #tpu.memory_space<vmem_shared>>) target_semaphore(%arg9 : memref<!tpu.dma_semaphore, #tpu.memory_space<semaphore_mem>>)
    } else {
    }
    "tpu.region"() ({
      %run_scoped3A_37 = tpu.sem_alloc : memref<!tpu.dma_semaphore, #tpu.memory_space<semaphore_mem>>
      tpu.enqueue_dma source(%arg4 : memref<80x16xf32, #tpu.memory_space<hbm>>) target(%arg7 : memref<80x16xf32, #tpu.memory_space<vmem>>) target_semaphore(%run_scoped3A_37 : memref<!tpu.dma_semaphore, #tpu.memory_space<semaphore_mem>>)
      tpu.wait_dma2 semaphore(%run_scoped3A_37 : memref<!tpu.dma_semaphore, #tpu.memory_space<semaphore_mem>>) src(%arg4 : memref<80x16xf32, #tpu.memory_space<hbm>>) dst(%arg7 : memref<80x16xf32, #tpu.memory_space<vmem>>)
      tpu.yield
    }) : () -> ()
    %mul3A_6 = arith.constant 10000 : i32
    %mul3A_7 = arith.muli %add3A, %mul3A_6 : i32
    %run_scoped3A = arith.constant 1 : i32
    "tpu.region"() ({
      %run_scoped3A_37 = tpu.sem_alloc : memref<!tpu.dma_semaphore, #tpu.memory_space<semaphore_mem>>
      %dma_start3A_38 = tpu.memref_slice %arg2[%run_scoped3A, %mul3A_7] : memref<2x320000xi32, #tpu.memory_space<hbm>> -> memref<1x10000xi32, #tpu.memory_space<hbm>>
      %dma_start3A_39 = tpu.memref_squeeze %dma_start3A_38 : memref<1x10000xi32, #tpu.memory_space<hbm>> -> memref<10000xi32, #tpu.memory_space<hbm>>
      %dma_start3A_40 = tpu.memref_slice %arg2[%run_scoped3A, %mul3A_7] : memref<2x320000xi32, #tpu.memory_space<hbm>> -> memref<1x10000xi32, #tpu.memory_space<hbm>>
      %dma_start3A_41 = tpu.memref_squeeze %dma_start3A_40 : memref<1x10000xi32, #tpu.memory_space<hbm>> -> memref<10000xi32, #tpu.memory_space<hbm>>
      tpu.enqueue_dma source(%dma_start3A_41 : memref<10000xi32, #tpu.memory_space<hbm>>) target(%arg6 : memref<10000xi32, #tpu.memory_space<vmem>>) target_semaphore(%run_scoped3A_37 : memref<!tpu.dma_semaphore, #tpu.memory_space<semaphore_mem>>)
      %dma_wait3A_42 = tpu.memref_slice %arg2[%run_scoped3A, %mul3A_7] : memref<2x320000xi32, #tpu.memory_space<hbm>> -> memref<1x10000xi32, #tpu.memory_space<hbm>>
      %dma_wait3A_43 = tpu.memref_squeeze %dma_wait3A_42 : memref<1x10000xi32, #tpu.memory_space<hbm>> -> memref<10000xi32, #tpu.memory_space<hbm>>
      %dma_wait3A_44 = tpu.memref_slice %arg2[%run_scoped3A, %mul3A_7] : memref<2x320000xi32, #tpu.memory_space<hbm>> -> memref<1x10000xi32, #tpu.memory_space<hbm>>
      %dma_wait3A_45 = tpu.memref_squeeze %dma_wait3A_44 : memref<1x10000xi32, #tpu.memory_space<hbm>> -> memref<10000xi32, #tpu.memory_space<hbm>>
      tpu.wait_dma2 semaphore(%run_scoped3A_37 : memref<!tpu.dma_semaphore, #tpu.memory_space<semaphore_mem>>) src(%dma_wait3A_45 : memref<10000xi32, #tpu.memory_space<hbm>>) dst(%arg6 : memref<10000xi32, #tpu.memory_space<vmem>>)
      tpu.yield
    }) : () -> ()
    %mul3A_8 = arith.constant 624 : i32
    %mul3A_9 = arith.muli %arg1, %mul3A_8 : i32
    %dma_wait3A = arith.constant 0 : i32
    %dma_wait3A_10 = tpu.memref_slice %arg8[%mul3A_9, %dma_wait3A] : memref<10000x16xf32, #tpu.memory_space<vmem_shared>> -> memref<624x16xf32, #tpu.memory_space<vmem_shared>>
    tpu.wait_dma2 semaphore(%arg9 : memref<!tpu.dma_semaphore, #tpu.memory_space<semaphore_mem>>) src(%arg3 : memref<624x16xf32, #tpu.memory_space<hbm>>) dst(%dma_wait3A_10 : memref<624x16xf32, #tpu.memory_space<vmem_shared>>)
    %eq3A_11 = arith.constant 15 : i32
    %eq3A_12 = arith.cmpi eq, %arg1, %eq3A_11 : i32
    %convert_element_type3A_13 = arith.extui %eq3A_12 : i1 to i32
    %cond3A_14 = arith.constant 0 : i32
    %cond3A_15 = arith.cmpi ne, %convert_element_type3A_13, %cond3A_14 : i32
    scf.if %cond3A_15 {
      %dma_wait3A_37 = arith.constant 9984 : i32
      %dma_wait3A_38 = arith.constant 0 : i32
      %dma_wait3A_39 = tpu.memref_slice %arg8[%dma_wait3A_37, %dma_wait3A_38] : memref<10000x16xf32, #tpu.memory_space<vmem_shared>> -> memref<16x16xf32, #tpu.memory_space<vmem_shared>>
      %dma_wait3A_40 = arith.constant 0 : i32
      %dma_wait3A_41 = arith.constant 0 : i32
      %dma_wait3A_42 = tpu.memref_slice %arg3[%dma_wait3A_40, %dma_wait3A_41] : memref<624x16xf32, #tpu.memory_space<hbm>> -> memref<16x16xf32, #tpu.memory_space<hbm>>
      tpu.wait_dma2 semaphore(%arg9 : memref<!tpu.dma_semaphore, #tpu.memory_space<semaphore_mem>>) src(%dma_wait3A_42 : memref<16x16xf32, #tpu.memory_space<hbm>>) dst(%dma_wait3A_39 : memref<16x16xf32, #tpu.memory_space<vmem_shared>>)
    } else {
    }
    %barrier3A = arith.constant 0 : index
    tpu.barrier barrier_id(%barrier3A)
    %scan3A = arith.constant 0 : i32
    %scan3A_16 = arith.constant 0 : i32
    %scan3A_17 = arith.constant 125 : i32
    %scan3A_18 = arith.addi %scan3A_16, %scan3A_17 : i32
    %scan3A_19 = arith.constant 1 : i32
    scf.for %scan3A_37 = %scan3A_16 to %scan3A_18 step %scan3A_19  : i32 {
      %mul3A_38 = arith.constant 80 : i32
      %mul3A_39 = arith.muli %scan3A_37, %mul3A_38 : i32
      %dma_start3A_40 = tpu.memref_slice %arg6[%mul3A_39] : memref<10000xi32, #tpu.memory_space<vmem>> -> memref<80xi32, #tpu.memory_space<vmem>>
      %dma_start3A_41 = arith.constant 0 : i32
      %dma_start3A_42 = arith.constant 0 : i32
      %dma_start3A_43 = tpu.memref_slice %arg8[%dma_start3A_41, %dma_start3A_42] : memref<10000x16xf32, #tpu.memory_space<vmem_shared>> -> memref<10000x16xf32, #tpu.memory_space<vmem_shared>>
      tpu.enqueue_indirect_dma source(%arg7 : memref<80x16xf32, #tpu.memory_space<vmem>>) target(%dma_start3A_43 : memref<10000x16xf32, #tpu.memory_space<vmem_shared>>) offsets(%dma_start3A_40 : memref<80xi32, #tpu.memory_space<vmem>>) semaphore(%arg9 : memref<!tpu.dma_semaphore, #tpu.memory_space<semaphore_mem>>) {add = true}
    }
    %scan3A_20 = arith.constant 125 : i32
    %scan3A_21 = arith.constant 0 : i32
    %scan3A_22 = arith.constant 0 : i32
    %scan3A_23 = arith.constant 125 : i32
    %scan3A_24 = arith.addi %scan3A_22, %scan3A_23 : i32
    %scan3A_25 = arith.constant 1 : i32
    scf.for %scan3A_37 = %scan3A_22 to %scan3A_24 step %scan3A_25  : i32 {
      %dma_wait3A_38 = arith.constant 0 : i32
      %dma_wait3A_39 = tpu.memref_slice %arg6[%dma_wait3A_38] : memref<10000xi32, #tpu.memory_space<vmem>> -> memref<80xi32, #tpu.memory_space<vmem>>
      %dma_wait3A_40 = arith.constant 0 : i32
      %dma_wait3A_41 = arith.constant 0 : i32
      %dma_wait3A_42 = tpu.memref_slice %arg8[%dma_wait3A_40, %dma_wait3A_41] : memref<10000x16xf32, #tpu.memory_space<vmem_shared>> -> memref<10000x16xf32, #tpu.memory_space<vmem_shared>>
      tpu.wait_indirect_dma semaphore(%arg9 : memref<!tpu.dma_semaphore, #tpu.memory_space<semaphore_mem>>) src(%arg7 : memref<80x16xf32, #tpu.memory_space<vmem>>) dst(%dma_wait3A_42 : memref<10000x16xf32, #tpu.memory_space<vmem_shared>>)
    }
    %scan3A_26 = arith.constant 125 : i32
    %barrier3A_27 = arith.constant 0 : index
    tpu.barrier barrier_id(%barrier3A_27)
    %mul3A_28 = arith.constant 624 : i32
    %mul3A_29 = arith.muli %arg1, %mul3A_28 : i32
    %mul3A_30 = arith.constant 624 : i32
    %mul3A_31 = arith.muli %arg1, %mul3A_30 : i32
    "tpu.region"() ({
      %run_scoped3A_37 = tpu.sem_alloc : memref<!tpu.dma_semaphore, #tpu.memory_space<semaphore_mem>>
      %dma_start3A_38 = arith.constant 0 : i32
      %dma_start3A_39 = tpu.memref_slice %arg5[%arg0, %mul3A_31, %dma_start3A_38] : memref<2x10000x16xf32, #tpu.memory_space<hbm>> -> memref<1x624x16xf32, #tpu.memory_space<hbm>>
      %dma_start3A_40 = tpu.memref_squeeze %dma_start3A_39 : memref<1x624x16xf32, #tpu.memory_space<hbm>> -> memref<624x16xf32, #tpu.memory_space<hbm>>
      %dma_start3A_41 = arith.constant 0 : i32
      %dma_start3A_42 = tpu.memref_slice %arg8[%mul3A_29, %dma_start3A_41] : memref<10000x16xf32, #tpu.memory_space<vmem_shared>> -> memref<624x16xf32, #tpu.memory_space<vmem_shared>>
      tpu.enqueue_dma source(%dma_start3A_42 : memref<624x16xf32, #tpu.memory_space<vmem_shared>>) target(%dma_start3A_40 : memref<624x16xf32, #tpu.memory_space<hbm>>) target_semaphore(%run_scoped3A_37 : memref<!tpu.dma_semaphore, #tpu.memory_space<semaphore_mem>>)
      %dma_wait3A_43 = arith.constant 0 : i32
      %dma_wait3A_44 = tpu.memref_slice %arg5[%arg0, %mul3A_31, %dma_wait3A_43] : memref<2x10000x16xf32, #tpu.memory_space<hbm>> -> memref<1x624x16xf32, #tpu.memory_space<hbm>>
      %dma_wait3A_45 = tpu.memref_squeeze %dma_wait3A_44 : memref<1x624x16xf32, #tpu.memory_space<hbm>> -> memref<624x16xf32, #tpu.memory_space<hbm>>
      %dma_wait3A_46 = arith.constant 0 : i32
      %dma_wait3A_47 = tpu.memref_slice %arg8[%mul3A_29, %dma_wait3A_46] : memref<10000x16xf32, #tpu.memory_space<vmem_shared>> -> memref<624x16xf32, #tpu.memory_space<vmem_shared>>
      tpu.wait_dma2 semaphore(%run_scoped3A_37 : memref<!tpu.dma_semaphore, #tpu.memory_space<semaphore_mem>>) src(%dma_wait3A_47 : memref<624x16xf32, #tpu.memory_space<vmem_shared>>) dst(%dma_wait3A_45 : memref<624x16xf32, #tpu.memory_space<hbm>>)
      tpu.yield
    }) : () -> ()
    %eq3A_32 = arith.constant 15 : i32
    %eq3A_33 = arith.cmpi eq, %arg1, %eq3A_32 : i32
    %convert_element_type3A_34 = arith.extui %eq3A_33 : i1 to i32
    %cond3A_35 = arith.constant 0 : i32
    %cond3A_36 = arith.cmpi ne, %convert_element_type3A_34, %cond3A_35 : i32
    scf.if %cond3A_36 {
      "tpu.region"() ({
        %run_scoped3A_37 = tpu.sem_alloc : memref<!tpu.dma_semaphore, #tpu.memory_space<semaphore_mem>>
        %dma_start3A_38 = arith.constant 9984 : i32
        %dma_start3A_39 = arith.constant 0 : i32
        %dma_start3A_40 = tpu.memref_slice %arg5[%arg0, %dma_start3A_38, %dma_start3A_39] : memref<2x10000x16xf32, #tpu.memory_space<hbm>> -> memref<1x16x16xf32, #tpu.memory_space<hbm>>
        %dma_start3A_41 = tpu.memref_squeeze %dma_start3A_40 : memref<1x16x16xf32, #tpu.memory_space<hbm>> -> memref<16x16xf32, #tpu.memory_space<hbm>>
        %dma_start3A_42 = arith.constant 9984 : i32
        %dma_start3A_43 = arith.constant 0 : i32
        %dma_start3A_44 = tpu.memref_slice %arg8[%dma_start3A_42, %dma_start3A_43] : memref<10000x16xf32, #tpu.memory_space<vmem_shared>> -> memref<16x16xf32, #tpu.memory_space<vmem_shared>>
        tpu.enqueue_dma source(%dma_start3A_44 : memref<16x16xf32, #tpu.memory_space<vmem_shared>>) target(%dma_start3A_41 : memref<16x16xf32, #tpu.memory_space<hbm>>) target_semaphore(%run_scoped3A_37 : memref<!tpu.dma_semaphore, #tpu.memory_space<semaphore_mem>>)
        %dma_wait3A_45 = arith.constant 9984 : i32
        %dma_wait3A_46 = arith.constant 0 : i32
        %dma_wait3A_47 = tpu.memref_slice %arg5[%arg0, %dma_wait3A_45, %dma_wait3A_46] : memref<2x10000x16xf32, #tpu.memory_space<hbm>> -> memref<1x16x16xf32, #tpu.memory_space<hbm>>
        %dma_wait3A_48 = tpu.memref_squeeze %dma_wait3A_47 : memref<1x16x16xf32, #tpu.memory_space<hbm>> -> memref<16x16xf32, #tpu.memory_space<hbm>>
        %dma_wait3A_49 = arith.constant 9984 : i32
        %dma_wait3A_50 = arith.constant 0 : i32
        %dma_wait3A_51 = tpu.memref_slice %arg8[%dma_wait3A_49, %dma_wait3A_50] : memref<10000x16xf32, #tpu.memory_space<vmem_shared>> -> memref<16x16xf32, #tpu.memory_space<vmem_shared>>
        tpu.wait_dma2 semaphore(%run_scoped3A_37 : memref<!tpu.dma_semaphore, #tpu.memory_space<semaphore_mem>>) src(%dma_wait3A_51 : memref<16x16xf32, #tpu.memory_space<vmem_shared>>) dst(%dma_wait3A_48 : memref<16x16xf32, #tpu.memory_space<hbm>>)
        tpu.yield
      }) : () -> ()
    } else {
    }
    return
  }
}

#map = affine_map<(d0, d1) -> (0, 0)>
#map1 = affine_map<(d0, d1) -> (0, 0, 0)>
module attributes {stable_mosaic.version = 14 : i64} {
  func.func @_sc_agg(%arg0: i32, %arg1: i32, %arg2: memref<10000x128xf32, #tpu.memory_space<hbm>>, %arg3: memref<2x320000xi32, #tpu.memory_space<hbm>>, %arg4: memref<624x128xf32, #tpu.memory_space<hbm>>, %arg5: memref<2x10000x128xf32, #tpu.memory_space<hbm>>, %arg6: memref<10000xi32, #tpu.memory_space<vmem>>, %arg7: memref<10000xi32, #tpu.memory_space<vmem>>, %arg8: memref<80x128xf32, #tpu.memory_space<vmem>>, %arg9: memref<80x128xf32, #tpu.memory_space<vmem>>, %arg10: memref<80x128xf32, #tpu.memory_space<vmem>>, %arg11: memref<10000x128xf32, #tpu.memory_space<vmem_shared>>, %arg12: memref<!tpu.dma_semaphore, #tpu.memory_space<semaphore_mem>>, %arg13: memref<!tpu.dma_semaphore, #tpu.memory_space<semaphore_mem>>, %arg14: memref<!tpu.dma_semaphore, #tpu.memory_space<semaphore_mem>>, %arg15: memref<!tpu.dma_semaphore, #tpu.memory_space<semaphore_mem>>, %arg16: memref<!tpu.dma_semaphore, #tpu.memory_space<semaphore_mem>>, %arg17: memref<!tpu.dma_semaphore, #tpu.memory_space<semaphore_mem>>, %arg18: memref<!tpu.dma_semaphore, #tpu.memory_space<semaphore_mem>>) attributes {dimension_semantics = [#tpu.dimension_semantics<core_parallel>, #tpu.dimension_semantics<subcore_parallel>], iteration_bounds = array<i64: 2, 16>, scalar_prefetch = 0 : i64, scratch_operands = 13 : i64, tpu.core_type = #tpu.core_type<sc_vector_subcore>, window_params = [{transform_indices = #map}, {transform_indices = #map}, {transform_indices = #map}, {transform_indices = #map1}]} {
    %mul3A = arith.constant 2 : i32
    %mul3A_0 = arith.muli %arg1, %mul3A : i32
    %add3A = arith.addi %mul3A_0, %arg0 : i32
    %mul3A_1 = arith.constant 10000 : i32
    %mul3A_2 = arith.muli %add3A, %mul3A_1 : i32
    %mul3A_3 = arith.constant 624 : i32
    %mul3A_4 = arith.muli %arg1, %mul3A_3 : i32
    %dma_start3A = arith.constant 0 : i32
    %dma_start3A_5 = tpu.memref_slice %arg11[%mul3A_4, %dma_start3A] : memref<10000x128xf32, #tpu.memory_space<vmem_shared>> -> memref<624x128xf32, #tpu.memory_space<vmem_shared>>
    tpu.enqueue_dma source(%arg4 : memref<624x128xf32, #tpu.memory_space<hbm>>) target(%dma_start3A_5 : memref<624x128xf32, #tpu.memory_space<vmem_shared>>) target_semaphore(%arg18 : memref<!tpu.dma_semaphore, #tpu.memory_space<semaphore_mem>>)
    %eq3A = arith.constant 15 : i32
    %eq3A_6 = arith.cmpi eq, %arg1, %eq3A : i32
    %convert_element_type3A = arith.extui %eq3A_6 : i1 to i32
    %cond3A = arith.constant 0 : i32
    %cond3A_7 = arith.cmpi ne, %convert_element_type3A, %cond3A : i32
    scf.if %cond3A_7 {
      %dma_start3A_57 = arith.constant 9984 : i32
      %dma_start3A_58 = arith.constant 0 : i32
      %dma_start3A_59 = tpu.memref_slice %arg11[%dma_start3A_57, %dma_start3A_58] : memref<10000x128xf32, #tpu.memory_space<vmem_shared>> -> memref<16x128xf32, #tpu.memory_space<vmem_shared>>
      %dma_start3A_60 = arith.constant 0 : i32
      %dma_start3A_61 = arith.constant 0 : i32
      %dma_start3A_62 = tpu.memref_slice %arg4[%dma_start3A_60, %dma_start3A_61] : memref<624x128xf32, #tpu.memory_space<hbm>> -> memref<16x128xf32, #tpu.memory_space<hbm>>
      tpu.enqueue_dma source(%dma_start3A_62 : memref<16x128xf32, #tpu.memory_space<hbm>>) target(%dma_start3A_59 : memref<16x128xf32, #tpu.memory_space<vmem_shared>>) target_semaphore(%arg18 : memref<!tpu.dma_semaphore, #tpu.memory_space<semaphore_mem>>)
    } else {
    }
    %run_scoped3A = arith.constant 0 : i32
    "tpu.region"() ({
      %run_scoped3A_57 = tpu.sem_alloc : memref<!tpu.dma_semaphore, #tpu.memory_space<semaphore_mem>>
      %dma_start3A_58 = tpu.memref_slice %arg3[%run_scoped3A, %mul3A_2] : memref<2x320000xi32, #tpu.memory_space<hbm>> -> memref<1x10000xi32, #tpu.memory_space<hbm>>
      %dma_start3A_59 = tpu.memref_squeeze %dma_start3A_58 : memref<1x10000xi32, #tpu.memory_space<hbm>> -> memref<10000xi32, #tpu.memory_space<hbm>>
      %dma_start3A_60 = tpu.memref_slice %arg3[%run_scoped3A, %mul3A_2] : memref<2x320000xi32, #tpu.memory_space<hbm>> -> memref<1x10000xi32, #tpu.memory_space<hbm>>
      %dma_start3A_61 = tpu.memref_squeeze %dma_start3A_60 : memref<1x10000xi32, #tpu.memory_space<hbm>> -> memref<10000xi32, #tpu.memory_space<hbm>>
      tpu.enqueue_dma source(%dma_start3A_61 : memref<10000xi32, #tpu.memory_space<hbm>>) target(%arg6 : memref<10000xi32, #tpu.memory_space<vmem>>) target_semaphore(%run_scoped3A_57 : memref<!tpu.dma_semaphore, #tpu.memory_space<semaphore_mem>>)
      %dma_wait3A_62 = tpu.memref_slice %arg3[%run_scoped3A, %mul3A_2] : memref<2x320000xi32, #tpu.memory_space<hbm>> -> memref<1x10000xi32, #tpu.memory_space<hbm>>
      %dma_wait3A_63 = tpu.memref_squeeze %dma_wait3A_62 : memref<1x10000xi32, #tpu.memory_space<hbm>> -> memref<10000xi32, #tpu.memory_space<hbm>>
      %dma_wait3A_64 = tpu.memref_slice %arg3[%run_scoped3A, %mul3A_2] : memref<2x320000xi32, #tpu.memory_space<hbm>> -> memref<1x10000xi32, #tpu.memory_space<hbm>>
      %dma_wait3A_65 = tpu.memref_squeeze %dma_wait3A_64 : memref<1x10000xi32, #tpu.memory_space<hbm>> -> memref<10000xi32, #tpu.memory_space<hbm>>
      tpu.wait_dma2 semaphore(%run_scoped3A_57 : memref<!tpu.dma_semaphore, #tpu.memory_space<semaphore_mem>>) src(%dma_wait3A_65 : memref<10000xi32, #tpu.memory_space<hbm>>) dst(%arg6 : memref<10000xi32, #tpu.memory_space<vmem>>)
      tpu.yield
    }) : () -> ()
    %run_scoped3A_8 = arith.constant 1 : i32
    "tpu.region"() ({
      %run_scoped3A_57 = tpu.sem_alloc : memref<!tpu.dma_semaphore, #tpu.memory_space<semaphore_mem>>
      %dma_start3A_58 = tpu.memref_slice %arg3[%run_scoped3A_8, %mul3A_2] : memref<2x320000xi32, #tpu.memory_space<hbm>> -> memref<1x10000xi32, #tpu.memory_space<hbm>>
      %dma_start3A_59 = tpu.memref_squeeze %dma_start3A_58 : memref<1x10000xi32, #tpu.memory_space<hbm>> -> memref<10000xi32, #tpu.memory_space<hbm>>
      %dma_start3A_60 = tpu.memref_slice %arg3[%run_scoped3A_8, %mul3A_2] : memref<2x320000xi32, #tpu.memory_space<hbm>> -> memref<1x10000xi32, #tpu.memory_space<hbm>>
      %dma_start3A_61 = tpu.memref_squeeze %dma_start3A_60 : memref<1x10000xi32, #tpu.memory_space<hbm>> -> memref<10000xi32, #tpu.memory_space<hbm>>
      tpu.enqueue_dma source(%dma_start3A_61 : memref<10000xi32, #tpu.memory_space<hbm>>) target(%arg7 : memref<10000xi32, #tpu.memory_space<vmem>>) target_semaphore(%run_scoped3A_57 : memref<!tpu.dma_semaphore, #tpu.memory_space<semaphore_mem>>)
      %dma_wait3A_62 = tpu.memref_slice %arg3[%run_scoped3A_8, %mul3A_2] : memref<2x320000xi32, #tpu.memory_space<hbm>> -> memref<1x10000xi32, #tpu.memory_space<hbm>>
      %dma_wait3A_63 = tpu.memref_squeeze %dma_wait3A_62 : memref<1x10000xi32, #tpu.memory_space<hbm>> -> memref<10000xi32, #tpu.memory_space<hbm>>
      %dma_wait3A_64 = tpu.memref_slice %arg3[%run_scoped3A_8, %mul3A_2] : memref<2x320000xi32, #tpu.memory_space<hbm>> -> memref<1x10000xi32, #tpu.memory_space<hbm>>
      %dma_wait3A_65 = tpu.memref_squeeze %dma_wait3A_64 : memref<1x10000xi32, #tpu.memory_space<hbm>> -> memref<10000xi32, #tpu.memory_space<hbm>>
      tpu.wait_dma2 semaphore(%run_scoped3A_57 : memref<!tpu.dma_semaphore, #tpu.memory_space<semaphore_mem>>) src(%dma_wait3A_65 : memref<10000xi32, #tpu.memory_space<hbm>>) dst(%arg7 : memref<10000xi32, #tpu.memory_space<vmem>>)
      tpu.yield
    }) : () -> ()
    %dma_start3A_9 = arith.constant 0 : i32
    %dma_start3A_10 = tpu.memref_slice %arg6[%dma_start3A_9] : memref<10000xi32, #tpu.memory_space<vmem>> -> memref<80xi32, #tpu.memory_space<vmem>>
    %dma_start3A_11 = arith.constant 0 : i32
    %dma_start3A_12 = arith.constant 0 : i32
    %dma_start3A_13 = tpu.memref_slice %arg2[%dma_start3A_11, %dma_start3A_12] : memref<10000x128xf32, #tpu.memory_space<hbm>> -> memref<10000x128xf32, #tpu.memory_space<hbm>>
    tpu.enqueue_indirect_dma source(%dma_start3A_13 : memref<10000x128xf32, #tpu.memory_space<hbm>>) target(%arg8 : memref<80x128xf32, #tpu.memory_space<vmem>>) offsets(%dma_start3A_10 : memref<80xi32, #tpu.memory_space<vmem>>) semaphore(%arg12 : memref<!tpu.dma_semaphore, #tpu.memory_space<semaphore_mem>>)
    %dma_start3A_14 = arith.constant 80 : i32
    %dma_start3A_15 = tpu.memref_slice %arg6[%dma_start3A_14] : memref<10000xi32, #tpu.memory_space<vmem>> -> memref<80xi32, #tpu.memory_space<vmem>>
    %dma_start3A_16 = arith.constant 0 : i32
    %dma_start3A_17 = arith.constant 0 : i32
    %dma_start3A_18 = tpu.memref_slice %arg2[%dma_start3A_16, %dma_start3A_17] : memref<10000x128xf32, #tpu.memory_space<hbm>> -> memref<10000x128xf32, #tpu.memory_space<hbm>>
    tpu.enqueue_indirect_dma source(%dma_start3A_18 : memref<10000x128xf32, #tpu.memory_space<hbm>>) target(%arg9 : memref<80x128xf32, #tpu.memory_space<vmem>>) offsets(%dma_start3A_15 : memref<80xi32, #tpu.memory_space<vmem>>) semaphore(%arg13 : memref<!tpu.dma_semaphore, #tpu.memory_space<semaphore_mem>>)
    %mul3A_19 = arith.constant 624 : i32
    %mul3A_20 = arith.muli %arg1, %mul3A_19 : i32
    %dma_wait3A = arith.constant 0 : i32
    %dma_wait3A_21 = tpu.memref_slice %arg11[%mul3A_20, %dma_wait3A] : memref<10000x128xf32, #tpu.memory_space<vmem_shared>> -> memref<624x128xf32, #tpu.memory_space<vmem_shared>>
    tpu.wait_dma2 semaphore(%arg18 : memref<!tpu.dma_semaphore, #tpu.memory_space<semaphore_mem>>) src(%arg4 : memref<624x128xf32, #tpu.memory_space<hbm>>) dst(%dma_wait3A_21 : memref<624x128xf32, #tpu.memory_space<vmem_shared>>)
    %eq3A_22 = arith.constant 15 : i32
    %eq3A_23 = arith.cmpi eq, %arg1, %eq3A_22 : i32
    %convert_element_type3A_24 = arith.extui %eq3A_23 : i1 to i32
    %cond3A_25 = arith.constant 0 : i32
    %cond3A_26 = arith.cmpi ne, %convert_element_type3A_24, %cond3A_25 : i32
    scf.if %cond3A_26 {
      %dma_wait3A_57 = arith.constant 9984 : i32
      %dma_wait3A_58 = arith.constant 0 : i32
      %dma_wait3A_59 = tpu.memref_slice %arg11[%dma_wait3A_57, %dma_wait3A_58] : memref<10000x128xf32, #tpu.memory_space<vmem_shared>> -> memref<16x128xf32, #tpu.memory_space<vmem_shared>>
      %dma_wait3A_60 = arith.constant 0 : i32
      %dma_wait3A_61 = arith.constant 0 : i32
      %dma_wait3A_62 = tpu.memref_slice %arg4[%dma_wait3A_60, %dma_wait3A_61] : memref<624x128xf32, #tpu.memory_space<hbm>> -> memref<16x128xf32, #tpu.memory_space<hbm>>
      tpu.wait_dma2 semaphore(%arg18 : memref<!tpu.dma_semaphore, #tpu.memory_space<semaphore_mem>>) src(%dma_wait3A_62 : memref<16x128xf32, #tpu.memory_space<hbm>>) dst(%dma_wait3A_59 : memref<16x128xf32, #tpu.memory_space<vmem_shared>>)
    } else {
    }
    %barrier3A = arith.constant 0 : index
    tpu.barrier barrier_id(%barrier3A)
    %scan3A = arith.constant 0 : i32
    %scan3A_27 = arith.constant 0 : i32
    %scan3A_28 = arith.constant 125 : i32
    %scan3A_29 = arith.addi %scan3A_27, %scan3A_28 : i32
    %scan3A_30 = arith.constant 1 : i32
    scf.for %scan3A_57 = %scan3A_27 to %scan3A_29 step %scan3A_30  : i32 {
      %jit3A = arith.constant 3 : i32
      %eq3A_58 = arith.constant 0 : i32
      %eq3A_59 = arith.cmpi eq, %jit3A, %eq3A_58 : i32
      %jit3A_60 = arith.constant 1 : i32
      %select_n3A = arith.select %eq3A_59, %jit3A_60, %jit3A : i32
      %rem3A = arith.remsi %scan3A_57, %select_n3A : i32
      %ne3A = arith.constant 0 : i32
      %ne3A_61 = arith.cmpi ne, %rem3A, %ne3A : i32
      %lt3A = arith.constant 0 : i32
      %lt3A_62 = arith.cmpi slt, %rem3A, %lt3A : i32
      %lt3A_63 = arith.constant 0 : i32
      %lt3A_64 = arith.cmpi slt, %select_n3A, %lt3A_63 : i32
      %ne3A_65 = arith.xori %lt3A_62, %lt3A_64 : i1
      %and3A = arith.andi %ne3A_65, %ne3A_61 : i1
      %add3A_66 = arith.addi %rem3A, %select_n3A : i32
      %select_n3A_67 = arith.select %and3A, %add3A_66, %rem3A : i32
      %eq3A_68 = arith.constant 0 : i32
      %eq3A_69 = arith.cmpi eq, %select_n3A_67, %eq3A_68 : i32
      %convert_element_type3A_70 = arith.extui %eq3A_69 : i1 to i32
      %cond3A_71 = arith.constant 0 : i32
      %cond3A_72 = arith.cmpi ne, %convert_element_type3A_70, %cond3A_71 : i32
      scf.if %cond3A_72 {
        %dma_wait3A_115 = arith.constant 0 : i32
        %dma_wait3A_116 = tpu.memref_slice %arg6[%dma_wait3A_115] : memref<10000xi32, #tpu.memory_space<vmem>> -> memref<80xi32, #tpu.memory_space<vmem>>
        %dma_wait3A_117 = arith.constant 0 : i32
        %dma_wait3A_118 = arith.constant 0 : i32
        %dma_wait3A_119 = tpu.memref_slice %arg2[%dma_wait3A_117, %dma_wait3A_118] : memref<10000x128xf32, #tpu.memory_space<hbm>> -> memref<10000x128xf32, #tpu.memory_space<hbm>>
        tpu.wait_indirect_dma semaphore(%arg12 : memref<!tpu.dma_semaphore, #tpu.memory_space<semaphore_mem>>) src(%dma_wait3A_119 : memref<10000x128xf32, #tpu.memory_space<hbm>>) dst(%arg8 : memref<80x128xf32, #tpu.memory_space<vmem>>)
        %mul3A_120 = arith.constant 80 : i32
        %mul3A_121 = arith.muli %scan3A_57, %mul3A_120 : i32
        %dma_start3A_122 = tpu.memref_slice %arg7[%mul3A_121] : memref<10000xi32, #tpu.memory_space<vmem>> -> memref<80xi32, #tpu.memory_space<vmem>>
        %dma_start3A_123 = arith.constant 0 : i32
        %dma_start3A_124 = arith.constant 0 : i32
        %dma_start3A_125 = tpu.memref_slice %arg11[%dma_start3A_123, %dma_start3A_124] : memref<10000x128xf32, #tpu.memory_space<vmem_shared>> -> memref<10000x128xf32, #tpu.memory_space<vmem_shared>>
        tpu.enqueue_indirect_dma source(%arg8 : memref<80x128xf32, #tpu.memory_space<vmem>>) target(%dma_start3A_125 : memref<10000x128xf32, #tpu.memory_space<vmem_shared>>) offsets(%dma_start3A_122 : memref<80xi32, #tpu.memory_space<vmem>>) semaphore(%arg15 : memref<!tpu.dma_semaphore, #tpu.memory_space<semaphore_mem>>) {add = true}
        %add3A_126 = arith.constant 2 : i32
        %add3A_127 = arith.addi %scan3A_57, %add3A_126 : i32
        %lt3A_128 = arith.constant 125 : i32
        %lt3A_129 = arith.cmpi slt, %add3A_127, %lt3A_128 : i32
        %convert_element_type3A_130 = arith.extui %lt3A_129 : i1 to i32
        %cond3A_131 = arith.constant 0 : i32
        %cond3A_132 = arith.cmpi ne, %convert_element_type3A_130, %cond3A_131 : i32
        scf.if %cond3A_132 {
          %gt3A = arith.constant 0 : i32
          %gt3A_133 = arith.cmpi sgt, %scan3A_57, %gt3A : i32
          %convert_element_type3A_134 = arith.extui %gt3A_133 : i1 to i32
          %cond3A_135 = arith.constant 0 : i32
          %cond3A_136 = arith.cmpi ne, %convert_element_type3A_134, %cond3A_135 : i32
          scf.if %cond3A_136 {
            %dma_wait3A_145 = arith.constant 0 : i32
            %dma_wait3A_146 = tpu.memref_slice %arg7[%dma_wait3A_145] : memref<10000xi32, #tpu.memory_space<vmem>> -> memref<80xi32, #tpu.memory_space<vmem>>
            %dma_wait3A_147 = arith.constant 0 : i32
            %dma_wait3A_148 = arith.constant 0 : i32
            %dma_wait3A_149 = tpu.memref_slice %arg11[%dma_wait3A_147, %dma_wait3A_148] : memref<10000x128xf32, #tpu.memory_space<vmem_shared>> -> memref<10000x128xf32, #tpu.memory_space<vmem_shared>>
            tpu.wait_indirect_dma semaphore(%arg17 : memref<!tpu.dma_semaphore, #tpu.memory_space<semaphore_mem>>) src(%arg10 : memref<80x128xf32, #tpu.memory_space<vmem>>) dst(%dma_wait3A_149 : memref<10000x128xf32, #tpu.memory_space<vmem_shared>>)
          } else {
          }
          %add3A_137 = arith.constant 2 : i32
          %add3A_138 = arith.addi %scan3A_57, %add3A_137 : i32
          %mul3A_139 = arith.constant 80 : i32
          %mul3A_140 = arith.muli %add3A_138, %mul3A_139 : i32
          %dma_start3A_141 = tpu.memref_slice %arg6[%mul3A_140] : memref<10000xi32, #tpu.memory_space<vmem>> -> memref<80xi32, #tpu.memory_space<vmem>>
          %dma_start3A_142 = arith.constant 0 : i32
          %dma_start3A_143 = arith.constant 0 : i32
          %dma_start3A_144 = tpu.memref_slice %arg2[%dma_start3A_142, %dma_start3A_143] : memref<10000x128xf32, #tpu.memory_space<hbm>> -> memref<10000x128xf32, #tpu.memory_space<hbm>>
          tpu.enqueue_indirect_dma source(%dma_start3A_144 : memref<10000x128xf32, #tpu.memory_space<hbm>>) target(%arg10 : memref<80x128xf32, #tpu.memory_space<vmem>>) offsets(%dma_start3A_141 : memref<80xi32, #tpu.memory_space<vmem>>) semaphore(%arg14 : memref<!tpu.dma_semaphore, #tpu.memory_space<semaphore_mem>>)
        } else {
        }
      } else {
      }
      %jit3A_73 = arith.constant 3 : i32
      %eq3A_74 = arith.constant 0 : i32
      %eq3A_75 = arith.cmpi eq, %jit3A_73, %eq3A_74 : i32
      %jit3A_76 = arith.constant 1 : i32
      %select_n3A_77 = arith.select %eq3A_75, %jit3A_76, %jit3A_73 : i32
      %rem3A_78 = arith.remsi %scan3A_57, %select_n3A_77 : i32
      %ne3A_79 = arith.constant 0 : i32
      %ne3A_80 = arith.cmpi ne, %rem3A_78, %ne3A_79 : i32
      %lt3A_81 = arith.constant 0 : i32
      %lt3A_82 = arith.cmpi slt, %rem3A_78, %lt3A_81 : i32
      %lt3A_83 = arith.constant 0 : i32
      %lt3A_84 = arith.cmpi slt, %select_n3A_77, %lt3A_83 : i32
      %ne3A_85 = arith.xori %lt3A_82, %lt3A_84 : i1
      %and3A_86 = arith.andi %ne3A_85, %ne3A_80 : i1
      %add3A_87 = arith.addi %rem3A_78, %select_n3A_77 : i32
      %select_n3A_88 = arith.select %and3A_86, %add3A_87, %rem3A_78 : i32
      %eq3A_89 = arith.constant 1 : i32
      %eq3A_90 = arith.cmpi eq, %select_n3A_88, %eq3A_89 : i32
      %convert_element_type3A_91 = arith.extui %eq3A_90 : i1 to i32
      %cond3A_92 = arith.constant 0 : i32
      %cond3A_93 = arith.cmpi ne, %convert_element_type3A_91, %cond3A_92 : i32
      scf.if %cond3A_93 {
        %dma_wait3A_115 = arith.constant 0 : i32
        %dma_wait3A_116 = tpu.memref_slice %arg6[%dma_wait3A_115] : memref<10000xi32, #tpu.memory_space<vmem>> -> memref<80xi32, #tpu.memory_space<vmem>>
        %dma_wait3A_117 = arith.constant 0 : i32
        %dma_wait3A_118 = arith.constant 0 : i32
        %dma_wait3A_119 = tpu.memref_slice %arg2[%dma_wait3A_117, %dma_wait3A_118] : memref<10000x128xf32, #tpu.memory_space<hbm>> -> memref<10000x128xf32, #tpu.memory_space<hbm>>
        tpu.wait_indirect_dma semaphore(%arg13 : memref<!tpu.dma_semaphore, #tpu.memory_space<semaphore_mem>>) src(%dma_wait3A_119 : memref<10000x128xf32, #tpu.memory_space<hbm>>) dst(%arg9 : memref<80x128xf32, #tpu.memory_space<vmem>>)
        %mul3A_120 = arith.constant 80 : i32
        %mul3A_121 = arith.muli %scan3A_57, %mul3A_120 : i32
        %dma_start3A_122 = tpu.memref_slice %arg7[%mul3A_121] : memref<10000xi32, #tpu.memory_space<vmem>> -> memref<80xi32, #tpu.memory_space<vmem>>
        %dma_start3A_123 = arith.constant 0 : i32
        %dma_start3A_124 = arith.constant 0 : i32
        %dma_start3A_125 = tpu.memref_slice %arg11[%dma_start3A_123, %dma_start3A_124] : memref<10000x128xf32, #tpu.memory_space<vmem_shared>> -> memref<10000x128xf32, #tpu.memory_space<vmem_shared>>
        tpu.enqueue_indirect_dma source(%arg9 : memref<80x128xf32, #tpu.memory_space<vmem>>) target(%dma_start3A_125 : memref<10000x128xf32, #tpu.memory_space<vmem_shared>>) offsets(%dma_start3A_122 : memref<80xi32, #tpu.memory_space<vmem>>) semaphore(%arg16 : memref<!tpu.dma_semaphore, #tpu.memory_space<semaphore_mem>>) {add = true}
        %add3A_126 = arith.constant 2 : i32
        %add3A_127 = arith.addi %scan3A_57, %add3A_126 : i32
        %lt3A_128 = arith.constant 125 : i32
        %lt3A_129 = arith.cmpi slt, %add3A_127, %lt3A_128 : i32
        %convert_element_type3A_130 = arith.extui %lt3A_129 : i1 to i32
        %cond3A_131 = arith.constant 0 : i32
        %cond3A_132 = arith.cmpi ne, %convert_element_type3A_130, %cond3A_131 : i32
        scf.if %cond3A_132 {
          %gt3A = arith.constant 0 : i32
          %gt3A_133 = arith.cmpi sgt, %scan3A_57, %gt3A : i32
          %convert_element_type3A_134 = arith.extui %gt3A_133 : i1 to i32
          %cond3A_135 = arith.constant 0 : i32
          %cond3A_136 = arith.cmpi ne, %convert_element_type3A_134, %cond3A_135 : i32
          scf.if %cond3A_136 {
            %dma_wait3A_145 = arith.constant 0 : i32
            %dma_wait3A_146 = tpu.memref_slice %arg7[%dma_wait3A_145] : memref<10000xi32, #tpu.memory_space<vmem>> -> memref<80xi32, #tpu.memory_space<vmem>>
            %dma_wait3A_147 = arith.constant 0 : i32
            %dma_wait3A_148 = arith.constant 0 : i32
            %dma_wait3A_149 = tpu.memref_slice %arg11[%dma_wait3A_147, %dma_wait3A_148] : memref<10000x128xf32, #tpu.memory_space<vmem_shared>> -> memref<10000x128xf32, #tpu.memory_space<vmem_shared>>
            tpu.wait_indirect_dma semaphore(%arg15 : memref<!tpu.dma_semaphore, #tpu.memory_space<semaphore_mem>>) src(%arg8 : memref<80x128xf32, #tpu.memory_space<vmem>>) dst(%dma_wait3A_149 : memref<10000x128xf32, #tpu.memory_space<vmem_shared>>)
          } else {
          }
          %add3A_137 = arith.constant 2 : i32
          %add3A_138 = arith.addi %scan3A_57, %add3A_137 : i32
          %mul3A_139 = arith.constant 80 : i32
          %mul3A_140 = arith.muli %add3A_138, %mul3A_139 : i32
          %dma_start3A_141 = tpu.memref_slice %arg6[%mul3A_140] : memref<10000xi32, #tpu.memory_space<vmem>> -> memref<80xi32, #tpu.memory_space<vmem>>
          %dma_start3A_142 = arith.constant 0 : i32
          %dma_start3A_143 = arith.constant 0 : i32
          %dma_start3A_144 = tpu.memref_slice %arg2[%dma_start3A_142, %dma_start3A_143] : memref<10000x128xf32, #tpu.memory_space<hbm>> -> memref<10000x128xf32, #tpu.memory_space<hbm>>
          tpu.enqueue_indirect_dma source(%dma_start3A_144 : memref<10000x128xf32, #tpu.memory_space<hbm>>) target(%arg8 : memref<80x128xf32, #tpu.memory_space<vmem>>) offsets(%dma_start3A_141 : memref<80xi32, #tpu.memory_space<vmem>>) semaphore(%arg12 : memref<!tpu.dma_semaphore, #tpu.memory_space<semaphore_mem>>)
        } else {
        }
      } else {
      }
      %jit3A_94 = arith.constant 3 : i32
      %eq3A_95 = arith.constant 0 : i32
      %eq3A_96 = arith.cmpi eq, %jit3A_94, %eq3A_95 : i32
      %jit3A_97 = arith.constant 1 : i32
      %select_n3A_98 = arith.select %eq3A_96, %jit3A_97, %jit3A_94 : i32
      %rem3A_99 = arith.remsi %scan3A_57, %select_n3A_98 : i32
      %ne3A_100 = arith.constant 0 : i32
      %ne3A_101 = arith.cmpi ne, %rem3A_99, %ne3A_100 : i32
      %lt3A_102 = arith.constant 0 : i32
      %lt3A_103 = arith.cmpi slt, %rem3A_99, %lt3A_102 : i32
      %lt3A_104 = arith.constant 0 : i32
      %lt3A_105 = arith.cmpi slt, %select_n3A_98, %lt3A_104 : i32
      %ne3A_106 = arith.xori %lt3A_103, %lt3A_105 : i1
      %and3A_107 = arith.andi %ne3A_106, %ne3A_101 : i1
      %add3A_108 = arith.addi %rem3A_99, %select_n3A_98 : i32
      %select_n3A_109 = arith.select %and3A_107, %add3A_108, %rem3A_99 : i32
      %eq3A_110 = arith.constant 2 : i32
      %eq3A_111 = arith.cmpi eq, %select_n3A_109, %eq3A_110 : i32
      %convert_element_type3A_112 = arith.extui %eq3A_111 : i1 to i32
      %cond3A_113 = arith.constant 0 : i32
      %cond3A_114 = arith.cmpi ne, %convert_element_type3A_112, %cond3A_113 : i32
      scf.if %cond3A_114 {
        %dma_wait3A_115 = arith.constant 0 : i32
        %dma_wait3A_116 = tpu.memref_slice %arg6[%dma_wait3A_115] : memref<10000xi32, #tpu.memory_space<vmem>> -> memref<80xi32, #tpu.memory_space<vmem>>
        %dma_wait3A_117 = arith.constant 0 : i32
        %dma_wait3A_118 = arith.constant 0 : i32
        %dma_wait3A_119 = tpu.memref_slice %arg2[%dma_wait3A_117, %dma_wait3A_118] : memref<10000x128xf32, #tpu.memory_space<hbm>> -> memref<10000x128xf32, #tpu.memory_space<hbm>>
        tpu.wait_indirect_dma semaphore(%arg14 : memref<!tpu.dma_semaphore, #tpu.memory_space<semaphore_mem>>) src(%dma_wait3A_119 : memref<10000x128xf32, #tpu.memory_space<hbm>>) dst(%arg10 : memref<80x128xf32, #tpu.memory_space<vmem>>)
        %mul3A_120 = arith.constant 80 : i32
        %mul3A_121 = arith.muli %scan3A_57, %mul3A_120 : i32
        %dma_start3A_122 = tpu.memref_slice %arg7[%mul3A_121] : memref<10000xi32, #tpu.memory_space<vmem>> -> memref<80xi32, #tpu.memory_space<vmem>>
        %dma_start3A_123 = arith.constant 0 : i32
        %dma_start3A_124 = arith.constant 0 : i32
        %dma_start3A_125 = tpu.memref_slice %arg11[%dma_start3A_123, %dma_start3A_124] : memref<10000x128xf32, #tpu.memory_space<vmem_shared>> -> memref<10000x128xf32, #tpu.memory_space<vmem_shared>>
        tpu.enqueue_indirect_dma source(%arg10 : memref<80x128xf32, #tpu.memory_space<vmem>>) target(%dma_start3A_125 : memref<10000x128xf32, #tpu.memory_space<vmem_shared>>) offsets(%dma_start3A_122 : memref<80xi32, #tpu.memory_space<vmem>>) semaphore(%arg17 : memref<!tpu.dma_semaphore, #tpu.memory_space<semaphore_mem>>) {add = true}
        %add3A_126 = arith.constant 2 : i32
        %add3A_127 = arith.addi %scan3A_57, %add3A_126 : i32
        %lt3A_128 = arith.constant 125 : i32
        %lt3A_129 = arith.cmpi slt, %add3A_127, %lt3A_128 : i32
        %convert_element_type3A_130 = arith.extui %lt3A_129 : i1 to i32
        %cond3A_131 = arith.constant 0 : i32
        %cond3A_132 = arith.cmpi ne, %convert_element_type3A_130, %cond3A_131 : i32
        scf.if %cond3A_132 {
          %gt3A = arith.constant 0 : i32
          %gt3A_133 = arith.cmpi sgt, %scan3A_57, %gt3A : i32
          %convert_element_type3A_134 = arith.extui %gt3A_133 : i1 to i32
          %cond3A_135 = arith.constant 0 : i32
          %cond3A_136 = arith.cmpi ne, %convert_element_type3A_134, %cond3A_135 : i32
          scf.if %cond3A_136 {
            %dma_wait3A_145 = arith.constant 0 : i32
            %dma_wait3A_146 = tpu.memref_slice %arg7[%dma_wait3A_145] : memref<10000xi32, #tpu.memory_space<vmem>> -> memref<80xi32, #tpu.memory_space<vmem>>
            %dma_wait3A_147 = arith.constant 0 : i32
            %dma_wait3A_148 = arith.constant 0 : i32
            %dma_wait3A_149 = tpu.memref_slice %arg11[%dma_wait3A_147, %dma_wait3A_148] : memref<10000x128xf32, #tpu.memory_space<vmem_shared>> -> memref<10000x128xf32, #tpu.memory_space<vmem_shared>>
            tpu.wait_indirect_dma semaphore(%arg16 : memref<!tpu.dma_semaphore, #tpu.memory_space<semaphore_mem>>) src(%arg9 : memref<80x128xf32, #tpu.memory_space<vmem>>) dst(%dma_wait3A_149 : memref<10000x128xf32, #tpu.memory_space<vmem_shared>>)
          } else {
          }
          %add3A_137 = arith.constant 2 : i32
          %add3A_138 = arith.addi %scan3A_57, %add3A_137 : i32
          %mul3A_139 = arith.constant 80 : i32
          %mul3A_140 = arith.muli %add3A_138, %mul3A_139 : i32
          %dma_start3A_141 = tpu.memref_slice %arg6[%mul3A_140] : memref<10000xi32, #tpu.memory_space<vmem>> -> memref<80xi32, #tpu.memory_space<vmem>>
          %dma_start3A_142 = arith.constant 0 : i32
          %dma_start3A_143 = arith.constant 0 : i32
          %dma_start3A_144 = tpu.memref_slice %arg2[%dma_start3A_142, %dma_start3A_143] : memref<10000x128xf32, #tpu.memory_space<hbm>> -> memref<10000x128xf32, #tpu.memory_space<hbm>>
          tpu.enqueue_indirect_dma source(%dma_start3A_144 : memref<10000x128xf32, #tpu.memory_space<hbm>>) target(%arg9 : memref<80x128xf32, #tpu.memory_space<vmem>>) offsets(%dma_start3A_141 : memref<80xi32, #tpu.memory_space<vmem>>) semaphore(%arg13 : memref<!tpu.dma_semaphore, #tpu.memory_space<semaphore_mem>>)
        } else {
        }
      } else {
      }
    }
    %scan3A_31 = arith.constant 125 : i32
    %dma_wait3A_32 = arith.constant 0 : i32
    %dma_wait3A_33 = tpu.memref_slice %arg7[%dma_wait3A_32] : memref<10000xi32, #tpu.memory_space<vmem>> -> memref<80xi32, #tpu.memory_space<vmem>>
    %dma_wait3A_34 = arith.constant 0 : i32
    %dma_wait3A_35 = arith.constant 0 : i32
    %dma_wait3A_36 = tpu.memref_slice %arg11[%dma_wait3A_34, %dma_wait3A_35] : memref<10000x128xf32, #tpu.memory_space<vmem_shared>> -> memref<10000x128xf32, #tpu.memory_space<vmem_shared>>
    tpu.wait_indirect_dma semaphore(%arg16 : memref<!tpu.dma_semaphore, #tpu.memory_space<semaphore_mem>>) src(%arg9 : memref<80x128xf32, #tpu.memory_space<vmem>>) dst(%dma_wait3A_36 : memref<10000x128xf32, #tpu.memory_space<vmem_shared>>)
    %dma_wait3A_37 = arith.constant 0 : i32
    %dma_wait3A_38 = tpu.memref_slice %arg7[%dma_wait3A_37] : memref<10000xi32, #tpu.memory_space<vmem>> -> memref<80xi32, #tpu.memory_space<vmem>>
    %dma_wait3A_39 = arith.constant 0 : i32
    %dma_wait3A_40 = arith.constant 0 : i32
    %dma_wait3A_41 = tpu.memref_slice %arg11[%dma_wait3A_39, %dma_wait3A_40] : memref<10000x128xf32, #tpu.memory_space<vmem_shared>> -> memref<10000x128xf32, #tpu.memory_space<vmem_shared>>
    tpu.wait_indirect_dma semaphore(%arg15 : memref<!tpu.dma_semaphore, #tpu.memory_space<semaphore_mem>>) src(%arg8 : memref<80x128xf32, #tpu.memory_space<vmem>>) dst(%dma_wait3A_41 : memref<10000x128xf32, #tpu.memory_space<vmem_shared>>)
    %dma_wait3A_42 = arith.constant 0 : i32
    %dma_wait3A_43 = tpu.memref_slice %arg7[%dma_wait3A_42] : memref<10000xi32, #tpu.memory_space<vmem>> -> memref<80xi32, #tpu.memory_space<vmem>>
    %dma_wait3A_44 = arith.constant 0 : i32
    %dma_wait3A_45 = arith.constant 0 : i32
    %dma_wait3A_46 = tpu.memref_slice %arg11[%dma_wait3A_44, %dma_wait3A_45] : memref<10000x128xf32, #tpu.memory_space<vmem_shared>> -> memref<10000x128xf32, #tpu.memory_space<vmem_shared>>
    tpu.wait_indirect_dma semaphore(%arg17 : memref<!tpu.dma_semaphore, #tpu.memory_space<semaphore_mem>>) src(%arg10 : memref<80x128xf32, #tpu.memory_space<vmem>>) dst(%dma_wait3A_46 : memref<10000x128xf32, #tpu.memory_space<vmem_shared>>)
    %barrier3A_47 = arith.constant 0 : index
    tpu.barrier barrier_id(%barrier3A_47)
    %mul3A_48 = arith.constant 624 : i32
    %mul3A_49 = arith.muli %arg1, %mul3A_48 : i32
    %mul3A_50 = arith.constant 624 : i32
    %mul3A_51 = arith.muli %arg1, %mul3A_50 : i32
    "tpu.region"() ({
      %run_scoped3A_57 = tpu.sem_alloc : memref<!tpu.dma_semaphore, #tpu.memory_space<semaphore_mem>>
      %dma_start3A_58 = arith.constant 0 : i32
      %dma_start3A_59 = tpu.memref_slice %arg5[%arg0, %mul3A_51, %dma_start3A_58] : memref<2x10000x128xf32, #tpu.memory_space<hbm>> -> memref<1x624x128xf32, #tpu.memory_space<hbm>>
      %dma_start3A_60 = tpu.memref_squeeze %dma_start3A_59 : memref<1x624x128xf32, #tpu.memory_space<hbm>> -> memref<624x128xf32, #tpu.memory_space<hbm>>
      %dma_start3A_61 = arith.constant 0 : i32
      %dma_start3A_62 = tpu.memref_slice %arg11[%mul3A_49, %dma_start3A_61] : memref<10000x128xf32, #tpu.memory_space<vmem_shared>> -> memref<624x128xf32, #tpu.memory_space<vmem_shared>>
      tpu.enqueue_dma source(%dma_start3A_62 : memref<624x128xf32, #tpu.memory_space<vmem_shared>>) target(%dma_start3A_60 : memref<624x128xf32, #tpu.memory_space<hbm>>) target_semaphore(%run_scoped3A_57 : memref<!tpu.dma_semaphore, #tpu.memory_space<semaphore_mem>>)
      %dma_wait3A_63 = arith.constant 0 : i32
      %dma_wait3A_64 = tpu.memref_slice %arg5[%arg0, %mul3A_51, %dma_wait3A_63] : memref<2x10000x128xf32, #tpu.memory_space<hbm>> -> memref<1x624x128xf32, #tpu.memory_space<hbm>>
      %dma_wait3A_65 = tpu.memref_squeeze %dma_wait3A_64 : memref<1x624x128xf32, #tpu.memory_space<hbm>> -> memref<624x128xf32, #tpu.memory_space<hbm>>
      %dma_wait3A_66 = arith.constant 0 : i32
      %dma_wait3A_67 = tpu.memref_slice %arg11[%mul3A_49, %dma_wait3A_66] : memref<10000x128xf32, #tpu.memory_space<vmem_shared>> -> memref<624x128xf32, #tpu.memory_space<vmem_shared>>
      tpu.wait_dma2 semaphore(%run_scoped3A_57 : memref<!tpu.dma_semaphore, #tpu.memory_space<semaphore_mem>>) src(%dma_wait3A_67 : memref<624x128xf32, #tpu.memory_space<vmem_shared>>) dst(%dma_wait3A_65 : memref<624x128xf32, #tpu.memory_space<hbm>>)
      tpu.yield
    }) : () -> ()
    %eq3A_52 = arith.constant 15 : i32
    %eq3A_53 = arith.cmpi eq, %arg1, %eq3A_52 : i32
    %convert_element_type3A_54 = arith.extui %eq3A_53 : i1 to i32
    %cond3A_55 = arith.constant 0 : i32
    %cond3A_56 = arith.cmpi ne, %convert_element_type3A_54, %cond3A_55 : i32
    scf.if %cond3A_56 {
      "tpu.region"() ({
        %run_scoped3A_57 = tpu.sem_alloc : memref<!tpu.dma_semaphore, #tpu.memory_space<semaphore_mem>>
        %dma_start3A_58 = arith.constant 9984 : i32
        %dma_start3A_59 = arith.constant 0 : i32
        %dma_start3A_60 = tpu.memref_slice %arg5[%arg0, %dma_start3A_58, %dma_start3A_59] : memref<2x10000x128xf32, #tpu.memory_space<hbm>> -> memref<1x16x128xf32, #tpu.memory_space<hbm>>
        %dma_start3A_61 = tpu.memref_squeeze %dma_start3A_60 : memref<1x16x128xf32, #tpu.memory_space<hbm>> -> memref<16x128xf32, #tpu.memory_space<hbm>>
        %dma_start3A_62 = arith.constant 9984 : i32
        %dma_start3A_63 = arith.constant 0 : i32
        %dma_start3A_64 = tpu.memref_slice %arg11[%dma_start3A_62, %dma_start3A_63] : memref<10000x128xf32, #tpu.memory_space<vmem_shared>> -> memref<16x128xf32, #tpu.memory_space<vmem_shared>>
        tpu.enqueue_dma source(%dma_start3A_64 : memref<16x128xf32, #tpu.memory_space<vmem_shared>>) target(%dma_start3A_61 : memref<16x128xf32, #tpu.memory_space<hbm>>) target_semaphore(%run_scoped3A_57 : memref<!tpu.dma_semaphore, #tpu.memory_space<semaphore_mem>>)
        %dma_wait3A_65 = arith.constant 9984 : i32
        %dma_wait3A_66 = arith.constant 0 : i32
        %dma_wait3A_67 = tpu.memref_slice %arg5[%arg0, %dma_wait3A_65, %dma_wait3A_66] : memref<2x10000x128xf32, #tpu.memory_space<hbm>> -> memref<1x16x128xf32, #tpu.memory_space<hbm>>
        %dma_wait3A_68 = tpu.memref_squeeze %dma_wait3A_67 : memref<1x16x128xf32, #tpu.memory_space<hbm>> -> memref<16x128xf32, #tpu.memory_space<hbm>>
        %dma_wait3A_69 = arith.constant 9984 : i32
        %dma_wait3A_70 = arith.constant 0 : i32
        %dma_wait3A_71 = tpu.memref_slice %arg11[%dma_wait3A_69, %dma_wait3A_70] : memref<10000x128xf32, #tpu.memory_space<vmem_shared>> -> memref<16x128xf32, #tpu.memory_space<vmem_shared>>
        tpu.wait_dma2 semaphore(%run_scoped3A_57 : memref<!tpu.dma_semaphore, #tpu.memory_space<semaphore_mem>>) src(%dma_wait3A_71 : memref<16x128xf32, #tpu.memory_space<vmem_shared>>) dst(%dma_wait3A_68 : memref<16x128xf32, #tpu.memory_space<hbm>>)
        tpu.yield
      }) : () -> ()
    } else {
    }
    return
  }
}

#map = affine_map<(d0, d1) -> (0, 0)>
#map1 = affine_map<(d0, d1) -> (0, 0, 0)>
module attributes {stable_mosaic.version = 14 : i64} {
  func.func @_sc_agg(%arg0: i32, %arg1: i32, %arg2: memref<10000x128xf32, #tpu.memory_space<hbm>>, %arg3: memref<2x320000xi32, #tpu.memory_space<hbm>>, %arg4: memref<624x128xf32, #tpu.memory_space<hbm>>, %arg5: memref<2x10000x128xf32, #tpu.memory_space<hbm>>, %arg6: memref<10000xi32, #tpu.memory_space<vmem>>, %arg7: memref<10000xi32, #tpu.memory_space<vmem>>, %arg8: memref<80x128xf32, #tpu.memory_space<vmem>>, %arg9: memref<80x128xf32, #tpu.memory_space<vmem>>, %arg10: memref<80x128xf32, #tpu.memory_space<vmem>>, %arg11: memref<10000x128xf32, #tpu.memory_space<vmem_shared>>, %arg12: memref<!tpu.dma_semaphore, #tpu.memory_space<semaphore_mem>>, %arg13: memref<!tpu.dma_semaphore, #tpu.memory_space<semaphore_mem>>, %arg14: memref<!tpu.dma_semaphore, #tpu.memory_space<semaphore_mem>>, %arg15: memref<!tpu.dma_semaphore, #tpu.memory_space<semaphore_mem>>, %arg16: memref<!tpu.dma_semaphore, #tpu.memory_space<semaphore_mem>>, %arg17: memref<!tpu.dma_semaphore, #tpu.memory_space<semaphore_mem>>, %arg18: memref<!tpu.dma_semaphore, #tpu.memory_space<semaphore_mem>>) attributes {dimension_semantics = [#tpu.dimension_semantics<core_parallel>, #tpu.dimension_semantics<subcore_parallel>], iteration_bounds = array<i64: 2, 16>, scalar_prefetch = 0 : i64, scratch_operands = 13 : i64, tpu.core_type = #tpu.core_type<sc_vector_subcore>, window_params = [{transform_indices = #map}, {transform_indices = #map}, {transform_indices = #map}, {transform_indices = #map1}]} {
    %mul3A = arith.constant 2 : i32
    %mul3A_0 = arith.muli %arg1, %mul3A : i32
    %add3A = arith.addi %mul3A_0, %arg0 : i32
    %mul3A_1 = arith.constant 10000 : i32
    %mul3A_2 = arith.muli %add3A, %mul3A_1 : i32
    %mul3A_3 = arith.constant 624 : i32
    %mul3A_4 = arith.muli %arg1, %mul3A_3 : i32
    %dma_start3A = arith.constant 0 : i32
    %dma_start3A_5 = tpu.memref_slice %arg11[%mul3A_4, %dma_start3A] : memref<10000x128xf32, #tpu.memory_space<vmem_shared>> -> memref<624x128xf32, #tpu.memory_space<vmem_shared>>
    tpu.enqueue_dma source(%arg4 : memref<624x128xf32, #tpu.memory_space<hbm>>) target(%dma_start3A_5 : memref<624x128xf32, #tpu.memory_space<vmem_shared>>) target_semaphore(%arg18 : memref<!tpu.dma_semaphore, #tpu.memory_space<semaphore_mem>>)
    %eq3A = arith.constant 15 : i32
    %eq3A_6 = arith.cmpi eq, %arg1, %eq3A : i32
    %convert_element_type3A = arith.extui %eq3A_6 : i1 to i32
    %cond3A = arith.constant 0 : i32
    %cond3A_7 = arith.cmpi ne, %convert_element_type3A, %cond3A : i32
    scf.if %cond3A_7 {
      %dma_start3A_57 = arith.constant 9984 : i32
      %dma_start3A_58 = arith.constant 0 : i32
      %dma_start3A_59 = tpu.memref_slice %arg11[%dma_start3A_57, %dma_start3A_58] : memref<10000x128xf32, #tpu.memory_space<vmem_shared>> -> memref<16x128xf32, #tpu.memory_space<vmem_shared>>
      %dma_start3A_60 = arith.constant 0 : i32
      %dma_start3A_61 = arith.constant 0 : i32
      %dma_start3A_62 = tpu.memref_slice %arg4[%dma_start3A_60, %dma_start3A_61] : memref<624x128xf32, #tpu.memory_space<hbm>> -> memref<16x128xf32, #tpu.memory_space<hbm>>
      tpu.enqueue_dma source(%dma_start3A_62 : memref<16x128xf32, #tpu.memory_space<hbm>>) target(%dma_start3A_59 : memref<16x128xf32, #tpu.memory_space<vmem_shared>>) target_semaphore(%arg18 : memref<!tpu.dma_semaphore, #tpu.memory_space<semaphore_mem>>)
    } else {
    }
    %run_scoped3A = arith.constant 0 : i32
    "tpu.region"() ({
      %run_scoped3A_57 = tpu.sem_alloc : memref<!tpu.dma_semaphore, #tpu.memory_space<semaphore_mem>>
      %dma_start3A_58 = tpu.memref_slice %arg3[%run_scoped3A, %mul3A_2] : memref<2x320000xi32, #tpu.memory_space<hbm>> -> memref<1x10000xi32, #tpu.memory_space<hbm>>
      %dma_start3A_59 = tpu.memref_squeeze %dma_start3A_58 : memref<1x10000xi32, #tpu.memory_space<hbm>> -> memref<10000xi32, #tpu.memory_space<hbm>>
      %dma_start3A_60 = tpu.memref_slice %arg3[%run_scoped3A, %mul3A_2] : memref<2x320000xi32, #tpu.memory_space<hbm>> -> memref<1x10000xi32, #tpu.memory_space<hbm>>
      %dma_start3A_61 = tpu.memref_squeeze %dma_start3A_60 : memref<1x10000xi32, #tpu.memory_space<hbm>> -> memref<10000xi32, #tpu.memory_space<hbm>>
      tpu.enqueue_dma source(%dma_start3A_61 : memref<10000xi32, #tpu.memory_space<hbm>>) target(%arg6 : memref<10000xi32, #tpu.memory_space<vmem>>) target_semaphore(%run_scoped3A_57 : memref<!tpu.dma_semaphore, #tpu.memory_space<semaphore_mem>>)
      %dma_wait3A_62 = tpu.memref_slice %arg3[%run_scoped3A, %mul3A_2] : memref<2x320000xi32, #tpu.memory_space<hbm>> -> memref<1x10000xi32, #tpu.memory_space<hbm>>
      %dma_wait3A_63 = tpu.memref_squeeze %dma_wait3A_62 : memref<1x10000xi32, #tpu.memory_space<hbm>> -> memref<10000xi32, #tpu.memory_space<hbm>>
      %dma_wait3A_64 = tpu.memref_slice %arg3[%run_scoped3A, %mul3A_2] : memref<2x320000xi32, #tpu.memory_space<hbm>> -> memref<1x10000xi32, #tpu.memory_space<hbm>>
      %dma_wait3A_65 = tpu.memref_squeeze %dma_wait3A_64 : memref<1x10000xi32, #tpu.memory_space<hbm>> -> memref<10000xi32, #tpu.memory_space<hbm>>
      tpu.wait_dma2 semaphore(%run_scoped3A_57 : memref<!tpu.dma_semaphore, #tpu.memory_space<semaphore_mem>>) src(%dma_wait3A_65 : memref<10000xi32, #tpu.memory_space<hbm>>) dst(%arg6 : memref<10000xi32, #tpu.memory_space<vmem>>)
      tpu.yield
    }) : () -> ()
    %run_scoped3A_8 = arith.constant 1 : i32
    "tpu.region"() ({
      %run_scoped3A_57 = tpu.sem_alloc : memref<!tpu.dma_semaphore, #tpu.memory_space<semaphore_mem>>
      %dma_start3A_58 = tpu.memref_slice %arg3[%run_scoped3A_8, %mul3A_2] : memref<2x320000xi32, #tpu.memory_space<hbm>> -> memref<1x10000xi32, #tpu.memory_space<hbm>>
      %dma_start3A_59 = tpu.memref_squeeze %dma_start3A_58 : memref<1x10000xi32, #tpu.memory_space<hbm>> -> memref<10000xi32, #tpu.memory_space<hbm>>
      %dma_start3A_60 = tpu.memref_slice %arg3[%run_scoped3A_8, %mul3A_2] : memref<2x320000xi32, #tpu.memory_space<hbm>> -> memref<1x10000xi32, #tpu.memory_space<hbm>>
      %dma_start3A_61 = tpu.memref_squeeze %dma_start3A_60 : memref<1x10000xi32, #tpu.memory_space<hbm>> -> memref<10000xi32, #tpu.memory_space<hbm>>
      tpu.enqueue_dma source(%dma_start3A_61 : memref<10000xi32, #tpu.memory_space<hbm>>) target(%arg7 : memref<10000xi32, #tpu.memory_space<vmem>>) target_semaphore(%run_scoped3A_57 : memref<!tpu.dma_semaphore, #tpu.memory_space<semaphore_mem>>)
      %dma_wait3A_62 = tpu.memref_slice %arg3[%run_scoped3A_8, %mul3A_2] : memref<2x320000xi32, #tpu.memory_space<hbm>> -> memref<1x10000xi32, #tpu.memory_space<hbm>>
      %dma_wait3A_63 = tpu.memref_squeeze %dma_wait3A_62 : memref<1x10000xi32, #tpu.memory_space<hbm>> -> memref<10000xi32, #tpu.memory_space<hbm>>
      %dma_wait3A_64 = tpu.memref_slice %arg3[%run_scoped3A_8, %mul3A_2] : memref<2x320000xi32, #tpu.memory_space<hbm>> -> memref<1x10000xi32, #tpu.memory_space<hbm>>
      %dma_wait3A_65 = tpu.memref_squeeze %dma_wait3A_64 : memref<1x10000xi32, #tpu.memory_space<hbm>> -> memref<10000xi32, #tpu.memory_space<hbm>>
      tpu.wait_dma2 semaphore(%run_scoped3A_57 : memref<!tpu.dma_semaphore, #tpu.memory_space<semaphore_mem>>) src(%dma_wait3A_65 : memref<10000xi32, #tpu.memory_space<hbm>>) dst(%arg7 : memref<10000xi32, #tpu.memory_space<vmem>>)
      tpu.yield
    }) : () -> ()
    %dma_start3A_9 = arith.constant 0 : i32
    %dma_start3A_10 = tpu.memref_slice %arg6[%dma_start3A_9] : memref<10000xi32, #tpu.memory_space<vmem>> -> memref<80xi32, #tpu.memory_space<vmem>>
    %dma_start3A_11 = arith.constant 0 : i32
    %dma_start3A_12 = arith.constant 0 : i32
    %dma_start3A_13 = tpu.memref_slice %arg2[%dma_start3A_11, %dma_start3A_12] : memref<10000x128xf32, #tpu.memory_space<hbm>> -> memref<10000x128xf32, #tpu.memory_space<hbm>>
    tpu.enqueue_indirect_dma source(%dma_start3A_13 : memref<10000x128xf32, #tpu.memory_space<hbm>>) target(%arg8 : memref<80x128xf32, #tpu.memory_space<vmem>>) offsets(%dma_start3A_10 : memref<80xi32, #tpu.memory_space<vmem>>) semaphore(%arg12 : memref<!tpu.dma_semaphore, #tpu.memory_space<semaphore_mem>>)
    %dma_start3A_14 = arith.constant 80 : i32
    %dma_start3A_15 = tpu.memref_slice %arg6[%dma_start3A_14] : memref<10000xi32, #tpu.memory_space<vmem>> -> memref<80xi32, #tpu.memory_space<vmem>>
    %dma_start3A_16 = arith.constant 0 : i32
    %dma_start3A_17 = arith.constant 0 : i32
    %dma_start3A_18 = tpu.memref_slice %arg2[%dma_start3A_16, %dma_start3A_17] : memref<10000x128xf32, #tpu.memory_space<hbm>> -> memref<10000x128xf32, #tpu.memory_space<hbm>>
    tpu.enqueue_indirect_dma source(%dma_start3A_18 : memref<10000x128xf32, #tpu.memory_space<hbm>>) target(%arg9 : memref<80x128xf32, #tpu.memory_space<vmem>>) offsets(%dma_start3A_15 : memref<80xi32, #tpu.memory_space<vmem>>) semaphore(%arg13 : memref<!tpu.dma_semaphore, #tpu.memory_space<semaphore_mem>>)
    %mul3A_19 = arith.constant 624 : i32
    %mul3A_20 = arith.muli %arg1, %mul3A_19 : i32
    %dma_wait3A = arith.constant 0 : i32
    %dma_wait3A_21 = tpu.memref_slice %arg11[%mul3A_20, %dma_wait3A] : memref<10000x128xf32, #tpu.memory_space<vmem_shared>> -> memref<624x128xf32, #tpu.memory_space<vmem_shared>>
    tpu.wait_dma2 semaphore(%arg18 : memref<!tpu.dma_semaphore, #tpu.memory_space<semaphore_mem>>) src(%arg4 : memref<624x128xf32, #tpu.memory_space<hbm>>) dst(%dma_wait3A_21 : memref<624x128xf32, #tpu.memory_space<vmem_shared>>)
    %eq3A_22 = arith.constant 15 : i32
    %eq3A_23 = arith.cmpi eq, %arg1, %eq3A_22 : i32
    %convert_element_type3A_24 = arith.extui %eq3A_23 : i1 to i32
    %cond3A_25 = arith.constant 0 : i32
    %cond3A_26 = arith.cmpi ne, %convert_element_type3A_24, %cond3A_25 : i32
    scf.if %cond3A_26 {
      %dma_wait3A_57 = arith.constant 9984 : i32
      %dma_wait3A_58 = arith.constant 0 : i32
      %dma_wait3A_59 = tpu.memref_slice %arg11[%dma_wait3A_57, %dma_wait3A_58] : memref<10000x128xf32, #tpu.memory_space<vmem_shared>> -> memref<16x128xf32, #tpu.memory_space<vmem_shared>>
      %dma_wait3A_60 = arith.constant 0 : i32
      %dma_wait3A_61 = arith.constant 0 : i32
      %dma_wait3A_62 = tpu.memref_slice %arg4[%dma_wait3A_60, %dma_wait3A_61] : memref<624x128xf32, #tpu.memory_space<hbm>> -> memref<16x128xf32, #tpu.memory_space<hbm>>
      tpu.wait_dma2 semaphore(%arg18 : memref<!tpu.dma_semaphore, #tpu.memory_space<semaphore_mem>>) src(%dma_wait3A_62 : memref<16x128xf32, #tpu.memory_space<hbm>>) dst(%dma_wait3A_59 : memref<16x128xf32, #tpu.memory_space<vmem_shared>>)
    } else {
    }
    %barrier3A = arith.constant 0 : index
    tpu.barrier barrier_id(%barrier3A)
    %scan3A = arith.constant 0 : i32
    %scan3A_27 = arith.constant 0 : i32
    %scan3A_28 = arith.constant 125 : i32
    %scan3A_29 = arith.addi %scan3A_27, %scan3A_28 : i32
    %scan3A_30 = arith.constant 1 : i32
    scf.for %scan3A_57 = %scan3A_27 to %scan3A_29 step %scan3A_30  : i32 {
      %jit3A = arith.constant 3 : i32
      %eq3A_58 = arith.constant 0 : i32
      %eq3A_59 = arith.cmpi eq, %jit3A, %eq3A_58 : i32
      %jit3A_60 = arith.constant 1 : i32
      %select_n3A = arith.select %eq3A_59, %jit3A_60, %jit3A : i32
      %rem3A = arith.remsi %scan3A_57, %select_n3A : i32
      %ne3A = arith.constant 0 : i32
      %ne3A_61 = arith.cmpi ne, %rem3A, %ne3A : i32
      %lt3A = arith.constant 0 : i32
      %lt3A_62 = arith.cmpi slt, %rem3A, %lt3A : i32
      %lt3A_63 = arith.constant 0 : i32
      %lt3A_64 = arith.cmpi slt, %select_n3A, %lt3A_63 : i32
      %ne3A_65 = arith.xori %lt3A_62, %lt3A_64 : i1
      %and3A = arith.andi %ne3A_65, %ne3A_61 : i1
      %add3A_66 = arith.addi %rem3A, %select_n3A : i32
      %select_n3A_67 = arith.select %and3A, %add3A_66, %rem3A : i32
      %eq3A_68 = arith.constant 0 : i32
      %eq3A_69 = arith.cmpi eq, %select_n3A_67, %eq3A_68 : i32
      %convert_element_type3A_70 = arith.extui %eq3A_69 : i1 to i32
      %cond3A_71 = arith.constant 0 : i32
      %cond3A_72 = arith.cmpi ne, %convert_element_type3A_70, %cond3A_71 : i32
      scf.if %cond3A_72 {
        %dma_wait3A_115 = arith.constant 0 : i32
        %dma_wait3A_116 = tpu.memref_slice %arg6[%dma_wait3A_115] : memref<10000xi32, #tpu.memory_space<vmem>> -> memref<80xi32, #tpu.memory_space<vmem>>
        %dma_wait3A_117 = arith.constant 0 : i32
        %dma_wait3A_118 = arith.constant 0 : i32
        %dma_wait3A_119 = tpu.memref_slice %arg2[%dma_wait3A_117, %dma_wait3A_118] : memref<10000x128xf32, #tpu.memory_space<hbm>> -> memref<10000x128xf32, #tpu.memory_space<hbm>>
        tpu.wait_indirect_dma semaphore(%arg12 : memref<!tpu.dma_semaphore, #tpu.memory_space<semaphore_mem>>) src(%dma_wait3A_119 : memref<10000x128xf32, #tpu.memory_space<hbm>>) dst(%arg8 : memref<80x128xf32, #tpu.memory_space<vmem>>)
        %mul3A_120 = arith.constant 80 : i32
        %mul3A_121 = arith.muli %scan3A_57, %mul3A_120 : i32
        %dma_start3A_122 = tpu.memref_slice %arg7[%mul3A_121] : memref<10000xi32, #tpu.memory_space<vmem>> -> memref<80xi32, #tpu.memory_space<vmem>>
        %dma_start3A_123 = arith.constant 0 : i32
        %dma_start3A_124 = arith.constant 0 : i32
        %dma_start3A_125 = tpu.memref_slice %arg11[%dma_start3A_123, %dma_start3A_124] : memref<10000x128xf32, #tpu.memory_space<vmem_shared>> -> memref<10000x128xf32, #tpu.memory_space<vmem_shared>>
        tpu.enqueue_indirect_dma source(%arg8 : memref<80x128xf32, #tpu.memory_space<vmem>>) target(%dma_start3A_125 : memref<10000x128xf32, #tpu.memory_space<vmem_shared>>) offsets(%dma_start3A_122 : memref<80xi32, #tpu.memory_space<vmem>>) semaphore(%arg15 : memref<!tpu.dma_semaphore, #tpu.memory_space<semaphore_mem>>) {add = true}
        %add3A_126 = arith.constant 2 : i32
        %add3A_127 = arith.addi %scan3A_57, %add3A_126 : i32
        %lt3A_128 = arith.constant 125 : i32
        %lt3A_129 = arith.cmpi slt, %add3A_127, %lt3A_128 : i32
        %convert_element_type3A_130 = arith.extui %lt3A_129 : i1 to i32
        %cond3A_131 = arith.constant 0 : i32
        %cond3A_132 = arith.cmpi ne, %convert_element_type3A_130, %cond3A_131 : i32
        scf.if %cond3A_132 {
          %gt3A = arith.constant 0 : i32
          %gt3A_133 = arith.cmpi sgt, %scan3A_57, %gt3A : i32
          %convert_element_type3A_134 = arith.extui %gt3A_133 : i1 to i32
          %cond3A_135 = arith.constant 0 : i32
          %cond3A_136 = arith.cmpi ne, %convert_element_type3A_134, %cond3A_135 : i32
          scf.if %cond3A_136 {
            %dma_wait3A_145 = arith.constant 0 : i32
            %dma_wait3A_146 = tpu.memref_slice %arg7[%dma_wait3A_145] : memref<10000xi32, #tpu.memory_space<vmem>> -> memref<80xi32, #tpu.memory_space<vmem>>
            %dma_wait3A_147 = arith.constant 0 : i32
            %dma_wait3A_148 = arith.constant 0 : i32
            %dma_wait3A_149 = tpu.memref_slice %arg11[%dma_wait3A_147, %dma_wait3A_148] : memref<10000x128xf32, #tpu.memory_space<vmem_shared>> -> memref<10000x128xf32, #tpu.memory_space<vmem_shared>>
            tpu.wait_indirect_dma semaphore(%arg17 : memref<!tpu.dma_semaphore, #tpu.memory_space<semaphore_mem>>) src(%arg10 : memref<80x128xf32, #tpu.memory_space<vmem>>) dst(%dma_wait3A_149 : memref<10000x128xf32, #tpu.memory_space<vmem_shared>>)
          } else {
          }
          %add3A_137 = arith.constant 2 : i32
          %add3A_138 = arith.addi %scan3A_57, %add3A_137 : i32
          %mul3A_139 = arith.constant 80 : i32
          %mul3A_140 = arith.muli %add3A_138, %mul3A_139 : i32
          %dma_start3A_141 = tpu.memref_slice %arg6[%mul3A_140] : memref<10000xi32, #tpu.memory_space<vmem>> -> memref<80xi32, #tpu.memory_space<vmem>>
          %dma_start3A_142 = arith.constant 0 : i32
          %dma_start3A_143 = arith.constant 0 : i32
          %dma_start3A_144 = tpu.memref_slice %arg2[%dma_start3A_142, %dma_start3A_143] : memref<10000x128xf32, #tpu.memory_space<hbm>> -> memref<10000x128xf32, #tpu.memory_space<hbm>>
          tpu.enqueue_indirect_dma source(%dma_start3A_144 : memref<10000x128xf32, #tpu.memory_space<hbm>>) target(%arg10 : memref<80x128xf32, #tpu.memory_space<vmem>>) offsets(%dma_start3A_141 : memref<80xi32, #tpu.memory_space<vmem>>) semaphore(%arg14 : memref<!tpu.dma_semaphore, #tpu.memory_space<semaphore_mem>>)
        } else {
        }
      } else {
      }
      %jit3A_73 = arith.constant 3 : i32
      %eq3A_74 = arith.constant 0 : i32
      %eq3A_75 = arith.cmpi eq, %jit3A_73, %eq3A_74 : i32
      %jit3A_76 = arith.constant 1 : i32
      %select_n3A_77 = arith.select %eq3A_75, %jit3A_76, %jit3A_73 : i32
      %rem3A_78 = arith.remsi %scan3A_57, %select_n3A_77 : i32
      %ne3A_79 = arith.constant 0 : i32
      %ne3A_80 = arith.cmpi ne, %rem3A_78, %ne3A_79 : i32
      %lt3A_81 = arith.constant 0 : i32
      %lt3A_82 = arith.cmpi slt, %rem3A_78, %lt3A_81 : i32
      %lt3A_83 = arith.constant 0 : i32
      %lt3A_84 = arith.cmpi slt, %select_n3A_77, %lt3A_83 : i32
      %ne3A_85 = arith.xori %lt3A_82, %lt3A_84 : i1
      %and3A_86 = arith.andi %ne3A_85, %ne3A_80 : i1
      %add3A_87 = arith.addi %rem3A_78, %select_n3A_77 : i32
      %select_n3A_88 = arith.select %and3A_86, %add3A_87, %rem3A_78 : i32
      %eq3A_89 = arith.constant 1 : i32
      %eq3A_90 = arith.cmpi eq, %select_n3A_88, %eq3A_89 : i32
      %convert_element_type3A_91 = arith.extui %eq3A_90 : i1 to i32
      %cond3A_92 = arith.constant 0 : i32
      %cond3A_93 = arith.cmpi ne, %convert_element_type3A_91, %cond3A_92 : i32
      scf.if %cond3A_93 {
        %dma_wait3A_115 = arith.constant 0 : i32
        %dma_wait3A_116 = tpu.memref_slice %arg6[%dma_wait3A_115] : memref<10000xi32, #tpu.memory_space<vmem>> -> memref<80xi32, #tpu.memory_space<vmem>>
        %dma_wait3A_117 = arith.constant 0 : i32
        %dma_wait3A_118 = arith.constant 0 : i32
        %dma_wait3A_119 = tpu.memref_slice %arg2[%dma_wait3A_117, %dma_wait3A_118] : memref<10000x128xf32, #tpu.memory_space<hbm>> -> memref<10000x128xf32, #tpu.memory_space<hbm>>
        tpu.wait_indirect_dma semaphore(%arg13 : memref<!tpu.dma_semaphore, #tpu.memory_space<semaphore_mem>>) src(%dma_wait3A_119 : memref<10000x128xf32, #tpu.memory_space<hbm>>) dst(%arg9 : memref<80x128xf32, #tpu.memory_space<vmem>>)
        %mul3A_120 = arith.constant 80 : i32
        %mul3A_121 = arith.muli %scan3A_57, %mul3A_120 : i32
        %dma_start3A_122 = tpu.memref_slice %arg7[%mul3A_121] : memref<10000xi32, #tpu.memory_space<vmem>> -> memref<80xi32, #tpu.memory_space<vmem>>
        %dma_start3A_123 = arith.constant 0 : i32
        %dma_start3A_124 = arith.constant 0 : i32
        %dma_start3A_125 = tpu.memref_slice %arg11[%dma_start3A_123, %dma_start3A_124] : memref<10000x128xf32, #tpu.memory_space<vmem_shared>> -> memref<10000x128xf32, #tpu.memory_space<vmem_shared>>
        tpu.enqueue_indirect_dma source(%arg9 : memref<80x128xf32, #tpu.memory_space<vmem>>) target(%dma_start3A_125 : memref<10000x128xf32, #tpu.memory_space<vmem_shared>>) offsets(%dma_start3A_122 : memref<80xi32, #tpu.memory_space<vmem>>) semaphore(%arg16 : memref<!tpu.dma_semaphore, #tpu.memory_space<semaphore_mem>>) {add = true}
        %add3A_126 = arith.constant 2 : i32
        %add3A_127 = arith.addi %scan3A_57, %add3A_126 : i32
        %lt3A_128 = arith.constant 125 : i32
        %lt3A_129 = arith.cmpi slt, %add3A_127, %lt3A_128 : i32
        %convert_element_type3A_130 = arith.extui %lt3A_129 : i1 to i32
        %cond3A_131 = arith.constant 0 : i32
        %cond3A_132 = arith.cmpi ne, %convert_element_type3A_130, %cond3A_131 : i32
        scf.if %cond3A_132 {
          %gt3A = arith.constant 0 : i32
          %gt3A_133 = arith.cmpi sgt, %scan3A_57, %gt3A : i32
          %convert_element_type3A_134 = arith.extui %gt3A_133 : i1 to i32
          %cond3A_135 = arith.constant 0 : i32
          %cond3A_136 = arith.cmpi ne, %convert_element_type3A_134, %cond3A_135 : i32
          scf.if %cond3A_136 {
            %dma_wait3A_145 = arith.constant 0 : i32
            %dma_wait3A_146 = tpu.memref_slice %arg7[%dma_wait3A_145] : memref<10000xi32, #tpu.memory_space<vmem>> -> memref<80xi32, #tpu.memory_space<vmem>>
            %dma_wait3A_147 = arith.constant 0 : i32
            %dma_wait3A_148 = arith.constant 0 : i32
            %dma_wait3A_149 = tpu.memref_slice %arg11[%dma_wait3A_147, %dma_wait3A_148] : memref<10000x128xf32, #tpu.memory_space<vmem_shared>> -> memref<10000x128xf32, #tpu.memory_space<vmem_shared>>
            tpu.wait_indirect_dma semaphore(%arg15 : memref<!tpu.dma_semaphore, #tpu.memory_space<semaphore_mem>>) src(%arg8 : memref<80x128xf32, #tpu.memory_space<vmem>>) dst(%dma_wait3A_149 : memref<10000x128xf32, #tpu.memory_space<vmem_shared>>)
          } else {
          }
          %add3A_137 = arith.constant 2 : i32
          %add3A_138 = arith.addi %scan3A_57, %add3A_137 : i32
          %mul3A_139 = arith.constant 80 : i32
          %mul3A_140 = arith.muli %add3A_138, %mul3A_139 : i32
          %dma_start3A_141 = tpu.memref_slice %arg6[%mul3A_140] : memref<10000xi32, #tpu.memory_space<vmem>> -> memref<80xi32, #tpu.memory_space<vmem>>
          %dma_start3A_142 = arith.constant 0 : i32
          %dma_start3A_143 = arith.constant 0 : i32
          %dma_start3A_144 = tpu.memref_slice %arg2[%dma_start3A_142, %dma_start3A_143] : memref<10000x128xf32, #tpu.memory_space<hbm>> -> memref<10000x128xf32, #tpu.memory_space<hbm>>
          tpu.enqueue_indirect_dma source(%dma_start3A_144 : memref<10000x128xf32, #tpu.memory_space<hbm>>) target(%arg8 : memref<80x128xf32, #tpu.memory_space<vmem>>) offsets(%dma_start3A_141 : memref<80xi32, #tpu.memory_space<vmem>>) semaphore(%arg12 : memref<!tpu.dma_semaphore, #tpu.memory_space<semaphore_mem>>)
        } else {
        }
      } else {
      }
      %jit3A_94 = arith.constant 3 : i32
      %eq3A_95 = arith.constant 0 : i32
      %eq3A_96 = arith.cmpi eq, %jit3A_94, %eq3A_95 : i32
      %jit3A_97 = arith.constant 1 : i32
      %select_n3A_98 = arith.select %eq3A_96, %jit3A_97, %jit3A_94 : i32
      %rem3A_99 = arith.remsi %scan3A_57, %select_n3A_98 : i32
      %ne3A_100 = arith.constant 0 : i32
      %ne3A_101 = arith.cmpi ne, %rem3A_99, %ne3A_100 : i32
      %lt3A_102 = arith.constant 0 : i32
      %lt3A_103 = arith.cmpi slt, %rem3A_99, %lt3A_102 : i32
      %lt3A_104 = arith.constant 0 : i32
      %lt3A_105 = arith.cmpi slt, %select_n3A_98, %lt3A_104 : i32
      %ne3A_106 = arith.xori %lt3A_103, %lt3A_105 : i1
      %and3A_107 = arith.andi %ne3A_106, %ne3A_101 : i1
      %add3A_108 = arith.addi %rem3A_99, %select_n3A_98 : i32
      %select_n3A_109 = arith.select %and3A_107, %add3A_108, %rem3A_99 : i32
      %eq3A_110 = arith.constant 2 : i32
      %eq3A_111 = arith.cmpi eq, %select_n3A_109, %eq3A_110 : i32
      %convert_element_type3A_112 = arith.extui %eq3A_111 : i1 to i32
      %cond3A_113 = arith.constant 0 : i32
      %cond3A_114 = arith.cmpi ne, %convert_element_type3A_112, %cond3A_113 : i32
      scf.if %cond3A_114 {
        %dma_wait3A_115 = arith.constant 0 : i32
        %dma_wait3A_116 = tpu.memref_slice %arg6[%dma_wait3A_115] : memref<10000xi32, #tpu.memory_space<vmem>> -> memref<80xi32, #tpu.memory_space<vmem>>
        %dma_wait3A_117 = arith.constant 0 : i32
        %dma_wait3A_118 = arith.constant 0 : i32
        %dma_wait3A_119 = tpu.memref_slice %arg2[%dma_wait3A_117, %dma_wait3A_118] : memref<10000x128xf32, #tpu.memory_space<hbm>> -> memref<10000x128xf32, #tpu.memory_space<hbm>>
        tpu.wait_indirect_dma semaphore(%arg14 : memref<!tpu.dma_semaphore, #tpu.memory_space<semaphore_mem>>) src(%dma_wait3A_119 : memref<10000x128xf32, #tpu.memory_space<hbm>>) dst(%arg10 : memref<80x128xf32, #tpu.memory_space<vmem>>)
        %mul3A_120 = arith.constant 80 : i32
        %mul3A_121 = arith.muli %scan3A_57, %mul3A_120 : i32
        %dma_start3A_122 = tpu.memref_slice %arg7[%mul3A_121] : memref<10000xi32, #tpu.memory_space<vmem>> -> memref<80xi32, #tpu.memory_space<vmem>>
        %dma_start3A_123 = arith.constant 0 : i32
        %dma_start3A_124 = arith.constant 0 : i32
        %dma_start3A_125 = tpu.memref_slice %arg11[%dma_start3A_123, %dma_start3A_124] : memref<10000x128xf32, #tpu.memory_space<vmem_shared>> -> memref<10000x128xf32, #tpu.memory_space<vmem_shared>>
        tpu.enqueue_indirect_dma source(%arg10 : memref<80x128xf32, #tpu.memory_space<vmem>>) target(%dma_start3A_125 : memref<10000x128xf32, #tpu.memory_space<vmem_shared>>) offsets(%dma_start3A_122 : memref<80xi32, #tpu.memory_space<vmem>>) semaphore(%arg17 : memref<!tpu.dma_semaphore, #tpu.memory_space<semaphore_mem>>) {add = true}
        %add3A_126 = arith.constant 2 : i32
        %add3A_127 = arith.addi %scan3A_57, %add3A_126 : i32
        %lt3A_128 = arith.constant 125 : i32
        %lt3A_129 = arith.cmpi slt, %add3A_127, %lt3A_128 : i32
        %convert_element_type3A_130 = arith.extui %lt3A_129 : i1 to i32
        %cond3A_131 = arith.constant 0 : i32
        %cond3A_132 = arith.cmpi ne, %convert_element_type3A_130, %cond3A_131 : i32
        scf.if %cond3A_132 {
          %gt3A = arith.constant 0 : i32
          %gt3A_133 = arith.cmpi sgt, %scan3A_57, %gt3A : i32
          %convert_element_type3A_134 = arith.extui %gt3A_133 : i1 to i32
          %cond3A_135 = arith.constant 0 : i32
          %cond3A_136 = arith.cmpi ne, %convert_element_type3A_134, %cond3A_135 : i32
          scf.if %cond3A_136 {
            %dma_wait3A_145 = arith.constant 0 : i32
            %dma_wait3A_146 = tpu.memref_slice %arg7[%dma_wait3A_145] : memref<10000xi32, #tpu.memory_space<vmem>> -> memref<80xi32, #tpu.memory_space<vmem>>
            %dma_wait3A_147 = arith.constant 0 : i32
            %dma_wait3A_148 = arith.constant 0 : i32
            %dma_wait3A_149 = tpu.memref_slice %arg11[%dma_wait3A_147, %dma_wait3A_148] : memref<10000x128xf32, #tpu.memory_space<vmem_shared>> -> memref<10000x128xf32, #tpu.memory_space<vmem_shared>>
            tpu.wait_indirect_dma semaphore(%arg16 : memref<!tpu.dma_semaphore, #tpu.memory_space<semaphore_mem>>) src(%arg9 : memref<80x128xf32, #tpu.memory_space<vmem>>) dst(%dma_wait3A_149 : memref<10000x128xf32, #tpu.memory_space<vmem_shared>>)
          } else {
          }
          %add3A_137 = arith.constant 2 : i32
          %add3A_138 = arith.addi %scan3A_57, %add3A_137 : i32
          %mul3A_139 = arith.constant 80 : i32
          %mul3A_140 = arith.muli %add3A_138, %mul3A_139 : i32
          %dma_start3A_141 = tpu.memref_slice %arg6[%mul3A_140] : memref<10000xi32, #tpu.memory_space<vmem>> -> memref<80xi32, #tpu.memory_space<vmem>>
          %dma_start3A_142 = arith.constant 0 : i32
          %dma_start3A_143 = arith.constant 0 : i32
          %dma_start3A_144 = tpu.memref_slice %arg2[%dma_start3A_142, %dma_start3A_143] : memref<10000x128xf32, #tpu.memory_space<hbm>> -> memref<10000x128xf32, #tpu.memory_space<hbm>>
          tpu.enqueue_indirect_dma source(%dma_start3A_144 : memref<10000x128xf32, #tpu.memory_space<hbm>>) target(%arg9 : memref<80x128xf32, #tpu.memory_space<vmem>>) offsets(%dma_start3A_141 : memref<80xi32, #tpu.memory_space<vmem>>) semaphore(%arg13 : memref<!tpu.dma_semaphore, #tpu.memory_space<semaphore_mem>>)
        } else {
        }
      } else {
      }
    }
    %scan3A_31 = arith.constant 125 : i32
    %dma_wait3A_32 = arith.constant 0 : i32
    %dma_wait3A_33 = tpu.memref_slice %arg7[%dma_wait3A_32] : memref<10000xi32, #tpu.memory_space<vmem>> -> memref<80xi32, #tpu.memory_space<vmem>>
    %dma_wait3A_34 = arith.constant 0 : i32
    %dma_wait3A_35 = arith.constant 0 : i32
    %dma_wait3A_36 = tpu.memref_slice %arg11[%dma_wait3A_34, %dma_wait3A_35] : memref<10000x128xf32, #tpu.memory_space<vmem_shared>> -> memref<10000x128xf32, #tpu.memory_space<vmem_shared>>
    tpu.wait_indirect_dma semaphore(%arg16 : memref<!tpu.dma_semaphore, #tpu.memory_space<semaphore_mem>>) src(%arg9 : memref<80x128xf32, #tpu.memory_space<vmem>>) dst(%dma_wait3A_36 : memref<10000x128xf32, #tpu.memory_space<vmem_shared>>)
    %dma_wait3A_37 = arith.constant 0 : i32
    %dma_wait3A_38 = tpu.memref_slice %arg7[%dma_wait3A_37] : memref<10000xi32, #tpu.memory_space<vmem>> -> memref<80xi32, #tpu.memory_space<vmem>>
    %dma_wait3A_39 = arith.constant 0 : i32
    %dma_wait3A_40 = arith.constant 0 : i32
    %dma_wait3A_41 = tpu.memref_slice %arg11[%dma_wait3A_39, %dma_wait3A_40] : memref<10000x128xf32, #tpu.memory_space<vmem_shared>> -> memref<10000x128xf32, #tpu.memory_space<vmem_shared>>
    tpu.wait_indirect_dma semaphore(%arg15 : memref<!tpu.dma_semaphore, #tpu.memory_space<semaphore_mem>>) src(%arg8 : memref<80x128xf32, #tpu.memory_space<vmem>>) dst(%dma_wait3A_41 : memref<10000x128xf32, #tpu.memory_space<vmem_shared>>)
    %dma_wait3A_42 = arith.constant 0 : i32
    %dma_wait3A_43 = tpu.memref_slice %arg7[%dma_wait3A_42] : memref<10000xi32, #tpu.memory_space<vmem>> -> memref<80xi32, #tpu.memory_space<vmem>>
    %dma_wait3A_44 = arith.constant 0 : i32
    %dma_wait3A_45 = arith.constant 0 : i32
    %dma_wait3A_46 = tpu.memref_slice %arg11[%dma_wait3A_44, %dma_wait3A_45] : memref<10000x128xf32, #tpu.memory_space<vmem_shared>> -> memref<10000x128xf32, #tpu.memory_space<vmem_shared>>
    tpu.wait_indirect_dma semaphore(%arg17 : memref<!tpu.dma_semaphore, #tpu.memory_space<semaphore_mem>>) src(%arg10 : memref<80x128xf32, #tpu.memory_space<vmem>>) dst(%dma_wait3A_46 : memref<10000x128xf32, #tpu.memory_space<vmem_shared>>)
    %barrier3A_47 = arith.constant 0 : index
    tpu.barrier barrier_id(%barrier3A_47)
    %mul3A_48 = arith.constant 624 : i32
    %mul3A_49 = arith.muli %arg1, %mul3A_48 : i32
    %mul3A_50 = arith.constant 624 : i32
    %mul3A_51 = arith.muli %arg1, %mul3A_50 : i32
    "tpu.region"() ({
      %run_scoped3A_57 = tpu.sem_alloc : memref<!tpu.dma_semaphore, #tpu.memory_space<semaphore_mem>>
      %dma_start3A_58 = arith.constant 0 : i32
      %dma_start3A_59 = tpu.memref_slice %arg5[%arg0, %mul3A_51, %dma_start3A_58] : memref<2x10000x128xf32, #tpu.memory_space<hbm>> -> memref<1x624x128xf32, #tpu.memory_space<hbm>>
      %dma_start3A_60 = tpu.memref_squeeze %dma_start3A_59 : memref<1x624x128xf32, #tpu.memory_space<hbm>> -> memref<624x128xf32, #tpu.memory_space<hbm>>
      %dma_start3A_61 = arith.constant 0 : i32
      %dma_start3A_62 = tpu.memref_slice %arg11[%mul3A_49, %dma_start3A_61] : memref<10000x128xf32, #tpu.memory_space<vmem_shared>> -> memref<624x128xf32, #tpu.memory_space<vmem_shared>>
      tpu.enqueue_dma source(%dma_start3A_62 : memref<624x128xf32, #tpu.memory_space<vmem_shared>>) target(%dma_start3A_60 : memref<624x128xf32, #tpu.memory_space<hbm>>) target_semaphore(%run_scoped3A_57 : memref<!tpu.dma_semaphore, #tpu.memory_space<semaphore_mem>>)
      %dma_wait3A_63 = arith.constant 0 : i32
      %dma_wait3A_64 = tpu.memref_slice %arg5[%arg0, %mul3A_51, %dma_wait3A_63] : memref<2x10000x128xf32, #tpu.memory_space<hbm>> -> memref<1x624x128xf32, #tpu.memory_space<hbm>>
      %dma_wait3A_65 = tpu.memref_squeeze %dma_wait3A_64 : memref<1x624x128xf32, #tpu.memory_space<hbm>> -> memref<624x128xf32, #tpu.memory_space<hbm>>
      %dma_wait3A_66 = arith.constant 0 : i32
      %dma_wait3A_67 = tpu.memref_slice %arg11[%mul3A_49, %dma_wait3A_66] : memref<10000x128xf32, #tpu.memory_space<vmem_shared>> -> memref<624x128xf32, #tpu.memory_space<vmem_shared>>
      tpu.wait_dma2 semaphore(%run_scoped3A_57 : memref<!tpu.dma_semaphore, #tpu.memory_space<semaphore_mem>>) src(%dma_wait3A_67 : memref<624x128xf32, #tpu.memory_space<vmem_shared>>) dst(%dma_wait3A_65 : memref<624x128xf32, #tpu.memory_space<hbm>>)
      tpu.yield
    }) : () -> ()
    %eq3A_52 = arith.constant 15 : i32
    %eq3A_53 = arith.cmpi eq, %arg1, %eq3A_52 : i32
    %convert_element_type3A_54 = arith.extui %eq3A_53 : i1 to i32
    %cond3A_55 = arith.constant 0 : i32
    %cond3A_56 = arith.cmpi ne, %convert_element_type3A_54, %cond3A_55 : i32
    scf.if %cond3A_56 {
      "tpu.region"() ({
        %run_scoped3A_57 = tpu.sem_alloc : memref<!tpu.dma_semaphore, #tpu.memory_space<semaphore_mem>>
        %dma_start3A_58 = arith.constant 9984 : i32
        %dma_start3A_59 = arith.constant 0 : i32
        %dma_start3A_60 = tpu.memref_slice %arg5[%arg0, %dma_start3A_58, %dma_start3A_59] : memref<2x10000x128xf32, #tpu.memory_space<hbm>> -> memref<1x16x128xf32, #tpu.memory_space<hbm>>
        %dma_start3A_61 = tpu.memref_squeeze %dma_start3A_60 : memref<1x16x128xf32, #tpu.memory_space<hbm>> -> memref<16x128xf32, #tpu.memory_space<hbm>>
        %dma_start3A_62 = arith.constant 9984 : i32
        %dma_start3A_63 = arith.constant 0 : i32
        %dma_start3A_64 = tpu.memref_slice %arg11[%dma_start3A_62, %dma_start3A_63] : memref<10000x128xf32, #tpu.memory_space<vmem_shared>> -> memref<16x128xf32, #tpu.memory_space<vmem_shared>>
        tpu.enqueue_dma source(%dma_start3A_64 : memref<16x128xf32, #tpu.memory_space<vmem_shared>>) target(%dma_start3A_61 : memref<16x128xf32, #tpu.memory_space<hbm>>) target_semaphore(%run_scoped3A_57 : memref<!tpu.dma_semaphore, #tpu.memory_space<semaphore_mem>>)
        %dma_wait3A_65 = arith.constant 9984 : i32
        %dma_wait3A_66 = arith.constant 0 : i32
        %dma_wait3A_67 = tpu.memref_slice %arg5[%arg0, %dma_wait3A_65, %dma_wait3A_66] : memref<2x10000x128xf32, #tpu.memory_space<hbm>> -> memref<1x16x128xf32, #tpu.memory_space<hbm>>
        %dma_wait3A_68 = tpu.memref_squeeze %dma_wait3A_67 : memref<1x16x128xf32, #tpu.memory_space<hbm>> -> memref<16x128xf32, #tpu.memory_space<hbm>>
        %dma_wait3A_69 = arith.constant 9984 : i32
        %dma_wait3A_70 = arith.constant 0 : i32
        %dma_wait3A_71 = tpu.memref_slice %arg11[%dma_wait3A_69, %dma_wait3A_70] : memref<10000x128xf32, #tpu.memory_space<vmem_shared>> -> memref<16x128xf32, #tpu.memory_space<vmem_shared>>
        tpu.wait_dma2 semaphore(%run_scoped3A_57 : memref<!tpu.dma_semaphore, #tpu.memory_space<semaphore_mem>>) src(%dma_wait3A_71 : memref<16x128xf32, #tpu.memory_space<vmem_shared>>) dst(%dma_wait3A_68 : memref<16x128xf32, #tpu.memory_space<hbm>>)
        tpu.yield
      }) : () -> ()
    } else {
    }
    return
  }
}

#map = affine_map<(d0, d1) -> (0, 0)>
#map1 = affine_map<(d0, d1) -> (0)>
module attributes {stable_mosaic.version = 14 : i64} {
  func.func @_sc_pool(%arg0: i32, %arg1: i32, %arg2: memref<10000x128xf32, #tpu.memory_space<hbm>>, %arg3: memref<10000x128xf32, #tpu.memory_space<hbm>>, %arg4: memref<10000x128xf32, #tpu.memory_space<hbm>>, %arg5: memref<80xi32, #tpu.memory_space<hbm>>, %arg6: memref<64x384xf32, #tpu.memory_space<hbm>>, %arg7: memref<64x384xf32, #tpu.memory_space<hbm>>, %arg8: memref<80xi32, #tpu.memory_space<vmem>>, %arg9: memref<64x128xf32, #tpu.memory_space<vmem>>, %arg10: memref<384xf32, #tpu.memory_space<vmem>>, %arg11: memref<384xf32, #tpu.memory_space<vmem>>, %arg12: memref<!tpu.dma_semaphore, #tpu.memory_space<semaphore_mem>>) attributes {dimension_semantics = [#tpu.dimension_semantics<core_parallel>, #tpu.dimension_semantics<subcore_parallel>], iteration_bounds = array<i64: 2, 16>, scalar_prefetch = 0 : i64, scratch_operands = 5 : i64, tpu.core_type = #tpu.core_type<sc_vector_subcore>, window_params = [{transform_indices = #map}, {transform_indices = #map}, {transform_indices = #map}, {transform_indices = #map1}, {transform_indices = #map}, {transform_indices = #map}]} {
    %mul3A = arith.constant 2 : i32
    %mul3A_0 = arith.muli %arg1, %mul3A : i32
    %add3A = arith.addi %mul3A_0, %arg0 : i32
    "tpu.region"() ({
      %run_scoped3A = tpu.sem_alloc : memref<!tpu.dma_semaphore, #tpu.memory_space<semaphore_mem>>
      tpu.enqueue_dma source(%arg5 : memref<80xi32, #tpu.memory_space<hbm>>) target(%arg8 : memref<80xi32, #tpu.memory_space<vmem>>) target_semaphore(%run_scoped3A : memref<!tpu.dma_semaphore, #tpu.memory_space<semaphore_mem>>)
      tpu.wait_dma2 semaphore(%run_scoped3A : memref<!tpu.dma_semaphore, #tpu.memory_space<semaphore_mem>>) src(%arg5 : memref<80xi32, #tpu.memory_space<hbm>>) dst(%arg8 : memref<80xi32, #tpu.memory_space<vmem>>)
      tpu.yield
    }) : () -> ()
    %mul3A_1 = arith.constant 2 : i32
    %mul3A_2 = arith.muli %add3A, %mul3A_1 : i32
    %add3A_3 = arith.constant 0 : i32
    %add3A_4 = arith.addi %mul3A_2, %add3A_3 : i32
    %get3A = arith.constant 0 : index
    %get3A_5 = tpu.vector_load %arg8[%get3A] {strides = array<i32>} : memref<80xi32, #tpu.memory_space<vmem>>, vector<16xi32>,
    %iota3A = tpu.iota {dimensions = array<i32: 0>} : vector<16xi32>
    %add3A_6 = arith.constant 0 : i32
    %add3A_7 = vector.broadcast %add3A_6 : i32 to vector<16xi32>
    %add3A_8 = arith.addi %iota3A, %add3A_7 : vector<16xi32>
    %eq3A = vector.broadcast %add3A_4 : i32 to vector<16xi32>
    %eq3A_9 = arith.cmpi eq, %add3A_8, %eq3A : vector<16xi32>
    %jit3A = arith.constant 0 : i32
    %broadcast_in_dim3A = vector.broadcast %jit3A : i32 to vector<16xi32>
    %select_n3A = arith.select %eq3A_9, %get3A_5, %broadcast_in_dim3A : vector<16xi1>, vector<16xi32>
    %reduce_sum3A = arith.constant true
    %reduce_sum3A_10 = vector.broadcast %reduce_sum3A : i1 to vector<16xi1>
    %reduce_sum3A_11 = tpu.scan <sum>, %select_n3A masked %reduce_sum3A_10 : vector<16xi32>, vector<16xi1> -> vector<16xi32>
    %reduce_sum3A_12 = vector.extract %reduce_sum3A_11[15] : i32 from vector<16xi32>
    %add3A_13 = arith.constant 0 : i32
    %add3A_14 = arith.addi %add3A_13, %reduce_sum3A_12 : i32
    %get3A_15 = arith.constant 16 : index
    %get3A_16 = tpu.vector_load %arg8[%get3A_15] {strides = array<i32>} : memref<80xi32, #tpu.memory_space<vmem>>, vector<16xi32>,
    %iota3A_17 = tpu.iota {dimensions = array<i32: 0>} : vector<16xi32>
    %add3A_18 = arith.constant 16 : i32
    %add3A_19 = vector.broadcast %add3A_18 : i32 to vector<16xi32>
    %add3A_20 = arith.addi %iota3A_17, %add3A_19 : vector<16xi32>
    %eq3A_21 = vector.broadcast %add3A_4 : i32 to vector<16xi32>
    %eq3A_22 = arith.cmpi eq, %add3A_20, %eq3A_21 : vector<16xi32>
    %jit3A_23 = arith.constant 0 : i32
    %broadcast_in_dim3A_24 = vector.broadcast %jit3A_23 : i32 to vector<16xi32>
    %select_n3A_25 = arith.select %eq3A_22, %get3A_16, %broadcast_in_dim3A_24 : vector<16xi1>, vector<16xi32>
    %reduce_sum3A_26 = arith.constant true
    %reduce_sum3A_27 = vector.broadcast %reduce_sum3A_26 : i1 to vector<16xi1>
    %reduce_sum3A_28 = tpu.scan <sum>, %select_n3A_25 masked %reduce_sum3A_27 : vector<16xi32>, vector<16xi1> -> vector<16xi32>
    %reduce_sum3A_29 = vector.extract %reduce_sum3A_28[15] : i32 from vector<16xi32>
    %add3A_30 = arith.addi %add3A_14, %reduce_sum3A_29 : i32
    %get3A_31 = arith.constant 32 : index
    %get3A_32 = tpu.vector_load %arg8[%get3A_31] {strides = array<i32>} : memref<80xi32, #tpu.memory_space<vmem>>, vector<16xi32>,
    %iota3A_33 = tpu.iota {dimensions = array<i32: 0>} : vector<16xi32>
    %add3A_34 = arith.constant 32 : i32
    %add3A_35 = vector.broadcast %add3A_34 : i32 to vector<16xi32>
    %add3A_36 = arith.addi %iota3A_33, %add3A_35 : vector<16xi32>
    %eq3A_37 = vector.broadcast %add3A_4 : i32 to vector<16xi32>
    %eq3A_38 = arith.cmpi eq, %add3A_36, %eq3A_37 : vector<16xi32>
    %jit3A_39 = arith.constant 0 : i32
    %broadcast_in_dim3A_40 = vector.broadcast %jit3A_39 : i32 to vector<16xi32>
    %select_n3A_41 = arith.select %eq3A_38, %get3A_32, %broadcast_in_dim3A_40 : vector<16xi1>, vector<16xi32>
    %reduce_sum3A_42 = arith.constant true
    %reduce_sum3A_43 = vector.broadcast %reduce_sum3A_42 : i1 to vector<16xi1>
    %reduce_sum3A_44 = tpu.scan <sum>, %select_n3A_41 masked %reduce_sum3A_43 : vector<16xi32>, vector<16xi1> -> vector<16xi32>
    %reduce_sum3A_45 = vector.extract %reduce_sum3A_44[15] : i32 from vector<16xi32>
    %add3A_46 = arith.addi %add3A_30, %reduce_sum3A_45 : i32
    %get3A_47 = arith.constant 48 : index
    %get3A_48 = tpu.vector_load %arg8[%get3A_47] {strides = array<i32>} : memref<80xi32, #tpu.memory_space<vmem>>, vector<16xi32>,
    %iota3A_49 = tpu.iota {dimensions = array<i32: 0>} : vector<16xi32>
    %add3A_50 = arith.constant 48 : i32
    %add3A_51 = vector.broadcast %add3A_50 : i32 to vector<16xi32>
    %add3A_52 = arith.addi %iota3A_49, %add3A_51 : vector<16xi32>
    %eq3A_53 = vector.broadcast %add3A_4 : i32 to vector<16xi32>
    %eq3A_54 = arith.cmpi eq, %add3A_52, %eq3A_53 : vector<16xi32>
    %jit3A_55 = arith.constant 0 : i32
    %broadcast_in_dim3A_56 = vector.broadcast %jit3A_55 : i32 to vector<16xi32>
    %select_n3A_57 = arith.select %eq3A_54, %get3A_48, %broadcast_in_dim3A_56 : vector<16xi1>, vector<16xi32>
    %reduce_sum3A_58 = arith.constant true
    %reduce_sum3A_59 = vector.broadcast %reduce_sum3A_58 : i1 to vector<16xi1>
    %reduce_sum3A_60 = tpu.scan <sum>, %select_n3A_57 masked %reduce_sum3A_59 : vector<16xi32>, vector<16xi1> -> vector<16xi32>
    %reduce_sum3A_61 = vector.extract %reduce_sum3A_60[15] : i32 from vector<16xi32>
    %add3A_62 = arith.addi %add3A_46, %reduce_sum3A_61 : i32
    %get3A_63 = arith.constant 64 : index
    %get3A_64 = tpu.vector_load %arg8[%get3A_63] {strides = array<i32>} : memref<80xi32, #tpu.memory_space<vmem>>, vector<16xi32>,
    %iota3A_65 = tpu.iota {dimensions = array<i32: 0>} : vector<16xi32>
    %add3A_66 = arith.constant 64 : i32
    %add3A_67 = vector.broadcast %add3A_66 : i32 to vector<16xi32>
    %add3A_68 = arith.addi %iota3A_65, %add3A_67 : vector<16xi32>
    %eq3A_69 = vector.broadcast %add3A_4 : i32 to vector<16xi32>
    %eq3A_70 = arith.cmpi eq, %add3A_68, %eq3A_69 : vector<16xi32>
    %jit3A_71 = arith.constant 0 : i32
    %broadcast_in_dim3A_72 = vector.broadcast %jit3A_71 : i32 to vector<16xi32>
    %select_n3A_73 = arith.select %eq3A_70, %get3A_64, %broadcast_in_dim3A_72 : vector<16xi1>, vector<16xi32>
    %reduce_sum3A_74 = arith.constant true
    %reduce_sum3A_75 = vector.broadcast %reduce_sum3A_74 : i1 to vector<16xi1>
    %reduce_sum3A_76 = tpu.scan <sum>, %select_n3A_73 masked %reduce_sum3A_75 : vector<16xi32>, vector<16xi1> -> vector<16xi32>
    %reduce_sum3A_77 = vector.extract %reduce_sum3A_76[15] : i32 from vector<16xi32>
    %add3A_78 = arith.addi %add3A_62, %reduce_sum3A_77 : i32
    %add3A_79 = arith.constant 1 : i32
    %add3A_80 = arith.addi %add3A_4, %add3A_79 : i32
    %get3A_81 = arith.constant 0 : index
    %get3A_82 = tpu.vector_load %arg8[%get3A_81] {strides = array<i32>} : memref<80xi32, #tpu.memory_space<vmem>>, vector<16xi32>,
    %iota3A_83 = tpu.iota {dimensions = array<i32: 0>} : vector<16xi32>
    %add3A_84 = arith.constant 0 : i32
    %add3A_85 = vector.broadcast %add3A_84 : i32 to vector<16xi32>
    %add3A_86 = arith.addi %iota3A_83, %add3A_85 : vector<16xi32>
    %eq3A_87 = vector.broadcast %add3A_80 : i32 to vector<16xi32>
    %eq3A_88 = arith.cmpi eq, %add3A_86, %eq3A_87 : vector<16xi32>
    %jit3A_89 = arith.constant 0 : i32
    %broadcast_in_dim3A_90 = vector.broadcast %jit3A_89 : i32 to vector<16xi32>
    %select_n3A_91 = arith.select %eq3A_88, %get3A_82, %broadcast_in_dim3A_90 : vector<16xi1>, vector<16xi32>
    %reduce_sum3A_92 = arith.constant true
    %reduce_sum3A_93 = vector.broadcast %reduce_sum3A_92 : i1 to vector<16xi1>
    %reduce_sum3A_94 = tpu.scan <sum>, %select_n3A_91 masked %reduce_sum3A_93 : vector<16xi32>, vector<16xi1> -> vector<16xi32>
    %reduce_sum3A_95 = vector.extract %reduce_sum3A_94[15] : i32 from vector<16xi32>
    %add3A_96 = arith.constant 0 : i32
    %add3A_97 = arith.addi %add3A_96, %reduce_sum3A_95 : i32
    %get3A_98 = arith.constant 16 : index
    %get3A_99 = tpu.vector_load %arg8[%get3A_98] {strides = array<i32>} : memref<80xi32, #tpu.memory_space<vmem>>, vector<16xi32>,
    %iota3A_100 = tpu.iota {dimensions = array<i32: 0>} : vector<16xi32>
    %add3A_101 = arith.constant 16 : i32
    %add3A_102 = vector.broadcast %add3A_101 : i32 to vector<16xi32>
    %add3A_103 = arith.addi %iota3A_100, %add3A_102 : vector<16xi32>
    %eq3A_104 = vector.broadcast %add3A_80 : i32 to vector<16xi32>
    %eq3A_105 = arith.cmpi eq, %add3A_103, %eq3A_104 : vector<16xi32>
    %jit3A_106 = arith.constant 0 : i32
    %broadcast_in_dim3A_107 = vector.broadcast %jit3A_106 : i32 to vector<16xi32>
    %select_n3A_108 = arith.select %eq3A_105, %get3A_99, %broadcast_in_dim3A_107 : vector<16xi1>, vector<16xi32>
    %reduce_sum3A_109 = arith.constant true
    %reduce_sum3A_110 = vector.broadcast %reduce_sum3A_109 : i1 to vector<16xi1>
    %reduce_sum3A_111 = tpu.scan <sum>, %select_n3A_108 masked %reduce_sum3A_110 : vector<16xi32>, vector<16xi1> -> vector<16xi32>
    %reduce_sum3A_112 = vector.extract %reduce_sum3A_111[15] : i32 from vector<16xi32>
    %add3A_113 = arith.addi %add3A_97, %reduce_sum3A_112 : i32
    %get3A_114 = arith.constant 32 : index
    %get3A_115 = tpu.vector_load %arg8[%get3A_114] {strides = array<i32>} : memref<80xi32, #tpu.memory_space<vmem>>, vector<16xi32>,
    %iota3A_116 = tpu.iota {dimensions = array<i32: 0>} : vector<16xi32>
    %add3A_117 = arith.constant 32 : i32
    %add3A_118 = vector.broadcast %add3A_117 : i32 to vector<16xi32>
    %add3A_119 = arith.addi %iota3A_116, %add3A_118 : vector<16xi32>
    %eq3A_120 = vector.broadcast %add3A_80 : i32 to vector<16xi32>
    %eq3A_121 = arith.cmpi eq, %add3A_119, %eq3A_120 : vector<16xi32>
    %jit3A_122 = arith.constant 0 : i32
    %broadcast_in_dim3A_123 = vector.broadcast %jit3A_122 : i32 to vector<16xi32>
    %select_n3A_124 = arith.select %eq3A_121, %get3A_115, %broadcast_in_dim3A_123 : vector<16xi1>, vector<16xi32>
    %reduce_sum3A_125 = arith.constant true
    %reduce_sum3A_126 = vector.broadcast %reduce_sum3A_125 : i1 to vector<16xi1>
    %reduce_sum3A_127 = tpu.scan <sum>, %select_n3A_124 masked %reduce_sum3A_126 : vector<16xi32>, vector<16xi1> -> vector<16xi32>
    %reduce_sum3A_128 = vector.extract %reduce_sum3A_127[15] : i32 from vector<16xi32>
    %add3A_129 = arith.addi %add3A_113, %reduce_sum3A_128 : i32
    %get3A_130 = arith.constant 48 : index
    %get3A_131 = tpu.vector_load %arg8[%get3A_130] {strides = array<i32>} : memref<80xi32, #tpu.memory_space<vmem>>, vector<16xi32>,
    %iota3A_132 = tpu.iota {dimensions = array<i32: 0>} : vector<16xi32>
    %add3A_133 = arith.constant 48 : i32
    %add3A_134 = vector.broadcast %add3A_133 : i32 to vector<16xi32>
    %add3A_135 = arith.addi %iota3A_132, %add3A_134 : vector<16xi32>
    %eq3A_136 = vector.broadcast %add3A_80 : i32 to vector<16xi32>
    %eq3A_137 = arith.cmpi eq, %add3A_135, %eq3A_136 : vector<16xi32>
    %jit3A_138 = arith.constant 0 : i32
    %broadcast_in_dim3A_139 = vector.broadcast %jit3A_138 : i32 to vector<16xi32>
    %select_n3A_140 = arith.select %eq3A_137, %get3A_131, %broadcast_in_dim3A_139 : vector<16xi1>, vector<16xi32>
    %reduce_sum3A_141 = arith.constant true
    %reduce_sum3A_142 = vector.broadcast %reduce_sum3A_141 : i1 to vector<16xi1>
    %reduce_sum3A_143 = tpu.scan <sum>, %select_n3A_140 masked %reduce_sum3A_142 : vector<16xi32>, vector<16xi1> -> vector<16xi32>
    %reduce_sum3A_144 = vector.extract %reduce_sum3A_143[15] : i32 from vector<16xi32>
    %add3A_145 = arith.addi %add3A_129, %reduce_sum3A_144 : i32
    %get3A_146 = arith.constant 64 : index
    %get3A_147 = tpu.vector_load %arg8[%get3A_146] {strides = array<i32>} : memref<80xi32, #tpu.memory_space<vmem>>, vector<16xi32>,
    %iota3A_148 = tpu.iota {dimensions = array<i32: 0>} : vector<16xi32>
    %add3A_149 = arith.constant 64 : i32
    %add3A_150 = vector.broadcast %add3A_149 : i32 to vector<16xi32>
    %add3A_151 = arith.addi %iota3A_148, %add3A_150 : vector<16xi32>
    %eq3A_152 = vector.broadcast %add3A_80 : i32 to vector<16xi32>
    %eq3A_153 = arith.cmpi eq, %add3A_151, %eq3A_152 : vector<16xi32>
    %jit3A_154 = arith.constant 0 : i32
    %broadcast_in_dim3A_155 = vector.broadcast %jit3A_154 : i32 to vector<16xi32>
    %select_n3A_156 = arith.select %eq3A_153, %get3A_147, %broadcast_in_dim3A_155 : vector<16xi1>, vector<16xi32>
    %reduce_sum3A_157 = arith.constant true
    %reduce_sum3A_158 = vector.broadcast %reduce_sum3A_157 : i1 to vector<16xi1>
    %reduce_sum3A_159 = tpu.scan <sum>, %select_n3A_156 masked %reduce_sum3A_158 : vector<16xi32>, vector<16xi1> -> vector<16xi32>
    %reduce_sum3A_160 = vector.extract %reduce_sum3A_159[15] : i32 from vector<16xi32>
    %add3A_161 = arith.addi %add3A_145, %reduce_sum3A_160 : i32
    %sub3A = arith.subi %add3A_161, %add3A_78 : i32
    %add3A_162 = arith.constant 64 : i32
    %add3A_163 = arith.addi %sub3A, %add3A_162 : i32
    %sub3A_164 = arith.constant 1 : i32
    %sub3A_165 = arith.subi %add3A_163, %sub3A_164 : i32
    %jit3A_166 = arith.constant 64 : i32
    %div3A = arith.divsi %sub3A_165, %jit3A_166 : i32
    %sign3A = arith.constant 0 : i32
    %sign3A_167 = arith.cmpi sgt, %sub3A_165, %sign3A : i32
    %sign3A_168 = arith.extui %sign3A_167 : i1 to i32
    %sign3A_169 = arith.constant 0 : i32
    %sign3A_170 = arith.cmpi slt, %sub3A_165, %sign3A_169 : i32
    %sign3A_171 = arith.extui %sign3A_170 : i1 to i32
    %sign3A_172 = arith.subi %sign3A_168, %sign3A_171 : i32
    %sign3A_173 = arith.constant 0 : i32
    %sign3A_174 = arith.cmpi sgt, %jit3A_166, %sign3A_173 : i32
    %sign3A_175 = arith.extui %sign3A_174 : i1 to i32
    %sign3A_176 = arith.constant 0 : i32
    %sign3A_177 = arith.cmpi slt, %jit3A_166, %sign3A_176 : i32
    %sign3A_178 = arith.extui %sign3A_177 : i1 to i32
    %sign3A_179 = arith.subi %sign3A_175, %sign3A_178 : i32
    %ne3A = arith.cmpi ne, %sign3A_172, %sign3A_179 : i32
    %rem3A = arith.remsi %sub3A_165, %jit3A_166 : i32
    %ne3A_180 = arith.constant 0 : i32
    %ne3A_181 = arith.cmpi ne, %rem3A, %ne3A_180 : i32
    %and3A = arith.andi %ne3A, %ne3A_181 : i1
    %sub3A_182 = arith.constant 1 : i32
    %sub3A_183 = arith.subi %div3A, %sub3A_182 : i32
    %select_n3A_184 = arith.select %and3A, %sub3A_183, %div3A : i32
    %broadcast_in_dim3A_185 = arith.constant 0.000000e+00 : f32
    %broadcast_in_dim3A_186 = vector.broadcast %broadcast_in_dim3A_185 : f32 to vector<16xf32>
    %broadcast_in_dim3A_187 = arith.constant 0.000000e+00 : f32
    %broadcast_in_dim3A_188 = vector.broadcast %broadcast_in_dim3A_187 : f32 to vector<16xf32>
    %broadcast_in_dim3A_189 = arith.constant 0.000000e+00 : f32
    %broadcast_in_dim3A_190 = vector.broadcast %broadcast_in_dim3A_189 : f32 to vector<16xf32>
    %broadcast_in_dim3A_191 = arith.constant 0.000000e+00 : f32
    %broadcast_in_dim3A_192 = vector.broadcast %broadcast_in_dim3A_191 : f32 to vector<16xf32>
    %broadcast_in_dim3A_193 = arith.constant 0.000000e+00 : f32
    %broadcast_in_dim3A_194 = vector.broadcast %broadcast_in_dim3A_193 : f32 to vector<16xf32>
    %broadcast_in_dim3A_195 = arith.constant 0.000000e+00 : f32
    %broadcast_in_dim3A_196 = vector.broadcast %broadcast_in_dim3A_195 : f32 to vector<16xf32>
    %broadcast_in_dim3A_197 = arith.constant 0.000000e+00 : f32
    %broadcast_in_dim3A_198 = vector.broadcast %broadcast_in_dim3A_197 : f32 to vector<16xf32>
    %broadcast_in_dim3A_199 = arith.constant 0.000000e+00 : f32
    %broadcast_in_dim3A_200 = vector.broadcast %broadcast_in_dim3A_199 : f32 to vector<16xf32>
    %broadcast_in_dim3A_201 = arith.constant 0xFF800000 : f32
    %broadcast_in_dim3A_202 = vector.broadcast %broadcast_in_dim3A_201 : f32 to vector<16xf32>
    %broadcast_in_dim3A_203 = arith.constant 0xFF800000 : f32
    %broadcast_in_dim3A_204 = vector.broadcast %broadcast_in_dim3A_203 : f32 to vector<16xf32>
    %broadcast_in_dim3A_205 = arith.constant 0xFF800000 : f32
    %broadcast_in_dim3A_206 = vector.broadcast %broadcast_in_dim3A_205 : f32 to vector<16xf32>
    %broadcast_in_dim3A_207 = arith.constant 0xFF800000 : f32
    %broadcast_in_dim3A_208 = vector.broadcast %broadcast_in_dim3A_207 : f32 to vector<16xf32>
    %broadcast_in_dim3A_209 = arith.constant 0xFF800000 : f32
    %broadcast_in_dim3A_210 = vector.broadcast %broadcast_in_dim3A_209 : f32 to vector<16xf32>
    %broadcast_in_dim3A_211 = arith.constant 0xFF800000 : f32
    %broadcast_in_dim3A_212 = vector.broadcast %broadcast_in_dim3A_211 : f32 to vector<16xf32>
    %broadcast_in_dim3A_213 = arith.constant 0xFF800000 : f32
    %broadcast_in_dim3A_214 = vector.broadcast %broadcast_in_dim3A_213 : f32 to vector<16xf32>
    %broadcast_in_dim3A_215 = arith.constant 0xFF800000 : f32
    %broadcast_in_dim3A_216 = vector.broadcast %broadcast_in_dim3A_215 : f32 to vector<16xf32>
    %while3A = arith.constant 0 : i32
    %while3A_217 = arith.subi %select_n3A_184, %while3A : i32
    %while3A_218 = arith.addi %while3A, %while3A_217 : i32
    %while3A_219 = arith.constant 1 : i32
    %while3A_220 = arith.divsi %while3A_217, %while3A_219 : i32
    %while3A_221 = arith.muli %while3A_220, %while3A_219 : i32
    %while3A_222 = arith.addi %while3A, %while3A_221 : i32
    %while3A_223 = arith.constant 1 : i32
    %while3A_224:16 = scf.for %while3A_830 = %while3A to %while3A_222 step %while3A_223 iter_args(%while3A_831 = %broadcast_in_dim3A_186, %while3A_832 = %broadcast_in_dim3A_188, %while3A_833 = %broadcast_in_dim3A_190, %while3A_834 = %broadcast_in_dim3A_192, %while3A_835 = %broadcast_in_dim3A_194, %while3A_836 = %broadcast_in_dim3A_196, %while3A_837 = %broadcast_in_dim3A_198, %while3A_838 = %broadcast_in_dim3A_200, %while3A_839 = %broadcast_in_dim3A_202, %while3A_840 = %broadcast_in_dim3A_204, %while3A_841 = %broadcast_in_dim3A_206, %while3A_842 = %broadcast_in_dim3A_208, %while3A_843 = %broadcast_in_dim3A_210, %while3A_844 = %broadcast_in_dim3A_212, %while3A_845 = %broadcast_in_dim3A_214, %while3A_846 = %broadcast_in_dim3A_216) -> (vector<16xf32>, vector<16xf32>, vector<16xf32>, vector<16xf32>, vector<16xf32>, vector<16xf32>, vector<16xf32>, vector<16xf32>, vector<16xf32>, vector<16xf32>, vector<16xf32>, vector<16xf32>, vector<16xf32>, vector<16xf32>, vector<16xf32>, vector<16xf32>)  : i32 {
      %mul3A_847 = arith.constant 64 : i32
      %mul3A_848 = arith.muli %while3A_830, %mul3A_847 : i32
      %add3A_849 = arith.addi %add3A_78, %mul3A_848 : i32
      %min3A = arith.constant 9936 : i32
      %min3A_850 = arith.minsi %add3A_849, %min3A : i32
      %sub3A_851 = arith.subi %add3A_849, %min3A_850 : i32
      %add3A_852 = arith.constant 64 : i32
      %add3A_853 = arith.addi %min3A_850, %add3A_852 : i32
      %min3A_854 = arith.minsi %add3A_161, %add3A_853 : i32
      %sub3A_855 = arith.subi %min3A_854, %min3A_850 : i32
      "tpu.region"() ({
        %run_scoped3A = tpu.sem_alloc : memref<!tpu.dma_semaphore, #tpu.memory_space<semaphore_mem>>
        %dma_start3A = arith.constant 0 : i32
        %dma_start3A_866 = tpu.memref_slice %arg2[%min3A_850, %dma_start3A] : memref<10000x128xf32, #tpu.memory_space<hbm>> -> memref<64x128xf32, #tpu.memory_space<hbm>>
        %dma_start3A_867 = arith.constant 0 : i32
        %dma_start3A_868 = tpu.memref_slice %arg2[%min3A_850, %dma_start3A_867] : memref<10000x128xf32, #tpu.memory_space<hbm>> -> memref<64x128xf32, #tpu.memory_space<hbm>>
        tpu.enqueue_dma source(%dma_start3A_868 : memref<64x128xf32, #tpu.memory_space<hbm>>) target(%arg9 : memref<64x128xf32, #tpu.memory_space<vmem>>) target_semaphore(%run_scoped3A : memref<!tpu.dma_semaphore, #tpu.memory_space<semaphore_mem>>)
        %dma_wait3A = arith.constant 0 : i32
        %dma_wait3A_869 = tpu.memref_slice %arg2[%min3A_850, %dma_wait3A] : memref<10000x128xf32, #tpu.memory_space<hbm>> -> memref<64x128xf32, #tpu.memory_space<hbm>>
        %dma_wait3A_870 = arith.constant 0 : i32
        %dma_wait3A_871 = tpu.memref_slice %arg2[%min3A_850, %dma_wait3A_870] : memref<10000x128xf32, #tpu.memory_space<hbm>> -> memref<64x128xf32, #tpu.memory_space<hbm>>
        tpu.wait_dma2 semaphore(%run_scoped3A : memref<!tpu.dma_semaphore, #tpu.memory_space<semaphore_mem>>) src(%dma_wait3A_871 : memref<64x128xf32, #tpu.memory_space<hbm>>) dst(%arg9 : memref<64x128xf32, #tpu.memory_space<vmem>>)
        tpu.yield
      }) : () -> ()
      %while3A_856 = arith.subi %sub3A_855, %sub3A_851 : i32
      %while3A_857 = arith.addi %sub3A_851, %while3A_856 : i32
      %while3A_858 = arith.constant 1 : i32
      %while3A_859 = arith.divsi %while3A_856, %while3A_858 : i32
      %while3A_860 = arith.muli %while3A_859, %while3A_858 : i32
      %while3A_861 = arith.addi %sub3A_851, %while3A_860 : i32
      %while3A_862 = arith.constant 1 : i32
      %while3A_863:16 = scf.for %while3A_866 = %sub3A_851 to %while3A_861 step %while3A_862 iter_args(%while3A_867 = %while3A_831, %while3A_868 = %while3A_832, %while3A_869 = %while3A_833, %while3A_870 = %while3A_834, %while3A_871 = %while3A_835, %while3A_872 = %while3A_836, %while3A_873 = %while3A_837, %while3A_874 = %while3A_838, %while3A_875 = %while3A_839, %while3A_876 = %while3A_840, %while3A_877 = %while3A_841, %while3A_878 = %while3A_842, %while3A_879 = %while3A_843, %while3A_880 = %while3A_844, %while3A_881 = %while3A_845, %while3A_882 = %while3A_846) -> (vector<16xf32>, vector<16xf32>, vector<16xf32>, vector<16xf32>, vector<16xf32>, vector<16xf32>, vector<16xf32>, vector<16xf32>, vector<16xf32>, vector<16xf32>, vector<16xf32>, vector<16xf32>, vector<16xf32>, vector<16xf32>, vector<16xf32>, vector<16xf32>)  : i32 {
        %get3A_883 = arith.index_cast %while3A_866 : i32 to index
        %get3A_884 = arith.constant 0 : index
        %get3A_885 = tpu.vector_load %arg9[%get3A_883, %get3A_884] {strides = array<i32>} : memref<64x128xf32, #tpu.memory_space<vmem>>, vector<16xf32>,
        %add3A_886 = arith.addf %while3A_867, %get3A_885 : vector<16xf32>
        %max3A = arith.maximumf %while3A_875, %get3A_885 : vector<16xf32>
        %get3A_887 = arith.index_cast %while3A_866 : i32 to index
        %get3A_888 = arith.constant 16 : index
        %get3A_889 = tpu.vector_load %arg9[%get3A_887, %get3A_888] {strides = array<i32>} : memref<64x128xf32, #tpu.memory_space<vmem>>, vector<16xf32>,
        %add3A_890 = arith.addf %while3A_868, %get3A_889 : vector<16xf32>
        %max3A_891 = arith.maximumf %while3A_876, %get3A_889 : vector<16xf32>
        %get3A_892 = arith.index_cast %while3A_866 : i32 to index
        %get3A_893 = arith.constant 32 : index
        %get3A_894 = tpu.vector_load %arg9[%get3A_892, %get3A_893] {strides = array<i32>} : memref<64x128xf32, #tpu.memory_space<vmem>>, vector<16xf32>,
        %add3A_895 = arith.addf %while3A_869, %get3A_894 : vector<16xf32>
        %max3A_896 = arith.maximumf %while3A_877, %get3A_894 : vector<16xf32>
        %get3A_897 = arith.index_cast %while3A_866 : i32 to index
        %get3A_898 = arith.constant 48 : index
        %get3A_899 = tpu.vector_load %arg9[%get3A_897, %get3A_898] {strides = array<i32>} : memref<64x128xf32, #tpu.memory_space<vmem>>, vector<16xf32>,
        %add3A_900 = arith.addf %while3A_870, %get3A_899 : vector<16xf32>
        %max3A_901 = arith.maximumf %while3A_878, %get3A_899 : vector<16xf32>
        %get3A_902 = arith.index_cast %while3A_866 : i32 to index
        %get3A_903 = arith.constant 64 : index
        %get3A_904 = tpu.vector_load %arg9[%get3A_902, %get3A_903] {strides = array<i32>} : memref<64x128xf32, #tpu.memory_space<vmem>>, vector<16xf32>,
        %add3A_905 = arith.addf %while3A_871, %get3A_904 : vector<16xf32>
        %max3A_906 = arith.maximumf %while3A_879, %get3A_904 : vector<16xf32>
        %get3A_907 = arith.index_cast %while3A_866 : i32 to index
        %get3A_908 = arith.constant 80 : index
        %get3A_909 = tpu.vector_load %arg9[%get3A_907, %get3A_908] {strides = array<i32>} : memref<64x128xf32, #tpu.memory_space<vmem>>, vector<16xf32>,
        %add3A_910 = arith.addf %while3A_872, %get3A_909 : vector<16xf32>
        %max3A_911 = arith.maximumf %while3A_880, %get3A_909 : vector<16xf32>
        %get3A_912 = arith.index_cast %while3A_866 : i32 to index
        %get3A_913 = arith.constant 96 : index
        %get3A_914 = tpu.vector_load %arg9[%get3A_912, %get3A_913] {strides = array<i32>} : memref<64x128xf32, #tpu.memory_space<vmem>>, vector<16xf32>,
        %add3A_915 = arith.addf %while3A_873, %get3A_914 : vector<16xf32>
        %max3A_916 = arith.maximumf %while3A_881, %get3A_914 : vector<16xf32>
        %get3A_917 = arith.index_cast %while3A_866 : i32 to index
        %get3A_918 = arith.constant 112 : index
        %get3A_919 = tpu.vector_load %arg9[%get3A_917, %get3A_918] {strides = array<i32>} : memref<64x128xf32, #tpu.memory_space<vmem>>, vector<16xf32>,
        %add3A_920 = arith.addf %while3A_874, %get3A_919 : vector<16xf32>
        %max3A_921 = arith.maximumf %while3A_882, %get3A_919 : vector<16xf32>
        scf.yield %add3A_886, %add3A_890, %add3A_895, %add3A_900, %add3A_905, %add3A_910, %add3A_915, %add3A_920, %max3A, %max3A_891, %max3A_896, %max3A_901, %max3A_906, %max3A_911, %max3A_916, %max3A_921 : vector<16xf32>, vector<16xf32>, vector<16xf32>, vector<16xf32>, vector<16xf32>, vector<16xf32>, vector<16xf32>, vector<16xf32>, vector<16xf32>, vector<16xf32>, vector<16xf32>, vector<16xf32>, vector<16xf32>, vector<16xf32>, vector<16xf32>, vector<16xf32>
      }
      %while3A_864 = arith.constant 1 : i32
      %while3A_865:16 = scf.for %while3A_866 = %while3A_861 to %while3A_857 step %while3A_864 iter_args(%while3A_867 = %while3A_863#0, %while3A_868 = %while3A_863#1, %while3A_869 = %while3A_863#2, %while3A_870 = %while3A_863#3, %while3A_871 = %while3A_863#4, %while3A_872 = %while3A_863#5, %while3A_873 = %while3A_863#6, %while3A_874 = %while3A_863#7, %while3A_875 = %while3A_863#8, %while3A_876 = %while3A_863#9, %while3A_877 = %while3A_863#10, %while3A_878 = %while3A_863#11, %while3A_879 = %while3A_863#12, %while3A_880 = %while3A_863#13, %while3A_881 = %while3A_863#14, %while3A_882 = %while3A_863#15) -> (vector<16xf32>, vector<16xf32>, vector<16xf32>, vector<16xf32>, vector<16xf32>, vector<16xf32>, vector<16xf32>, vector<16xf32>, vector<16xf32>, vector<16xf32>, vector<16xf32>, vector<16xf32>, vector<16xf32>, vector<16xf32>, vector<16xf32>, vector<16xf32>)  : i32 {
        %get3A_883 = arith.index_cast %while3A_866 : i32 to index
        %get3A_884 = arith.constant 0 : index
        %get3A_885 = tpu.vector_load %arg9[%get3A_883, %get3A_884] {strides = array<i32>} : memref<64x128xf32, #tpu.memory_space<vmem>>, vector<16xf32>,
        %add3A_886 = arith.addf %while3A_867, %get3A_885 : vector<16xf32>
        %max3A = arith.maximumf %while3A_875, %get3A_885 : vector<16xf32>
        %get3A_887 = arith.index_cast %while3A_866 : i32 to index
        %get3A_888 = arith.constant 16 : index
        %get3A_889 = tpu.vector_load %arg9[%get3A_887, %get3A_888] {strides = array<i32>} : memref<64x128xf32, #tpu.memory_space<vmem>>, vector<16xf32>,
        %add3A_890 = arith.addf %while3A_868, %get3A_889 : vector<16xf32>
        %max3A_891 = arith.maximumf %while3A_876, %get3A_889 : vector<16xf32>
        %get3A_892 = arith.index_cast %while3A_866 : i32 to index
        %get3A_893 = arith.constant 32 : index
        %get3A_894 = tpu.vector_load %arg9[%get3A_892, %get3A_893] {strides = array<i32>} : memref<64x128xf32, #tpu.memory_space<vmem>>, vector<16xf32>,
        %add3A_895 = arith.addf %while3A_869, %get3A_894 : vector<16xf32>
        %max3A_896 = arith.maximumf %while3A_877, %get3A_894 : vector<16xf32>
        %get3A_897 = arith.index_cast %while3A_866 : i32 to index
        %get3A_898 = arith.constant 48 : index
        %get3A_899 = tpu.vector_load %arg9[%get3A_897, %get3A_898] {strides = array<i32>} : memref<64x128xf32, #tpu.memory_space<vmem>>, vector<16xf32>,
        %add3A_900 = arith.addf %while3A_870, %get3A_899 : vector<16xf32>
        %max3A_901 = arith.maximumf %while3A_878, %get3A_899 : vector<16xf32>
        %get3A_902 = arith.index_cast %while3A_866 : i32 to index
        %get3A_903 = arith.constant 64 : index
        %get3A_904 = tpu.vector_load %arg9[%get3A_902, %get3A_903] {strides = array<i32>} : memref<64x128xf32, #tpu.memory_space<vmem>>, vector<16xf32>,
        %add3A_905 = arith.addf %while3A_871, %get3A_904 : vector<16xf32>
        %max3A_906 = arith.maximumf %while3A_879, %get3A_904 : vector<16xf32>
        %get3A_907 = arith.index_cast %while3A_866 : i32 to index
        %get3A_908 = arith.constant 80 : index
        %get3A_909 = tpu.vector_load %arg9[%get3A_907, %get3A_908] {strides = array<i32>} : memref<64x128xf32, #tpu.memory_space<vmem>>, vector<16xf32>,
        %add3A_910 = arith.addf %while3A_872, %get3A_909 : vector<16xf32>
        %max3A_911 = arith.maximumf %while3A_880, %get3A_909 : vector<16xf32>
        %get3A_912 = arith.index_cast %while3A_866 : i32 to index
        %get3A_913 = arith.constant 96 : index
        %get3A_914 = tpu.vector_load %arg9[%get3A_912, %get3A_913] {strides = array<i32>} : memref<64x128xf32, #tpu.memory_space<vmem>>, vector<16xf32>,
        %add3A_915 = arith.addf %while3A_873, %get3A_914 : vector<16xf32>
        %max3A_916 = arith.maximumf %while3A_881, %get3A_914 : vector<16xf32>
        %get3A_917 = arith.index_cast %while3A_866 : i32 to index
        %get3A_918 = arith.constant 112 : index
        %get3A_919 = tpu.vector_load %arg9[%get3A_917, %get3A_918] {strides = array<i32>} : memref<64x128xf32, #tpu.memory_space<vmem>>, vector<16xf32>,
        %add3A_920 = arith.addf %while3A_874, %get3A_919 : vector<16xf32>
        %max3A_921 = arith.maximumf %while3A_882, %get3A_919 : vector<16xf32>
        scf.yield %add3A_886, %add3A_890, %add3A_895, %add3A_900, %add3A_905, %add3A_910, %add3A_915, %add3A_920, %max3A, %max3A_891, %max3A_896, %max3A_901, %max3A_906, %max3A_911, %max3A_916, %max3A_921 : vector<16xf32>, vector<16xf32>, vector<16xf32>, vector<16xf32>, vector<16xf32>, vector<16xf32>, vector<16xf32>, vector<16xf32>, vector<16xf32>, vector<16xf32>, vector<16xf32>, vector<16xf32>, vector<16xf32>, vector<16xf32>, vector<16xf32>, vector<16xf32>
      }
      scf.yield %while3A_865#0, %while3A_865#1, %while3A_865#2, %while3A_865#3, %while3A_865#4, %while3A_865#5, %while3A_865#6, %while3A_865#7, %while3A_865#8, %while3A_865#9, %while3A_865#10, %while3A_865#11, %while3A_865#12, %while3A_865#13, %while3A_865#14, %while3A_865#15 : vector<16xf32>, vector<16xf32>, vector<16xf32>, vector<16xf32>, vector<16xf32>, vector<16xf32>, vector<16xf32>, vector<16xf32>, vector<16xf32>, vector<16xf32>, vector<16xf32>, vector<16xf32>, vector<16xf32>, vector<16xf32>, vector<16xf32>, vector<16xf32>
    }
    %while3A_225 = arith.constant 1 : i32
    %while3A_226:16 = scf.for %while3A_830 = %while3A_222 to %while3A_218 step %while3A_225 iter_args(%while3A_831 = %while3A_224#0, %while3A_832 = %while3A_224#1, %while3A_833 = %while3A_224#2, %while3A_834 = %while3A_224#3, %while3A_835 = %while3A_224#4, %while3A_836 = %while3A_224#5, %while3A_837 = %while3A_224#6, %while3A_838 = %while3A_224#7, %while3A_839 = %while3A_224#8, %while3A_840 = %while3A_224#9, %while3A_841 = %while3A_224#10, %while3A_842 = %while3A_224#11, %while3A_843 = %while3A_224#12, %while3A_844 = %while3A_224#13, %while3A_845 = %while3A_224#14, %while3A_846 = %while3A_224#15) -> (vector<16xf32>, vector<16xf32>, vector<16xf32>, vector<16xf32>, vector<16xf32>, vector<16xf32>, vector<16xf32>, vector<16xf32>, vector<16xf32>, vector<16xf32>, vector<16xf32>, vector<16xf32>, vector<16xf32>, vector<16xf32>, vector<16xf32>, vector<16xf32>)  : i32 {
      %mul3A_847 = arith.constant 64 : i32
      %mul3A_848 = arith.muli %while3A_830, %mul3A_847 : i32
      %add3A_849 = arith.addi %add3A_78, %mul3A_848 : i32
      %min3A = arith.constant 9936 : i32
      %min3A_850 = arith.minsi %add3A_849, %min3A : i32
      %sub3A_851 = arith.subi %add3A_849, %min3A_850 : i32
      %add3A_852 = arith.constant 64 : i32
      %add3A_853 = arith.addi %min3A_850, %add3A_852 : i32
      %min3A_854 = arith.minsi %add3A_161, %add3A_853 : i32
      %sub3A_855 = arith.subi %min3A_854, %min3A_850 : i32
      "tpu.region"() ({
        %run_scoped3A = tpu.sem_alloc : memref<!tpu.dma_semaphore, #tpu.memory_space<semaphore_mem>>
        %dma_start3A = arith.constant 0 : i32
        %dma_start3A_866 = tpu.memref_slice %arg2[%min3A_850, %dma_start3A] : memref<10000x128xf32, #tpu.memory_space<hbm>> -> memref<64x128xf32, #tpu.memory_space<hbm>>
        %dma_start3A_867 = arith.constant 0 : i32
        %dma_start3A_868 = tpu.memref_slice %arg2[%min3A_850, %dma_start3A_867] : memref<10000x128xf32, #tpu.memory_space<hbm>> -> memref<64x128xf32, #tpu.memory_space<hbm>>
        tpu.enqueue_dma source(%dma_start3A_868 : memref<64x128xf32, #tpu.memory_space<hbm>>) target(%arg9 : memref<64x128xf32, #tpu.memory_space<vmem>>) target_semaphore(%run_scoped3A : memref<!tpu.dma_semaphore, #tpu.memory_space<semaphore_mem>>)
        %dma_wait3A = arith.constant 0 : i32
        %dma_wait3A_869 = tpu.memref_slice %arg2[%min3A_850, %dma_wait3A] : memref<10000x128xf32, #tpu.memory_space<hbm>> -> memref<64x128xf32, #tpu.memory_space<hbm>>
        %dma_wait3A_870 = arith.constant 0 : i32
        %dma_wait3A_871 = tpu.memref_slice %arg2[%min3A_850, %dma_wait3A_870] : memref<10000x128xf32, #tpu.memory_space<hbm>> -> memref<64x128xf32, #tpu.memory_space<hbm>>
        tpu.wait_dma2 semaphore(%run_scoped3A : memref<!tpu.dma_semaphore, #tpu.memory_space<semaphore_mem>>) src(%dma_wait3A_871 : memref<64x128xf32, #tpu.memory_space<hbm>>) dst(%arg9 : memref<64x128xf32, #tpu.memory_space<vmem>>)
        tpu.yield
      }) : () -> ()
      %while3A_856 = arith.subi %sub3A_855, %sub3A_851 : i32
      %while3A_857 = arith.addi %sub3A_851, %while3A_856 : i32
      %while3A_858 = arith.constant 1 : i32
      %while3A_859 = arith.divsi %while3A_856, %while3A_858 : i32
      %while3A_860 = arith.muli %while3A_859, %while3A_858 : i32
      %while3A_861 = arith.addi %sub3A_851, %while3A_860 : i32
      %while3A_862 = arith.constant 1 : i32
      %while3A_863:16 = scf.for %while3A_866 = %sub3A_851 to %while3A_861 step %while3A_862 iter_args(%while3A_867 = %while3A_831, %while3A_868 = %while3A_832, %while3A_869 = %while3A_833, %while3A_870 = %while3A_834, %while3A_871 = %while3A_835, %while3A_872 = %while3A_836, %while3A_873 = %while3A_837, %while3A_874 = %while3A_838, %while3A_875 = %while3A_839, %while3A_876 = %while3A_840, %while3A_877 = %while3A_841, %while3A_878 = %while3A_842, %while3A_879 = %while3A_843, %while3A_880 = %while3A_844, %while3A_881 = %while3A_845, %while3A_882 = %while3A_846) -> (vector<16xf32>, vector<16xf32>, vector<16xf32>, vector<16xf32>, vector<16xf32>, vector<16xf32>, vector<16xf32>, vector<16xf32>, vector<16xf32>, vector<16xf32>, vector<16xf32>, vector<16xf32>, vector<16xf32>, vector<16xf32>, vector<16xf32>, vector<16xf32>)  : i32 {
        %get3A_883 = arith.index_cast %while3A_866 : i32 to index
        %get3A_884 = arith.constant 0 : index
        %get3A_885 = tpu.vector_load %arg9[%get3A_883, %get3A_884] {strides = array<i32>} : memref<64x128xf32, #tpu.memory_space<vmem>>, vector<16xf32>,
        %add3A_886 = arith.addf %while3A_867, %get3A_885 : vector<16xf32>
        %max3A = arith.maximumf %while3A_875, %get3A_885 : vector<16xf32>
        %get3A_887 = arith.index_cast %while3A_866 : i32 to index
        %get3A_888 = arith.constant 16 : index
        %get3A_889 = tpu.vector_load %arg9[%get3A_887, %get3A_888] {strides = array<i32>} : memref<64x128xf32, #tpu.memory_space<vmem>>, vector<16xf32>,
        %add3A_890 = arith.addf %while3A_868, %get3A_889 : vector<16xf32>
        %max3A_891 = arith.maximumf %while3A_876, %get3A_889 : vector<16xf32>
        %get3A_892 = arith.index_cast %while3A_866 : i32 to index
        %get3A_893 = arith.constant 32 : index
        %get3A_894 = tpu.vector_load %arg9[%get3A_892, %get3A_893] {strides = array<i32>} : memref<64x128xf32, #tpu.memory_space<vmem>>, vector<16xf32>,
        %add3A_895 = arith.addf %while3A_869, %get3A_894 : vector<16xf32>
        %max3A_896 = arith.maximumf %while3A_877, %get3A_894 : vector<16xf32>
        %get3A_897 = arith.index_cast %while3A_866 : i32 to index
        %get3A_898 = arith.constant 48 : index
        %get3A_899 = tpu.vector_load %arg9[%get3A_897, %get3A_898] {strides = array<i32>} : memref<64x128xf32, #tpu.memory_space<vmem>>, vector<16xf32>,
        %add3A_900 = arith.addf %while3A_870, %get3A_899 : vector<16xf32>
        %max3A_901 = arith.maximumf %while3A_878, %get3A_899 : vector<16xf32>
        %get3A_902 = arith.index_cast %while3A_866 : i32 to index
        %get3A_903 = arith.constant 64 : index
        %get3A_904 = tpu.vector_load %arg9[%get3A_902, %get3A_903] {strides = array<i32>} : memref<64x128xf32, #tpu.memory_space<vmem>>, vector<16xf32>,
        %add3A_905 = arith.addf %while3A_871, %get3A_904 : vector<16xf32>
        %max3A_906 = arith.maximumf %while3A_879, %get3A_904 : vector<16xf32>
        %get3A_907 = arith.index_cast %while3A_866 : i32 to index
        %get3A_908 = arith.constant 80 : index
        %get3A_909 = tpu.vector_load %arg9[%get3A_907, %get3A_908] {strides = array<i32>} : memref<64x128xf32, #tpu.memory_space<vmem>>, vector<16xf32>,
        %add3A_910 = arith.addf %while3A_872, %get3A_909 : vector<16xf32>
        %max3A_911 = arith.maximumf %while3A_880, %get3A_909 : vector<16xf32>
        %get3A_912 = arith.index_cast %while3A_866 : i32 to index
        %get3A_913 = arith.constant 96 : index
        %get3A_914 = tpu.vector_load %arg9[%get3A_912, %get3A_913] {strides = array<i32>} : memref<64x128xf32, #tpu.memory_space<vmem>>, vector<16xf32>,
        %add3A_915 = arith.addf %while3A_873, %get3A_914 : vector<16xf32>
        %max3A_916 = arith.maximumf %while3A_881, %get3A_914 : vector<16xf32>
        %get3A_917 = arith.index_cast %while3A_866 : i32 to index
        %get3A_918 = arith.constant 112 : index
        %get3A_919 = tpu.vector_load %arg9[%get3A_917, %get3A_918] {strides = array<i32>} : memref<64x128xf32, #tpu.memory_space<vmem>>, vector<16xf32>,
        %add3A_920 = arith.addf %while3A_874, %get3A_919 : vector<16xf32>
        %max3A_921 = arith.maximumf %while3A_882, %get3A_919 : vector<16xf32>
        scf.yield %add3A_886, %add3A_890, %add3A_895, %add3A_900, %add3A_905, %add3A_910, %add3A_915, %add3A_920, %max3A, %max3A_891, %max3A_896, %max3A_901, %max3A_906, %max3A_911, %max3A_916, %max3A_921 : vector<16xf32>, vector<16xf32>, vector<16xf32>, vector<16xf32>, vector<16xf32>, vector<16xf32>, vector<16xf32>, vector<16xf32>, vector<16xf32>, vector<16xf32>, vector<16xf32>, vector<16xf32>, vector<16xf32>, vector<16xf32>, vector<16xf32>, vector<16xf32>
      }
      %while3A_864 = arith.constant 1 : i32
      %while3A_865:16 = scf.for %while3A_866 = %while3A_861 to %while3A_857 step %while3A_864 iter_args(%while3A_867 = %while3A_863#0, %while3A_868 = %while3A_863#1, %while3A_869 = %while3A_863#2, %while3A_870 = %while3A_863#3, %while3A_871 = %while3A_863#4, %while3A_872 = %while3A_863#5, %while3A_873 = %while3A_863#6, %while3A_874 = %while3A_863#7, %while3A_875 = %while3A_863#8, %while3A_876 = %while3A_863#9, %while3A_877 = %while3A_863#10, %while3A_878 = %while3A_863#11, %while3A_879 = %while3A_863#12, %while3A_880 = %while3A_863#13, %while3A_881 = %while3A_863#14, %while3A_882 = %while3A_863#15) -> (vector<16xf32>, vector<16xf32>, vector<16xf32>, vector<16xf32>, vector<16xf32>, vector<16xf32>, vector<16xf32>, vector<16xf32>, vector<16xf32>, vector<16xf32>, vector<16xf32>, vector<16xf32>, vector<16xf32>, vector<16xf32>, vector<16xf32>, vector<16xf32>)  : i32 {
        %get3A_883 = arith.index_cast %while3A_866 : i32 to index
        %get3A_884 = arith.constant 0 : index
        %get3A_885 = tpu.vector_load %arg9[%get3A_883, %get3A_884] {strides = array<i32>} : memref<64x128xf32, #tpu.memory_space<vmem>>, vector<16xf32>,
        %add3A_886 = arith.addf %while3A_867, %get3A_885 : vector<16xf32>
        %max3A = arith.maximumf %while3A_875, %get3A_885 : vector<16xf32>
        %get3A_887 = arith.index_cast %while3A_866 : i32 to index
        %get3A_888 = arith.constant 16 : index
        %get3A_889 = tpu.vector_load %arg9[%get3A_887, %get3A_888] {strides = array<i32>} : memref<64x128xf32, #tpu.memory_space<vmem>>, vector<16xf32>,
        %add3A_890 = arith.addf %while3A_868, %get3A_889 : vector<16xf32>
        %max3A_891 = arith.maximumf %while3A_876, %get3A_889 : vector<16xf32>
        %get3A_892 = arith.index_cast %while3A_866 : i32 to index
        %get3A_893 = arith.constant 32 : index
        %get3A_894 = tpu.vector_load %arg9[%get3A_892, %get3A_893] {strides = array<i32>} : memref<64x128xf32, #tpu.memory_space<vmem>>, vector<16xf32>,
        %add3A_895 = arith.addf %while3A_869, %get3A_894 : vector<16xf32>
        %max3A_896 = arith.maximumf %while3A_877, %get3A_894 : vector<16xf32>
        %get3A_897 = arith.index_cast %while3A_866 : i32 to index
        %get3A_898 = arith.constant 48 : index
        %get3A_899 = tpu.vector_load %arg9[%get3A_897, %get3A_898] {strides = array<i32>} : memref<64x128xf32, #tpu.memory_space<vmem>>, vector<16xf32>,
        %add3A_900 = arith.addf %while3A_870, %get3A_899 : vector<16xf32>
        %max3A_901 = arith.maximumf %while3A_878, %get3A_899 : vector<16xf32>
        %get3A_902 = arith.index_cast %while3A_866 : i32 to index
        %get3A_903 = arith.constant 64 : index
        %get3A_904 = tpu.vector_load %arg9[%get3A_902, %get3A_903] {strides = array<i32>} : memref<64x128xf32, #tpu.memory_space<vmem>>, vector<16xf32>,
        %add3A_905 = arith.addf %while3A_871, %get3A_904 : vector<16xf32>
        %max3A_906 = arith.maximumf %while3A_879, %get3A_904 : vector<16xf32>
        %get3A_907 = arith.index_cast %while3A_866 : i32 to index
        %get3A_908 = arith.constant 80 : index
        %get3A_909 = tpu.vector_load %arg9[%get3A_907, %get3A_908] {strides = array<i32>} : memref<64x128xf32, #tpu.memory_space<vmem>>, vector<16xf32>,
        %add3A_910 = arith.addf %while3A_872, %get3A_909 : vector<16xf32>
        %max3A_911 = arith.maximumf %while3A_880, %get3A_909 : vector<16xf32>
        %get3A_912 = arith.index_cast %while3A_866 : i32 to index
        %get3A_913 = arith.constant 96 : index
        %get3A_914 = tpu.vector_load %arg9[%get3A_912, %get3A_913] {strides = array<i32>} : memref<64x128xf32, #tpu.memory_space<vmem>>, vector<16xf32>,
        %add3A_915 = arith.addf %while3A_873, %get3A_914 : vector<16xf32>
        %max3A_916 = arith.maximumf %while3A_881, %get3A_914 : vector<16xf32>
        %get3A_917 = arith.index_cast %while3A_866 : i32 to index
        %get3A_918 = arith.constant 112 : index
        %get3A_919 = tpu.vector_load %arg9[%get3A_917, %get3A_918] {strides = array<i32>} : memref<64x128xf32, #tpu.memory_space<vmem>>, vector<16xf32>,
        %add3A_920 = arith.addf %while3A_874, %get3A_919 : vector<16xf32>
        %max3A_921 = arith.maximumf %while3A_882, %get3A_919 : vector<16xf32>
        scf.yield %add3A_886, %add3A_890, %add3A_895, %add3A_900, %add3A_905, %add3A_910, %add3A_915, %add3A_920, %max3A, %max3A_891, %max3A_896, %max3A_901, %max3A_906, %max3A_911, %max3A_916, %max3A_921 : vector<16xf32>, vector<16xf32>, vector<16xf32>, vector<16xf32>, vector<16xf32>, vector<16xf32>, vector<16xf32>, vector<16xf32>, vector<16xf32>, vector<16xf32>, vector<16xf32>, vector<16xf32>, vector<16xf32>, vector<16xf32>, vector<16xf32>, vector<16xf32>
      }
      scf.yield %while3A_865#0, %while3A_865#1, %while3A_865#2, %while3A_865#3, %while3A_865#4, %while3A_865#5, %while3A_865#6, %while3A_865#7, %while3A_865#8, %while3A_865#9, %while3A_865#10, %while3A_865#11, %while3A_865#12, %while3A_865#13, %while3A_865#14, %while3A_865#15 : vector<16xf32>, vector<16xf32>, vector<16xf32>, vector<16xf32>, vector<16xf32>, vector<16xf32>, vector<16xf32>, vector<16xf32>, vector<16xf32>, vector<16xf32>, vector<16xf32>, vector<16xf32>, vector<16xf32>, vector<16xf32>, vector<16xf32>, vector<16xf32>
    }
    %swap3A = arith.constant 0 : index
    %swap3A_227 = tpu.vector_load %arg10[%swap3A] {strides = array<i32>} : memref<384xf32, #tpu.memory_space<vmem>>, vector<16xf32>,
    tpu.vector_store %arg10[%swap3A], %while3A_226#0 {strides = array<i32>} : memref<384xf32, #tpu.memory_space<vmem>>, vector<16xf32>,
    %swap3A_228 = arith.constant 0 : index
    %swap3A_229 = tpu.vector_load %arg11[%swap3A_228] {strides = array<i32>} : memref<384xf32, #tpu.memory_space<vmem>>, vector<16xf32>,
    tpu.vector_store %arg11[%swap3A_228], %while3A_226#8 {strides = array<i32>} : memref<384xf32, #tpu.memory_space<vmem>>, vector<16xf32>,
    %swap3A_230 = arith.constant 16 : index
    %swap3A_231 = tpu.vector_load %arg10[%swap3A_230] {strides = array<i32>} : memref<384xf32, #tpu.memory_space<vmem>>, vector<16xf32>,
    tpu.vector_store %arg10[%swap3A_230], %while3A_226#1 {strides = array<i32>} : memref<384xf32, #tpu.memory_space<vmem>>, vector<16xf32>,
    %swap3A_232 = arith.constant 16 : index
    %swap3A_233 = tpu.vector_load %arg11[%swap3A_232] {strides = array<i32>} : memref<384xf32, #tpu.memory_space<vmem>>, vector<16xf32>,
    tpu.vector_store %arg11[%swap3A_232], %while3A_226#9 {strides = array<i32>} : memref<384xf32, #tpu.memory_space<vmem>>, vector<16xf32>,
    %swap3A_234 = arith.constant 32 : index
    %swap3A_235 = tpu.vector_load %arg10[%swap3A_234] {strides = array<i32>} : memref<384xf32, #tpu.memory_space<vmem>>, vector<16xf32>,
    tpu.vector_store %arg10[%swap3A_234], %while3A_226#2 {strides = array<i32>} : memref<384xf32, #tpu.memory_space<vmem>>, vector<16xf32>,
    %swap3A_236 = arith.constant 32 : index
    %swap3A_237 = tpu.vector_load %arg11[%swap3A_236] {strides = array<i32>} : memref<384xf32, #tpu.memory_space<vmem>>, vector<16xf32>,
    tpu.vector_store %arg11[%swap3A_236], %while3A_226#10 {strides = array<i32>} : memref<384xf32, #tpu.memory_space<vmem>>, vector<16xf32>,
    %swap3A_238 = arith.constant 48 : index
    %swap3A_239 = tpu.vector_load %arg10[%swap3A_238] {strides = array<i32>} : memref<384xf32, #tpu.memory_space<vmem>>, vector<16xf32>,
    tpu.vector_store %arg10[%swap3A_238], %while3A_226#3 {strides = array<i32>} : memref<384xf32, #tpu.memory_space<vmem>>, vector<16xf32>,
    %swap3A_240 = arith.constant 48 : index
    %swap3A_241 = tpu.vector_load %arg11[%swap3A_240] {strides = array<i32>} : memref<384xf32, #tpu.memory_space<vmem>>, vector<16xf32>,
    tpu.vector_store %arg11[%swap3A_240], %while3A_226#11 {strides = array<i32>} : memref<384xf32, #tpu.memory_space<vmem>>, vector<16xf32>,
    %swap3A_242 = arith.constant 64 : index
    %swap3A_243 = tpu.vector_load %arg10[%swap3A_242] {strides = array<i32>} : memref<384xf32, #tpu.memory_space<vmem>>, vector<16xf32>,
    tpu.vector_store %arg10[%swap3A_242], %while3A_226#4 {strides = array<i32>} : memref<384xf32, #tpu.memory_space<vmem>>, vector<16xf32>,
    %swap3A_244 = arith.constant 64 : index
    %swap3A_245 = tpu.vector_load %arg11[%swap3A_244] {strides = array<i32>} : memref<384xf32, #tpu.memory_space<vmem>>, vector<16xf32>,
    tpu.vector_store %arg11[%swap3A_244], %while3A_226#12 {strides = array<i32>} : memref<384xf32, #tpu.memory_space<vmem>>, vector<16xf32>,
    %swap3A_246 = arith.constant 80 : index
    %swap3A_247 = tpu.vector_load %arg10[%swap3A_246] {strides = array<i32>} : memref<384xf32, #tpu.memory_space<vmem>>, vector<16xf32>,
    tpu.vector_store %arg10[%swap3A_246], %while3A_226#5 {strides = array<i32>} : memref<384xf32, #tpu.memory_space<vmem>>, vector<16xf32>,
    %swap3A_248 = arith.constant 80 : index
    %swap3A_249 = tpu.vector_load %arg11[%swap3A_248] {strides = array<i32>} : memref<384xf32, #tpu.memory_space<vmem>>, vector<16xf32>,
    tpu.vector_store %arg11[%swap3A_248], %while3A_226#13 {strides = array<i32>} : memref<384xf32, #tpu.memory_space<vmem>>, vector<16xf32>,
    %swap3A_250 = arith.constant 96 : index
    %swap3A_251 = tpu.vector_load %arg10[%swap3A_250] {strides = array<i32>} : memref<384xf32, #tpu.memory_space<vmem>>, vector<16xf32>,
    tpu.vector_store %arg10[%swap3A_250], %while3A_226#6 {strides = array<i32>} : memref<384xf32, #tpu.memory_space<vmem>>, vector<16xf32>,
    %swap3A_252 = arith.constant 96 : index
    %swap3A_253 = tpu.vector_load %arg11[%swap3A_252] {strides = array<i32>} : memref<384xf32, #tpu.memory_space<vmem>>, vector<16xf32>,
    tpu.vector_store %arg11[%swap3A_252], %while3A_226#14 {strides = array<i32>} : memref<384xf32, #tpu.memory_space<vmem>>, vector<16xf32>,
    %swap3A_254 = arith.constant 112 : index
    %swap3A_255 = tpu.vector_load %arg10[%swap3A_254] {strides = array<i32>} : memref<384xf32, #tpu.memory_space<vmem>>, vector<16xf32>,
    tpu.vector_store %arg10[%swap3A_254], %while3A_226#7 {strides = array<i32>} : memref<384xf32, #tpu.memory_space<vmem>>, vector<16xf32>,
    %swap3A_256 = arith.constant 112 : index
    %swap3A_257 = tpu.vector_load %arg11[%swap3A_256] {strides = array<i32>} : memref<384xf32, #tpu.memory_space<vmem>>, vector<16xf32>,
    tpu.vector_store %arg11[%swap3A_256], %while3A_226#15 {strides = array<i32>} : memref<384xf32, #tpu.memory_space<vmem>>, vector<16xf32>,
    %broadcast_in_dim3A_258 = arith.constant 0.000000e+00 : f32
    %broadcast_in_dim3A_259 = vector.broadcast %broadcast_in_dim3A_258 : f32 to vector<16xf32>
    %broadcast_in_dim3A_260 = arith.constant 0.000000e+00 : f32
    %broadcast_in_dim3A_261 = vector.broadcast %broadcast_in_dim3A_260 : f32 to vector<16xf32>
    %broadcast_in_dim3A_262 = arith.constant 0.000000e+00 : f32
    %broadcast_in_dim3A_263 = vector.broadcast %broadcast_in_dim3A_262 : f32 to vector<16xf32>
    %broadcast_in_dim3A_264 = arith.constant 0.000000e+00 : f32
    %broadcast_in_dim3A_265 = vector.broadcast %broadcast_in_dim3A_264 : f32 to vector<16xf32>
    %broadcast_in_dim3A_266 = arith.constant 0.000000e+00 : f32
    %broadcast_in_dim3A_267 = vector.broadcast %broadcast_in_dim3A_266 : f32 to vector<16xf32>
    %broadcast_in_dim3A_268 = arith.constant 0.000000e+00 : f32
    %broadcast_in_dim3A_269 = vector.broadcast %broadcast_in_dim3A_268 : f32 to vector<16xf32>
    %broadcast_in_dim3A_270 = arith.constant 0.000000e+00 : f32
    %broadcast_in_dim3A_271 = vector.broadcast %broadcast_in_dim3A_270 : f32 to vector<16xf32>
    %broadcast_in_dim3A_272 = arith.constant 0.000000e+00 : f32
    %broadcast_in_dim3A_273 = vector.broadcast %broadcast_in_dim3A_272 : f32 to vector<16xf32>
    %broadcast_in_dim3A_274 = arith.constant 0xFF800000 : f32
    %broadcast_in_dim3A_275 = vector.broadcast %broadcast_in_dim3A_274 : f32 to vector<16xf32>
    %broadcast_in_dim3A_276 = arith.constant 0xFF800000 : f32
    %broadcast_in_dim3A_277 = vector.broadcast %broadcast_in_dim3A_276 : f32 to vector<16xf32>
    %broadcast_in_dim3A_278 = arith.constant 0xFF800000 : f32
    %broadcast_in_dim3A_279 = vector.broadcast %broadcast_in_dim3A_278 : f32 to vector<16xf32>
    %broadcast_in_dim3A_280 = arith.constant 0xFF800000 : f32
    %broadcast_in_dim3A_281 = vector.broadcast %broadcast_in_dim3A_280 : f32 to vector<16xf32>
    %broadcast_in_dim3A_282 = arith.constant 0xFF800000 : f32
    %broadcast_in_dim3A_283 = vector.broadcast %broadcast_in_dim3A_282 : f32 to vector<16xf32>
    %broadcast_in_dim3A_284 = arith.constant 0xFF800000 : f32
    %broadcast_in_dim3A_285 = vector.broadcast %broadcast_in_dim3A_284 : f32 to vector<16xf32>
    %broadcast_in_dim3A_286 = arith.constant 0xFF800000 : f32
    %broadcast_in_dim3A_287 = vector.broadcast %broadcast_in_dim3A_286 : f32 to vector<16xf32>
    %broadcast_in_dim3A_288 = arith.constant 0xFF800000 : f32
    %broadcast_in_dim3A_289 = vector.broadcast %broadcast_in_dim3A_288 : f32 to vector<16xf32>
    %while3A_290 = arith.constant 0 : i32
    %while3A_291 = arith.subi %select_n3A_184, %while3A_290 : i32
    %while3A_292 = arith.addi %while3A_290, %while3A_291 : i32
    %while3A_293 = arith.constant 1 : i32
    %while3A_294 = arith.divsi %while3A_291, %while3A_293 : i32
    %while3A_295 = arith.muli %while3A_294, %while3A_293 : i32
    %while3A_296 = arith.addi %while3A_290, %while3A_295 : i32
    %while3A_297 = arith.constant 1 : i32
    %while3A_298:16 = scf.for %while3A_830 = %while3A_290 to %while3A_296 step %while3A_297 iter_args(%while3A_831 = %broadcast_in_dim3A_259, %while3A_832 = %broadcast_in_dim3A_261, %while3A_833 = %broadcast_in_dim3A_263, %while3A_834 = %broadcast_in_dim3A_265, %while3A_835 = %broadcast_in_dim3A_267, %while3A_836 = %broadcast_in_dim3A_269, %while3A_837 = %broadcast_in_dim3A_271, %while3A_838 = %broadcast_in_dim3A_273, %while3A_839 = %broadcast_in_dim3A_275, %while3A_840 = %broadcast_in_dim3A_277, %while3A_841 = %broadcast_in_dim3A_279, %while3A_842 = %broadcast_in_dim3A_281, %while3A_843 = %broadcast_in_dim3A_283, %while3A_844 = %broadcast_in_dim3A_285, %while3A_845 = %broadcast_in_dim3A_287, %while3A_846 = %broadcast_in_dim3A_289) -> (vector<16xf32>, vector<16xf32>, vector<16xf32>, vector<16xf32>, vector<16xf32>, vector<16xf32>, vector<16xf32>, vector<16xf32>, vector<16xf32>, vector<16xf32>, vector<16xf32>, vector<16xf32>, vector<16xf32>, vector<16xf32>, vector<16xf32>, vector<16xf32>)  : i32 {
      %mul3A_847 = arith.constant 64 : i32
      %mul3A_848 = arith.muli %while3A_830, %mul3A_847 : i32
      %add3A_849 = arith.addi %add3A_78, %mul3A_848 : i32
      %min3A = arith.constant 9936 : i32
      %min3A_850 = arith.minsi %add3A_849, %min3A : i32
      %sub3A_851 = arith.subi %add3A_849, %min3A_850 : i32
      %add3A_852 = arith.constant 64 : i32
      %add3A_853 = arith.addi %min3A_850, %add3A_852 : i32
      %min3A_854 = arith.minsi %add3A_161, %add3A_853 : i32
      %sub3A_855 = arith.subi %min3A_854, %min3A_850 : i32
      "tpu.region"() ({
        %run_scoped3A = tpu.sem_alloc : memref<!tpu.dma_semaphore, #tpu.memory_space<semaphore_mem>>
        %dma_start3A = arith.constant 0 : i32
        %dma_start3A_866 = tpu.memref_slice %arg3[%min3A_850, %dma_start3A] : memref<10000x128xf32, #tpu.memory_space<hbm>> -> memref<64x128xf32, #tpu.memory_space<hbm>>
        %dma_start3A_867 = arith.constant 0 : i32
        %dma_start3A_868 = tpu.memref_slice %arg3[%min3A_850, %dma_start3A_867] : memref<10000x128xf32, #tpu.memory_space<hbm>> -> memref<64x128xf32, #tpu.memory_space<hbm>>
        tpu.enqueue_dma source(%dma_start3A_868 : memref<64x128xf32, #tpu.memory_space<hbm>>) target(%arg9 : memref<64x128xf32, #tpu.memory_space<vmem>>) target_semaphore(%run_scoped3A : memref<!tpu.dma_semaphore, #tpu.memory_space<semaphore_mem>>)
        %dma_wait3A = arith.constant 0 : i32
        %dma_wait3A_869 = tpu.memref_slice %arg3[%min3A_850, %dma_wait3A] : memref<10000x128xf32, #tpu.memory_space<hbm>> -> memref<64x128xf32, #tpu.memory_space<hbm>>
        %dma_wait3A_870 = arith.constant 0 : i32
        %dma_wait3A_871 = tpu.memref_slice %arg3[%min3A_850, %dma_wait3A_870] : memref<10000x128xf32, #tpu.memory_space<hbm>> -> memref<64x128xf32, #tpu.memory_space<hbm>>
        tpu.wait_dma2 semaphore(%run_scoped3A : memref<!tpu.dma_semaphore, #tpu.memory_space<semaphore_mem>>) src(%dma_wait3A_871 : memref<64x128xf32, #tpu.memory_space<hbm>>) dst(%arg9 : memref<64x128xf32, #tpu.memory_space<vmem>>)
        tpu.yield
      }) : () -> ()
      %while3A_856 = arith.subi %sub3A_855, %sub3A_851 : i32
      %while3A_857 = arith.addi %sub3A_851, %while3A_856 : i32
      %while3A_858 = arith.constant 1 : i32
      %while3A_859 = arith.divsi %while3A_856, %while3A_858 : i32
      %while3A_860 = arith.muli %while3A_859, %while3A_858 : i32
      %while3A_861 = arith.addi %sub3A_851, %while3A_860 : i32
      %while3A_862 = arith.constant 1 : i32
      %while3A_863:16 = scf.for %while3A_866 = %sub3A_851 to %while3A_861 step %while3A_862 iter_args(%while3A_867 = %while3A_831, %while3A_868 = %while3A_832, %while3A_869 = %while3A_833, %while3A_870 = %while3A_834, %while3A_871 = %while3A_835, %while3A_872 = %while3A_836, %while3A_873 = %while3A_837, %while3A_874 = %while3A_838, %while3A_875 = %while3A_839, %while3A_876 = %while3A_840, %while3A_877 = %while3A_841, %while3A_878 = %while3A_842, %while3A_879 = %while3A_843, %while3A_880 = %while3A_844, %while3A_881 = %while3A_845, %while3A_882 = %while3A_846) -> (vector<16xf32>, vector<16xf32>, vector<16xf32>, vector<16xf32>, vector<16xf32>, vector<16xf32>, vector<16xf32>, vector<16xf32>, vector<16xf32>, vector<16xf32>, vector<16xf32>, vector<16xf32>, vector<16xf32>, vector<16xf32>, vector<16xf32>, vector<16xf32>)  : i32 {
        %get3A_883 = arith.index_cast %while3A_866 : i32 to index
        %get3A_884 = arith.constant 0 : index
        %get3A_885 = tpu.vector_load %arg9[%get3A_883, %get3A_884] {strides = array<i32>} : memref<64x128xf32, #tpu.memory_space<vmem>>, vector<16xf32>,
        %add3A_886 = arith.addf %while3A_867, %get3A_885 : vector<16xf32>
        %max3A = arith.maximumf %while3A_875, %get3A_885 : vector<16xf32>
        %get3A_887 = arith.index_cast %while3A_866 : i32 to index
        %get3A_888 = arith.constant 16 : index
        %get3A_889 = tpu.vector_load %arg9[%get3A_887, %get3A_888] {strides = array<i32>} : memref<64x128xf32, #tpu.memory_space<vmem>>, vector<16xf32>,
        %add3A_890 = arith.addf %while3A_868, %get3A_889 : vector<16xf32>
        %max3A_891 = arith.maximumf %while3A_876, %get3A_889 : vector<16xf32>
        %get3A_892 = arith.index_cast %while3A_866 : i32 to index
        %get3A_893 = arith.constant 32 : index
        %get3A_894 = tpu.vector_load %arg9[%get3A_892, %get3A_893] {strides = array<i32>} : memref<64x128xf32, #tpu.memory_space<vmem>>, vector<16xf32>,
        %add3A_895 = arith.addf %while3A_869, %get3A_894 : vector<16xf32>
        %max3A_896 = arith.maximumf %while3A_877, %get3A_894 : vector<16xf32>
        %get3A_897 = arith.index_cast %while3A_866 : i32 to index
        %get3A_898 = arith.constant 48 : index
        %get3A_899 = tpu.vector_load %arg9[%get3A_897, %get3A_898] {strides = array<i32>} : memref<64x128xf32, #tpu.memory_space<vmem>>, vector<16xf32>,
        %add3A_900 = arith.addf %while3A_870, %get3A_899 : vector<16xf32>
        %max3A_901 = arith.maximumf %while3A_878, %get3A_899 : vector<16xf32>
        %get3A_902 = arith.index_cast %while3A_866 : i32 to index
        %get3A_903 = arith.constant 64 : index
        %get3A_904 = tpu.vector_load %arg9[%get3A_902, %get3A_903] {strides = array<i32>} : memref<64x128xf32, #tpu.memory_space<vmem>>, vector<16xf32>,
        %add3A_905 = arith.addf %while3A_871, %get3A_904 : vector<16xf32>
        %max3A_906 = arith.maximumf %while3A_879, %get3A_904 : vector<16xf32>
        %get3A_907 = arith.index_cast %while3A_866 : i32 to index
        %get3A_908 = arith.constant 80 : index
        %get3A_909 = tpu.vector_load %arg9[%get3A_907, %get3A_908] {strides = array<i32>} : memref<64x128xf32, #tpu.memory_space<vmem>>, vector<16xf32>,
        %add3A_910 = arith.addf %while3A_872, %get3A_909 : vector<16xf32>
        %max3A_911 = arith.maximumf %while3A_880, %get3A_909 : vector<16xf32>
        %get3A_912 = arith.index_cast %while3A_866 : i32 to index
        %get3A_913 = arith.constant 96 : index
        %get3A_914 = tpu.vector_load %arg9[%get3A_912, %get3A_913] {strides = array<i32>} : memref<64x128xf32, #tpu.memory_space<vmem>>, vector<16xf32>,
        %add3A_915 = arith.addf %while3A_873, %get3A_914 : vector<16xf32>
        %max3A_916 = arith.maximumf %while3A_881, %get3A_914 : vector<16xf32>
        %get3A_917 = arith.index_cast %while3A_866 : i32 to index
        %get3A_918 = arith.constant 112 : index
        %get3A_919 = tpu.vector_load %arg9[%get3A_917, %get3A_918] {strides = array<i32>} : memref<64x128xf32, #tpu.memory_space<vmem>>, vector<16xf32>,
        %add3A_920 = arith.addf %while3A_874, %get3A_919 : vector<16xf32>
        %max3A_921 = arith.maximumf %while3A_882, %get3A_919 : vector<16xf32>
        scf.yield %add3A_886, %add3A_890, %add3A_895, %add3A_900, %add3A_905, %add3A_910, %add3A_915, %add3A_920, %max3A, %max3A_891, %max3A_896, %max3A_901, %max3A_906, %max3A_911, %max3A_916, %max3A_921 : vector<16xf32>, vector<16xf32>, vector<16xf32>, vector<16xf32>, vector<16xf32>, vector<16xf32>, vector<16xf32>, vector<16xf32>, vector<16xf32>, vector<16xf32>, vector<16xf32>, vector<16xf32>, vector<16xf32>, vector<16xf32>, vector<16xf32>, vector<16xf32>
      }
      %while3A_864 = arith.constant 1 : i32
      %while3A_865:16 = scf.for %while3A_866 = %while3A_861 to %while3A_857 step %while3A_864 iter_args(%while3A_867 = %while3A_863#0, %while3A_868 = %while3A_863#1, %while3A_869 = %while3A_863#2, %while3A_870 = %while3A_863#3, %while3A_871 = %while3A_863#4, %while3A_872 = %while3A_863#5, %while3A_873 = %while3A_863#6, %while3A_874 = %while3A_863#7, %while3A_875 = %while3A_863#8, %while3A_876 = %while3A_863#9, %while3A_877 = %while3A_863#10, %while3A_878 = %while3A_863#11, %while3A_879 = %while3A_863#12, %while3A_880 = %while3A_863#13, %while3A_881 = %while3A_863#14, %while3A_882 = %while3A_863#15) -> (vector<16xf32>, vector<16xf32>, vector<16xf32>, vector<16xf32>, vector<16xf32>, vector<16xf32>, vector<16xf32>, vector<16xf32>, vector<16xf32>, vector<16xf32>, vector<16xf32>, vector<16xf32>, vector<16xf32>, vector<16xf32>, vector<16xf32>, vector<16xf32>)  : i32 {
        %get3A_883 = arith.index_cast %while3A_866 : i32 to index
        %get3A_884 = arith.constant 0 : index
        %get3A_885 = tpu.vector_load %arg9[%get3A_883, %get3A_884] {strides = array<i32>} : memref<64x128xf32, #tpu.memory_space<vmem>>, vector<16xf32>,
        %add3A_886 = arith.addf %while3A_867, %get3A_885 : vector<16xf32>
        %max3A = arith.maximumf %while3A_875, %get3A_885 : vector<16xf32>
        %get3A_887 = arith.index_cast %while3A_866 : i32 to index
        %get3A_888 = arith.constant 16 : index
        %get3A_889 = tpu.vector_load %arg9[%get3A_887, %get3A_888] {strides = array<i32>} : memref<64x128xf32, #tpu.memory_space<vmem>>, vector<16xf32>,
        %add3A_890 = arith.addf %while3A_868, %get3A_889 : vector<16xf32>
        %max3A_891 = arith.maximumf %while3A_876, %get3A_889 : vector<16xf32>
        %get3A_892 = arith.index_cast %while3A_866 : i32 to index
        %get3A_893 = arith.constant 32 : index
        %get3A_894 = tpu.vector_load %arg9[%get3A_892, %get3A_893] {strides = array<i32>} : memref<64x128xf32, #tpu.memory_space<vmem>>, vector<16xf32>,
        %add3A_895 = arith.addf %while3A_869, %get3A_894 : vector<16xf32>
        %max3A_896 = arith.maximumf %while3A_877, %get3A_894 : vector<16xf32>
        %get3A_897 = arith.index_cast %while3A_866 : i32 to index
        %get3A_898 = arith.constant 48 : index
        %get3A_899 = tpu.vector_load %arg9[%get3A_897, %get3A_898] {strides = array<i32>} : memref<64x128xf32, #tpu.memory_space<vmem>>, vector<16xf32>,
        %add3A_900 = arith.addf %while3A_870, %get3A_899 : vector<16xf32>
        %max3A_901 = arith.maximumf %while3A_878, %get3A_899 : vector<16xf32>
        %get3A_902 = arith.index_cast %while3A_866 : i32 to index
        %get3A_903 = arith.constant 64 : index
        %get3A_904 = tpu.vector_load %arg9[%get3A_902, %get3A_903] {strides = array<i32>} : memref<64x128xf32, #tpu.memory_space<vmem>>, vector<16xf32>,
        %add3A_905 = arith.addf %while3A_871, %get3A_904 : vector<16xf32>
        %max3A_906 = arith.maximumf %while3A_879, %get3A_904 : vector<16xf32>
        %get3A_907 = arith.index_cast %while3A_866 : i32 to index
        %get3A_908 = arith.constant 80 : index
        %get3A_909 = tpu.vector_load %arg9[%get3A_907, %get3A_908] {strides = array<i32>} : memref<64x128xf32, #tpu.memory_space<vmem>>, vector<16xf32>,
        %add3A_910 = arith.addf %while3A_872, %get3A_909 : vector<16xf32>
        %max3A_911 = arith.maximumf %while3A_880, %get3A_909 : vector<16xf32>
        %get3A_912 = arith.index_cast %while3A_866 : i32 to index
        %get3A_913 = arith.constant 96 : index
        %get3A_914 = tpu.vector_load %arg9[%get3A_912, %get3A_913] {strides = array<i32>} : memref<64x128xf32, #tpu.memory_space<vmem>>, vector<16xf32>,
        %add3A_915 = arith.addf %while3A_873, %get3A_914 : vector<16xf32>
        %max3A_916 = arith.maximumf %while3A_881, %get3A_914 : vector<16xf32>
        %get3A_917 = arith.index_cast %while3A_866 : i32 to index
        %get3A_918 = arith.constant 112 : index
        %get3A_919 = tpu.vector_load %arg9[%get3A_917, %get3A_918] {strides = array<i32>} : memref<64x128xf32, #tpu.memory_space<vmem>>, vector<16xf32>,
        %add3A_920 = arith.addf %while3A_874, %get3A_919 : vector<16xf32>
        %max3A_921 = arith.maximumf %while3A_882, %get3A_919 : vector<16xf32>
        scf.yield %add3A_886, %add3A_890, %add3A_895, %add3A_900, %add3A_905, %add3A_910, %add3A_915, %add3A_920, %max3A, %max3A_891, %max3A_896, %max3A_901, %max3A_906, %max3A_911, %max3A_916, %max3A_921 : vector<16xf32>, vector<16xf32>, vector<16xf32>, vector<16xf32>, vector<16xf32>, vector<16xf32>, vector<16xf32>, vector<16xf32>, vector<16xf32>, vector<16xf32>, vector<16xf32>, vector<16xf32>, vector<16xf32>, vector<16xf32>, vector<16xf32>, vector<16xf32>
      }
      scf.yield %while3A_865#0, %while3A_865#1, %while3A_865#2, %while3A_865#3, %while3A_865#4, %while3A_865#5, %while3A_865#6, %while3A_865#7, %while3A_865#8, %while3A_865#9, %while3A_865#10, %while3A_865#11, %while3A_865#12, %while3A_865#13, %while3A_865#14, %while3A_865#15 : vector<16xf32>, vector<16xf32>, vector<16xf32>, vector<16xf32>, vector<16xf32>, vector<16xf32>, vector<16xf32>, vector<16xf32>, vector<16xf32>, vector<16xf32>, vector<16xf32>, vector<16xf32>, vector<16xf32>, vector<16xf32>, vector<16xf32>, vector<16xf32>
    }
    %while3A_299 = arith.constant 1 : i32
    %while3A_300:16 = scf.for %while3A_830 = %while3A_296 to %while3A_292 step %while3A_299 iter_args(%while3A_831 = %while3A_298#0, %while3A_832 = %while3A_298#1, %while3A_833 = %while3A_298#2, %while3A_834 = %while3A_298#3, %while3A_835 = %while3A_298#4, %while3A_836 = %while3A_298#5, %while3A_837 = %while3A_298#6, %while3A_838 = %while3A_298#7, %while3A_839 = %while3A_298#8, %while3A_840 = %while3A_298#9, %while3A_841 = %while3A_298#10, %while3A_842 = %while3A_298#11, %while3A_843 = %while3A_298#12, %while3A_844 = %while3A_298#13, %while3A_845 = %while3A_298#14, %while3A_846 = %while3A_298#15) -> (vector<16xf32>, vector<16xf32>, vector<16xf32>, vector<16xf32>, vector<16xf32>, vector<16xf32>, vector<16xf32>, vector<16xf32>, vector<16xf32>, vector<16xf32>, vector<16xf32>, vector<16xf32>, vector<16xf32>, vector<16xf32>, vector<16xf32>, vector<16xf32>)  : i32 {
      %mul3A_847 = arith.constant 64 : i32
      %mul3A_848 = arith.muli %while3A_830, %mul3A_847 : i32
      %add3A_849 = arith.addi %add3A_78, %mul3A_848 : i32
      %min3A = arith.constant 9936 : i32
      %min3A_850 = arith.minsi %add3A_849, %min3A : i32
      %sub3A_851 = arith.subi %add3A_849, %min3A_850 : i32
      %add3A_852 = arith.constant 64 : i32
      %add3A_853 = arith.addi %min3A_850, %add3A_852 : i32
      %min3A_854 = arith.minsi %add3A_161, %add3A_853 : i32
      %sub3A_855 = arith.subi %min3A_854, %min3A_850 : i32
      "tpu.region"() ({
        %run_scoped3A = tpu.sem_alloc : memref<!tpu.dma_semaphore, #tpu.memory_space<semaphore_mem>>
        %dma_start3A = arith.constant 0 : i32
        %dma_start3A_866 = tpu.memref_slice %arg3[%min3A_850, %dma_start3A] : memref<10000x128xf32, #tpu.memory_space<hbm>> -> memref<64x128xf32, #tpu.memory_space<hbm>>
        %dma_start3A_867 = arith.constant 0 : i32
        %dma_start3A_868 = tpu.memref_slice %arg3[%min3A_850, %dma_start3A_867] : memref<10000x128xf32, #tpu.memory_space<hbm>> -> memref<64x128xf32, #tpu.memory_space<hbm>>
        tpu.enqueue_dma source(%dma_start3A_868 : memref<64x128xf32, #tpu.memory_space<hbm>>) target(%arg9 : memref<64x128xf32, #tpu.memory_space<vmem>>) target_semaphore(%run_scoped3A : memref<!tpu.dma_semaphore, #tpu.memory_space<semaphore_mem>>)
        %dma_wait3A = arith.constant 0 : i32
        %dma_wait3A_869 = tpu.memref_slice %arg3[%min3A_850, %dma_wait3A] : memref<10000x128xf32, #tpu.memory_space<hbm>> -> memref<64x128xf32, #tpu.memory_space<hbm>>
        %dma_wait3A_870 = arith.constant 0 : i32
        %dma_wait3A_871 = tpu.memref_slice %arg3[%min3A_850, %dma_wait3A_870] : memref<10000x128xf32, #tpu.memory_space<hbm>> -> memref<64x128xf32, #tpu.memory_space<hbm>>
        tpu.wait_dma2 semaphore(%run_scoped3A : memref<!tpu.dma_semaphore, #tpu.memory_space<semaphore_mem>>) src(%dma_wait3A_871 : memref<64x128xf32, #tpu.memory_space<hbm>>) dst(%arg9 : memref<64x128xf32, #tpu.memory_space<vmem>>)
        tpu.yield
      }) : () -> ()
      %while3A_856 = arith.subi %sub3A_855, %sub3A_851 : i32
      %while3A_857 = arith.addi %sub3A_851, %while3A_856 : i32
      %while3A_858 = arith.constant 1 : i32
      %while3A_859 = arith.divsi %while3A_856, %while3A_858 : i32
      %while3A_860 = arith.muli %while3A_859, %while3A_858 : i32
      %while3A_861 = arith.addi %sub3A_851, %while3A_860 : i32
      %while3A_862 = arith.constant 1 : i32
      %while3A_863:16 = scf.for %while3A_866 = %sub3A_851 to %while3A_861 step %while3A_862 iter_args(%while3A_867 = %while3A_831, %while3A_868 = %while3A_832, %while3A_869 = %while3A_833, %while3A_870 = %while3A_834, %while3A_871 = %while3A_835, %while3A_872 = %while3A_836, %while3A_873 = %while3A_837, %while3A_874 = %while3A_838, %while3A_875 = %while3A_839, %while3A_876 = %while3A_840, %while3A_877 = %while3A_841, %while3A_878 = %while3A_842, %while3A_879 = %while3A_843, %while3A_880 = %while3A_844, %while3A_881 = %while3A_845, %while3A_882 = %while3A_846) -> (vector<16xf32>, vector<16xf32>, vector<16xf32>, vector<16xf32>, vector<16xf32>, vector<16xf32>, vector<16xf32>, vector<16xf32>, vector<16xf32>, vector<16xf32>, vector<16xf32>, vector<16xf32>, vector<16xf32>, vector<16xf32>, vector<16xf32>, vector<16xf32>)  : i32 {
        %get3A_883 = arith.index_cast %while3A_866 : i32 to index
        %get3A_884 = arith.constant 0 : index
        %get3A_885 = tpu.vector_load %arg9[%get3A_883, %get3A_884] {strides = array<i32>} : memref<64x128xf32, #tpu.memory_space<vmem>>, vector<16xf32>,
        %add3A_886 = arith.addf %while3A_867, %get3A_885 : vector<16xf32>
        %max3A = arith.maximumf %while3A_875, %get3A_885 : vector<16xf32>
        %get3A_887 = arith.index_cast %while3A_866 : i32 to index
        %get3A_888 = arith.constant 16 : index
        %get3A_889 = tpu.vector_load %arg9[%get3A_887, %get3A_888] {strides = array<i32>} : memref<64x128xf32, #tpu.memory_space<vmem>>, vector<16xf32>,
        %add3A_890 = arith.addf %while3A_868, %get3A_889 : vector<16xf32>
        %max3A_891 = arith.maximumf %while3A_876, %get3A_889 : vector<16xf32>
        %get3A_892 = arith.index_cast %while3A_866 : i32 to index
        %get3A_893 = arith.constant 32 : index
        %get3A_894 = tpu.vector_load %arg9[%get3A_892, %get3A_893] {strides = array<i32>} : memref<64x128xf32, #tpu.memory_space<vmem>>, vector<16xf32>,
        %add3A_895 = arith.addf %while3A_869, %get3A_894 : vector<16xf32>
        %max3A_896 = arith.maximumf %while3A_877, %get3A_894 : vector<16xf32>
        %get3A_897 = arith.index_cast %while3A_866 : i32 to index
        %get3A_898 = arith.constant 48 : index
        %get3A_899 = tpu.vector_load %arg9[%get3A_897, %get3A_898] {strides = array<i32>} : memref<64x128xf32, #tpu.memory_space<vmem>>, vector<16xf32>,
        %add3A_900 = arith.addf %while3A_870, %get3A_899 : vector<16xf32>
        %max3A_901 = arith.maximumf %while3A_878, %get3A_899 : vector<16xf32>
        %get3A_902 = arith.index_cast %while3A_866 : i32 to index
        %get3A_903 = arith.constant 64 : index
        %get3A_904 = tpu.vector_load %arg9[%get3A_902, %get3A_903] {strides = array<i32>} : memref<64x128xf32, #tpu.memory_space<vmem>>, vector<16xf32>,
        %add3A_905 = arith.addf %while3A_871, %get3A_904 : vector<16xf32>
        %max3A_906 = arith.maximumf %while3A_879, %get3A_904 : vector<16xf32>
        %get3A_907 = arith.index_cast %while3A_866 : i32 to index
        %get3A_908 = arith.constant 80 : index
        %get3A_909 = tpu.vector_load %arg9[%get3A_907, %get3A_908] {strides = array<i32>} : memref<64x128xf32, #tpu.memory_space<vmem>>, vector<16xf32>,
        %add3A_910 = arith.addf %while3A_872, %get3A_909 : vector<16xf32>
        %max3A_911 = arith.maximumf %while3A_880, %get3A_909 : vector<16xf32>
        %get3A_912 = arith.index_cast %while3A_866 : i32 to index
        %get3A_913 = arith.constant 96 : index
        %get3A_914 = tpu.vector_load %arg9[%get3A_912, %get3A_913] {strides = array<i32>} : memref<64x128xf32, #tpu.memory_space<vmem>>, vector<16xf32>,
        %add3A_915 = arith.addf %while3A_873, %get3A_914 : vector<16xf32>
        %max3A_916 = arith.maximumf %while3A_881, %get3A_914 : vector<16xf32>
        %get3A_917 = arith.index_cast %while3A_866 : i32 to index
        %get3A_918 = arith.constant 112 : index
        %get3A_919 = tpu.vector_load %arg9[%get3A_917, %get3A_918] {strides = array<i32>} : memref<64x128xf32, #tpu.memory_space<vmem>>, vector<16xf32>,
        %add3A_920 = arith.addf %while3A_874, %get3A_919 : vector<16xf32>
        %max3A_921 = arith.maximumf %while3A_882, %get3A_919 : vector<16xf32>
        scf.yield %add3A_886, %add3A_890, %add3A_895, %add3A_900, %add3A_905, %add3A_910, %add3A_915, %add3A_920, %max3A, %max3A_891, %max3A_896, %max3A_901, %max3A_906, %max3A_911, %max3A_916, %max3A_921 : vector<16xf32>, vector<16xf32>, vector<16xf32>, vector<16xf32>, vector<16xf32>, vector<16xf32>, vector<16xf32>, vector<16xf32>, vector<16xf32>, vector<16xf32>, vector<16xf32>, vector<16xf32>, vector<16xf32>, vector<16xf32>, vector<16xf32>, vector<16xf32>
      }
      %while3A_864 = arith.constant 1 : i32
      %while3A_865:16 = scf.for %while3A_866 = %while3A_861 to %while3A_857 step %while3A_864 iter_args(%while3A_867 = %while3A_863#0, %while3A_868 = %while3A_863#1, %while3A_869 = %while3A_863#2, %while3A_870 = %while3A_863#3, %while3A_871 = %while3A_863#4, %while3A_872 = %while3A_863#5, %while3A_873 = %while3A_863#6, %while3A_874 = %while3A_863#7, %while3A_875 = %while3A_863#8, %while3A_876 = %while3A_863#9, %while3A_877 = %while3A_863#10, %while3A_878 = %while3A_863#11, %while3A_879 = %while3A_863#12, %while3A_880 = %while3A_863#13, %while3A_881 = %while3A_863#14, %while3A_882 = %while3A_863#15) -> (vector<16xf32>, vector<16xf32>, vector<16xf32>, vector<16xf32>, vector<16xf32>, vector<16xf32>, vector<16xf32>, vector<16xf32>, vector<16xf32>, vector<16xf32>, vector<16xf32>, vector<16xf32>, vector<16xf32>, vector<16xf32>, vector<16xf32>, vector<16xf32>)  : i32 {
        %get3A_883 = arith.index_cast %while3A_866 : i32 to index
        %get3A_884 = arith.constant 0 : index
        %get3A_885 = tpu.vector_load %arg9[%get3A_883, %get3A_884] {strides = array<i32>} : memref<64x128xf32, #tpu.memory_space<vmem>>, vector<16xf32>,
        %add3A_886 = arith.addf %while3A_867, %get3A_885 : vector<16xf32>
        %max3A = arith.maximumf %while3A_875, %get3A_885 : vector<16xf32>
        %get3A_887 = arith.index_cast %while3A_866 : i32 to index
        %get3A_888 = arith.constant 16 : index
        %get3A_889 = tpu.vector_load %arg9[%get3A_887, %get3A_888] {strides = array<i32>} : memref<64x128xf32, #tpu.memory_space<vmem>>, vector<16xf32>,
        %add3A_890 = arith.addf %while3A_868, %get3A_889 : vector<16xf32>
        %max3A_891 = arith.maximumf %while3A_876, %get3A_889 : vector<16xf32>
        %get3A_892 = arith.index_cast %while3A_866 : i32 to index
        %get3A_893 = arith.constant 32 : index
        %get3A_894 = tpu.vector_load %arg9[%get3A_892, %get3A_893] {strides = array<i32>} : memref<64x128xf32, #tpu.memory_space<vmem>>, vector<16xf32>,
        %add3A_895 = arith.addf %while3A_869, %get3A_894 : vector<16xf32>
        %max3A_896 = arith.maximumf %while3A_877, %get3A_894 : vector<16xf32>
        %get3A_897 = arith.index_cast %while3A_866 : i32 to index
        %get3A_898 = arith.constant 48 : index
        %get3A_899 = tpu.vector_load %arg9[%get3A_897, %get3A_898] {strides = array<i32>} : memref<64x128xf32, #tpu.memory_space<vmem>>, vector<16xf32>,
        %add3A_900 = arith.addf %while3A_870, %get3A_899 : vector<16xf32>
        %max3A_901 = arith.maximumf %while3A_878, %get3A_899 : vector<16xf32>
        %get3A_902 = arith.index_cast %while3A_866 : i32 to index
        %get3A_903 = arith.constant 64 : index
        %get3A_904 = tpu.vector_load %arg9[%get3A_902, %get3A_903] {strides = array<i32>} : memref<64x128xf32, #tpu.memory_space<vmem>>, vector<16xf32>,
        %add3A_905 = arith.addf %while3A_871, %get3A_904 : vector<16xf32>
        %max3A_906 = arith.maximumf %while3A_879, %get3A_904 : vector<16xf32>
        %get3A_907 = arith.index_cast %while3A_866 : i32 to index
        %get3A_908 = arith.constant 80 : index
        %get3A_909 = tpu.vector_load %arg9[%get3A_907, %get3A_908] {strides = array<i32>} : memref<64x128xf32, #tpu.memory_space<vmem>>, vector<16xf32>,
        %add3A_910 = arith.addf %while3A_872, %get3A_909 : vector<16xf32>
        %max3A_911 = arith.maximumf %while3A_880, %get3A_909 : vector<16xf32>
        %get3A_912 = arith.index_cast %while3A_866 : i32 to index
        %get3A_913 = arith.constant 96 : index
        %get3A_914 = tpu.vector_load %arg9[%get3A_912, %get3A_913] {strides = array<i32>} : memref<64x128xf32, #tpu.memory_space<vmem>>, vector<16xf32>,
        %add3A_915 = arith.addf %while3A_873, %get3A_914 : vector<16xf32>
        %max3A_916 = arith.maximumf %while3A_881, %get3A_914 : vector<16xf32>
        %get3A_917 = arith.index_cast %while3A_866 : i32 to index
        %get3A_918 = arith.constant 112 : index
        %get3A_919 = tpu.vector_load %arg9[%get3A_917, %get3A_918] {strides = array<i32>} : memref<64x128xf32, #tpu.memory_space<vmem>>, vector<16xf32>,
        %add3A_920 = arith.addf %while3A_874, %get3A_919 : vector<16xf32>
        %max3A_921 = arith.maximumf %while3A_882, %get3A_919 : vector<16xf32>
        scf.yield %add3A_886, %add3A_890, %add3A_895, %add3A_900, %add3A_905, %add3A_910, %add3A_915, %add3A_920, %max3A, %max3A_891, %max3A_896, %max3A_901, %max3A_906, %max3A_911, %max3A_916, %max3A_921 : vector<16xf32>, vector<16xf32>, vector<16xf32>, vector<16xf32>, vector<16xf32>, vector<16xf32>, vector<16xf32>, vector<16xf32>, vector<16xf32>, vector<16xf32>, vector<16xf32>, vector<16xf32>, vector<16xf32>, vector<16xf32>, vector<16xf32>, vector<16xf32>
      }
      scf.yield %while3A_865#0, %while3A_865#1, %while3A_865#2, %while3A_865#3, %while3A_865#4, %while3A_865#5, %while3A_865#6, %while3A_865#7, %while3A_865#8, %while3A_865#9, %while3A_865#10, %while3A_865#11, %while3A_865#12, %while3A_865#13, %while3A_865#14, %while3A_865#15 : vector<16xf32>, vector<16xf32>, vector<16xf32>, vector<16xf32>, vector<16xf32>, vector<16xf32>, vector<16xf32>, vector<16xf32>, vector<16xf32>, vector<16xf32>, vector<16xf32>, vector<16xf32>, vector<16xf32>, vector<16xf32>, vector<16xf32>, vector<16xf32>
    }
    %swap3A_301 = arith.constant 128 : index
    %swap3A_302 = tpu.vector_load %arg10[%swap3A_301] {strides = array<i32>} : memref<384xf32, #tpu.memory_space<vmem>>, vector<16xf32>,
    tpu.vector_store %arg10[%swap3A_301], %while3A_300#0 {strides = array<i32>} : memref<384xf32, #tpu.memory_space<vmem>>, vector<16xf32>,
    %swap3A_303 = arith.constant 128 : index
    %swap3A_304 = tpu.vector_load %arg11[%swap3A_303] {strides = array<i32>} : memref<384xf32, #tpu.memory_space<vmem>>, vector<16xf32>,
    tpu.vector_store %arg11[%swap3A_303], %while3A_300#8 {strides = array<i32>} : memref<384xf32, #tpu.memory_space<vmem>>, vector<16xf32>,
    %swap3A_305 = arith.constant 144 : index
    %swap3A_306 = tpu.vector_load %arg10[%swap3A_305] {strides = array<i32>} : memref<384xf32, #tpu.memory_space<vmem>>, vector<16xf32>,
    tpu.vector_store %arg10[%swap3A_305], %while3A_300#1 {strides = array<i32>} : memref<384xf32, #tpu.memory_space<vmem>>, vector<16xf32>,
    %swap3A_307 = arith.constant 144 : index
    %swap3A_308 = tpu.vector_load %arg11[%swap3A_307] {strides = array<i32>} : memref<384xf32, #tpu.memory_space<vmem>>, vector<16xf32>,
    tpu.vector_store %arg11[%swap3A_307], %while3A_300#9 {strides = array<i32>} : memref<384xf32, #tpu.memory_space<vmem>>, vector<16xf32>,
    %swap3A_309 = arith.constant 160 : index
    %swap3A_310 = tpu.vector_load %arg10[%swap3A_309] {strides = array<i32>} : memref<384xf32, #tpu.memory_space<vmem>>, vector<16xf32>,
    tpu.vector_store %arg10[%swap3A_309], %while3A_300#2 {strides = array<i32>} : memref<384xf32, #tpu.memory_space<vmem>>, vector<16xf32>,
    %swap3A_311 = arith.constant 160 : index
    %swap3A_312 = tpu.vector_load %arg11[%swap3A_311] {strides = array<i32>} : memref<384xf32, #tpu.memory_space<vmem>>, vector<16xf32>,
    tpu.vector_store %arg11[%swap3A_311], %while3A_300#10 {strides = array<i32>} : memref<384xf32, #tpu.memory_space<vmem>>, vector<16xf32>,
    %swap3A_313 = arith.constant 176 : index
    %swap3A_314 = tpu.vector_load %arg10[%swap3A_313] {strides = array<i32>} : memref<384xf32, #tpu.memory_space<vmem>>, vector<16xf32>,
    tpu.vector_store %arg10[%swap3A_313], %while3A_300#3 {strides = array<i32>} : memref<384xf32, #tpu.memory_space<vmem>>, vector<16xf32>,
    %swap3A_315 = arith.constant 176 : index
    %swap3A_316 = tpu.vector_load %arg11[%swap3A_315] {strides = array<i32>} : memref<384xf32, #tpu.memory_space<vmem>>, vector<16xf32>,
    tpu.vector_store %arg11[%swap3A_315], %while3A_300#11 {strides = array<i32>} : memref<384xf32, #tpu.memory_space<vmem>>, vector<16xf32>,
    %swap3A_317 = arith.constant 192 : index
    %swap3A_318 = tpu.vector_load %arg10[%swap3A_317] {strides = array<i32>} : memref<384xf32, #tpu.memory_space<vmem>>, vector<16xf32>,
    tpu.vector_store %arg10[%swap3A_317], %while3A_300#4 {strides = array<i32>} : memref<384xf32, #tpu.memory_space<vmem>>, vector<16xf32>,
    %swap3A_319 = arith.constant 192 : index
    %swap3A_320 = tpu.vector_load %arg11[%swap3A_319] {strides = array<i32>} : memref<384xf32, #tpu.memory_space<vmem>>, vector<16xf32>,
    tpu.vector_store %arg11[%swap3A_319], %while3A_300#12 {strides = array<i32>} : memref<384xf32, #tpu.memory_space<vmem>>, vector<16xf32>,
    %swap3A_321 = arith.constant 208 : index
    %swap3A_322 = tpu.vector_load %arg10[%swap3A_321] {strides = array<i32>} : memref<384xf32, #tpu.memory_space<vmem>>, vector<16xf32>,
    tpu.vector_store %arg10[%swap3A_321], %while3A_300#5 {strides = array<i32>} : memref<384xf32, #tpu.memory_space<vmem>>, vector<16xf32>,
    %swap3A_323 = arith.constant 208 : index
    %swap3A_324 = tpu.vector_load %arg11[%swap3A_323] {strides = array<i32>} : memref<384xf32, #tpu.memory_space<vmem>>, vector<16xf32>,
    tpu.vector_store %arg11[%swap3A_323], %while3A_300#13 {strides = array<i32>} : memref<384xf32, #tpu.memory_space<vmem>>, vector<16xf32>,
    %swap3A_325 = arith.constant 224 : index
    %swap3A_326 = tpu.vector_load %arg10[%swap3A_325] {strides = array<i32>} : memref<384xf32, #tpu.memory_space<vmem>>, vector<16xf32>,
    tpu.vector_store %arg10[%swap3A_325], %while3A_300#6 {strides = array<i32>} : memref<384xf32, #tpu.memory_space<vmem>>, vector<16xf32>,
    %swap3A_327 = arith.constant 224 : index
    %swap3A_328 = tpu.vector_load %arg11[%swap3A_327] {strides = array<i32>} : memref<384xf32, #tpu.memory_space<vmem>>, vector<16xf32>,
    tpu.vector_store %arg11[%swap3A_327], %while3A_300#14 {strides = array<i32>} : memref<384xf32, #tpu.memory_space<vmem>>, vector<16xf32>,
    %swap3A_329 = arith.constant 240 : index
    %swap3A_330 = tpu.vector_load %arg10[%swap3A_329] {strides = array<i32>} : memref<384xf32, #tpu.memory_space<vmem>>, vector<16xf32>,
    tpu.vector_store %arg10[%swap3A_329], %while3A_300#7 {strides = array<i32>} : memref<384xf32, #tpu.memory_space<vmem>>, vector<16xf32>,
    %swap3A_331 = arith.constant 240 : index
    %swap3A_332 = tpu.vector_load %arg11[%swap3A_331] {strides = array<i32>} : memref<384xf32, #tpu.memory_space<vmem>>, vector<16xf32>,
    tpu.vector_store %arg11[%swap3A_331], %while3A_300#15 {strides = array<i32>} : memref<384xf32, #tpu.memory_space<vmem>>, vector<16xf32>,
    %broadcast_in_dim3A_333 = arith.constant 0.000000e+00 : f32
    %broadcast_in_dim3A_334 = vector.broadcast %broadcast_in_dim3A_333 : f32 to vector<16xf32>
    %broadcast_in_dim3A_335 = arith.constant 0.000000e+00 : f32
    %broadcast_in_dim3A_336 = vector.broadcast %broadcast_in_dim3A_335 : f32 to vector<16xf32>
    %broadcast_in_dim3A_337 = arith.constant 0.000000e+00 : f32
    %broadcast_in_dim3A_338 = vector.broadcast %broadcast_in_dim3A_337 : f32 to vector<16xf32>
    %broadcast_in_dim3A_339 = arith.constant 0.000000e+00 : f32
    %broadcast_in_dim3A_340 = vector.broadcast %broadcast_in_dim3A_339 : f32 to vector<16xf32>
    %broadcast_in_dim3A_341 = arith.constant 0.000000e+00 : f32
    %broadcast_in_dim3A_342 = vector.broadcast %broadcast_in_dim3A_341 : f32 to vector<16xf32>
    %broadcast_in_dim3A_343 = arith.constant 0.000000e+00 : f32
    %broadcast_in_dim3A_344 = vector.broadcast %broadcast_in_dim3A_343 : f32 to vector<16xf32>
    %broadcast_in_dim3A_345 = arith.constant 0.000000e+00 : f32
    %broadcast_in_dim3A_346 = vector.broadcast %broadcast_in_dim3A_345 : f32 to vector<16xf32>
    %broadcast_in_dim3A_347 = arith.constant 0.000000e+00 : f32
    %broadcast_in_dim3A_348 = vector.broadcast %broadcast_in_dim3A_347 : f32 to vector<16xf32>
    %broadcast_in_dim3A_349 = arith.constant 0xFF800000 : f32
    %broadcast_in_dim3A_350 = vector.broadcast %broadcast_in_dim3A_349 : f32 to vector<16xf32>
    %broadcast_in_dim3A_351 = arith.constant 0xFF800000 : f32
    %broadcast_in_dim3A_352 = vector.broadcast %broadcast_in_dim3A_351 : f32 to vector<16xf32>
    %broadcast_in_dim3A_353 = arith.constant 0xFF800000 : f32
    %broadcast_in_dim3A_354 = vector.broadcast %broadcast_in_dim3A_353 : f32 to vector<16xf32>
    %broadcast_in_dim3A_355 = arith.constant 0xFF800000 : f32
    %broadcast_in_dim3A_356 = vector.broadcast %broadcast_in_dim3A_355 : f32 to vector<16xf32>
    %broadcast_in_dim3A_357 = arith.constant 0xFF800000 : f32
    %broadcast_in_dim3A_358 = vector.broadcast %broadcast_in_dim3A_357 : f32 to vector<16xf32>
    %broadcast_in_dim3A_359 = arith.constant 0xFF800000 : f32
    %broadcast_in_dim3A_360 = vector.broadcast %broadcast_in_dim3A_359 : f32 to vector<16xf32>
    %broadcast_in_dim3A_361 = arith.constant 0xFF800000 : f32
    %broadcast_in_dim3A_362 = vector.broadcast %broadcast_in_dim3A_361 : f32 to vector<16xf32>
    %broadcast_in_dim3A_363 = arith.constant 0xFF800000 : f32
    %broadcast_in_dim3A_364 = vector.broadcast %broadcast_in_dim3A_363 : f32 to vector<16xf32>
    %while3A_365 = arith.constant 0 : i32
    %while3A_366 = arith.subi %select_n3A_184, %while3A_365 : i32
    %while3A_367 = arith.addi %while3A_365, %while3A_366 : i32
    %while3A_368 = arith.constant 1 : i32
    %while3A_369 = arith.divsi %while3A_366, %while3A_368 : i32
    %while3A_370 = arith.muli %while3A_369, %while3A_368 : i32
    %while3A_371 = arith.addi %while3A_365, %while3A_370 : i32
    %while3A_372 = arith.constant 1 : i32
    %while3A_373:16 = scf.for %while3A_830 = %while3A_365 to %while3A_371 step %while3A_372 iter_args(%while3A_831 = %broadcast_in_dim3A_334, %while3A_832 = %broadcast_in_dim3A_336, %while3A_833 = %broadcast_in_dim3A_338, %while3A_834 = %broadcast_in_dim3A_340, %while3A_835 = %broadcast_in_dim3A_342, %while3A_836 = %broadcast_in_dim3A_344, %while3A_837 = %broadcast_in_dim3A_346, %while3A_838 = %broadcast_in_dim3A_348, %while3A_839 = %broadcast_in_dim3A_350, %while3A_840 = %broadcast_in_dim3A_352, %while3A_841 = %broadcast_in_dim3A_354, %while3A_842 = %broadcast_in_dim3A_356, %while3A_843 = %broadcast_in_dim3A_358, %while3A_844 = %broadcast_in_dim3A_360, %while3A_845 = %broadcast_in_dim3A_362, %while3A_846 = %broadcast_in_dim3A_364) -> (vector<16xf32>, vector<16xf32>, vector<16xf32>, vector<16xf32>, vector<16xf32>, vector<16xf32>, vector<16xf32>, vector<16xf32>, vector<16xf32>, vector<16xf32>, vector<16xf32>, vector<16xf32>, vector<16xf32>, vector<16xf32>, vector<16xf32>, vector<16xf32>)  : i32 {
      %mul3A_847 = arith.constant 64 : i32
      %mul3A_848 = arith.muli %while3A_830, %mul3A_847 : i32
      %add3A_849 = arith.addi %add3A_78, %mul3A_848 : i32
      %min3A = arith.constant 9936 : i32
      %min3A_850 = arith.minsi %add3A_849, %min3A : i32
      %sub3A_851 = arith.subi %add3A_849, %min3A_850 : i32
      %add3A_852 = arith.constant 64 : i32
      %add3A_853 = arith.addi %min3A_850, %add3A_852 : i32
      %min3A_854 = arith.minsi %add3A_161, %add3A_853 : i32
      %sub3A_855 = arith.subi %min3A_854, %min3A_850 : i32
      "tpu.region"() ({
        %run_scoped3A = tpu.sem_alloc : memref<!tpu.dma_semaphore, #tpu.memory_space<semaphore_mem>>
        %dma_start3A = arith.constant 0 : i32
        %dma_start3A_866 = tpu.memref_slice %arg4[%min3A_850, %dma_start3A] : memref<10000x128xf32, #tpu.memory_space<hbm>> -> memref<64x128xf32, #tpu.memory_space<hbm>>
        %dma_start3A_867 = arith.constant 0 : i32
        %dma_start3A_868 = tpu.memref_slice %arg4[%min3A_850, %dma_start3A_867] : memref<10000x128xf32, #tpu.memory_space<hbm>> -> memref<64x128xf32, #tpu.memory_space<hbm>>
        tpu.enqueue_dma source(%dma_start3A_868 : memref<64x128xf32, #tpu.memory_space<hbm>>) target(%arg9 : memref<64x128xf32, #tpu.memory_space<vmem>>) target_semaphore(%run_scoped3A : memref<!tpu.dma_semaphore, #tpu.memory_space<semaphore_mem>>)
        %dma_wait3A = arith.constant 0 : i32
        %dma_wait3A_869 = tpu.memref_slice %arg4[%min3A_850, %dma_wait3A] : memref<10000x128xf32, #tpu.memory_space<hbm>> -> memref<64x128xf32, #tpu.memory_space<hbm>>
        %dma_wait3A_870 = arith.constant 0 : i32
        %dma_wait3A_871 = tpu.memref_slice %arg4[%min3A_850, %dma_wait3A_870] : memref<10000x128xf32, #tpu.memory_space<hbm>> -> memref<64x128xf32, #tpu.memory_space<hbm>>
        tpu.wait_dma2 semaphore(%run_scoped3A : memref<!tpu.dma_semaphore, #tpu.memory_space<semaphore_mem>>) src(%dma_wait3A_871 : memref<64x128xf32, #tpu.memory_space<hbm>>) dst(%arg9 : memref<64x128xf32, #tpu.memory_space<vmem>>)
        tpu.yield
      }) : () -> ()
      %while3A_856 = arith.subi %sub3A_855, %sub3A_851 : i32
      %while3A_857 = arith.addi %sub3A_851, %while3A_856 : i32
      %while3A_858 = arith.constant 1 : i32
      %while3A_859 = arith.divsi %while3A_856, %while3A_858 : i32
      %while3A_860 = arith.muli %while3A_859, %while3A_858 : i32
      %while3A_861 = arith.addi %sub3A_851, %while3A_860 : i32
      %while3A_862 = arith.constant 1 : i32
      %while3A_863:16 = scf.for %while3A_866 = %sub3A_851 to %while3A_861 step %while3A_862 iter_args(%while3A_867 = %while3A_831, %while3A_868 = %while3A_832, %while3A_869 = %while3A_833, %while3A_870 = %while3A_834, %while3A_871 = %while3A_835, %while3A_872 = %while3A_836, %while3A_873 = %while3A_837, %while3A_874 = %while3A_838, %while3A_875 = %while3A_839, %while3A_876 = %while3A_840, %while3A_877 = %while3A_841, %while3A_878 = %while3A_842, %while3A_879 = %while3A_843, %while3A_880 = %while3A_844, %while3A_881 = %while3A_845, %while3A_882 = %while3A_846) -> (vector<16xf32>, vector<16xf32>, vector<16xf32>, vector<16xf32>, vector<16xf32>, vector<16xf32>, vector<16xf32>, vector<16xf32>, vector<16xf32>, vector<16xf32>, vector<16xf32>, vector<16xf32>, vector<16xf32>, vector<16xf32>, vector<16xf32>, vector<16xf32>)  : i32 {
        %get3A_883 = arith.index_cast %while3A_866 : i32 to index
        %get3A_884 = arith.constant 0 : index
        %get3A_885 = tpu.vector_load %arg9[%get3A_883, %get3A_884] {strides = array<i32>} : memref<64x128xf32, #tpu.memory_space<vmem>>, vector<16xf32>,
        %add3A_886 = arith.addf %while3A_867, %get3A_885 : vector<16xf32>
        %max3A = arith.maximumf %while3A_875, %get3A_885 : vector<16xf32>
        %get3A_887 = arith.index_cast %while3A_866 : i32 to index
        %get3A_888 = arith.constant 16 : index
        %get3A_889 = tpu.vector_load %arg9[%get3A_887, %get3A_888] {strides = array<i32>} : memref<64x128xf32, #tpu.memory_space<vmem>>, vector<16xf32>,
        %add3A_890 = arith.addf %while3A_868, %get3A_889 : vector<16xf32>
        %max3A_891 = arith.maximumf %while3A_876, %get3A_889 : vector<16xf32>
        %get3A_892 = arith.index_cast %while3A_866 : i32 to index
        %get3A_893 = arith.constant 32 : index
        %get3A_894 = tpu.vector_load %arg9[%get3A_892, %get3A_893] {strides = array<i32>} : memref<64x128xf32, #tpu.memory_space<vmem>>, vector<16xf32>,
        %add3A_895 = arith.addf %while3A_869, %get3A_894 : vector<16xf32>
        %max3A_896 = arith.maximumf %while3A_877, %get3A_894 : vector<16xf32>
        %get3A_897 = arith.index_cast %while3A_866 : i32 to index
        %get3A_898 = arith.constant 48 : index
        %get3A_899 = tpu.vector_load %arg9[%get3A_897, %get3A_898] {strides = array<i32>} : memref<64x128xf32, #tpu.memory_space<vmem>>, vector<16xf32>,
        %add3A_900 = arith.addf %while3A_870, %get3A_899 : vector<16xf32>
        %max3A_901 = arith.maximumf %while3A_878, %get3A_899 : vector<16xf32>
        %get3A_902 = arith.index_cast %while3A_866 : i32 to index
        %get3A_903 = arith.constant 64 : index
        %get3A_904 = tpu.vector_load %arg9[%get3A_902, %get3A_903] {strides = array<i32>} : memref<64x128xf32, #tpu.memory_space<vmem>>, vector<16xf32>,
        %add3A_905 = arith.addf %while3A_871, %get3A_904 : vector<16xf32>
        %max3A_906 = arith.maximumf %while3A_879, %get3A_904 : vector<16xf32>
        %get3A_907 = arith.index_cast %while3A_866 : i32 to index
        %get3A_908 = arith.constant 80 : index
        %get3A_909 = tpu.vector_load %arg9[%get3A_907, %get3A_908] {strides = array<i32>} : memref<64x128xf32, #tpu.memory_space<vmem>>, vector<16xf32>,
        %add3A_910 = arith.addf %while3A_872, %get3A_909 : vector<16xf32>
        %max3A_911 = arith.maximumf %while3A_880, %get3A_909 : vector<16xf32>
        %get3A_912 = arith.index_cast %while3A_866 : i32 to index
        %get3A_913 = arith.constant 96 : index
        %get3A_914 = tpu.vector_load %arg9[%get3A_912, %get3A_913] {strides = array<i32>} : memref<64x128xf32, #tpu.memory_space<vmem>>, vector<16xf32>,
        %add3A_915 = arith.addf %while3A_873, %get3A_914 : vector<16xf32>
        %max3A_916 = arith.maximumf %while3A_881, %get3A_914 : vector<16xf32>
        %get3A_917 = arith.index_cast %while3A_866 : i32 to index
        %get3A_918 = arith.constant 112 : index
        %get3A_919 = tpu.vector_load %arg9[%get3A_917, %get3A_918] {strides = array<i32>} : memref<64x128xf32, #tpu.memory_space<vmem>>, vector<16xf32>,
        %add3A_920 = arith.addf %while3A_874, %get3A_919 : vector<16xf32>
        %max3A_921 = arith.maximumf %while3A_882, %get3A_919 : vector<16xf32>
        scf.yield %add3A_886, %add3A_890, %add3A_895, %add3A_900, %add3A_905, %add3A_910, %add3A_915, %add3A_920, %max3A, %max3A_891, %max3A_896, %max3A_901, %max3A_906, %max3A_911, %max3A_916, %max3A_921 : vector<16xf32>, vector<16xf32>, vector<16xf32>, vector<16xf32>, vector<16xf32>, vector<16xf32>, vector<16xf32>, vector<16xf32>, vector<16xf32>, vector<16xf32>, vector<16xf32>, vector<16xf32>, vector<16xf32>, vector<16xf32>, vector<16xf32>, vector<16xf32>
      }
      %while3A_864 = arith.constant 1 : i32
      %while3A_865:16 = scf.for %while3A_866 = %while3A_861 to %while3A_857 step %while3A_864 iter_args(%while3A_867 = %while3A_863#0, %while3A_868 = %while3A_863#1, %while3A_869 = %while3A_863#2, %while3A_870 = %while3A_863#3, %while3A_871 = %while3A_863#4, %while3A_872 = %while3A_863#5, %while3A_873 = %while3A_863#6, %while3A_874 = %while3A_863#7, %while3A_875 = %while3A_863#8, %while3A_876 = %while3A_863#9, %while3A_877 = %while3A_863#10, %while3A_878 = %while3A_863#11, %while3A_879 = %while3A_863#12, %while3A_880 = %while3A_863#13, %while3A_881 = %while3A_863#14, %while3A_882 = %while3A_863#15) -> (vector<16xf32>, vector<16xf32>, vector<16xf32>, vector<16xf32>, vector<16xf32>, vector<16xf32>, vector<16xf32>, vector<16xf32>, vector<16xf32>, vector<16xf32>, vector<16xf32>, vector<16xf32>, vector<16xf32>, vector<16xf32>, vector<16xf32>, vector<16xf32>)  : i32 {
        %get3A_883 = arith.index_cast %while3A_866 : i32 to index
        %get3A_884 = arith.constant 0 : index
        %get3A_885 = tpu.vector_load %arg9[%get3A_883, %get3A_884] {strides = array<i32>} : memref<64x128xf32, #tpu.memory_space<vmem>>, vector<16xf32>,
        %add3A_886 = arith.addf %while3A_867, %get3A_885 : vector<16xf32>
        %max3A = arith.maximumf %while3A_875, %get3A_885 : vector<16xf32>
        %get3A_887 = arith.index_cast %while3A_866 : i32 to index
        %get3A_888 = arith.constant 16 : index
        %get3A_889 = tpu.vector_load %arg9[%get3A_887, %get3A_888] {strides = array<i32>} : memref<64x128xf32, #tpu.memory_space<vmem>>, vector<16xf32>,
        %add3A_890 = arith.addf %while3A_868, %get3A_889 : vector<16xf32>
        %max3A_891 = arith.maximumf %while3A_876, %get3A_889 : vector<16xf32>
        %get3A_892 = arith.index_cast %while3A_866 : i32 to index
        %get3A_893 = arith.constant 32 : index
        %get3A_894 = tpu.vector_load %arg9[%get3A_892, %get3A_893] {strides = array<i32>} : memref<64x128xf32, #tpu.memory_space<vmem>>, vector<16xf32>,
        %add3A_895 = arith.addf %while3A_869, %get3A_894 : vector<16xf32>
        %max3A_896 = arith.maximumf %while3A_877, %get3A_894 : vector<16xf32>
        %get3A_897 = arith.index_cast %while3A_866 : i32 to index
        %get3A_898 = arith.constant 48 : index
        %get3A_899 = tpu.vector_load %arg9[%get3A_897, %get3A_898] {strides = array<i32>} : memref<64x128xf32, #tpu.memory_space<vmem>>, vector<16xf32>,
        %add3A_900 = arith.addf %while3A_870, %get3A_899 : vector<16xf32>
        %max3A_901 = arith.maximumf %while3A_878, %get3A_899 : vector<16xf32>
        %get3A_902 = arith.index_cast %while3A_866 : i32 to index
        %get3A_903 = arith.constant 64 : index
        %get3A_904 = tpu.vector_load %arg9[%get3A_902, %get3A_903] {strides = array<i32>} : memref<64x128xf32, #tpu.memory_space<vmem>>, vector<16xf32>,
        %add3A_905 = arith.addf %while3A_871, %get3A_904 : vector<16xf32>
        %max3A_906 = arith.maximumf %while3A_879, %get3A_904 : vector<16xf32>
        %get3A_907 = arith.index_cast %while3A_866 : i32 to index
        %get3A_908 = arith.constant 80 : index
        %get3A_909 = tpu.vector_load %arg9[%get3A_907, %get3A_908] {strides = array<i32>} : memref<64x128xf32, #tpu.memory_space<vmem>>, vector<16xf32>,
        %add3A_910 = arith.addf %while3A_872, %get3A_909 : vector<16xf32>
        %max3A_911 = arith.maximumf %while3A_880, %get3A_909 : vector<16xf32>
        %get3A_912 = arith.index_cast %while3A_866 : i32 to index
        %get3A_913 = arith.constant 96 : index
        %get3A_914 = tpu.vector_load %arg9[%get3A_912, %get3A_913] {strides = array<i32>} : memref<64x128xf32, #tpu.memory_space<vmem>>, vector<16xf32>,
        %add3A_915 = arith.addf %while3A_873, %get3A_914 : vector<16xf32>
        %max3A_916 = arith.maximumf %while3A_881, %get3A_914 : vector<16xf32>
        %get3A_917 = arith.index_cast %while3A_866 : i32 to index
        %get3A_918 = arith.constant 112 : index
        %get3A_919 = tpu.vector_load %arg9[%get3A_917, %get3A_918] {strides = array<i32>} : memref<64x128xf32, #tpu.memory_space<vmem>>, vector<16xf32>,
        %add3A_920 = arith.addf %while3A_874, %get3A_919 : vector<16xf32>
        %max3A_921 = arith.maximumf %while3A_882, %get3A_919 : vector<16xf32>
        scf.yield %add3A_886, %add3A_890, %add3A_895, %add3A_900, %add3A_905, %add3A_910, %add3A_915, %add3A_920, %max3A, %max3A_891, %max3A_896, %max3A_901, %max3A_906, %max3A_911, %max3A_916, %max3A_921 : vector<16xf32>, vector<16xf32>, vector<16xf32>, vector<16xf32>, vector<16xf32>, vector<16xf32>, vector<16xf32>, vector<16xf32>, vector<16xf32>, vector<16xf32>, vector<16xf32>, vector<16xf32>, vector<16xf32>, vector<16xf32>, vector<16xf32>, vector<16xf32>
      }
      scf.yield %while3A_865#0, %while3A_865#1, %while3A_865#2, %while3A_865#3, %while3A_865#4, %while3A_865#5, %while3A_865#6, %while3A_865#7, %while3A_865#8, %while3A_865#9, %while3A_865#10, %while3A_865#11, %while3A_865#12, %while3A_865#13, %while3A_865#14, %while3A_865#15 : vector<16xf32>, vector<16xf32>, vector<16xf32>, vector<16xf32>, vector<16xf32>, vector<16xf32>, vector<16xf32>, vector<16xf32>, vector<16xf32>, vector<16xf32>, vector<16xf32>, vector<16xf32>, vector<16xf32>, vector<16xf32>, vector<16xf32>, vector<16xf32>
    }
    %while3A_374 = arith.constant 1 : i32
    %while3A_375:16 = scf.for %while3A_830 = %while3A_371 to %while3A_367 step %while3A_374 iter_args(%while3A_831 = %while3A_373#0, %while3A_832 = %while3A_373#1, %while3A_833 = %while3A_373#2, %while3A_834 = %while3A_373#3, %while3A_835 = %while3A_373#4, %while3A_836 = %while3A_373#5, %while3A_837 = %while3A_373#6, %while3A_838 = %while3A_373#7, %while3A_839 = %while3A_373#8, %while3A_840 = %while3A_373#9, %while3A_841 = %while3A_373#10, %while3A_842 = %while3A_373#11, %while3A_843 = %while3A_373#12, %while3A_844 = %while3A_373#13, %while3A_845 = %while3A_373#14, %while3A_846 = %while3A_373#15) -> (vector<16xf32>, vector<16xf32>, vector<16xf32>, vector<16xf32>, vector<16xf32>, vector<16xf32>, vector<16xf32>, vector<16xf32>, vector<16xf32>, vector<16xf32>, vector<16xf32>, vector<16xf32>, vector<16xf32>, vector<16xf32>, vector<16xf32>, vector<16xf32>)  : i32 {
      %mul3A_847 = arith.constant 64 : i32
      %mul3A_848 = arith.muli %while3A_830, %mul3A_847 : i32
      %add3A_849 = arith.addi %add3A_78, %mul3A_848 : i32
      %min3A = arith.constant 9936 : i32
      %min3A_850 = arith.minsi %add3A_849, %min3A : i32
      %sub3A_851 = arith.subi %add3A_849, %min3A_850 : i32
      %add3A_852 = arith.constant 64 : i32
      %add3A_853 = arith.addi %min3A_850, %add3A_852 : i32
      %min3A_854 = arith.minsi %add3A_161, %add3A_853 : i32
      %sub3A_855 = arith.subi %min3A_854, %min3A_850 : i32
      "tpu.region"() ({
        %run_scoped3A = tpu.sem_alloc : memref<!tpu.dma_semaphore, #tpu.memory_space<semaphore_mem>>
        %dma_start3A = arith.constant 0 : i32
        %dma_start3A_866 = tpu.memref_slice %arg4[%min3A_850, %dma_start3A] : memref<10000x128xf32, #tpu.memory_space<hbm>> -> memref<64x128xf32, #tpu.memory_space<hbm>>
        %dma_start3A_867 = arith.constant 0 : i32
        %dma_start3A_868 = tpu.memref_slice %arg4[%min3A_850, %dma_start3A_867] : memref<10000x128xf32, #tpu.memory_space<hbm>> -> memref<64x128xf32, #tpu.memory_space<hbm>>
        tpu.enqueue_dma source(%dma_start3A_868 : memref<64x128xf32, #tpu.memory_space<hbm>>) target(%arg9 : memref<64x128xf32, #tpu.memory_space<vmem>>) target_semaphore(%run_scoped3A : memref<!tpu.dma_semaphore, #tpu.memory_space<semaphore_mem>>)
        %dma_wait3A = arith.constant 0 : i32
        %dma_wait3A_869 = tpu.memref_slice %arg4[%min3A_850, %dma_wait3A] : memref<10000x128xf32, #tpu.memory_space<hbm>> -> memref<64x128xf32, #tpu.memory_space<hbm>>
        %dma_wait3A_870 = arith.constant 0 : i32
        %dma_wait3A_871 = tpu.memref_slice %arg4[%min3A_850, %dma_wait3A_870] : memref<10000x128xf32, #tpu.memory_space<hbm>> -> memref<64x128xf32, #tpu.memory_space<hbm>>
        tpu.wait_dma2 semaphore(%run_scoped3A : memref<!tpu.dma_semaphore, #tpu.memory_space<semaphore_mem>>) src(%dma_wait3A_871 : memref<64x128xf32, #tpu.memory_space<hbm>>) dst(%arg9 : memref<64x128xf32, #tpu.memory_space<vmem>>)
        tpu.yield
      }) : () -> ()
      %while3A_856 = arith.subi %sub3A_855, %sub3A_851 : i32
      %while3A_857 = arith.addi %sub3A_851, %while3A_856 : i32
      %while3A_858 = arith.constant 1 : i32
      %while3A_859 = arith.divsi %while3A_856, %while3A_858 : i32
      %while3A_860 = arith.muli %while3A_859, %while3A_858 : i32
      %while3A_861 = arith.addi %sub3A_851, %while3A_860 : i32
      %while3A_862 = arith.constant 1 : i32
      %while3A_863:16 = scf.for %while3A_866 = %sub3A_851 to %while3A_861 step %while3A_862 iter_args(%while3A_867 = %while3A_831, %while3A_868 = %while3A_832, %while3A_869 = %while3A_833, %while3A_870 = %while3A_834, %while3A_871 = %while3A_835, %while3A_872 = %while3A_836, %while3A_873 = %while3A_837, %while3A_874 = %while3A_838, %while3A_875 = %while3A_839, %while3A_876 = %while3A_840, %while3A_877 = %while3A_841, %while3A_878 = %while3A_842, %while3A_879 = %while3A_843, %while3A_880 = %while3A_844, %while3A_881 = %while3A_845, %while3A_882 = %while3A_846) -> (vector<16xf32>, vector<16xf32>, vector<16xf32>, vector<16xf32>, vector<16xf32>, vector<16xf32>, vector<16xf32>, vector<16xf32>, vector<16xf32>, vector<16xf32>, vector<16xf32>, vector<16xf32>, vector<16xf32>, vector<16xf32>, vector<16xf32>, vector<16xf32>)  : i32 {
        %get3A_883 = arith.index_cast %while3A_866 : i32 to index
        %get3A_884 = arith.constant 0 : index
        %get3A_885 = tpu.vector_load %arg9[%get3A_883, %get3A_884] {strides = array<i32>} : memref<64x128xf32, #tpu.memory_space<vmem>>, vector<16xf32>,
        %add3A_886 = arith.addf %while3A_867, %get3A_885 : vector<16xf32>
        %max3A = arith.maximumf %while3A_875, %get3A_885 : vector<16xf32>
        %get3A_887 = arith.index_cast %while3A_866 : i32 to index
        %get3A_888 = arith.constant 16 : index
        %get3A_889 = tpu.vector_load %arg9[%get3A_887, %get3A_888] {strides = array<i32>} : memref<64x128xf32, #tpu.memory_space<vmem>>, vector<16xf32>,
        %add3A_890 = arith.addf %while3A_868, %get3A_889 : vector<16xf32>
        %max3A_891 = arith.maximumf %while3A_876, %get3A_889 : vector<16xf32>
        %get3A_892 = arith.index_cast %while3A_866 : i32 to index
        %get3A_893 = arith.constant 32 : index
        %get3A_894 = tpu.vector_load %arg9[%get3A_892, %get3A_893] {strides = array<i32>} : memref<64x128xf32, #tpu.memory_space<vmem>>, vector<16xf32>,
        %add3A_895 = arith.addf %while3A_869, %get3A_894 : vector<16xf32>
        %max3A_896 = arith.maximumf %while3A_877, %get3A_894 : vector<16xf32>
        %get3A_897 = arith.index_cast %while3A_866 : i32 to index
        %get3A_898 = arith.constant 48 : index
        %get3A_899 = tpu.vector_load %arg9[%get3A_897, %get3A_898] {strides = array<i32>} : memref<64x128xf32, #tpu.memory_space<vmem>>, vector<16xf32>,
        %add3A_900 = arith.addf %while3A_870, %get3A_899 : vector<16xf32>
        %max3A_901 = arith.maximumf %while3A_878, %get3A_899 : vector<16xf32>
        %get3A_902 = arith.index_cast %while3A_866 : i32 to index
        %get3A_903 = arith.constant 64 : index
        %get3A_904 = tpu.vector_load %arg9[%get3A_902, %get3A_903] {strides = array<i32>} : memref<64x128xf32, #tpu.memory_space<vmem>>, vector<16xf32>,
        %add3A_905 = arith.addf %while3A_871, %get3A_904 : vector<16xf32>
        %max3A_906 = arith.maximumf %while3A_879, %get3A_904 : vector<16xf32>
        %get3A_907 = arith.index_cast %while3A_866 : i32 to index
        %get3A_908 = arith.constant 80 : index
        %get3A_909 = tpu.vector_load %arg9[%get3A_907, %get3A_908] {strides = array<i32>} : memref<64x128xf32, #tpu.memory_space<vmem>>, vector<16xf32>,
        %add3A_910 = arith.addf %while3A_872, %get3A_909 : vector<16xf32>
        %max3A_911 = arith.maximumf %while3A_880, %get3A_909 : vector<16xf32>
        %get3A_912 = arith.index_cast %while3A_866 : i32 to index
        %get3A_913 = arith.constant 96 : index
        %get3A_914 = tpu.vector_load %arg9[%get3A_912, %get3A_913] {strides = array<i32>} : memref<64x128xf32, #tpu.memory_space<vmem>>, vector<16xf32>,
        %add3A_915 = arith.addf %while3A_873, %get3A_914 : vector<16xf32>
        %max3A_916 = arith.maximumf %while3A_881, %get3A_914 : vector<16xf32>
        %get3A_917 = arith.index_cast %while3A_866 : i32 to index
        %get3A_918 = arith.constant 112 : index
        %get3A_919 = tpu.vector_load %arg9[%get3A_917, %get3A_918] {strides = array<i32>} : memref<64x128xf32, #tpu.memory_space<vmem>>, vector<16xf32>,
        %add3A_920 = arith.addf %while3A_874, %get3A_919 : vector<16xf32>
        %max3A_921 = arith.maximumf %while3A_882, %get3A_919 : vector<16xf32>
        scf.yield %add3A_886, %add3A_890, %add3A_895, %add3A_900, %add3A_905, %add3A_910, %add3A_915, %add3A_920, %max3A, %max3A_891, %max3A_896, %max3A_901, %max3A_906, %max3A_911, %max3A_916, %max3A_921 : vector<16xf32>, vector<16xf32>, vector<16xf32>, vector<16xf32>, vector<16xf32>, vector<16xf32>, vector<16xf32>, vector<16xf32>, vector<16xf32>, vector<16xf32>, vector<16xf32>, vector<16xf32>, vector<16xf32>, vector<16xf32>, vector<16xf32>, vector<16xf32>
      }
      %while3A_864 = arith.constant 1 : i32
      %while3A_865:16 = scf.for %while3A_866 = %while3A_861 to %while3A_857 step %while3A_864 iter_args(%while3A_867 = %while3A_863#0, %while3A_868 = %while3A_863#1, %while3A_869 = %while3A_863#2, %while3A_870 = %while3A_863#3, %while3A_871 = %while3A_863#4, %while3A_872 = %while3A_863#5, %while3A_873 = %while3A_863#6, %while3A_874 = %while3A_863#7, %while3A_875 = %while3A_863#8, %while3A_876 = %while3A_863#9, %while3A_877 = %while3A_863#10, %while3A_878 = %while3A_863#11, %while3A_879 = %while3A_863#12, %while3A_880 = %while3A_863#13, %while3A_881 = %while3A_863#14, %while3A_882 = %while3A_863#15) -> (vector<16xf32>, vector<16xf32>, vector<16xf32>, vector<16xf32>, vector<16xf32>, vector<16xf32>, vector<16xf32>, vector<16xf32>, vector<16xf32>, vector<16xf32>, vector<16xf32>, vector<16xf32>, vector<16xf32>, vector<16xf32>, vector<16xf32>, vector<16xf32>)  : i32 {
        %get3A_883 = arith.index_cast %while3A_866 : i32 to index
        %get3A_884 = arith.constant 0 : index
        %get3A_885 = tpu.vector_load %arg9[%get3A_883, %get3A_884] {strides = array<i32>} : memref<64x128xf32, #tpu.memory_space<vmem>>, vector<16xf32>,
        %add3A_886 = arith.addf %while3A_867, %get3A_885 : vector<16xf32>
        %max3A = arith.maximumf %while3A_875, %get3A_885 : vector<16xf32>
        %get3A_887 = arith.index_cast %while3A_866 : i32 to index
        %get3A_888 = arith.constant 16 : index
        %get3A_889 = tpu.vector_load %arg9[%get3A_887, %get3A_888] {strides = array<i32>} : memref<64x128xf32, #tpu.memory_space<vmem>>, vector<16xf32>,
        %add3A_890 = arith.addf %while3A_868, %get3A_889 : vector<16xf32>
        %max3A_891 = arith.maximumf %while3A_876, %get3A_889 : vector<16xf32>
        %get3A_892 = arith.index_cast %while3A_866 : i32 to index
        %get3A_893 = arith.constant 32 : index
        %get3A_894 = tpu.vector_load %arg9[%get3A_892, %get3A_893] {strides = array<i32>} : memref<64x128xf32, #tpu.memory_space<vmem>>, vector<16xf32>,
        %add3A_895 = arith.addf %while3A_869, %get3A_894 : vector<16xf32>
        %max3A_896 = arith.maximumf %while3A_877, %get3A_894 : vector<16xf32>
        %get3A_897 = arith.index_cast %while3A_866 : i32 to index
        %get3A_898 = arith.constant 48 : index
        %get3A_899 = tpu.vector_load %arg9[%get3A_897, %get3A_898] {strides = array<i32>} : memref<64x128xf32, #tpu.memory_space<vmem>>, vector<16xf32>,
        %add3A_900 = arith.addf %while3A_870, %get3A_899 : vector<16xf32>
        %max3A_901 = arith.maximumf %while3A_878, %get3A_899 : vector<16xf32>
        %get3A_902 = arith.index_cast %while3A_866 : i32 to index
        %get3A_903 = arith.constant 64 : index
        %get3A_904 = tpu.vector_load %arg9[%get3A_902, %get3A_903] {strides = array<i32>} : memref<64x128xf32, #tpu.memory_space<vmem>>, vector<16xf32>,
        %add3A_905 = arith.addf %while3A_871, %get3A_904 : vector<16xf32>
        %max3A_906 = arith.maximumf %while3A_879, %get3A_904 : vector<16xf32>
        %get3A_907 = arith.index_cast %while3A_866 : i32 to index
        %get3A_908 = arith.constant 80 : index
        %get3A_909 = tpu.vector_load %arg9[%get3A_907, %get3A_908] {strides = array<i32>} : memref<64x128xf32, #tpu.memory_space<vmem>>, vector<16xf32>,
        %add3A_910 = arith.addf %while3A_872, %get3A_909 : vector<16xf32>
        %max3A_911 = arith.maximumf %while3A_880, %get3A_909 : vector<16xf32>
        %get3A_912 = arith.index_cast %while3A_866 : i32 to index
        %get3A_913 = arith.constant 96 : index
        %get3A_914 = tpu.vector_load %arg9[%get3A_912, %get3A_913] {strides = array<i32>} : memref<64x128xf32, #tpu.memory_space<vmem>>, vector<16xf32>,
        %add3A_915 = arith.addf %while3A_873, %get3A_914 : vector<16xf32>
        %max3A_916 = arith.maximumf %while3A_881, %get3A_914 : vector<16xf32>
        %get3A_917 = arith.index_cast %while3A_866 : i32 to index
        %get3A_918 = arith.constant 112 : index
        %get3A_919 = tpu.vector_load %arg9[%get3A_917, %get3A_918] {strides = array<i32>} : memref<64x128xf32, #tpu.memory_space<vmem>>, vector<16xf32>,
        %add3A_920 = arith.addf %while3A_874, %get3A_919 : vector<16xf32>
        %max3A_921 = arith.maximumf %while3A_882, %get3A_919 : vector<16xf32>
        scf.yield %add3A_886, %add3A_890, %add3A_895, %add3A_900, %add3A_905, %add3A_910, %add3A_915, %add3A_920, %max3A, %max3A_891, %max3A_896, %max3A_901, %max3A_906, %max3A_911, %max3A_916, %max3A_921 : vector<16xf32>, vector<16xf32>, vector<16xf32>, vector<16xf32>, vector<16xf32>, vector<16xf32>, vector<16xf32>, vector<16xf32>, vector<16xf32>, vector<16xf32>, vector<16xf32>, vector<16xf32>, vector<16xf32>, vector<16xf32>, vector<16xf32>, vector<16xf32>
      }
      scf.yield %while3A_865#0, %while3A_865#1, %while3A_865#2, %while3A_865#3, %while3A_865#4, %while3A_865#5, %while3A_865#6, %while3A_865#7, %while3A_865#8, %while3A_865#9, %while3A_865#10, %while3A_865#11, %while3A_865#12, %while3A_865#13, %while3A_865#14, %while3A_865#15 : vector<16xf32>, vector<16xf32>, vector<16xf32>, vector<16xf32>, vector<16xf32>, vector<16xf32>, vector<16xf32>, vector<16xf32>, vector<16xf32>, vector<16xf32>, vector<16xf32>, vector<16xf32>, vector<16xf32>, vector<16xf32>, vector<16xf32>, vector<16xf32>
    }
    %swap3A_376 = arith.constant 256 : index
    %swap3A_377 = tpu.vector_load %arg10[%swap3A_376] {strides = array<i32>} : memref<384xf32, #tpu.memory_space<vmem>>, vector<16xf32>,
    tpu.vector_store %arg10[%swap3A_376], %while3A_375#0 {strides = array<i32>} : memref<384xf32, #tpu.memory_space<vmem>>, vector<16xf32>,
    %swap3A_378 = arith.constant 256 : index
    %swap3A_379 = tpu.vector_load %arg11[%swap3A_378] {strides = array<i32>} : memref<384xf32, #tpu.memory_space<vmem>>, vector<16xf32>,
    tpu.vector_store %arg11[%swap3A_378], %while3A_375#8 {strides = array<i32>} : memref<384xf32, #tpu.memory_space<vmem>>, vector<16xf32>,
    %swap3A_380 = arith.constant 272 : index
    %swap3A_381 = tpu.vector_load %arg10[%swap3A_380] {strides = array<i32>} : memref<384xf32, #tpu.memory_space<vmem>>, vector<16xf32>,
    tpu.vector_store %arg10[%swap3A_380], %while3A_375#1 {strides = array<i32>} : memref<384xf32, #tpu.memory_space<vmem>>, vector<16xf32>,
    %swap3A_382 = arith.constant 272 : index
    %swap3A_383 = tpu.vector_load %arg11[%swap3A_382] {strides = array<i32>} : memref<384xf32, #tpu.memory_space<vmem>>, vector<16xf32>,
    tpu.vector_store %arg11[%swap3A_382], %while3A_375#9 {strides = array<i32>} : memref<384xf32, #tpu.memory_space<vmem>>, vector<16xf32>,
    %swap3A_384 = arith.constant 288 : index
    %swap3A_385 = tpu.vector_load %arg10[%swap3A_384] {strides = array<i32>} : memref<384xf32, #tpu.memory_space<vmem>>, vector<16xf32>,
    tpu.vector_store %arg10[%swap3A_384], %while3A_375#2 {strides = array<i32>} : memref<384xf32, #tpu.memory_space<vmem>>, vector<16xf32>,
    %swap3A_386 = arith.constant 288 : index
    %swap3A_387 = tpu.vector_load %arg11[%swap3A_386] {strides = array<i32>} : memref<384xf32, #tpu.memory_space<vmem>>, vector<16xf32>,
    tpu.vector_store %arg11[%swap3A_386], %while3A_375#10 {strides = array<i32>} : memref<384xf32, #tpu.memory_space<vmem>>, vector<16xf32>,
    %swap3A_388 = arith.constant 304 : index
    %swap3A_389 = tpu.vector_load %arg10[%swap3A_388] {strides = array<i32>} : memref<384xf32, #tpu.memory_space<vmem>>, vector<16xf32>,
    tpu.vector_store %arg10[%swap3A_388], %while3A_375#3 {strides = array<i32>} : memref<384xf32, #tpu.memory_space<vmem>>, vector<16xf32>,
    %swap3A_390 = arith.constant 304 : index
    %swap3A_391 = tpu.vector_load %arg11[%swap3A_390] {strides = array<i32>} : memref<384xf32, #tpu.memory_space<vmem>>, vector<16xf32>,
    tpu.vector_store %arg11[%swap3A_390], %while3A_375#11 {strides = array<i32>} : memref<384xf32, #tpu.memory_space<vmem>>, vector<16xf32>,
    %swap3A_392 = arith.constant 320 : index
    %swap3A_393 = tpu.vector_load %arg10[%swap3A_392] {strides = array<i32>} : memref<384xf32, #tpu.memory_space<vmem>>, vector<16xf32>,
    tpu.vector_store %arg10[%swap3A_392], %while3A_375#4 {strides = array<i32>} : memref<384xf32, #tpu.memory_space<vmem>>, vector<16xf32>,
    %swap3A_394 = arith.constant 320 : index
    %swap3A_395 = tpu.vector_load %arg11[%swap3A_394] {strides = array<i32>} : memref<384xf32, #tpu.memory_space<vmem>>, vector<16xf32>,
    tpu.vector_store %arg11[%swap3A_394], %while3A_375#12 {strides = array<i32>} : memref<384xf32, #tpu.memory_space<vmem>>, vector<16xf32>,
    %swap3A_396 = arith.constant 336 : index
    %swap3A_397 = tpu.vector_load %arg10[%swap3A_396] {strides = array<i32>} : memref<384xf32, #tpu.memory_space<vmem>>, vector<16xf32>,
    tpu.vector_store %arg10[%swap3A_396], %while3A_375#5 {strides = array<i32>} : memref<384xf32, #tpu.memory_space<vmem>>, vector<16xf32>,
    %swap3A_398 = arith.constant 336 : index
    %swap3A_399 = tpu.vector_load %arg11[%swap3A_398] {strides = array<i32>} : memref<384xf32, #tpu.memory_space<vmem>>, vector<16xf32>,
    tpu.vector_store %arg11[%swap3A_398], %while3A_375#13 {strides = array<i32>} : memref<384xf32, #tpu.memory_space<vmem>>, vector<16xf32>,
    %swap3A_400 = arith.constant 352 : index
    %swap3A_401 = tpu.vector_load %arg10[%swap3A_400] {strides = array<i32>} : memref<384xf32, #tpu.memory_space<vmem>>, vector<16xf32>,
    tpu.vector_store %arg10[%swap3A_400], %while3A_375#6 {strides = array<i32>} : memref<384xf32, #tpu.memory_space<vmem>>, vector<16xf32>,
    %swap3A_402 = arith.constant 352 : index
    %swap3A_403 = tpu.vector_load %arg11[%swap3A_402] {strides = array<i32>} : memref<384xf32, #tpu.memory_space<vmem>>, vector<16xf32>,
    tpu.vector_store %arg11[%swap3A_402], %while3A_375#14 {strides = array<i32>} : memref<384xf32, #tpu.memory_space<vmem>>, vector<16xf32>,
    %swap3A_404 = arith.constant 368 : index
    %swap3A_405 = tpu.vector_load %arg10[%swap3A_404] {strides = array<i32>} : memref<384xf32, #tpu.memory_space<vmem>>, vector<16xf32>,
    tpu.vector_store %arg10[%swap3A_404], %while3A_375#7 {strides = array<i32>} : memref<384xf32, #tpu.memory_space<vmem>>, vector<16xf32>,
    %swap3A_406 = arith.constant 368 : index
    %swap3A_407 = tpu.vector_load %arg11[%swap3A_406] {strides = array<i32>} : memref<384xf32, #tpu.memory_space<vmem>>, vector<16xf32>,
    tpu.vector_store %arg11[%swap3A_406], %while3A_375#15 {strides = array<i32>} : memref<384xf32, #tpu.memory_space<vmem>>, vector<16xf32>,
    "tpu.region"() ({
      %run_scoped3A = tpu.sem_alloc : memref<!tpu.dma_semaphore, #tpu.memory_space<semaphore_mem>>
      %dma_start3A = arith.constant 0 : i32
      %dma_start3A_830 = tpu.memref_slice %arg6[%add3A_4, %dma_start3A] : memref<64x384xf32, #tpu.memory_space<hbm>> -> memref<1x384xf32, #tpu.memory_space<hbm>>
      %dma_start3A_831 = tpu.memref_squeeze %dma_start3A_830 : memref<1x384xf32, #tpu.memory_space<hbm>> -> memref<384xf32, #tpu.memory_space<hbm>>
      %dma_start3A_832 = arith.constant 0 : i32
      %dma_start3A_833 = tpu.memref_slice %arg6[%add3A_4, %dma_start3A_832] : memref<64x384xf32, #tpu.memory_space<hbm>> -> memref<1x384xf32, #tpu.memory_space<hbm>>
      %dma_start3A_834 = tpu.memref_squeeze %dma_start3A_833 : memref<1x384xf32, #tpu.memory_space<hbm>> -> memref<384xf32, #tpu.memory_space<hbm>>
      tpu.enqueue_dma source(%arg10 : memref<384xf32, #tpu.memory_space<vmem>>) target(%dma_start3A_834 : memref<384xf32, #tpu.memory_space<hbm>>) target_semaphore(%run_scoped3A : memref<!tpu.dma_semaphore, #tpu.memory_space<semaphore_mem>>)
      %dma_wait3A = arith.constant 0 : i32
      %dma_wait3A_835 = tpu.memref_slice %arg6[%add3A_4, %dma_wait3A] : memref<64x384xf32, #tpu.memory_space<hbm>> -> memref<1x384xf32, #tpu.memory_space<hbm>>
      %dma_wait3A_836 = tpu.memref_squeeze %dma_wait3A_835 : memref<1x384xf32, #tpu.memory_space<hbm>> -> memref<384xf32, #tpu.memory_space<hbm>>
      %dma_wait3A_837 = arith.constant 0 : i32
      %dma_wait3A_838 = tpu.memref_slice %arg6[%add3A_4, %dma_wait3A_837] : memref<64x384xf32, #tpu.memory_space<hbm>> -> memref<1x384xf32, #tpu.memory_space<hbm>>
      %dma_wait3A_839 = tpu.memref_squeeze %dma_wait3A_838 : memref<1x384xf32, #tpu.memory_space<hbm>> -> memref<384xf32, #tpu.memory_space<hbm>>
      tpu.wait_dma2 semaphore(%run_scoped3A : memref<!tpu.dma_semaphore, #tpu.memory_space<semaphore_mem>>) src(%arg10 : memref<384xf32, #tpu.memory_space<vmem>>) dst(%dma_wait3A_839 : memref<384xf32, #tpu.memory_space<hbm>>)
      tpu.yield
    }) : () -> ()
    "tpu.region"() ({
      %run_scoped3A = tpu.sem_alloc : memref<!tpu.dma_semaphore, #tpu.memory_space<semaphore_mem>>
      %dma_start3A = arith.constant 0 : i32
      %dma_start3A_830 = tpu.memref_slice %arg7[%add3A_4, %dma_start3A] : memref<64x384xf32, #tpu.memory_space<hbm>> -> memref<1x384xf32, #tpu.memory_space<hbm>>
      %dma_start3A_831 = tpu.memref_squeeze %dma_start3A_830 : memref<1x384xf32, #tpu.memory_space<hbm>> -> memref<384xf32, #tpu.memory_space<hbm>>
      %dma_start3A_832 = arith.constant 0 : i32
      %dma_start3A_833 = tpu.memref_slice %arg7[%add3A_4, %dma_start3A_832] : memref<64x384xf32, #tpu.memory_space<hbm>> -> memref<1x384xf32, #tpu.memory_space<hbm>>
      %dma_start3A_834 = tpu.memref_squeeze %dma_start3A_833 : memref<1x384xf32, #tpu.memory_space<hbm>> -> memref<384xf32, #tpu.memory_space<hbm>>
      tpu.enqueue_dma source(%arg11 : memref<384xf32, #tpu.memory_space<vmem>>) target(%dma_start3A_834 : memref<384xf32, #tpu.memory_space<hbm>>) target_semaphore(%run_scoped3A : memref<!tpu.dma_semaphore, #tpu.memory_space<semaphore_mem>>)
      %dma_wait3A = arith.constant 0 : i32
      %dma_wait3A_835 = tpu.memref_slice %arg7[%add3A_4, %dma_wait3A] : memref<64x384xf32, #tpu.memory_space<hbm>> -> memref<1x384xf32, #tpu.memory_space<hbm>>
      %dma_wait3A_836 = tpu.memref_squeeze %dma_wait3A_835 : memref<1x384xf32, #tpu.memory_space<hbm>> -> memref<384xf32, #tpu.memory_space<hbm>>
      %dma_wait3A_837 = arith.constant 0 : i32
      %dma_wait3A_838 = tpu.memref_slice %arg7[%add3A_4, %dma_wait3A_837] : memref<64x384xf32, #tpu.memory_space<hbm>> -> memref<1x384xf32, #tpu.memory_space<hbm>>
      %dma_wait3A_839 = tpu.memref_squeeze %dma_wait3A_838 : memref<1x384xf32, #tpu.memory_space<hbm>> -> memref<384xf32, #tpu.memory_space<hbm>>
      tpu.wait_dma2 semaphore(%run_scoped3A : memref<!tpu.dma_semaphore, #tpu.memory_space<semaphore_mem>>) src(%arg11 : memref<384xf32, #tpu.memory_space<vmem>>) dst(%dma_wait3A_839 : memref<384xf32, #tpu.memory_space<hbm>>)
      tpu.yield
    }) : () -> ()
    %mul3A_408 = arith.constant 2 : i32
    %mul3A_409 = arith.muli %add3A, %mul3A_408 : i32
    %add3A_410 = arith.constant 1 : i32
    %add3A_411 = arith.addi %mul3A_409, %add3A_410 : i32
    %get3A_412 = arith.constant 0 : index
    %get3A_413 = tpu.vector_load %arg8[%get3A_412] {strides = array<i32>} : memref<80xi32, #tpu.memory_space<vmem>>, vector<16xi32>,
    %iota3A_414 = tpu.iota {dimensions = array<i32: 0>} : vector<16xi32>
    %add3A_415 = arith.constant 0 : i32
    %add3A_416 = vector.broadcast %add3A_415 : i32 to vector<16xi32>
    %add3A_417 = arith.addi %iota3A_414, %add3A_416 : vector<16xi32>
    %eq3A_418 = vector.broadcast %add3A_411 : i32 to vector<16xi32>
    %eq3A_419 = arith.cmpi eq, %add3A_417, %eq3A_418 : vector<16xi32>
    %jit3A_420 = arith.constant 0 : i32
    %broadcast_in_dim3A_421 = vector.broadcast %jit3A_420 : i32 to vector<16xi32>
    %select_n3A_422 = arith.select %eq3A_419, %get3A_413, %broadcast_in_dim3A_421 : vector<16xi1>, vector<16xi32>
    %reduce_sum3A_423 = arith.constant true
    %reduce_sum3A_424 = vector.broadcast %reduce_sum3A_423 : i1 to vector<16xi1>
    %reduce_sum3A_425 = tpu.scan <sum>, %select_n3A_422 masked %reduce_sum3A_424 : vector<16xi32>, vector<16xi1> -> vector<16xi32>
    %reduce_sum3A_426 = vector.extract %reduce_sum3A_425[15] : i32 from vector<16xi32>
    %add3A_427 = arith.constant 0 : i32
    %add3A_428 = arith.addi %add3A_427, %reduce_sum3A_426 : i32
    %get3A_429 = arith.constant 16 : index
    %get3A_430 = tpu.vector_load %arg8[%get3A_429] {strides = array<i32>} : memref<80xi32, #tpu.memory_space<vmem>>, vector<16xi32>,
    %iota3A_431 = tpu.iota {dimensions = array<i32: 0>} : vector<16xi32>
    %add3A_432 = arith.constant 16 : i32
    %add3A_433 = vector.broadcast %add3A_432 : i32 to vector<16xi32>
    %add3A_434 = arith.addi %iota3A_431, %add3A_433 : vector<16xi32>
    %eq3A_435 = vector.broadcast %add3A_411 : i32 to vector<16xi32>
    %eq3A_436 = arith.cmpi eq, %add3A_434, %eq3A_435 : vector<16xi32>
    %jit3A_437 = arith.constant 0 : i32
    %broadcast_in_dim3A_438 = vector.broadcast %jit3A_437 : i32 to vector<16xi32>
    %select_n3A_439 = arith.select %eq3A_436, %get3A_430, %broadcast_in_dim3A_438 : vector<16xi1>, vector<16xi32>
    %reduce_sum3A_440 = arith.constant true
    %reduce_sum3A_441 = vector.broadcast %reduce_sum3A_440 : i1 to vector<16xi1>
    %reduce_sum3A_442 = tpu.scan <sum>, %select_n3A_439 masked %reduce_sum3A_441 : vector<16xi32>, vector<16xi1> -> vector<16xi32>
    %reduce_sum3A_443 = vector.extract %reduce_sum3A_442[15] : i32 from vector<16xi32>
    %add3A_444 = arith.addi %add3A_428, %reduce_sum3A_443 : i32
    %get3A_445 = arith.constant 32 : index
    %get3A_446 = tpu.vector_load %arg8[%get3A_445] {strides = array<i32>} : memref<80xi32, #tpu.memory_space<vmem>>, vector<16xi32>,
    %iota3A_447 = tpu.iota {dimensions = array<i32: 0>} : vector<16xi32>
    %add3A_448 = arith.constant 32 : i32
    %add3A_449 = vector.broadcast %add3A_448 : i32 to vector<16xi32>
    %add3A_450 = arith.addi %iota3A_447, %add3A_449 : vector<16xi32>
    %eq3A_451 = vector.broadcast %add3A_411 : i32 to vector<16xi32>
    %eq3A_452 = arith.cmpi eq, %add3A_450, %eq3A_451 : vector<16xi32>
    %jit3A_453 = arith.constant 0 : i32
    %broadcast_in_dim3A_454 = vector.broadcast %jit3A_453 : i32 to vector<16xi32>
    %select_n3A_455 = arith.select %eq3A_452, %get3A_446, %broadcast_in_dim3A_454 : vector<16xi1>, vector<16xi32>
    %reduce_sum3A_456 = arith.constant true
    %reduce_sum3A_457 = vector.broadcast %reduce_sum3A_456 : i1 to vector<16xi1>
    %reduce_sum3A_458 = tpu.scan <sum>, %select_n3A_455 masked %reduce_sum3A_457 : vector<16xi32>, vector<16xi1> -> vector<16xi32>
    %reduce_sum3A_459 = vector.extract %reduce_sum3A_458[15] : i32 from vector<16xi32>
    %add3A_460 = arith.addi %add3A_444, %reduce_sum3A_459 : i32
    %get3A_461 = arith.constant 48 : index
    %get3A_462 = tpu.vector_load %arg8[%get3A_461] {strides = array<i32>} : memref<80xi32, #tpu.memory_space<vmem>>, vector<16xi32>,
    %iota3A_463 = tpu.iota {dimensions = array<i32: 0>} : vector<16xi32>
    %add3A_464 = arith.constant 48 : i32
    %add3A_465 = vector.broadcast %add3A_464 : i32 to vector<16xi32>
    %add3A_466 = arith.addi %iota3A_463, %add3A_465 : vector<16xi32>
    %eq3A_467 = vector.broadcast %add3A_411 : i32 to vector<16xi32>
    %eq3A_468 = arith.cmpi eq, %add3A_466, %eq3A_467 : vector<16xi32>
    %jit3A_469 = arith.constant 0 : i32
    %broadcast_in_dim3A_470 = vector.broadcast %jit3A_469 : i32 to vector<16xi32>
    %select_n3A_471 = arith.select %eq3A_468, %get3A_462, %broadcast_in_dim3A_470 : vector<16xi1>, vector<16xi32>
    %reduce_sum3A_472 = arith.constant true
    %reduce_sum3A_473 = vector.broadcast %reduce_sum3A_472 : i1 to vector<16xi1>
    %reduce_sum3A_474 = tpu.scan <sum>, %select_n3A_471 masked %reduce_sum3A_473 : vector<16xi32>, vector<16xi1> -> vector<16xi32>
    %reduce_sum3A_475 = vector.extract %reduce_sum3A_474[15] : i32 from vector<16xi32>
    %add3A_476 = arith.addi %add3A_460, %reduce_sum3A_475 : i32
    %get3A_477 = arith.constant 64 : index
    %get3A_478 = tpu.vector_load %arg8[%get3A_477] {strides = array<i32>} : memref<80xi32, #tpu.memory_space<vmem>>, vector<16xi32>,
    %iota3A_479 = tpu.iota {dimensions = array<i32: 0>} : vector<16xi32>
    %add3A_480 = arith.constant 64 : i32
    %add3A_481 = vector.broadcast %add3A_480 : i32 to vector<16xi32>
    %add3A_482 = arith.addi %iota3A_479, %add3A_481 : vector<16xi32>
    %eq3A_483 = vector.broadcast %add3A_411 : i32 to vector<16xi32>
    %eq3A_484 = arith.cmpi eq, %add3A_482, %eq3A_483 : vector<16xi32>
    %jit3A_485 = arith.constant 0 : i32
    %broadcast_in_dim3A_486 = vector.broadcast %jit3A_485 : i32 to vector<16xi32>
    %select_n3A_487 = arith.select %eq3A_484, %get3A_478, %broadcast_in_dim3A_486 : vector<16xi1>, vector<16xi32>
    %reduce_sum3A_488 = arith.constant true
    %reduce_sum3A_489 = vector.broadcast %reduce_sum3A_488 : i1 to vector<16xi1>
    %reduce_sum3A_490 = tpu.scan <sum>, %select_n3A_487 masked %reduce_sum3A_489 : vector<16xi32>, vector<16xi1> -> vector<16xi32>
    %reduce_sum3A_491 = vector.extract %reduce_sum3A_490[15] : i32 from vector<16xi32>
    %add3A_492 = arith.addi %add3A_476, %reduce_sum3A_491 : i32
    %add3A_493 = arith.constant 1 : i32
    %add3A_494 = arith.addi %add3A_411, %add3A_493 : i32
    %get3A_495 = arith.constant 0 : index
    %get3A_496 = tpu.vector_load %arg8[%get3A_495] {strides = array<i32>} : memref<80xi32, #tpu.memory_space<vmem>>, vector<16xi32>,
    %iota3A_497 = tpu.iota {dimensions = array<i32: 0>} : vector<16xi32>
    %add3A_498 = arith.constant 0 : i32
    %add3A_499 = vector.broadcast %add3A_498 : i32 to vector<16xi32>
    %add3A_500 = arith.addi %iota3A_497, %add3A_499 : vector<16xi32>
    %eq3A_501 = vector.broadcast %add3A_494 : i32 to vector<16xi32>
    %eq3A_502 = arith.cmpi eq, %add3A_500, %eq3A_501 : vector<16xi32>
    %jit3A_503 = arith.constant 0 : i32
    %broadcast_in_dim3A_504 = vector.broadcast %jit3A_503 : i32 to vector<16xi32>
    %select_n3A_505 = arith.select %eq3A_502, %get3A_496, %broadcast_in_dim3A_504 : vector<16xi1>, vector<16xi32>
    %reduce_sum3A_506 = arith.constant true
    %reduce_sum3A_507 = vector.broadcast %reduce_sum3A_506 : i1 to vector<16xi1>
    %reduce_sum3A_508 = tpu.scan <sum>, %select_n3A_505 masked %reduce_sum3A_507 : vector<16xi32>, vector<16xi1> -> vector<16xi32>
    %reduce_sum3A_509 = vector.extract %reduce_sum3A_508[15] : i32 from vector<16xi32>
    %add3A_510 = arith.constant 0 : i32
    %add3A_511 = arith.addi %add3A_510, %reduce_sum3A_509 : i32
    %get3A_512 = arith.constant 16 : index
    %get3A_513 = tpu.vector_load %arg8[%get3A_512] {strides = array<i32>} : memref<80xi32, #tpu.memory_space<vmem>>, vector<16xi32>,
    %iota3A_514 = tpu.iota {dimensions = array<i32: 0>} : vector<16xi32>
    %add3A_515 = arith.constant 16 : i32
    %add3A_516 = vector.broadcast %add3A_515 : i32 to vector<16xi32>
    %add3A_517 = arith.addi %iota3A_514, %add3A_516 : vector<16xi32>
    %eq3A_518 = vector.broadcast %add3A_494 : i32 to vector<16xi32>
    %eq3A_519 = arith.cmpi eq, %add3A_517, %eq3A_518 : vector<16xi32>
    %jit3A_520 = arith.constant 0 : i32
    %broadcast_in_dim3A_521 = vector.broadcast %jit3A_520 : i32 to vector<16xi32>
    %select_n3A_522 = arith.select %eq3A_519, %get3A_513, %broadcast_in_dim3A_521 : vector<16xi1>, vector<16xi32>
    %reduce_sum3A_523 = arith.constant true
    %reduce_sum3A_524 = vector.broadcast %reduce_sum3A_523 : i1 to vector<16xi1>
    %reduce_sum3A_525 = tpu.scan <sum>, %select_n3A_522 masked %reduce_sum3A_524 : vector<16xi32>, vector<16xi1> -> vector<16xi32>
    %reduce_sum3A_526 = vector.extract %reduce_sum3A_525[15] : i32 from vector<16xi32>
    %add3A_527 = arith.addi %add3A_511, %reduce_sum3A_526 : i32
    %get3A_528 = arith.constant 32 : index
    %get3A_529 = tpu.vector_load %arg8[%get3A_528] {strides = array<i32>} : memref<80xi32, #tpu.memory_space<vmem>>, vector<16xi32>,
    %iota3A_530 = tpu.iota {dimensions = array<i32: 0>} : vector<16xi32>
    %add3A_531 = arith.constant 32 : i32
    %add3A_532 = vector.broadcast %add3A_531 : i32 to vector<16xi32>
    %add3A_533 = arith.addi %iota3A_530, %add3A_532 : vector<16xi32>
    %eq3A_534 = vector.broadcast %add3A_494 : i32 to vector<16xi32>
    %eq3A_535 = arith.cmpi eq, %add3A_533, %eq3A_534 : vector<16xi32>
    %jit3A_536 = arith.constant 0 : i32
    %broadcast_in_dim3A_537 = vector.broadcast %jit3A_536 : i32 to vector<16xi32>
    %select_n3A_538 = arith.select %eq3A_535, %get3A_529, %broadcast_in_dim3A_537 : vector<16xi1>, vector<16xi32>
    %reduce_sum3A_539 = arith.constant true
    %reduce_sum3A_540 = vector.broadcast %reduce_sum3A_539 : i1 to vector<16xi1>
    %reduce_sum3A_541 = tpu.scan <sum>, %select_n3A_538 masked %reduce_sum3A_540 : vector<16xi32>, vector<16xi1> -> vector<16xi32>
    %reduce_sum3A_542 = vector.extract %reduce_sum3A_541[15] : i32 from vector<16xi32>
    %add3A_543 = arith.addi %add3A_527, %reduce_sum3A_542 : i32
    %get3A_544 = arith.constant 48 : index
    %get3A_545 = tpu.vector_load %arg8[%get3A_544] {strides = array<i32>} : memref<80xi32, #tpu.memory_space<vmem>>, vector<16xi32>,
    %iota3A_546 = tpu.iota {dimensions = array<i32: 0>} : vector<16xi32>
    %add3A_547 = arith.constant 48 : i32
    %add3A_548 = vector.broadcast %add3A_547 : i32 to vector<16xi32>
    %add3A_549 = arith.addi %iota3A_546, %add3A_548 : vector<16xi32>
    %eq3A_550 = vector.broadcast %add3A_494 : i32 to vector<16xi32>
    %eq3A_551 = arith.cmpi eq, %add3A_549, %eq3A_550 : vector<16xi32>
    %jit3A_552 = arith.constant 0 : i32
    %broadcast_in_dim3A_553 = vector.broadcast %jit3A_552 : i32 to vector<16xi32>
    %select_n3A_554 = arith.select %eq3A_551, %get3A_545, %broadcast_in_dim3A_553 : vector<16xi1>, vector<16xi32>
    %reduce_sum3A_555 = arith.constant true
    %reduce_sum3A_556 = vector.broadcast %reduce_sum3A_555 : i1 to vector<16xi1>
    %reduce_sum3A_557 = tpu.scan <sum>, %select_n3A_554 masked %reduce_sum3A_556 : vector<16xi32>, vector<16xi1> -> vector<16xi32>
    %reduce_sum3A_558 = vector.extract %reduce_sum3A_557[15] : i32 from vector<16xi32>
    %add3A_559 = arith.addi %add3A_543, %reduce_sum3A_558 : i32
    %get3A_560 = arith.constant 64 : index
    %get3A_561 = tpu.vector_load %arg8[%get3A_560] {strides = array<i32>} : memref<80xi32, #tpu.memory_space<vmem>>, vector<16xi32>,
    %iota3A_562 = tpu.iota {dimensions = array<i32: 0>} : vector<16xi32>
    %add3A_563 = arith.constant 64 : i32
    %add3A_564 = vector.broadcast %add3A_563 : i32 to vector<16xi32>
    %add3A_565 = arith.addi %iota3A_562, %add3A_564 : vector<16xi32>
    %eq3A_566 = vector.broadcast %add3A_494 : i32 to vector<16xi32>
    %eq3A_567 = arith.cmpi eq, %add3A_565, %eq3A_566 : vector<16xi32>
    %jit3A_568 = arith.constant 0 : i32
    %broadcast_in_dim3A_569 = vector.broadcast %jit3A_568 : i32 to vector<16xi32>
    %select_n3A_570 = arith.select %eq3A_567, %get3A_561, %broadcast_in_dim3A_569 : vector<16xi1>, vector<16xi32>
    %reduce_sum3A_571 = arith.constant true
    %reduce_sum3A_572 = vector.broadcast %reduce_sum3A_571 : i1 to vector<16xi1>
    %reduce_sum3A_573 = tpu.scan <sum>, %select_n3A_570 masked %reduce_sum3A_572 : vector<16xi32>, vector<16xi1> -> vector<16xi32>
    %reduce_sum3A_574 = vector.extract %reduce_sum3A_573[15] : i32 from vector<16xi32>
    %add3A_575 = arith.addi %add3A_559, %reduce_sum3A_574 : i32
    %sub3A_576 = arith.subi %add3A_575, %add3A_492 : i32
    %add3A_577 = arith.constant 64 : i32
    %add3A_578 = arith.addi %sub3A_576, %add3A_577 : i32
    %sub3A_579 = arith.constant 1 : i32
    %sub3A_580 = arith.subi %add3A_578, %sub3A_579 : i32
    %jit3A_581 = arith.constant 64 : i32
    %div3A_582 = arith.divsi %sub3A_580, %jit3A_581 : i32
    %sign3A_583 = arith.constant 0 : i32
    %sign3A_584 = arith.cmpi sgt, %sub3A_580, %sign3A_583 : i32
    %sign3A_585 = arith.extui %sign3A_584 : i1 to i32
    %sign3A_586 = arith.constant 0 : i32
    %sign3A_587 = arith.cmpi slt, %sub3A_580, %sign3A_586 : i32
    %sign3A_588 = arith.extui %sign3A_587 : i1 to i32
    %sign3A_589 = arith.subi %sign3A_585, %sign3A_588 : i32
    %sign3A_590 = arith.constant 0 : i32
    %sign3A_591 = arith.cmpi sgt, %jit3A_581, %sign3A_590 : i32
    %sign3A_592 = arith.extui %sign3A_591 : i1 to i32
    %sign3A_593 = arith.constant 0 : i32
    %sign3A_594 = arith.cmpi slt, %jit3A_581, %sign3A_593 : i32
    %sign3A_595 = arith.extui %sign3A_594 : i1 to i32
    %sign3A_596 = arith.subi %sign3A_592, %sign3A_595 : i32
    %ne3A_597 = arith.cmpi ne, %sign3A_589, %sign3A_596 : i32
    %rem3A_598 = arith.remsi %sub3A_580, %jit3A_581 : i32
    %ne3A_599 = arith.constant 0 : i32
    %ne3A_600 = arith.cmpi ne, %rem3A_598, %ne3A_599 : i32
    %and3A_601 = arith.andi %ne3A_597, %ne3A_600 : i1
    %sub3A_602 = arith.constant 1 : i32
    %sub3A_603 = arith.subi %div3A_582, %sub3A_602 : i32
    %select_n3A_604 = arith.select %and3A_601, %sub3A_603, %div3A_582 : i32
    %broadcast_in_dim3A_605 = arith.constant 0.000000e+00 : f32
    %broadcast_in_dim3A_606 = vector.broadcast %broadcast_in_dim3A_605 : f32 to vector<16xf32>
    %broadcast_in_dim3A_607 = arith.constant 0.000000e+00 : f32
    %broadcast_in_dim3A_608 = vector.broadcast %broadcast_in_dim3A_607 : f32 to vector<16xf32>
    %broadcast_in_dim3A_609 = arith.constant 0.000000e+00 : f32
    %broadcast_in_dim3A_610 = vector.broadcast %broadcast_in_dim3A_609 : f32 to vector<16xf32>
    %broadcast_in_dim3A_611 = arith.constant 0.000000e+00 : f32
    %broadcast_in_dim3A_612 = vector.broadcast %broadcast_in_dim3A_611 : f32 to vector<16xf32>
    %broadcast_in_dim3A_613 = arith.constant 0.000000e+00 : f32
    %broadcast_in_dim3A_614 = vector.broadcast %broadcast_in_dim3A_613 : f32 to vector<16xf32>
    %broadcast_in_dim3A_615 = arith.constant 0.000000e+00 : f32
    %broadcast_in_dim3A_616 = vector.broadcast %broadcast_in_dim3A_615 : f32 to vector<16xf32>
    %broadcast_in_dim3A_617 = arith.constant 0.000000e+00 : f32
    %broadcast_in_dim3A_618 = vector.broadcast %broadcast_in_dim3A_617 : f32 to vector<16xf32>
    %broadcast_in_dim3A_619 = arith.constant 0.000000e+00 : f32
    %broadcast_in_dim3A_620 = vector.broadcast %broadcast_in_dim3A_619 : f32 to vector<16xf32>
    %broadcast_in_dim3A_621 = arith.constant 0xFF800000 : f32
    %broadcast_in_dim3A_622 = vector.broadcast %broadcast_in_dim3A_621 : f32 to vector<16xf32>
    %broadcast_in_dim3A_623 = arith.constant 0xFF800000 : f32
    %broadcast_in_dim3A_624 = vector.broadcast %broadcast_in_dim3A_623 : f32 to vector<16xf32>
    %broadcast_in_dim3A_625 = arith.constant 0xFF800000 : f32
    %broadcast_in_dim3A_626 = vector.broadcast %broadcast_in_dim3A_625 : f32 to vector<16xf32>
    %broadcast_in_dim3A_627 = arith.constant 0xFF800000 : f32
    %broadcast_in_dim3A_628 = vector.broadcast %broadcast_in_dim3A_627 : f32 to vector<16xf32>
    %broadcast_in_dim3A_629 = arith.constant 0xFF800000 : f32
    %broadcast_in_dim3A_630 = vector.broadcast %broadcast_in_dim3A_629 : f32 to vector<16xf32>
    %broadcast_in_dim3A_631 = arith.constant 0xFF800000 : f32
    %broadcast_in_dim3A_632 = vector.broadcast %broadcast_in_dim3A_631 : f32 to vector<16xf32>
    %broadcast_in_dim3A_633 = arith.constant 0xFF800000 : f32
    %broadcast_in_dim3A_634 = vector.broadcast %broadcast_in_dim3A_633 : f32 to vector<16xf32>
    %broadcast_in_dim3A_635 = arith.constant 0xFF800000 : f32
    %broadcast_in_dim3A_636 = vector.broadcast %broadcast_in_dim3A_635 : f32 to vector<16xf32>
    %while3A_637 = arith.constant 0 : i32
    %while3A_638 = arith.subi %select_n3A_604, %while3A_637 : i32
    %while3A_639 = arith.addi %while3A_637, %while3A_638 : i32
    %while3A_640 = arith.constant 1 : i32
    %while3A_641 = arith.divsi %while3A_638, %while3A_640 : i32
    %while3A_642 = arith.muli %while3A_641, %while3A_640 : i32
    %while3A_643 = arith.addi %while3A_637, %while3A_642 : i32
    %while3A_644 = arith.constant 1 : i32
    %while3A_645:16 = scf.for %while3A_830 = %while3A_637 to %while3A_643 step %while3A_644 iter_args(%while3A_831 = %broadcast_in_dim3A_606, %while3A_832 = %broadcast_in_dim3A_608, %while3A_833 = %broadcast_in_dim3A_610, %while3A_834 = %broadcast_in_dim3A_612, %while3A_835 = %broadcast_in_dim3A_614, %while3A_836 = %broadcast_in_dim3A_616, %while3A_837 = %broadcast_in_dim3A_618, %while3A_838 = %broadcast_in_dim3A_620, %while3A_839 = %broadcast_in_dim3A_622, %while3A_840 = %broadcast_in_dim3A_624, %while3A_841 = %broadcast_in_dim3A_626, %while3A_842 = %broadcast_in_dim3A_628, %while3A_843 = %broadcast_in_dim3A_630, %while3A_844 = %broadcast_in_dim3A_632, %while3A_845 = %broadcast_in_dim3A_634, %while3A_846 = %broadcast_in_dim3A_636) -> (vector<16xf32>, vector<16xf32>, vector<16xf32>, vector<16xf32>, vector<16xf32>, vector<16xf32>, vector<16xf32>, vector<16xf32>, vector<16xf32>, vector<16xf32>, vector<16xf32>, vector<16xf32>, vector<16xf32>, vector<16xf32>, vector<16xf32>, vector<16xf32>)  : i32 {
      %mul3A_847 = arith.constant 64 : i32
      %mul3A_848 = arith.muli %while3A_830, %mul3A_847 : i32
      %add3A_849 = arith.addi %add3A_492, %mul3A_848 : i32
      %min3A = arith.constant 9936 : i32
      %min3A_850 = arith.minsi %add3A_849, %min3A : i32
      %sub3A_851 = arith.subi %add3A_849, %min3A_850 : i32
      %add3A_852 = arith.constant 64 : i32
      %add3A_853 = arith.addi %min3A_850, %add3A_852 : i32
      %min3A_854 = arith.minsi %add3A_575, %add3A_853 : i32
      %sub3A_855 = arith.subi %min3A_854, %min3A_850 : i32
      "tpu.region"() ({
        %run_scoped3A = tpu.sem_alloc : memref<!tpu.dma_semaphore, #tpu.memory_space<semaphore_mem>>
        %dma_start3A = arith.constant 0 : i32
        %dma_start3A_866 = tpu.memref_slice %arg2[%min3A_850, %dma_start3A] : memref<10000x128xf32, #tpu.memory_space<hbm>> -> memref<64x128xf32, #tpu.memory_space<hbm>>
        %dma_start3A_867 = arith.constant 0 : i32
        %dma_start3A_868 = tpu.memref_slice %arg2[%min3A_850, %dma_start3A_867] : memref<10000x128xf32, #tpu.memory_space<hbm>> -> memref<64x128xf32, #tpu.memory_space<hbm>>
        tpu.enqueue_dma source(%dma_start3A_868 : memref<64x128xf32, #tpu.memory_space<hbm>>) target(%arg9 : memref<64x128xf32, #tpu.memory_space<vmem>>) target_semaphore(%run_scoped3A : memref<!tpu.dma_semaphore, #tpu.memory_space<semaphore_mem>>)
        %dma_wait3A = arith.constant 0 : i32
        %dma_wait3A_869 = tpu.memref_slice %arg2[%min3A_850, %dma_wait3A] : memref<10000x128xf32, #tpu.memory_space<hbm>> -> memref<64x128xf32, #tpu.memory_space<hbm>>
        %dma_wait3A_870 = arith.constant 0 : i32
        %dma_wait3A_871 = tpu.memref_slice %arg2[%min3A_850, %dma_wait3A_870] : memref<10000x128xf32, #tpu.memory_space<hbm>> -> memref<64x128xf32, #tpu.memory_space<hbm>>
        tpu.wait_dma2 semaphore(%run_scoped3A : memref<!tpu.dma_semaphore, #tpu.memory_space<semaphore_mem>>) src(%dma_wait3A_871 : memref<64x128xf32, #tpu.memory_space<hbm>>) dst(%arg9 : memref<64x128xf32, #tpu.memory_space<vmem>>)
        tpu.yield
      }) : () -> ()
      %while3A_856 = arith.subi %sub3A_855, %sub3A_851 : i32
      %while3A_857 = arith.addi %sub3A_851, %while3A_856 : i32
      %while3A_858 = arith.constant 1 : i32
      %while3A_859 = arith.divsi %while3A_856, %while3A_858 : i32
      %while3A_860 = arith.muli %while3A_859, %while3A_858 : i32
      %while3A_861 = arith.addi %sub3A_851, %while3A_860 : i32
      %while3A_862 = arith.constant 1 : i32
      %while3A_863:16 = scf.for %while3A_866 = %sub3A_851 to %while3A_861 step %while3A_862 iter_args(%while3A_867 = %while3A_831, %while3A_868 = %while3A_832, %while3A_869 = %while3A_833, %while3A_870 = %while3A_834, %while3A_871 = %while3A_835, %while3A_872 = %while3A_836, %while3A_873 = %while3A_837, %while3A_874 = %while3A_838, %while3A_875 = %while3A_839, %while3A_876 = %while3A_840, %while3A_877 = %while3A_841, %while3A_878 = %while3A_842, %while3A_879 = %while3A_843, %while3A_880 = %while3A_844, %while3A_881 = %while3A_845, %while3A_882 = %while3A_846) -> (vector<16xf32>, vector<16xf32>, vector<16xf32>, vector<16xf32>, vector<16xf32>, vector<16xf32>, vector<16xf32>, vector<16xf32>, vector<16xf32>, vector<16xf32>, vector<16xf32>, vector<16xf32>, vector<16xf32>, vector<16xf32>, vector<16xf32>, vector<16xf32>)  : i32 {
        %get3A_883 = arith.index_cast %while3A_866 : i32 to index
        %get3A_884 = arith.constant 0 : index
        %get3A_885 = tpu.vector_load %arg9[%get3A_883, %get3A_884] {strides = array<i32>} : memref<64x128xf32, #tpu.memory_space<vmem>>, vector<16xf32>,
        %add3A_886 = arith.addf %while3A_867, %get3A_885 : vector<16xf32>
        %max3A = arith.maximumf %while3A_875, %get3A_885 : vector<16xf32>
        %get3A_887 = arith.index_cast %while3A_866 : i32 to index
        %get3A_888 = arith.constant 16 : index
        %get3A_889 = tpu.vector_load %arg9[%get3A_887, %get3A_888] {strides = array<i32>} : memref<64x128xf32, #tpu.memory_space<vmem>>, vector<16xf32>,
        %add3A_890 = arith.addf %while3A_868, %get3A_889 : vector<16xf32>
        %max3A_891 = arith.maximumf %while3A_876, %get3A_889 : vector<16xf32>
        %get3A_892 = arith.index_cast %while3A_866 : i32 to index
        %get3A_893 = arith.constant 32 : index
        %get3A_894 = tpu.vector_load %arg9[%get3A_892, %get3A_893] {strides = array<i32>} : memref<64x128xf32, #tpu.memory_space<vmem>>, vector<16xf32>,
        %add3A_895 = arith.addf %while3A_869, %get3A_894 : vector<16xf32>
        %max3A_896 = arith.maximumf %while3A_877, %get3A_894 : vector<16xf32>
        %get3A_897 = arith.index_cast %while3A_866 : i32 to index
        %get3A_898 = arith.constant 48 : index
        %get3A_899 = tpu.vector_load %arg9[%get3A_897, %get3A_898] {strides = array<i32>} : memref<64x128xf32, #tpu.memory_space<vmem>>, vector<16xf32>,
        %add3A_900 = arith.addf %while3A_870, %get3A_899 : vector<16xf32>
        %max3A_901 = arith.maximumf %while3A_878, %get3A_899 : vector<16xf32>
        %get3A_902 = arith.index_cast %while3A_866 : i32 to index
        %get3A_903 = arith.constant 64 : index
        %get3A_904 = tpu.vector_load %arg9[%get3A_902, %get3A_903] {strides = array<i32>} : memref<64x128xf32, #tpu.memory_space<vmem>>, vector<16xf32>,
        %add3A_905 = arith.addf %while3A_871, %get3A_904 : vector<16xf32>
        %max3A_906 = arith.maximumf %while3A_879, %get3A_904 : vector<16xf32>
        %get3A_907 = arith.index_cast %while3A_866 : i32 to index
        %get3A_908 = arith.constant 80 : index
        %get3A_909 = tpu.vector_load %arg9[%get3A_907, %get3A_908] {strides = array<i32>} : memref<64x128xf32, #tpu.memory_space<vmem>>, vector<16xf32>,
        %add3A_910 = arith.addf %while3A_872, %get3A_909 : vector<16xf32>
        %max3A_911 = arith.maximumf %while3A_880, %get3A_909 : vector<16xf32>
        %get3A_912 = arith.index_cast %while3A_866 : i32 to index
        %get3A_913 = arith.constant 96 : index
        %get3A_914 = tpu.vector_load %arg9[%get3A_912, %get3A_913] {strides = array<i32>} : memref<64x128xf32, #tpu.memory_space<vmem>>, vector<16xf32>,
        %add3A_915 = arith.addf %while3A_873, %get3A_914 : vector<16xf32>
        %max3A_916 = arith.maximumf %while3A_881, %get3A_914 : vector<16xf32>
        %get3A_917 = arith.index_cast %while3A_866 : i32 to index
        %get3A_918 = arith.constant 112 : index
        %get3A_919 = tpu.vector_load %arg9[%get3A_917, %get3A_918] {strides = array<i32>} : memref<64x128xf32, #tpu.memory_space<vmem>>, vector<16xf32>,
        %add3A_920 = arith.addf %while3A_874, %get3A_919 : vector<16xf32>
        %max3A_921 = arith.maximumf %while3A_882, %get3A_919 : vector<16xf32>
        scf.yield %add3A_886, %add3A_890, %add3A_895, %add3A_900, %add3A_905, %add3A_910, %add3A_915, %add3A_920, %max3A, %max3A_891, %max3A_896, %max3A_901, %max3A_906, %max3A_911, %max3A_916, %max3A_921 : vector<16xf32>, vector<16xf32>, vector<16xf32>, vector<16xf32>, vector<16xf32>, vector<16xf32>, vector<16xf32>, vector<16xf32>, vector<16xf32>, vector<16xf32>, vector<16xf32>, vector<16xf32>, vector<16xf32>, vector<16xf32>, vector<16xf32>, vector<16xf32>
      }
      %while3A_864 = arith.constant 1 : i32
      %while3A_865:16 = scf.for %while3A_866 = %while3A_861 to %while3A_857 step %while3A_864 iter_args(%while3A_867 = %while3A_863#0, %while3A_868 = %while3A_863#1, %while3A_869 = %while3A_863#2, %while3A_870 = %while3A_863#3, %while3A_871 = %while3A_863#4, %while3A_872 = %while3A_863#5, %while3A_873 = %while3A_863#6, %while3A_874 = %while3A_863#7, %while3A_875 = %while3A_863#8, %while3A_876 = %while3A_863#9, %while3A_877 = %while3A_863#10, %while3A_878 = %while3A_863#11, %while3A_879 = %while3A_863#12, %while3A_880 = %while3A_863#13, %while3A_881 = %while3A_863#14, %while3A_882 = %while3A_863#15) -> (vector<16xf32>, vector<16xf32>, vector<16xf32>, vector<16xf32>, vector<16xf32>, vector<16xf32>, vector<16xf32>, vector<16xf32>, vector<16xf32>, vector<16xf32>, vector<16xf32>, vector<16xf32>, vector<16xf32>, vector<16xf32>, vector<16xf32>, vector<16xf32>)  : i32 {
        %get3A_883 = arith.index_cast %while3A_866 : i32 to index
        %get3A_884 = arith.constant 0 : index
        %get3A_885 = tpu.vector_load %arg9[%get3A_883, %get3A_884] {strides = array<i32>} : memref<64x128xf32, #tpu.memory_space<vmem>>, vector<16xf32>,
        %add3A_886 = arith.addf %while3A_867, %get3A_885 : vector<16xf32>
        %max3A = arith.maximumf %while3A_875, %get3A_885 : vector<16xf32>
        %get3A_887 = arith.index_cast %while3A_866 : i32 to index
        %get3A_888 = arith.constant 16 : index
        %get3A_889 = tpu.vector_load %arg9[%get3A_887, %get3A_888] {strides = array<i32>} : memref<64x128xf32, #tpu.memory_space<vmem>>, vector<16xf32>,
        %add3A_890 = arith.addf %while3A_868, %get3A_889 : vector<16xf32>
        %max3A_891 = arith.maximumf %while3A_876, %get3A_889 : vector<16xf32>
        %get3A_892 = arith.index_cast %while3A_866 : i32 to index
        %get3A_893 = arith.constant 32 : index
        %get3A_894 = tpu.vector_load %arg9[%get3A_892, %get3A_893] {strides = array<i32>} : memref<64x128xf32, #tpu.memory_space<vmem>>, vector<16xf32>,
        %add3A_895 = arith.addf %while3A_869, %get3A_894 : vector<16xf32>
        %max3A_896 = arith.maximumf %while3A_877, %get3A_894 : vector<16xf32>
        %get3A_897 = arith.index_cast %while3A_866 : i32 to index
        %get3A_898 = arith.constant 48 : index
        %get3A_899 = tpu.vector_load %arg9[%get3A_897, %get3A_898] {strides = array<i32>} : memref<64x128xf32, #tpu.memory_space<vmem>>, vector<16xf32>,
        %add3A_900 = arith.addf %while3A_870, %get3A_899 : vector<16xf32>
        %max3A_901 = arith.maximumf %while3A_878, %get3A_899 : vector<16xf32>
        %get3A_902 = arith.index_cast %while3A_866 : i32 to index
        %get3A_903 = arith.constant 64 : index
        %get3A_904 = tpu.vector_load %arg9[%get3A_902, %get3A_903] {strides = array<i32>} : memref<64x128xf32, #tpu.memory_space<vmem>>, vector<16xf32>,
        %add3A_905 = arith.addf %while3A_871, %get3A_904 : vector<16xf32>
        %max3A_906 = arith.maximumf %while3A_879, %get3A_904 : vector<16xf32>
        %get3A_907 = arith.index_cast %while3A_866 : i32 to index
        %get3A_908 = arith.constant 80 : index
        %get3A_909 = tpu.vector_load %arg9[%get3A_907, %get3A_908] {strides = array<i32>} : memref<64x128xf32, #tpu.memory_space<vmem>>, vector<16xf32>,
        %add3A_910 = arith.addf %while3A_872, %get3A_909 : vector<16xf32>
        %max3A_911 = arith.maximumf %while3A_880, %get3A_909 : vector<16xf32>
        %get3A_912 = arith.index_cast %while3A_866 : i32 to index
        %get3A_913 = arith.constant 96 : index
        %get3A_914 = tpu.vector_load %arg9[%get3A_912, %get3A_913] {strides = array<i32>} : memref<64x128xf32, #tpu.memory_space<vmem>>, vector<16xf32>,
        %add3A_915 = arith.addf %while3A_873, %get3A_914 : vector<16xf32>
        %max3A_916 = arith.maximumf %while3A_881, %get3A_914 : vector<16xf32>
        %get3A_917 = arith.index_cast %while3A_866 : i32 to index
        %get3A_918 = arith.constant 112 : index
        %get3A_919 = tpu.vector_load %arg9[%get3A_917, %get3A_918] {strides = array<i32>} : memref<64x128xf32, #tpu.memory_space<vmem>>, vector<16xf32>,
        %add3A_920 = arith.addf %while3A_874, %get3A_919 : vector<16xf32>
        %max3A_921 = arith.maximumf %while3A_882, %get3A_919 : vector<16xf32>
        scf.yield %add3A_886, %add3A_890, %add3A_895, %add3A_900, %add3A_905, %add3A_910, %add3A_915, %add3A_920, %max3A, %max3A_891, %max3A_896, %max3A_901, %max3A_906, %max3A_911, %max3A_916, %max3A_921 : vector<16xf32>, vector<16xf32>, vector<16xf32>, vector<16xf32>, vector<16xf32>, vector<16xf32>, vector<16xf32>, vector<16xf32>, vector<16xf32>, vector<16xf32>, vector<16xf32>, vector<16xf32>, vector<16xf32>, vector<16xf32>, vector<16xf32>, vector<16xf32>
      }
      scf.yield %while3A_865#0, %while3A_865#1, %while3A_865#2, %while3A_865#3, %while3A_865#4, %while3A_865#5, %while3A_865#6, %while3A_865#7, %while3A_865#8, %while3A_865#9, %while3A_865#10, %while3A_865#11, %while3A_865#12, %while3A_865#13, %while3A_865#14, %while3A_865#15 : vector<16xf32>, vector<16xf32>, vector<16xf32>, vector<16xf32>, vector<16xf32>, vector<16xf32>, vector<16xf32>, vector<16xf32>, vector<16xf32>, vector<16xf32>, vector<16xf32>, vector<16xf32>, vector<16xf32>, vector<16xf32>, vector<16xf32>, vector<16xf32>
    }
    %while3A_646 = arith.constant 1 : i32
    %while3A_647:16 = scf.for %while3A_830 = %while3A_643 to %while3A_639 step %while3A_646 iter_args(%while3A_831 = %while3A_645#0, %while3A_832 = %while3A_645#1, %while3A_833 = %while3A_645#2, %while3A_834 = %while3A_645#3, %while3A_835 = %while3A_645#4, %while3A_836 = %while3A_645#5, %while3A_837 = %while3A_645#6, %while3A_838 = %while3A_645#7, %while3A_839 = %while3A_645#8, %while3A_840 = %while3A_645#9, %while3A_841 = %while3A_645#10, %while3A_842 = %while3A_645#11, %while3A_843 = %while3A_645#12, %while3A_844 = %while3A_645#13, %while3A_845 = %while3A_645#14, %while3A_846 = %while3A_645#15) -> (vector<16xf32>, vector<16xf32>, vector<16xf32>, vector<16xf32>, vector<16xf32>, vector<16xf32>, vector<16xf32>, vector<16xf32>, vector<16xf32>, vector<16xf32>, vector<16xf32>, vector<16xf32>, vector<16xf32>, vector<16xf32>, vector<16xf32>, vector<16xf32>)  : i32 {
      %mul3A_847 = arith.constant 64 : i32
      %mul3A_848 = arith.muli %while3A_830, %mul3A_847 : i32
      %add3A_849 = arith.addi %add3A_492, %mul3A_848 : i32
      %min3A = arith.constant 9936 : i32
      %min3A_850 = arith.minsi %add3A_849, %min3A : i32
      %sub3A_851 = arith.subi %add3A_849, %min3A_850 : i32
      %add3A_852 = arith.constant 64 : i32
      %add3A_853 = arith.addi %min3A_850, %add3A_852 : i32
      %min3A_854 = arith.minsi %add3A_575, %add3A_853 : i32
      %sub3A_855 = arith.subi %min3A_854, %min3A_850 : i32
      "tpu.region"() ({
        %run_scoped3A = tpu.sem_alloc : memref<!tpu.dma_semaphore, #tpu.memory_space<semaphore_mem>>
        %dma_start3A = arith.constant 0 : i32
        %dma_start3A_866 = tpu.memref_slice %arg2[%min3A_850, %dma_start3A] : memref<10000x128xf32, #tpu.memory_space<hbm>> -> memref<64x128xf32, #tpu.memory_space<hbm>>
        %dma_start3A_867 = arith.constant 0 : i32
        %dma_start3A_868 = tpu.memref_slice %arg2[%min3A_850, %dma_start3A_867] : memref<10000x128xf32, #tpu.memory_space<hbm>> -> memref<64x128xf32, #tpu.memory_space<hbm>>
        tpu.enqueue_dma source(%dma_start3A_868 : memref<64x128xf32, #tpu.memory_space<hbm>>) target(%arg9 : memref<64x128xf32, #tpu.memory_space<vmem>>) target_semaphore(%run_scoped3A : memref<!tpu.dma_semaphore, #tpu.memory_space<semaphore_mem>>)
        %dma_wait3A = arith.constant 0 : i32
        %dma_wait3A_869 = tpu.memref_slice %arg2[%min3A_850, %dma_wait3A] : memref<10000x128xf32, #tpu.memory_space<hbm>> -> memref<64x128xf32, #tpu.memory_space<hbm>>
        %dma_wait3A_870 = arith.constant 0 : i32
        %dma_wait3A_871 = tpu.memref_slice %arg2[%min3A_850, %dma_wait3A_870] : memref<10000x128xf32, #tpu.memory_space<hbm>> -> memref<64x128xf32, #tpu.memory_space<hbm>>
        tpu.wait_dma2 semaphore(%run_scoped3A : memref<!tpu.dma_semaphore, #tpu.memory_space<semaphore_mem>>) src(%dma_wait3A_871 : memref<64x128xf32, #tpu.memory_space<hbm>>) dst(%arg9 : memref<64x128xf32, #tpu.memory_space<vmem>>)
        tpu.yield
      }) : () -> ()
      %while3A_856 = arith.subi %sub3A_855, %sub3A_851 : i32
      %while3A_857 = arith.addi %sub3A_851, %while3A_856 : i32
      %while3A_858 = arith.constant 1 : i32
      %while3A_859 = arith.divsi %while3A_856, %while3A_858 : i32
      %while3A_860 = arith.muli %while3A_859, %while3A_858 : i32
      %while3A_861 = arith.addi %sub3A_851, %while3A_860 : i32
      %while3A_862 = arith.constant 1 : i32
      %while3A_863:16 = scf.for %while3A_866 = %sub3A_851 to %while3A_861 step %while3A_862 iter_args(%while3A_867 = %while3A_831, %while3A_868 = %while3A_832, %while3A_869 = %while3A_833, %while3A_870 = %while3A_834, %while3A_871 = %while3A_835, %while3A_872 = %while3A_836, %while3A_873 = %while3A_837, %while3A_874 = %while3A_838, %while3A_875 = %while3A_839, %while3A_876 = %while3A_840, %while3A_877 = %while3A_841, %while3A_878 = %while3A_842, %while3A_879 = %while3A_843, %while3A_880 = %while3A_844, %while3A_881 = %while3A_845, %while3A_882 = %while3A_846) -> (vector<16xf32>, vector<16xf32>, vector<16xf32>, vector<16xf32>, vector<16xf32>, vector<16xf32>, vector<16xf32>, vector<16xf32>, vector<16xf32>, vector<16xf32>, vector<16xf32>, vector<16xf32>, vector<16xf32>, vector<16xf32>, vector<16xf32>, vector<16xf32>)  : i32 {
        %get3A_883 = arith.index_cast %while3A_866 : i32 to index
        %get3A_884 = arith.constant 0 : index
        %get3A_885 = tpu.vector_load %arg9[%get3A_883, %get3A_884] {strides = array<i32>} : memref<64x128xf32, #tpu.memory_space<vmem>>, vector<16xf32>,
        %add3A_886 = arith.addf %while3A_867, %get3A_885 : vector<16xf32>
        %max3A = arith.maximumf %while3A_875, %get3A_885 : vector<16xf32>
        %get3A_887 = arith.index_cast %while3A_866 : i32 to index
        %get3A_888 = arith.constant 16 : index
        %get3A_889 = tpu.vector_load %arg9[%get3A_887, %get3A_888] {strides = array<i32>} : memref<64x128xf32, #tpu.memory_space<vmem>>, vector<16xf32>,
        %add3A_890 = arith.addf %while3A_868, %get3A_889 : vector<16xf32>
        %max3A_891 = arith.maximumf %while3A_876, %get3A_889 : vector<16xf32>
        %get3A_892 = arith.index_cast %while3A_866 : i32 to index
        %get3A_893 = arith.constant 32 : index
        %get3A_894 = tpu.vector_load %arg9[%get3A_892, %get3A_893] {strides = array<i32>} : memref<64x128xf32, #tpu.memory_space<vmem>>, vector<16xf32>,
        %add3A_895 = arith.addf %while3A_869, %get3A_894 : vector<16xf32>
        %max3A_896 = arith.maximumf %while3A_877, %get3A_894 : vector<16xf32>
        %get3A_897 = arith.index_cast %while3A_866 : i32 to index
        %get3A_898 = arith.constant 48 : index
        %get3A_899 = tpu.vector_load %arg9[%get3A_897, %get3A_898] {strides = array<i32>} : memref<64x128xf32, #tpu.memory_space<vmem>>, vector<16xf32>,
        %add3A_900 = arith.addf %while3A_870, %get3A_899 : vector<16xf32>
        %max3A_901 = arith.maximumf %while3A_878, %get3A_899 : vector<16xf32>
        %get3A_902 = arith.index_cast %while3A_866 : i32 to index
        %get3A_903 = arith.constant 64 : index
        %get3A_904 = tpu.vector_load %arg9[%get3A_902, %get3A_903] {strides = array<i32>} : memref<64x128xf32, #tpu.memory_space<vmem>>, vector<16xf32>,
        %add3A_905 = arith.addf %while3A_871, %get3A_904 : vector<16xf32>
        %max3A_906 = arith.maximumf %while3A_879, %get3A_904 : vector<16xf32>
        %get3A_907 = arith.index_cast %while3A_866 : i32 to index
        %get3A_908 = arith.constant 80 : index
        %get3A_909 = tpu.vector_load %arg9[%get3A_907, %get3A_908] {strides = array<i32>} : memref<64x128xf32, #tpu.memory_space<vmem>>, vector<16xf32>,
        %add3A_910 = arith.addf %while3A_872, %get3A_909 : vector<16xf32>
        %max3A_911 = arith.maximumf %while3A_880, %get3A_909 : vector<16xf32>
        %get3A_912 = arith.index_cast %while3A_866 : i32 to index
        %get3A_913 = arith.constant 96 : index
        %get3A_914 = tpu.vector_load %arg9[%get3A_912, %get3A_913] {strides = array<i32>} : memref<64x128xf32, #tpu.memory_space<vmem>>, vector<16xf32>,
        %add3A_915 = arith.addf %while3A_873, %get3A_914 : vector<16xf32>
        %max3A_916 = arith.maximumf %while3A_881, %get3A_914 : vector<16xf32>
        %get3A_917 = arith.index_cast %while3A_866 : i32 to index
        %get3A_918 = arith.constant 112 : index
        %get3A_919 = tpu.vector_load %arg9[%get3A_917, %get3A_918] {strides = array<i32>} : memref<64x128xf32, #tpu.memory_space<vmem>>, vector<16xf32>,
        %add3A_920 = arith.addf %while3A_874, %get3A_919 : vector<16xf32>
        %max3A_921 = arith.maximumf %while3A_882, %get3A_919 : vector<16xf32>
        scf.yield %add3A_886, %add3A_890, %add3A_895, %add3A_900, %add3A_905, %add3A_910, %add3A_915, %add3A_920, %max3A, %max3A_891, %max3A_896, %max3A_901, %max3A_906, %max3A_911, %max3A_916, %max3A_921 : vector<16xf32>, vector<16xf32>, vector<16xf32>, vector<16xf32>, vector<16xf32>, vector<16xf32>, vector<16xf32>, vector<16xf32>, vector<16xf32>, vector<16xf32>, vector<16xf32>, vector<16xf32>, vector<16xf32>, vector<16xf32>, vector<16xf32>, vector<16xf32>
      }
      %while3A_864 = arith.constant 1 : i32
      %while3A_865:16 = scf.for %while3A_866 = %while3A_861 to %while3A_857 step %while3A_864 iter_args(%while3A_867 = %while3A_863#0, %while3A_868 = %while3A_863#1, %while3A_869 = %while3A_863#2, %while3A_870 = %while3A_863#3, %while3A_871 = %while3A_863#4, %while3A_872 = %while3A_863#5, %while3A_873 = %while3A_863#6, %while3A_874 = %while3A_863#7, %while3A_875 = %while3A_863#8, %while3A_876 = %while3A_863#9, %while3A_877 = %while3A_863#10, %while3A_878 = %while3A_863#11, %while3A_879 = %while3A_863#12, %while3A_880 = %while3A_863#13, %while3A_881 = %while3A_863#14, %while3A_882 = %while3A_863#15) -> (vector<16xf32>, vector<16xf32>, vector<16xf32>, vector<16xf32>, vector<16xf32>, vector<16xf32>, vector<16xf32>, vector<16xf32>, vector<16xf32>, vector<16xf32>, vector<16xf32>, vector<16xf32>, vector<16xf32>, vector<16xf32>, vector<16xf32>, vector<16xf32>)  : i32 {
        %get3A_883 = arith.index_cast %while3A_866 : i32 to index
        %get3A_884 = arith.constant 0 : index
        %get3A_885 = tpu.vector_load %arg9[%get3A_883, %get3A_884] {strides = array<i32>} : memref<64x128xf32, #tpu.memory_space<vmem>>, vector<16xf32>,
        %add3A_886 = arith.addf %while3A_867, %get3A_885 : vector<16xf32>
        %max3A = arith.maximumf %while3A_875, %get3A_885 : vector<16xf32>
        %get3A_887 = arith.index_cast %while3A_866 : i32 to index
        %get3A_888 = arith.constant 16 : index
        %get3A_889 = tpu.vector_load %arg9[%get3A_887, %get3A_888] {strides = array<i32>} : memref<64x128xf32, #tpu.memory_space<vmem>>, vector<16xf32>,
        %add3A_890 = arith.addf %while3A_868, %get3A_889 : vector<16xf32>
        %max3A_891 = arith.maximumf %while3A_876, %get3A_889 : vector<16xf32>
        %get3A_892 = arith.index_cast %while3A_866 : i32 to index
        %get3A_893 = arith.constant 32 : index
        %get3A_894 = tpu.vector_load %arg9[%get3A_892, %get3A_893] {strides = array<i32>} : memref<64x128xf32, #tpu.memory_space<vmem>>, vector<16xf32>,
        %add3A_895 = arith.addf %while3A_869, %get3A_894 : vector<16xf32>
        %max3A_896 = arith.maximumf %while3A_877, %get3A_894 : vector<16xf32>
        %get3A_897 = arith.index_cast %while3A_866 : i32 to index
        %get3A_898 = arith.constant 48 : index
        %get3A_899 = tpu.vector_load %arg9[%get3A_897, %get3A_898] {strides = array<i32>} : memref<64x128xf32, #tpu.memory_space<vmem>>, vector<16xf32>,
        %add3A_900 = arith.addf %while3A_870, %get3A_899 : vector<16xf32>
        %max3A_901 = arith.maximumf %while3A_878, %get3A_899 : vector<16xf32>
        %get3A_902 = arith.index_cast %while3A_866 : i32 to index
        %get3A_903 = arith.constant 64 : index
        %get3A_904 = tpu.vector_load %arg9[%get3A_902, %get3A_903] {strides = array<i32>} : memref<64x128xf32, #tpu.memory_space<vmem>>, vector<16xf32>,
        %add3A_905 = arith.addf %while3A_871, %get3A_904 : vector<16xf32>
        %max3A_906 = arith.maximumf %while3A_879, %get3A_904 : vector<16xf32>
        %get3A_907 = arith.index_cast %while3A_866 : i32 to index
        %get3A_908 = arith.constant 80 : index
        %get3A_909 = tpu.vector_load %arg9[%get3A_907, %get3A_908] {strides = array<i32>} : memref<64x128xf32, #tpu.memory_space<vmem>>, vector<16xf32>,
        %add3A_910 = arith.addf %while3A_872, %get3A_909 : vector<16xf32>
        %max3A_911 = arith.maximumf %while3A_880, %get3A_909 : vector<16xf32>
        %get3A_912 = arith.index_cast %while3A_866 : i32 to index
        %get3A_913 = arith.constant 96 : index
        %get3A_914 = tpu.vector_load %arg9[%get3A_912, %get3A_913] {strides = array<i32>} : memref<64x128xf32, #tpu.memory_space<vmem>>, vector<16xf32>,
        %add3A_915 = arith.addf %while3A_873, %get3A_914 : vector<16xf32>
        %max3A_916 = arith.maximumf %while3A_881, %get3A_914 : vector<16xf32>
        %get3A_917 = arith.index_cast %while3A_866 : i32 to index
        %get3A_918 = arith.constant 112 : index
        %get3A_919 = tpu.vector_load %arg9[%get3A_917, %get3A_918] {strides = array<i32>} : memref<64x128xf32, #tpu.memory_space<vmem>>, vector<16xf32>,
        %add3A_920 = arith.addf %while3A_874, %get3A_919 : vector<16xf32>
        %max3A_921 = arith.maximumf %while3A_882, %get3A_919 : vector<16xf32>
        scf.yield %add3A_886, %add3A_890, %add3A_895, %add3A_900, %add3A_905, %add3A_910, %add3A_915, %add3A_920, %max3A, %max3A_891, %max3A_896, %max3A_901, %max3A_906, %max3A_911, %max3A_916, %max3A_921 : vector<16xf32>, vector<16xf32>, vector<16xf32>, vector<16xf32>, vector<16xf32>, vector<16xf32>, vector<16xf32>, vector<16xf32>, vector<16xf32>, vector<16xf32>, vector<16xf32>, vector<16xf32>, vector<16xf32>, vector<16xf32>, vector<16xf32>, vector<16xf32>
      }
      scf.yield %while3A_865#0, %while3A_865#1, %while3A_865#2, %while3A_865#3, %while3A_865#4, %while3A_865#5, %while3A_865#6, %while3A_865#7, %while3A_865#8, %while3A_865#9, %while3A_865#10, %while3A_865#11, %while3A_865#12, %while3A_865#13, %while3A_865#14, %while3A_865#15 : vector<16xf32>, vector<16xf32>, vector<16xf32>, vector<16xf32>, vector<16xf32>, vector<16xf32>, vector<16xf32>, vector<16xf32>, vector<16xf32>, vector<16xf32>, vector<16xf32>, vector<16xf32>, vector<16xf32>, vector<16xf32>, vector<16xf32>, vector<16xf32>
    }
    %swap3A_648 = arith.constant 0 : index
    %swap3A_649 = tpu.vector_load %arg10[%swap3A_648] {strides = array<i32>} : memref<384xf32, #tpu.memory_space<vmem>>, vector<16xf32>,
    tpu.vector_store %arg10[%swap3A_648], %while3A_647#0 {strides = array<i32>} : memref<384xf32, #tpu.memory_space<vmem>>, vector<16xf32>,
    %swap3A_650 = arith.constant 0 : index
    %swap3A_651 = tpu.vector_load %arg11[%swap3A_650] {strides = array<i32>} : memref<384xf32, #tpu.memory_space<vmem>>, vector<16xf32>,
    tpu.vector_store %arg11[%swap3A_650], %while3A_647#8 {strides = array<i32>} : memref<384xf32, #tpu.memory_space<vmem>>, vector<16xf32>,
    %swap3A_652 = arith.constant 16 : index
    %swap3A_653 = tpu.vector_load %arg10[%swap3A_652] {strides = array<i32>} : memref<384xf32, #tpu.memory_space<vmem>>, vector<16xf32>,
    tpu.vector_store %arg10[%swap3A_652], %while3A_647#1 {strides = array<i32>} : memref<384xf32, #tpu.memory_space<vmem>>, vector<16xf32>,
    %swap3A_654 = arith.constant 16 : index
    %swap3A_655 = tpu.vector_load %arg11[%swap3A_654] {strides = array<i32>} : memref<384xf32, #tpu.memory_space<vmem>>, vector<16xf32>,
    tpu.vector_store %arg11[%swap3A_654], %while3A_647#9 {strides = array<i32>} : memref<384xf32, #tpu.memory_space<vmem>>, vector<16xf32>,
    %swap3A_656 = arith.constant 32 : index
    %swap3A_657 = tpu.vector_load %arg10[%swap3A_656] {strides = array<i32>} : memref<384xf32, #tpu.memory_space<vmem>>, vector<16xf32>,
    tpu.vector_store %arg10[%swap3A_656], %while3A_647#2 {strides = array<i32>} : memref<384xf32, #tpu.memory_space<vmem>>, vector<16xf32>,
    %swap3A_658 = arith.constant 32 : index
    %swap3A_659 = tpu.vector_load %arg11[%swap3A_658] {strides = array<i32>} : memref<384xf32, #tpu.memory_space<vmem>>, vector<16xf32>,
    tpu.vector_store %arg11[%swap3A_658], %while3A_647#10 {strides = array<i32>} : memref<384xf32, #tpu.memory_space<vmem>>, vector<16xf32>,
    %swap3A_660 = arith.constant 48 : index
    %swap3A_661 = tpu.vector_load %arg10[%swap3A_660] {strides = array<i32>} : memref<384xf32, #tpu.memory_space<vmem>>, vector<16xf32>,
    tpu.vector_store %arg10[%swap3A_660], %while3A_647#3 {strides = array<i32>} : memref<384xf32, #tpu.memory_space<vmem>>, vector<16xf32>,
    %swap3A_662 = arith.constant 48 : index
    %swap3A_663 = tpu.vector_load %arg11[%swap3A_662] {strides = array<i32>} : memref<384xf32, #tpu.memory_space<vmem>>, vector<16xf32>,
    tpu.vector_store %arg11[%swap3A_662], %while3A_647#11 {strides = array<i32>} : memref<384xf32, #tpu.memory_space<vmem>>, vector<16xf32>,
    %swap3A_664 = arith.constant 64 : index
    %swap3A_665 = tpu.vector_load %arg10[%swap3A_664] {strides = array<i32>} : memref<384xf32, #tpu.memory_space<vmem>>, vector<16xf32>,
    tpu.vector_store %arg10[%swap3A_664], %while3A_647#4 {strides = array<i32>} : memref<384xf32, #tpu.memory_space<vmem>>, vector<16xf32>,
    %swap3A_666 = arith.constant 64 : index
    %swap3A_667 = tpu.vector_load %arg11[%swap3A_666] {strides = array<i32>} : memref<384xf32, #tpu.memory_space<vmem>>, vector<16xf32>,
    tpu.vector_store %arg11[%swap3A_666], %while3A_647#12 {strides = array<i32>} : memref<384xf32, #tpu.memory_space<vmem>>, vector<16xf32>,
    %swap3A_668 = arith.constant 80 : index
    %swap3A_669 = tpu.vector_load %arg10[%swap3A_668] {strides = array<i32>} : memref<384xf32, #tpu.memory_space<vmem>>, vector<16xf32>,
    tpu.vector_store %arg10[%swap3A_668], %while3A_647#5 {strides = array<i32>} : memref<384xf32, #tpu.memory_space<vmem>>, vector<16xf32>,
    %swap3A_670 = arith.constant 80 : index
    %swap3A_671 = tpu.vector_load %arg11[%swap3A_670] {strides = array<i32>} : memref<384xf32, #tpu.memory_space<vmem>>, vector<16xf32>,
    tpu.vector_store %arg11[%swap3A_670], %while3A_647#13 {strides = array<i32>} : memref<384xf32, #tpu.memory_space<vmem>>, vector<16xf32>,
    %swap3A_672 = arith.constant 96 : index
    %swap3A_673 = tpu.vector_load %arg10[%swap3A_672] {strides = array<i32>} : memref<384xf32, #tpu.memory_space<vmem>>, vector<16xf32>,
    tpu.vector_store %arg10[%swap3A_672], %while3A_647#6 {strides = array<i32>} : memref<384xf32, #tpu.memory_space<vmem>>, vector<16xf32>,
    %swap3A_674 = arith.constant 96 : index
    %swap3A_675 = tpu.vector_load %arg11[%swap3A_674] {strides = array<i32>} : memref<384xf32, #tpu.memory_space<vmem>>, vector<16xf32>,
    tpu.vector_store %arg11[%swap3A_674], %while3A_647#14 {strides = array<i32>} : memref<384xf32, #tpu.memory_space<vmem>>, vector<16xf32>,
    %swap3A_676 = arith.constant 112 : index
    %swap3A_677 = tpu.vector_load %arg10[%swap3A_676] {strides = array<i32>} : memref<384xf32, #tpu.memory_space<vmem>>, vector<16xf32>,
    tpu.vector_store %arg10[%swap3A_676], %while3A_647#7 {strides = array<i32>} : memref<384xf32, #tpu.memory_space<vmem>>, vector<16xf32>,
    %swap3A_678 = arith.constant 112 : index
    %swap3A_679 = tpu.vector_load %arg11[%swap3A_678] {strides = array<i32>} : memref<384xf32, #tpu.memory_space<vmem>>, vector<16xf32>,
    tpu.vector_store %arg11[%swap3A_678], %while3A_647#15 {strides = array<i32>} : memref<384xf32, #tpu.memory_space<vmem>>, vector<16xf32>,
    %broadcast_in_dim3A_680 = arith.constant 0.000000e+00 : f32
    %broadcast_in_dim3A_681 = vector.broadcast %broadcast_in_dim3A_680 : f32 to vector<16xf32>
    %broadcast_in_dim3A_682 = arith.constant 0.000000e+00 : f32
    %broadcast_in_dim3A_683 = vector.broadcast %broadcast_in_dim3A_682 : f32 to vector<16xf32>
    %broadcast_in_dim3A_684 = arith.constant 0.000000e+00 : f32
    %broadcast_in_dim3A_685 = vector.broadcast %broadcast_in_dim3A_684 : f32 to vector<16xf32>
    %broadcast_in_dim3A_686 = arith.constant 0.000000e+00 : f32
    %broadcast_in_dim3A_687 = vector.broadcast %broadcast_in_dim3A_686 : f32 to vector<16xf32>
    %broadcast_in_dim3A_688 = arith.constant 0.000000e+00 : f32
    %broadcast_in_dim3A_689 = vector.broadcast %broadcast_in_dim3A_688 : f32 to vector<16xf32>
    %broadcast_in_dim3A_690 = arith.constant 0.000000e+00 : f32
    %broadcast_in_dim3A_691 = vector.broadcast %broadcast_in_dim3A_690 : f32 to vector<16xf32>
    %broadcast_in_dim3A_692 = arith.constant 0.000000e+00 : f32
    %broadcast_in_dim3A_693 = vector.broadcast %broadcast_in_dim3A_692 : f32 to vector<16xf32>
    %broadcast_in_dim3A_694 = arith.constant 0.000000e+00 : f32
    %broadcast_in_dim3A_695 = vector.broadcast %broadcast_in_dim3A_694 : f32 to vector<16xf32>
    %broadcast_in_dim3A_696 = arith.constant 0xFF800000 : f32
    %broadcast_in_dim3A_697 = vector.broadcast %broadcast_in_dim3A_696 : f32 to vector<16xf32>
    %broadcast_in_dim3A_698 = arith.constant 0xFF800000 : f32
    %broadcast_in_dim3A_699 = vector.broadcast %broadcast_in_dim3A_698 : f32 to vector<16xf32>
    %broadcast_in_dim3A_700 = arith.constant 0xFF800000 : f32
    %broadcast_in_dim3A_701 = vector.broadcast %broadcast_in_dim3A_700 : f32 to vector<16xf32>
    %broadcast_in_dim3A_702 = arith.constant 0xFF800000 : f32
    %broadcast_in_dim3A_703 = vector.broadcast %broadcast_in_dim3A_702 : f32 to vector<16xf32>
    %broadcast_in_dim3A_704 = arith.constant 0xFF800000 : f32
    %broadcast_in_dim3A_705 = vector.broadcast %broadcast_in_dim3A_704 : f32 to vector<16xf32>
    %broadcast_in_dim3A_706 = arith.constant 0xFF800000 : f32
    %broadcast_in_dim3A_707 = vector.broadcast %broadcast_in_dim3A_706 : f32 to vector<16xf32>
    %broadcast_in_dim3A_708 = arith.constant 0xFF800000 : f32
    %broadcast_in_dim3A_709 = vector.broadcast %broadcast_in_dim3A_708 : f32 to vector<16xf32>
    %broadcast_in_dim3A_710 = arith.constant 0xFF800000 : f32
    %broadcast_in_dim3A_711 = vector.broadcast %broadcast_in_dim3A_710 : f32 to vector<16xf32>
    %while3A_712 = arith.constant 0 : i32
    %while3A_713 = arith.subi %select_n3A_604, %while3A_712 : i32
    %while3A_714 = arith.addi %while3A_712, %while3A_713 : i32
    %while3A_715 = arith.constant 1 : i32
    %while3A_716 = arith.divsi %while3A_713, %while3A_715 : i32
    %while3A_717 = arith.muli %while3A_716, %while3A_715 : i32
    %while3A_718 = arith.addi %while3A_712, %while3A_717 : i32
    %while3A_719 = arith.constant 1 : i32
    %while3A_720:16 = scf.for %while3A_830 = %while3A_712 to %while3A_718 step %while3A_719 iter_args(%while3A_831 = %broadcast_in_dim3A_681, %while3A_832 = %broadcast_in_dim3A_683, %while3A_833 = %broadcast_in_dim3A_685, %while3A_834 = %broadcast_in_dim3A_687, %while3A_835 = %broadcast_in_dim3A_689, %while3A_836 = %broadcast_in_dim3A_691, %while3A_837 = %broadcast_in_dim3A_693, %while3A_838 = %broadcast_in_dim3A_695, %while3A_839 = %broadcast_in_dim3A_697, %while3A_840 = %broadcast_in_dim3A_699, %while3A_841 = %broadcast_in_dim3A_701, %while3A_842 = %broadcast_in_dim3A_703, %while3A_843 = %broadcast_in_dim3A_705, %while3A_844 = %broadcast_in_dim3A_707, %while3A_845 = %broadcast_in_dim3A_709, %while3A_846 = %broadcast_in_dim3A_711) -> (vector<16xf32>, vector<16xf32>, vector<16xf32>, vector<16xf32>, vector<16xf32>, vector<16xf32>, vector<16xf32>, vector<16xf32>, vector<16xf32>, vector<16xf32>, vector<16xf32>, vector<16xf32>, vector<16xf32>, vector<16xf32>, vector<16xf32>, vector<16xf32>)  : i32 {
      %mul3A_847 = arith.constant 64 : i32
      %mul3A_848 = arith.muli %while3A_830, %mul3A_847 : i32
      %add3A_849 = arith.addi %add3A_492, %mul3A_848 : i32
      %min3A = arith.constant 9936 : i32
      %min3A_850 = arith.minsi %add3A_849, %min3A : i32
      %sub3A_851 = arith.subi %add3A_849, %min3A_850 : i32
      %add3A_852 = arith.constant 64 : i32
      %add3A_853 = arith.addi %min3A_850, %add3A_852 : i32
      %min3A_854 = arith.minsi %add3A_575, %add3A_853 : i32
      %sub3A_855 = arith.subi %min3A_854, %min3A_850 : i32
      "tpu.region"() ({
        %run_scoped3A = tpu.sem_alloc : memref<!tpu.dma_semaphore, #tpu.memory_space<semaphore_mem>>
        %dma_start3A = arith.constant 0 : i32
        %dma_start3A_866 = tpu.memref_slice %arg3[%min3A_850, %dma_start3A] : memref<10000x128xf32, #tpu.memory_space<hbm>> -> memref<64x128xf32, #tpu.memory_space<hbm>>
        %dma_start3A_867 = arith.constant 0 : i32
        %dma_start3A_868 = tpu.memref_slice %arg3[%min3A_850, %dma_start3A_867] : memref<10000x128xf32, #tpu.memory_space<hbm>> -> memref<64x128xf32, #tpu.memory_space<hbm>>
        tpu.enqueue_dma source(%dma_start3A_868 : memref<64x128xf32, #tpu.memory_space<hbm>>) target(%arg9 : memref<64x128xf32, #tpu.memory_space<vmem>>) target_semaphore(%run_scoped3A : memref<!tpu.dma_semaphore, #tpu.memory_space<semaphore_mem>>)
        %dma_wait3A = arith.constant 0 : i32
        %dma_wait3A_869 = tpu.memref_slice %arg3[%min3A_850, %dma_wait3A] : memref<10000x128xf32, #tpu.memory_space<hbm>> -> memref<64x128xf32, #tpu.memory_space<hbm>>
        %dma_wait3A_870 = arith.constant 0 : i32
        %dma_wait3A_871 = tpu.memref_slice %arg3[%min3A_850, %dma_wait3A_870] : memref<10000x128xf32, #tpu.memory_space<hbm>> -> memref<64x128xf32, #tpu.memory_space<hbm>>
        tpu.wait_dma2 semaphore(%run_scoped3A : memref<!tpu.dma_semaphore, #tpu.memory_space<semaphore_mem>>) src(%dma_wait3A_871 : memref<64x128xf32, #tpu.memory_space<hbm>>) dst(%arg9 : memref<64x128xf32, #tpu.memory_space<vmem>>)
        tpu.yield
      }) : () -> ()
      %while3A_856 = arith.subi %sub3A_855, %sub3A_851 : i32
      %while3A_857 = arith.addi %sub3A_851, %while3A_856 : i32
      %while3A_858 = arith.constant 1 : i32
      %while3A_859 = arith.divsi %while3A_856, %while3A_858 : i32
      %while3A_860 = arith.muli %while3A_859, %while3A_858 : i32
      %while3A_861 = arith.addi %sub3A_851, %while3A_860 : i32
      %while3A_862 = arith.constant 1 : i32
      %while3A_863:16 = scf.for %while3A_866 = %sub3A_851 to %while3A_861 step %while3A_862 iter_args(%while3A_867 = %while3A_831, %while3A_868 = %while3A_832, %while3A_869 = %while3A_833, %while3A_870 = %while3A_834, %while3A_871 = %while3A_835, %while3A_872 = %while3A_836, %while3A_873 = %while3A_837, %while3A_874 = %while3A_838, %while3A_875 = %while3A_839, %while3A_876 = %while3A_840, %while3A_877 = %while3A_841, %while3A_878 = %while3A_842, %while3A_879 = %while3A_843, %while3A_880 = %while3A_844, %while3A_881 = %while3A_845, %while3A_882 = %while3A_846) -> (vector<16xf32>, vector<16xf32>, vector<16xf32>, vector<16xf32>, vector<16xf32>, vector<16xf32>, vector<16xf32>, vector<16xf32>, vector<16xf32>, vector<16xf32>, vector<16xf32>, vector<16xf32>, vector<16xf32>, vector<16xf32>, vector<16xf32>, vector<16xf32>)  : i32 {
        %get3A_883 = arith.index_cast %while3A_866 : i32 to index
        %get3A_884 = arith.constant 0 : index
        %get3A_885 = tpu.vector_load %arg9[%get3A_883, %get3A_884] {strides = array<i32>} : memref<64x128xf32, #tpu.memory_space<vmem>>, vector<16xf32>,
        %add3A_886 = arith.addf %while3A_867, %get3A_885 : vector<16xf32>
        %max3A = arith.maximumf %while3A_875, %get3A_885 : vector<16xf32>
        %get3A_887 = arith.index_cast %while3A_866 : i32 to index
        %get3A_888 = arith.constant 16 : index
        %get3A_889 = tpu.vector_load %arg9[%get3A_887, %get3A_888] {strides = array<i32>} : memref<64x128xf32, #tpu.memory_space<vmem>>, vector<16xf32>,
        %add3A_890 = arith.addf %while3A_868, %get3A_889 : vector<16xf32>
        %max3A_891 = arith.maximumf %while3A_876, %get3A_889 : vector<16xf32>
        %get3A_892 = arith.index_cast %while3A_866 : i32 to index
        %get3A_893 = arith.constant 32 : index
        %get3A_894 = tpu.vector_load %arg9[%get3A_892, %get3A_893] {strides = array<i32>} : memref<64x128xf32, #tpu.memory_space<vmem>>, vector<16xf32>,
        %add3A_895 = arith.addf %while3A_869, %get3A_894 : vector<16xf32>
        %max3A_896 = arith.maximumf %while3A_877, %get3A_894 : vector<16xf32>
        %get3A_897 = arith.index_cast %while3A_866 : i32 to index
        %get3A_898 = arith.constant 48 : index
        %get3A_899 = tpu.vector_load %arg9[%get3A_897, %get3A_898] {strides = array<i32>} : memref<64x128xf32, #tpu.memory_space<vmem>>, vector<16xf32>,
        %add3A_900 = arith.addf %while3A_870, %get3A_899 : vector<16xf32>
        %max3A_901 = arith.maximumf %while3A_878, %get3A_899 : vector<16xf32>
        %get3A_902 = arith.index_cast %while3A_866 : i32 to index
        %get3A_903 = arith.constant 64 : index
        %get3A_904 = tpu.vector_load %arg9[%get3A_902, %get3A_903] {strides = array<i32>} : memref<64x128xf32, #tpu.memory_space<vmem>>, vector<16xf32>,
        %add3A_905 = arith.addf %while3A_871, %get3A_904 : vector<16xf32>
        %max3A_906 = arith.maximumf %while3A_879, %get3A_904 : vector<16xf32>
        %get3A_907 = arith.index_cast %while3A_866 : i32 to index
        %get3A_908 = arith.constant 80 : index
        %get3A_909 = tpu.vector_load %arg9[%get3A_907, %get3A_908] {strides = array<i32>} : memref<64x128xf32, #tpu.memory_space<vmem>>, vector<16xf32>,
        %add3A_910 = arith.addf %while3A_872, %get3A_909 : vector<16xf32>
        %max3A_911 = arith.maximumf %while3A_880, %get3A_909 : vector<16xf32>
        %get3A_912 = arith.index_cast %while3A_866 : i32 to index
        %get3A_913 = arith.constant 96 : index
        %get3A_914 = tpu.vector_load %arg9[%get3A_912, %get3A_913] {strides = array<i32>} : memref<64x128xf32, #tpu.memory_space<vmem>>, vector<16xf32>,
        %add3A_915 = arith.addf %while3A_873, %get3A_914 : vector<16xf32>
        %max3A_916 = arith.maximumf %while3A_881, %get3A_914 : vector<16xf32>
        %get3A_917 = arith.index_cast %while3A_866 : i32 to index
        %get3A_918 = arith.constant 112 : index
        %get3A_919 = tpu.vector_load %arg9[%get3A_917, %get3A_918] {strides = array<i32>} : memref<64x128xf32, #tpu.memory_space<vmem>>, vector<16xf32>,
        %add3A_920 = arith.addf %while3A_874, %get3A_919 : vector<16xf32>
        %max3A_921 = arith.maximumf %while3A_882, %get3A_919 : vector<16xf32>
        scf.yield %add3A_886, %add3A_890, %add3A_895, %add3A_900, %add3A_905, %add3A_910, %add3A_915, %add3A_920, %max3A, %max3A_891, %max3A_896, %max3A_901, %max3A_906, %max3A_911, %max3A_916, %max3A_921 : vector<16xf32>, vector<16xf32>, vector<16xf32>, vector<16xf32>, vector<16xf32>, vector<16xf32>, vector<16xf32>, vector<16xf32>, vector<16xf32>, vector<16xf32>, vector<16xf32>, vector<16xf32>, vector<16xf32>, vector<16xf32>, vector<16xf32>, vector<16xf32>
      }
      %while3A_864 = arith.constant 1 : i32
      %while3A_865:16 = scf.for %while3A_866 = %while3A_861 to %while3A_857 step %while3A_864 iter_args(%while3A_867 = %while3A_863#0, %while3A_868 = %while3A_863#1, %while3A_869 = %while3A_863#2, %while3A_870 = %while3A_863#3, %while3A_871 = %while3A_863#4, %while3A_872 = %while3A_863#5, %while3A_873 = %while3A_863#6, %while3A_874 = %while3A_863#7, %while3A_875 = %while3A_863#8, %while3A_876 = %while3A_863#9, %while3A_877 = %while3A_863#10, %while3A_878 = %while3A_863#11, %while3A_879 = %while3A_863#12, %while3A_880 = %while3A_863#13, %while3A_881 = %while3A_863#14, %while3A_882 = %while3A_863#15) -> (vector<16xf32>, vector<16xf32>, vector<16xf32>, vector<16xf32>, vector<16xf32>, vector<16xf32>, vector<16xf32>, vector<16xf32>, vector<16xf32>, vector<16xf32>, vector<16xf32>, vector<16xf32>, vector<16xf32>, vector<16xf32>, vector<16xf32>, vector<16xf32>)  : i32 {
        %get3A_883 = arith.index_cast %while3A_866 : i32 to index
        %get3A_884 = arith.constant 0 : index
        %get3A_885 = tpu.vector_load %arg9[%get3A_883, %get3A_884] {strides = array<i32>} : memref<64x128xf32, #tpu.memory_space<vmem>>, vector<16xf32>,
        %add3A_886 = arith.addf %while3A_867, %get3A_885 : vector<16xf32>
        %max3A = arith.maximumf %while3A_875, %get3A_885 : vector<16xf32>
        %get3A_887 = arith.index_cast %while3A_866 : i32 to index
        %get3A_888 = arith.constant 16 : index
        %get3A_889 = tpu.vector_load %arg9[%get3A_887, %get3A_888] {strides = array<i32>} : memref<64x128xf32, #tpu.memory_space<vmem>>, vector<16xf32>,
        %add3A_890 = arith.addf %while3A_868, %get3A_889 : vector<16xf32>
        %max3A_891 = arith.maximumf %while3A_876, %get3A_889 : vector<16xf32>
        %get3A_892 = arith.index_cast %while3A_866 : i32 to index
        %get3A_893 = arith.constant 32 : index
        %get3A_894 = tpu.vector_load %arg9[%get3A_892, %get3A_893] {strides = array<i32>} : memref<64x128xf32, #tpu.memory_space<vmem>>, vector<16xf32>,
        %add3A_895 = arith.addf %while3A_869, %get3A_894 : vector<16xf32>
        %max3A_896 = arith.maximumf %while3A_877, %get3A_894 : vector<16xf32>
        %get3A_897 = arith.index_cast %while3A_866 : i32 to index
        %get3A_898 = arith.constant 48 : index
        %get3A_899 = tpu.vector_load %arg9[%get3A_897, %get3A_898] {strides = array<i32>} : memref<64x128xf32, #tpu.memory_space<vmem>>, vector<16xf32>,
        %add3A_900 = arith.addf %while3A_870, %get3A_899 : vector<16xf32>
        %max3A_901 = arith.maximumf %while3A_878, %get3A_899 : vector<16xf32>
        %get3A_902 = arith.index_cast %while3A_866 : i32 to index
        %get3A_903 = arith.constant 64 : index
        %get3A_904 = tpu.vector_load %arg9[%get3A_902, %get3A_903] {strides = array<i32>} : memref<64x128xf32, #tpu.memory_space<vmem>>, vector<16xf32>,
        %add3A_905 = arith.addf %while3A_871, %get3A_904 : vector<16xf32>
        %max3A_906 = arith.maximumf %while3A_879, %get3A_904 : vector<16xf32>
        %get3A_907 = arith.index_cast %while3A_866 : i32 to index
        %get3A_908 = arith.constant 80 : index
        %get3A_909 = tpu.vector_load %arg9[%get3A_907, %get3A_908] {strides = array<i32>} : memref<64x128xf32, #tpu.memory_space<vmem>>, vector<16xf32>,
        %add3A_910 = arith.addf %while3A_872, %get3A_909 : vector<16xf32>
        %max3A_911 = arith.maximumf %while3A_880, %get3A_909 : vector<16xf32>
        %get3A_912 = arith.index_cast %while3A_866 : i32 to index
        %get3A_913 = arith.constant 96 : index
        %get3A_914 = tpu.vector_load %arg9[%get3A_912, %get3A_913] {strides = array<i32>} : memref<64x128xf32, #tpu.memory_space<vmem>>, vector<16xf32>,
        %add3A_915 = arith.addf %while3A_873, %get3A_914 : vector<16xf32>
        %max3A_916 = arith.maximumf %while3A_881, %get3A_914 : vector<16xf32>
        %get3A_917 = arith.index_cast %while3A_866 : i32 to index
        %get3A_918 = arith.constant 112 : index
        %get3A_919 = tpu.vector_load %arg9[%get3A_917, %get3A_918] {strides = array<i32>} : memref<64x128xf32, #tpu.memory_space<vmem>>, vector<16xf32>,
        %add3A_920 = arith.addf %while3A_874, %get3A_919 : vector<16xf32>
        %max3A_921 = arith.maximumf %while3A_882, %get3A_919 : vector<16xf32>
        scf.yield %add3A_886, %add3A_890, %add3A_895, %add3A_900, %add3A_905, %add3A_910, %add3A_915, %add3A_920, %max3A, %max3A_891, %max3A_896, %max3A_901, %max3A_906, %max3A_911, %max3A_916, %max3A_921 : vector<16xf32>, vector<16xf32>, vector<16xf32>, vector<16xf32>, vector<16xf32>, vector<16xf32>, vector<16xf32>, vector<16xf32>, vector<16xf32>, vector<16xf32>, vector<16xf32>, vector<16xf32>, vector<16xf32>, vector<16xf32>, vector<16xf32>, vector<16xf32>
      }
      scf.yield %while3A_865#0, %while3A_865#1, %while3A_865#2, %while3A_865#3, %while3A_865#4, %while3A_865#5, %while3A_865#6, %while3A_865#7, %while3A_865#8, %while3A_865#9, %while3A_865#10, %while3A_865#11, %while3A_865#12, %while3A_865#13, %while3A_865#14, %while3A_865#15 : vector<16xf32>, vector<16xf32>, vector<16xf32>, vector<16xf32>, vector<16xf32>, vector<16xf32>, vector<16xf32>, vector<16xf32>, vector<16xf32>, vector<16xf32>, vector<16xf32>, vector<16xf32>, vector<16xf32>, vector<16xf32>, vector<16xf32>, vector<16xf32>
    }
    %while3A_721 = arith.constant 1 : i32
    %while3A_722:16 = scf.for %while3A_830 = %while3A_718 to %while3A_714 step %while3A_721 iter_args(%while3A_831 = %while3A_720#0, %while3A_832 = %while3A_720#1, %while3A_833 = %while3A_720#2, %while3A_834 = %while3A_720#3, %while3A_835 = %while3A_720#4, %while3A_836 = %while3A_720#5, %while3A_837 = %while3A_720#6, %while3A_838 = %while3A_720#7, %while3A_839 = %while3A_720#8, %while3A_840 = %while3A_720#9, %while3A_841 = %while3A_720#10, %while3A_842 = %while3A_720#11, %while3A_843 = %while3A_720#12, %while3A_844 = %while3A_720#13, %while3A_845 = %while3A_720#14, %while3A_846 = %while3A_720#15) -> (vector<16xf32>, vector<16xf32>, vector<16xf32>, vector<16xf32>, vector<16xf32>, vector<16xf32>, vector<16xf32>, vector<16xf32>, vector<16xf32>, vector<16xf32>, vector<16xf32>, vector<16xf32>, vector<16xf32>, vector<16xf32>, vector<16xf32>, vector<16xf32>)  : i32 {
      %mul3A_847 = arith.constant 64 : i32
      %mul3A_848 = arith.muli %while3A_830, %mul3A_847 : i32
      %add3A_849 = arith.addi %add3A_492, %mul3A_848 : i32
      %min3A = arith.constant 9936 : i32
      %min3A_850 = arith.minsi %add3A_849, %min3A : i32
      %sub3A_851 = arith.subi %add3A_849, %min3A_850 : i32
      %add3A_852 = arith.constant 64 : i32
      %add3A_853 = arith.addi %min3A_850, %add3A_852 : i32
      %min3A_854 = arith.minsi %add3A_575, %add3A_853 : i32
      %sub3A_855 = arith.subi %min3A_854, %min3A_850 : i32
      "tpu.region"() ({
        %run_scoped3A = tpu.sem_alloc : memref<!tpu.dma_semaphore, #tpu.memory_space<semaphore_mem>>
        %dma_start3A = arith.constant 0 : i32
        %dma_start3A_866 = tpu.memref_slice %arg3[%min3A_850, %dma_start3A] : memref<10000x128xf32, #tpu.memory_space<hbm>> -> memref<64x128xf32, #tpu.memory_space<hbm>>
        %dma_start3A_867 = arith.constant 0 : i32
        %dma_start3A_868 = tpu.memref_slice %arg3[%min3A_850, %dma_start3A_867] : memref<10000x128xf32, #tpu.memory_space<hbm>> -> memref<64x128xf32, #tpu.memory_space<hbm>>
        tpu.enqueue_dma source(%dma_start3A_868 : memref<64x128xf32, #tpu.memory_space<hbm>>) target(%arg9 : memref<64x128xf32, #tpu.memory_space<vmem>>) target_semaphore(%run_scoped3A : memref<!tpu.dma_semaphore, #tpu.memory_space<semaphore_mem>>)
        %dma_wait3A = arith.constant 0 : i32
        %dma_wait3A_869 = tpu.memref_slice %arg3[%min3A_850, %dma_wait3A] : memref<10000x128xf32, #tpu.memory_space<hbm>> -> memref<64x128xf32, #tpu.memory_space<hbm>>
        %dma_wait3A_870 = arith.constant 0 : i32
        %dma_wait3A_871 = tpu.memref_slice %arg3[%min3A_850, %dma_wait3A_870] : memref<10000x128xf32, #tpu.memory_space<hbm>> -> memref<64x128xf32, #tpu.memory_space<hbm>>
        tpu.wait_dma2 semaphore(%run_scoped3A : memref<!tpu.dma_semaphore, #tpu.memory_space<semaphore_mem>>) src(%dma_wait3A_871 : memref<64x128xf32, #tpu.memory_space<hbm>>) dst(%arg9 : memref<64x128xf32, #tpu.memory_space<vmem>>)
        tpu.yield
      }) : () -> ()
      %while3A_856 = arith.subi %sub3A_855, %sub3A_851 : i32
      %while3A_857 = arith.addi %sub3A_851, %while3A_856 : i32
      %while3A_858 = arith.constant 1 : i32
      %while3A_859 = arith.divsi %while3A_856, %while3A_858 : i32
      %while3A_860 = arith.muli %while3A_859, %while3A_858 : i32
      %while3A_861 = arith.addi %sub3A_851, %while3A_860 : i32
      %while3A_862 = arith.constant 1 : i32
      %while3A_863:16 = scf.for %while3A_866 = %sub3A_851 to %while3A_861 step %while3A_862 iter_args(%while3A_867 = %while3A_831, %while3A_868 = %while3A_832, %while3A_869 = %while3A_833, %while3A_870 = %while3A_834, %while3A_871 = %while3A_835, %while3A_872 = %while3A_836, %while3A_873 = %while3A_837, %while3A_874 = %while3A_838, %while3A_875 = %while3A_839, %while3A_876 = %while3A_840, %while3A_877 = %while3A_841, %while3A_878 = %while3A_842, %while3A_879 = %while3A_843, %while3A_880 = %while3A_844, %while3A_881 = %while3A_845, %while3A_882 = %while3A_846) -> (vector<16xf32>, vector<16xf32>, vector<16xf32>, vector<16xf32>, vector<16xf32>, vector<16xf32>, vector<16xf32>, vector<16xf32>, vector<16xf32>, vector<16xf32>, vector<16xf32>, vector<16xf32>, vector<16xf32>, vector<16xf32>, vector<16xf32>, vector<16xf32>)  : i32 {
        %get3A_883 = arith.index_cast %while3A_866 : i32 to index
        %get3A_884 = arith.constant 0 : index
        %get3A_885 = tpu.vector_load %arg9[%get3A_883, %get3A_884] {strides = array<i32>} : memref<64x128xf32, #tpu.memory_space<vmem>>, vector<16xf32>,
        %add3A_886 = arith.addf %while3A_867, %get3A_885 : vector<16xf32>
        %max3A = arith.maximumf %while3A_875, %get3A_885 : vector<16xf32>
        %get3A_887 = arith.index_cast %while3A_866 : i32 to index
        %get3A_888 = arith.constant 16 : index
        %get3A_889 = tpu.vector_load %arg9[%get3A_887, %get3A_888] {strides = array<i32>} : memref<64x128xf32, #tpu.memory_space<vmem>>, vector<16xf32>,
        %add3A_890 = arith.addf %while3A_868, %get3A_889 : vector<16xf32>
        %max3A_891 = arith.maximumf %while3A_876, %get3A_889 : vector<16xf32>
        %get3A_892 = arith.index_cast %while3A_866 : i32 to index
        %get3A_893 = arith.constant 32 : index
        %get3A_894 = tpu.vector_load %arg9[%get3A_892, %get3A_893] {strides = array<i32>} : memref<64x128xf32, #tpu.memory_space<vmem>>, vector<16xf32>,
        %add3A_895 = arith.addf %while3A_869, %get3A_894 : vector<16xf32>
        %max3A_896 = arith.maximumf %while3A_877, %get3A_894 : vector<16xf32>
        %get3A_897 = arith.index_cast %while3A_866 : i32 to index
        %get3A_898 = arith.constant 48 : index
        %get3A_899 = tpu.vector_load %arg9[%get3A_897, %get3A_898] {strides = array<i32>} : memref<64x128xf32, #tpu.memory_space<vmem>>, vector<16xf32>,
        %add3A_900 = arith.addf %while3A_870, %get3A_899 : vector<16xf32>
        %max3A_901 = arith.maximumf %while3A_878, %get3A_899 : vector<16xf32>
        %get3A_902 = arith.index_cast %while3A_866 : i32 to index
        %get3A_903 = arith.constant 64 : index
        %get3A_904 = tpu.vector_load %arg9[%get3A_902, %get3A_903] {strides = array<i32>} : memref<64x128xf32, #tpu.memory_space<vmem>>, vector<16xf32>,
        %add3A_905 = arith.addf %while3A_871, %get3A_904 : vector<16xf32>
        %max3A_906 = arith.maximumf %while3A_879, %get3A_904 : vector<16xf32>
        %get3A_907 = arith.index_cast %while3A_866 : i32 to index
        %get3A_908 = arith.constant 80 : index
        %get3A_909 = tpu.vector_load %arg9[%get3A_907, %get3A_908] {strides = array<i32>} : memref<64x128xf32, #tpu.memory_space<vmem>>, vector<16xf32>,
        %add3A_910 = arith.addf %while3A_872, %get3A_909 : vector<16xf32>
        %max3A_911 = arith.maximumf %while3A_880, %get3A_909 : vector<16xf32>
        %get3A_912 = arith.index_cast %while3A_866 : i32 to index
        %get3A_913 = arith.constant 96 : index
        %get3A_914 = tpu.vector_load %arg9[%get3A_912, %get3A_913] {strides = array<i32>} : memref<64x128xf32, #tpu.memory_space<vmem>>, vector<16xf32>,
        %add3A_915 = arith.addf %while3A_873, %get3A_914 : vector<16xf32>
        %max3A_916 = arith.maximumf %while3A_881, %get3A_914 : vector<16xf32>
        %get3A_917 = arith.index_cast %while3A_866 : i32 to index
        %get3A_918 = arith.constant 112 : index
        %get3A_919 = tpu.vector_load %arg9[%get3A_917, %get3A_918] {strides = array<i32>} : memref<64x128xf32, #tpu.memory_space<vmem>>, vector<16xf32>,
        %add3A_920 = arith.addf %while3A_874, %get3A_919 : vector<16xf32>
        %max3A_921 = arith.maximumf %while3A_882, %get3A_919 : vector<16xf32>
        scf.yield %add3A_886, %add3A_890, %add3A_895, %add3A_900, %add3A_905, %add3A_910, %add3A_915, %add3A_920, %max3A, %max3A_891, %max3A_896, %max3A_901, %max3A_906, %max3A_911, %max3A_916, %max3A_921 : vector<16xf32>, vector<16xf32>, vector<16xf32>, vector<16xf32>, vector<16xf32>, vector<16xf32>, vector<16xf32>, vector<16xf32>, vector<16xf32>, vector<16xf32>, vector<16xf32>, vector<16xf32>, vector<16xf32>, vector<16xf32>, vector<16xf32>, vector<16xf32>
      }
      %while3A_864 = arith.constant 1 : i32
      %while3A_865:16 = scf.for %while3A_866 = %while3A_861 to %while3A_857 step %while3A_864 iter_args(%while3A_867 = %while3A_863#0, %while3A_868 = %while3A_863#1, %while3A_869 = %while3A_863#2, %while3A_870 = %while3A_863#3, %while3A_871 = %while3A_863#4, %while3A_872 = %while3A_863#5, %while3A_873 = %while3A_863#6, %while3A_874 = %while3A_863#7, %while3A_875 = %while3A_863#8, %while3A_876 = %while3A_863#9, %while3A_877 = %while3A_863#10, %while3A_878 = %while3A_863#11, %while3A_879 = %while3A_863#12, %while3A_880 = %while3A_863#13, %while3A_881 = %while3A_863#14, %while3A_882 = %while3A_863#15) -> (vector<16xf32>, vector<16xf32>, vector<16xf32>, vector<16xf32>, vector<16xf32>, vector<16xf32>, vector<16xf32>, vector<16xf32>, vector<16xf32>, vector<16xf32>, vector<16xf32>, vector<16xf32>, vector<16xf32>, vector<16xf32>, vector<16xf32>, vector<16xf32>)  : i32 {
        %get3A_883 = arith.index_cast %while3A_866 : i32 to index
        %get3A_884 = arith.constant 0 : index
        %get3A_885 = tpu.vector_load %arg9[%get3A_883, %get3A_884] {strides = array<i32>} : memref<64x128xf32, #tpu.memory_space<vmem>>, vector<16xf32>,
        %add3A_886 = arith.addf %while3A_867, %get3A_885 : vector<16xf32>
        %max3A = arith.maximumf %while3A_875, %get3A_885 : vector<16xf32>
        %get3A_887 = arith.index_cast %while3A_866 : i32 to index
        %get3A_888 = arith.constant 16 : index
        %get3A_889 = tpu.vector_load %arg9[%get3A_887, %get3A_888] {strides = array<i32>} : memref<64x128xf32, #tpu.memory_space<vmem>>, vector<16xf32>,
        %add3A_890 = arith.addf %while3A_868, %get3A_889 : vector<16xf32>
        %max3A_891 = arith.maximumf %while3A_876, %get3A_889 : vector<16xf32>
        %get3A_892 = arith.index_cast %while3A_866 : i32 to index
        %get3A_893 = arith.constant 32 : index
        %get3A_894 = tpu.vector_load %arg9[%get3A_892, %get3A_893] {strides = array<i32>} : memref<64x128xf32, #tpu.memory_space<vmem>>, vector<16xf32>,
        %add3A_895 = arith.addf %while3A_869, %get3A_894 : vector<16xf32>
        %max3A_896 = arith.maximumf %while3A_877, %get3A_894 : vector<16xf32>
        %get3A_897 = arith.index_cast %while3A_866 : i32 to index
        %get3A_898 = arith.constant 48 : index
        %get3A_899 = tpu.vector_load %arg9[%get3A_897, %get3A_898] {strides = array<i32>} : memref<64x128xf32, #tpu.memory_space<vmem>>, vector<16xf32>,
        %add3A_900 = arith.addf %while3A_870, %get3A_899 : vector<16xf32>
        %max3A_901 = arith.maximumf %while3A_878, %get3A_899 : vector<16xf32>
        %get3A_902 = arith.index_cast %while3A_866 : i32 to index
        %get3A_903 = arith.constant 64 : index
        %get3A_904 = tpu.vector_load %arg9[%get3A_902, %get3A_903] {strides = array<i32>} : memref<64x128xf32, #tpu.memory_space<vmem>>, vector<16xf32>,
        %add3A_905 = arith.addf %while3A_871, %get3A_904 : vector<16xf32>
        %max3A_906 = arith.maximumf %while3A_879, %get3A_904 : vector<16xf32>
        %get3A_907 = arith.index_cast %while3A_866 : i32 to index
        %get3A_908 = arith.constant 80 : index
        %get3A_909 = tpu.vector_load %arg9[%get3A_907, %get3A_908] {strides = array<i32>} : memref<64x128xf32, #tpu.memory_space<vmem>>, vector<16xf32>,
        %add3A_910 = arith.addf %while3A_872, %get3A_909 : vector<16xf32>
        %max3A_911 = arith.maximumf %while3A_880, %get3A_909 : vector<16xf32>
        %get3A_912 = arith.index_cast %while3A_866 : i32 to index
        %get3A_913 = arith.constant 96 : index
        %get3A_914 = tpu.vector_load %arg9[%get3A_912, %get3A_913] {strides = array<i32>} : memref<64x128xf32, #tpu.memory_space<vmem>>, vector<16xf32>,
        %add3A_915 = arith.addf %while3A_873, %get3A_914 : vector<16xf32>
        %max3A_916 = arith.maximumf %while3A_881, %get3A_914 : vector<16xf32>
        %get3A_917 = arith.index_cast %while3A_866 : i32 to index
        %get3A_918 = arith.constant 112 : index
        %get3A_919 = tpu.vector_load %arg9[%get3A_917, %get3A_918] {strides = array<i32>} : memref<64x128xf32, #tpu.memory_space<vmem>>, vector<16xf32>,
        %add3A_920 = arith.addf %while3A_874, %get3A_919 : vector<16xf32>
        %max3A_921 = arith.maximumf %while3A_882, %get3A_919 : vector<16xf32>
        scf.yield %add3A_886, %add3A_890, %add3A_895, %add3A_900, %add3A_905, %add3A_910, %add3A_915, %add3A_920, %max3A, %max3A_891, %max3A_896, %max3A_901, %max3A_906, %max3A_911, %max3A_916, %max3A_921 : vector<16xf32>, vector<16xf32>, vector<16xf32>, vector<16xf32>, vector<16xf32>, vector<16xf32>, vector<16xf32>, vector<16xf32>, vector<16xf32>, vector<16xf32>, vector<16xf32>, vector<16xf32>, vector<16xf32>, vector<16xf32>, vector<16xf32>, vector<16xf32>
      }
      scf.yield %while3A_865#0, %while3A_865#1, %while3A_865#2, %while3A_865#3, %while3A_865#4, %while3A_865#5, %while3A_865#6, %while3A_865#7, %while3A_865#8, %while3A_865#9, %while3A_865#10, %while3A_865#11, %while3A_865#12, %while3A_865#13, %while3A_865#14, %while3A_865#15 : vector<16xf32>, vector<16xf32>, vector<16xf32>, vector<16xf32>, vector<16xf32>, vector<16xf32>, vector<16xf32>, vector<16xf32>, vector<16xf32>, vector<16xf32>, vector<16xf32>, vector<16xf32>, vector<16xf32>, vector<16xf32>, vector<16xf32>, vector<16xf32>
    }
    %swap3A_723 = arith.constant 128 : index
    %swap3A_724 = tpu.vector_load %arg10[%swap3A_723] {strides = array<i32>} : memref<384xf32, #tpu.memory_space<vmem>>, vector<16xf32>,
    tpu.vector_store %arg10[%swap3A_723], %while3A_722#0 {strides = array<i32>} : memref<384xf32, #tpu.memory_space<vmem>>, vector<16xf32>,
    %swap3A_725 = arith.constant 128 : index
    %swap3A_726 = tpu.vector_load %arg11[%swap3A_725] {strides = array<i32>} : memref<384xf32, #tpu.memory_space<vmem>>, vector<16xf32>,
    tpu.vector_store %arg11[%swap3A_725], %while3A_722#8 {strides = array<i32>} : memref<384xf32, #tpu.memory_space<vmem>>, vector<16xf32>,
    %swap3A_727 = arith.constant 144 : index
    %swap3A_728 = tpu.vector_load %arg10[%swap3A_727] {strides = array<i32>} : memref<384xf32, #tpu.memory_space<vmem>>, vector<16xf32>,
    tpu.vector_store %arg10[%swap3A_727], %while3A_722#1 {strides = array<i32>} : memref<384xf32, #tpu.memory_space<vmem>>, vector<16xf32>,
    %swap3A_729 = arith.constant 144 : index
    %swap3A_730 = tpu.vector_load %arg11[%swap3A_729] {strides = array<i32>} : memref<384xf32, #tpu.memory_space<vmem>>, vector<16xf32>,
    tpu.vector_store %arg11[%swap3A_729], %while3A_722#9 {strides = array<i32>} : memref<384xf32, #tpu.memory_space<vmem>>, vector<16xf32>,
    %swap3A_731 = arith.constant 160 : index
    %swap3A_732 = tpu.vector_load %arg10[%swap3A_731] {strides = array<i32>} : memref<384xf32, #tpu.memory_space<vmem>>, vector<16xf32>,
    tpu.vector_store %arg10[%swap3A_731], %while3A_722#2 {strides = array<i32>} : memref<384xf32, #tpu.memory_space<vmem>>, vector<16xf32>,
    %swap3A_733 = arith.constant 160 : index
    %swap3A_734 = tpu.vector_load %arg11[%swap3A_733] {strides = array<i32>} : memref<384xf32, #tpu.memory_space<vmem>>, vector<16xf32>,
    tpu.vector_store %arg11[%swap3A_733], %while3A_722#10 {strides = array<i32>} : memref<384xf32, #tpu.memory_space<vmem>>, vector<16xf32>,
    %swap3A_735 = arith.constant 176 : index
    %swap3A_736 = tpu.vector_load %arg10[%swap3A_735] {strides = array<i32>} : memref<384xf32, #tpu.memory_space<vmem>>, vector<16xf32>,
    tpu.vector_store %arg10[%swap3A_735], %while3A_722#3 {strides = array<i32>} : memref<384xf32, #tpu.memory_space<vmem>>, vector<16xf32>,
    %swap3A_737 = arith.constant 176 : index
    %swap3A_738 = tpu.vector_load %arg11[%swap3A_737] {strides = array<i32>} : memref<384xf32, #tpu.memory_space<vmem>>, vector<16xf32>,
    tpu.vector_store %arg11[%swap3A_737], %while3A_722#11 {strides = array<i32>} : memref<384xf32, #tpu.memory_space<vmem>>, vector<16xf32>,
    %swap3A_739 = arith.constant 192 : index
    %swap3A_740 = tpu.vector_load %arg10[%swap3A_739] {strides = array<i32>} : memref<384xf32, #tpu.memory_space<vmem>>, vector<16xf32>,
    tpu.vector_store %arg10[%swap3A_739], %while3A_722#4 {strides = array<i32>} : memref<384xf32, #tpu.memory_space<vmem>>, vector<16xf32>,
    %swap3A_741 = arith.constant 192 : index
    %swap3A_742 = tpu.vector_load %arg11[%swap3A_741] {strides = array<i32>} : memref<384xf32, #tpu.memory_space<vmem>>, vector<16xf32>,
    tpu.vector_store %arg11[%swap3A_741], %while3A_722#12 {strides = array<i32>} : memref<384xf32, #tpu.memory_space<vmem>>, vector<16xf32>,
    %swap3A_743 = arith.constant 208 : index
    %swap3A_744 = tpu.vector_load %arg10[%swap3A_743] {strides = array<i32>} : memref<384xf32, #tpu.memory_space<vmem>>, vector<16xf32>,
    tpu.vector_store %arg10[%swap3A_743], %while3A_722#5 {strides = array<i32>} : memref<384xf32, #tpu.memory_space<vmem>>, vector<16xf32>,
    %swap3A_745 = arith.constant 208 : index
    %swap3A_746 = tpu.vector_load %arg11[%swap3A_745] {strides = array<i32>} : memref<384xf32, #tpu.memory_space<vmem>>, vector<16xf32>,
    tpu.vector_store %arg11[%swap3A_745], %while3A_722#13 {strides = array<i32>} : memref<384xf32, #tpu.memory_space<vmem>>, vector<16xf32>,
    %swap3A_747 = arith.constant 224 : index
    %swap3A_748 = tpu.vector_load %arg10[%swap3A_747] {strides = array<i32>} : memref<384xf32, #tpu.memory_space<vmem>>, vector<16xf32>,
    tpu.vector_store %arg10[%swap3A_747], %while3A_722#6 {strides = array<i32>} : memref<384xf32, #tpu.memory_space<vmem>>, vector<16xf32>,
    %swap3A_749 = arith.constant 224 : index
    %swap3A_750 = tpu.vector_load %arg11[%swap3A_749] {strides = array<i32>} : memref<384xf32, #tpu.memory_space<vmem>>, vector<16xf32>,
    tpu.vector_store %arg11[%swap3A_749], %while3A_722#14 {strides = array<i32>} : memref<384xf32, #tpu.memory_space<vmem>>, vector<16xf32>,
    %swap3A_751 = arith.constant 240 : index
    %swap3A_752 = tpu.vector_load %arg10[%swap3A_751] {strides = array<i32>} : memref<384xf32, #tpu.memory_space<vmem>>, vector<16xf32>,
    tpu.vector_store %arg10[%swap3A_751], %while3A_722#7 {strides = array<i32>} : memref<384xf32, #tpu.memory_space<vmem>>, vector<16xf32>,
    %swap3A_753 = arith.constant 240 : index
    %swap3A_754 = tpu.vector_load %arg11[%swap3A_753] {strides = array<i32>} : memref<384xf32, #tpu.memory_space<vmem>>, vector<16xf32>,
    tpu.vector_store %arg11[%swap3A_753], %while3A_722#15 {strides = array<i32>} : memref<384xf32, #tpu.memory_space<vmem>>, vector<16xf32>,
    %broadcast_in_dim3A_755 = arith.constant 0.000000e+00 : f32
    %broadcast_in_dim3A_756 = vector.broadcast %broadcast_in_dim3A_755 : f32 to vector<16xf32>
    %broadcast_in_dim3A_757 = arith.constant 0.000000e+00 : f32
    %broadcast_in_dim3A_758 = vector.broadcast %broadcast_in_dim3A_757 : f32 to vector<16xf32>
    %broadcast_in_dim3A_759 = arith.constant 0.000000e+00 : f32
    %broadcast_in_dim3A_760 = vector.broadcast %broadcast_in_dim3A_759 : f32 to vector<16xf32>
    %broadcast_in_dim3A_761 = arith.constant 0.000000e+00 : f32
    %broadcast_in_dim3A_762 = vector.broadcast %broadcast_in_dim3A_761 : f32 to vector<16xf32>
    %broadcast_in_dim3A_763 = arith.constant 0.000000e+00 : f32
    %broadcast_in_dim3A_764 = vector.broadcast %broadcast_in_dim3A_763 : f32 to vector<16xf32>
    %broadcast_in_dim3A_765 = arith.constant 0.000000e+00 : f32
    %broadcast_in_dim3A_766 = vector.broadcast %broadcast_in_dim3A_765 : f32 to vector<16xf32>
    %broadcast_in_dim3A_767 = arith.constant 0.000000e+00 : f32
    %broadcast_in_dim3A_768 = vector.broadcast %broadcast_in_dim3A_767 : f32 to vector<16xf32>
    %broadcast_in_dim3A_769 = arith.constant 0.000000e+00 : f32
    %broadcast_in_dim3A_770 = vector.broadcast %broadcast_in_dim3A_769 : f32 to vector<16xf32>
    %broadcast_in_dim3A_771 = arith.constant 0xFF800000 : f32
    %broadcast_in_dim3A_772 = vector.broadcast %broadcast_in_dim3A_771 : f32 to vector<16xf32>
    %broadcast_in_dim3A_773 = arith.constant 0xFF800000 : f32
    %broadcast_in_dim3A_774 = vector.broadcast %broadcast_in_dim3A_773 : f32 to vector<16xf32>
    %broadcast_in_dim3A_775 = arith.constant 0xFF800000 : f32
    %broadcast_in_dim3A_776 = vector.broadcast %broadcast_in_dim3A_775 : f32 to vector<16xf32>
    %broadcast_in_dim3A_777 = arith.constant 0xFF800000 : f32
    %broadcast_in_dim3A_778 = vector.broadcast %broadcast_in_dim3A_777 : f32 to vector<16xf32>
    %broadcast_in_dim3A_779 = arith.constant 0xFF800000 : f32
    %broadcast_in_dim3A_780 = vector.broadcast %broadcast_in_dim3A_779 : f32 to vector<16xf32>
    %broadcast_in_dim3A_781 = arith.constant 0xFF800000 : f32
    %broadcast_in_dim3A_782 = vector.broadcast %broadcast_in_dim3A_781 : f32 to vector<16xf32>
    %broadcast_in_dim3A_783 = arith.constant 0xFF800000 : f32
    %broadcast_in_dim3A_784 = vector.broadcast %broadcast_in_dim3A_783 : f32 to vector<16xf32>
    %broadcast_in_dim3A_785 = arith.constant 0xFF800000 : f32
    %broadcast_in_dim3A_786 = vector.broadcast %broadcast_in_dim3A_785 : f32 to vector<16xf32>
    %while3A_787 = arith.constant 0 : i32
    %while3A_788 = arith.subi %select_n3A_604, %while3A_787 : i32
    %while3A_789 = arith.addi %while3A_787, %while3A_788 : i32
    %while3A_790 = arith.constant 1 : i32
    %while3A_791 = arith.divsi %while3A_788, %while3A_790 : i32
    %while3A_792 = arith.muli %while3A_791, %while3A_790 : i32
    %while3A_793 = arith.addi %while3A_787, %while3A_792 : i32
    %while3A_794 = arith.constant 1 : i32
    %while3A_795:16 = scf.for %while3A_830 = %while3A_787 to %while3A_793 step %while3A_794 iter_args(%while3A_831 = %broadcast_in_dim3A_756, %while3A_832 = %broadcast_in_dim3A_758, %while3A_833 = %broadcast_in_dim3A_760, %while3A_834 = %broadcast_in_dim3A_762, %while3A_835 = %broadcast_in_dim3A_764, %while3A_836 = %broadcast_in_dim3A_766, %while3A_837 = %broadcast_in_dim3A_768, %while3A_838 = %broadcast_in_dim3A_770, %while3A_839 = %broadcast_in_dim3A_772, %while3A_840 = %broadcast_in_dim3A_774, %while3A_841 = %broadcast_in_dim3A_776, %while3A_842 = %broadcast_in_dim3A_778, %while3A_843 = %broadcast_in_dim3A_780, %while3A_844 = %broadcast_in_dim3A_782, %while3A_845 = %broadcast_in_dim3A_784, %while3A_846 = %broadcast_in_dim3A_786) -> (vector<16xf32>, vector<16xf32>, vector<16xf32>, vector<16xf32>, vector<16xf32>, vector<16xf32>, vector<16xf32>, vector<16xf32>, vector<16xf32>, vector<16xf32>, vector<16xf32>, vector<16xf32>, vector<16xf32>, vector<16xf32>, vector<16xf32>, vector<16xf32>)  : i32 {
      %mul3A_847 = arith.constant 64 : i32
      %mul3A_848 = arith.muli %while3A_830, %mul3A_847 : i32
      %add3A_849 = arith.addi %add3A_492, %mul3A_848 : i32
      %min3A = arith.constant 9936 : i32
      %min3A_850 = arith.minsi %add3A_849, %min3A : i32
      %sub3A_851 = arith.subi %add3A_849, %min3A_850 : i32
      %add3A_852 = arith.constant 64 : i32
      %add3A_853 = arith.addi %min3A_850, %add3A_852 : i32
      %min3A_854 = arith.minsi %add3A_575, %add3A_853 : i32
      %sub3A_855 = arith.subi %min3A_854, %min3A_850 : i32
      "tpu.region"() ({
        %run_scoped3A = tpu.sem_alloc : memref<!tpu.dma_semaphore, #tpu.memory_space<semaphore_mem>>
        %dma_start3A = arith.constant 0 : i32
        %dma_start3A_866 = tpu.memref_slice %arg4[%min3A_850, %dma_start3A] : memref<10000x128xf32, #tpu.memory_space<hbm>> -> memref<64x128xf32, #tpu.memory_space<hbm>>
        %dma_start3A_867 = arith.constant 0 : i32
        %dma_start3A_868 = tpu.memref_slice %arg4[%min3A_850, %dma_start3A_867] : memref<10000x128xf32, #tpu.memory_space<hbm>> -> memref<64x128xf32, #tpu.memory_space<hbm>>
        tpu.enqueue_dma source(%dma_start3A_868 : memref<64x128xf32, #tpu.memory_space<hbm>>) target(%arg9 : memref<64x128xf32, #tpu.memory_space<vmem>>) target_semaphore(%run_scoped3A : memref<!tpu.dma_semaphore, #tpu.memory_space<semaphore_mem>>)
        %dma_wait3A = arith.constant 0 : i32
        %dma_wait3A_869 = tpu.memref_slice %arg4[%min3A_850, %dma_wait3A] : memref<10000x128xf32, #tpu.memory_space<hbm>> -> memref<64x128xf32, #tpu.memory_space<hbm>>
        %dma_wait3A_870 = arith.constant 0 : i32
        %dma_wait3A_871 = tpu.memref_slice %arg4[%min3A_850, %dma_wait3A_870] : memref<10000x128xf32, #tpu.memory_space<hbm>> -> memref<64x128xf32, #tpu.memory_space<hbm>>
        tpu.wait_dma2 semaphore(%run_scoped3A : memref<!tpu.dma_semaphore, #tpu.memory_space<semaphore_mem>>) src(%dma_wait3A_871 : memref<64x128xf32, #tpu.memory_space<hbm>>) dst(%arg9 : memref<64x128xf32, #tpu.memory_space<vmem>>)
        tpu.yield
      }) : () -> ()
      %while3A_856 = arith.subi %sub3A_855, %sub3A_851 : i32
      %while3A_857 = arith.addi %sub3A_851, %while3A_856 : i32
      %while3A_858 = arith.constant 1 : i32
      %while3A_859 = arith.divsi %while3A_856, %while3A_858 : i32
      %while3A_860 = arith.muli %while3A_859, %while3A_858 : i32
      %while3A_861 = arith.addi %sub3A_851, %while3A_860 : i32
      %while3A_862 = arith.constant 1 : i32
      %while3A_863:16 = scf.for %while3A_866 = %sub3A_851 to %while3A_861 step %while3A_862 iter_args(%while3A_867 = %while3A_831, %while3A_868 = %while3A_832, %while3A_869 = %while3A_833, %while3A_870 = %while3A_834, %while3A_871 = %while3A_835, %while3A_872 = %while3A_836, %while3A_873 = %while3A_837, %while3A_874 = %while3A_838, %while3A_875 = %while3A_839, %while3A_876 = %while3A_840, %while3A_877 = %while3A_841, %while3A_878 = %while3A_842, %while3A_879 = %while3A_843, %while3A_880 = %while3A_844, %while3A_881 = %while3A_845, %while3A_882 = %while3A_846) -> (vector<16xf32>, vector<16xf32>, vector<16xf32>, vector<16xf32>, vector<16xf32>, vector<16xf32>, vector<16xf32>, vector<16xf32>, vector<16xf32>, vector<16xf32>, vector<16xf32>, vector<16xf32>, vector<16xf32>, vector<16xf32>, vector<16xf32>, vector<16xf32>)  : i32 {
        %get3A_883 = arith.index_cast %while3A_866 : i32 to index
        %get3A_884 = arith.constant 0 : index
        %get3A_885 = tpu.vector_load %arg9[%get3A_883, %get3A_884] {strides = array<i32>} : memref<64x128xf32, #tpu.memory_space<vmem>>, vector<16xf32>,
        %add3A_886 = arith.addf %while3A_867, %get3A_885 : vector<16xf32>
        %max3A = arith.maximumf %while3A_875, %get3A_885 : vector<16xf32>
        %get3A_887 = arith.index_cast %while3A_866 : i32 to index
        %get3A_888 = arith.constant 16 : index
        %get3A_889 = tpu.vector_load %arg9[%get3A_887, %get3A_888] {strides = array<i32>} : memref<64x128xf32, #tpu.memory_space<vmem>>, vector<16xf32>,
        %add3A_890 = arith.addf %while3A_868, %get3A_889 : vector<16xf32>
        %max3A_891 = arith.maximumf %while3A_876, %get3A_889 : vector<16xf32>
        %get3A_892 = arith.index_cast %while3A_866 : i32 to index
        %get3A_893 = arith.constant 32 : index
        %get3A_894 = tpu.vector_load %arg9[%get3A_892, %get3A_893] {strides = array<i32>} : memref<64x128xf32, #tpu.memory_space<vmem>>, vector<16xf32>,
        %add3A_895 = arith.addf %while3A_869, %get3A_894 : vector<16xf32>
        %max3A_896 = arith.maximumf %while3A_877, %get3A_894 : vector<16xf32>
        %get3A_897 = arith.index_cast %while3A_866 : i32 to index
        %get3A_898 = arith.constant 48 : index
        %get3A_899 = tpu.vector_load %arg9[%get3A_897, %get3A_898] {strides = array<i32>} : memref<64x128xf32, #tpu.memory_space<vmem>>, vector<16xf32>,
        %add3A_900 = arith.addf %while3A_870, %get3A_899 : vector<16xf32>
        %max3A_901 = arith.maximumf %while3A_878, %get3A_899 : vector<16xf32>
        %get3A_902 = arith.index_cast %while3A_866 : i32 to index
        %get3A_903 = arith.constant 64 : index
        %get3A_904 = tpu.vector_load %arg9[%get3A_902, %get3A_903] {strides = array<i32>} : memref<64x128xf32, #tpu.memory_space<vmem>>, vector<16xf32>,
        %add3A_905 = arith.addf %while3A_871, %get3A_904 : vector<16xf32>
        %max3A_906 = arith.maximumf %while3A_879, %get3A_904 : vector<16xf32>
        %get3A_907 = arith.index_cast %while3A_866 : i32 to index
        %get3A_908 = arith.constant 80 : index
        %get3A_909 = tpu.vector_load %arg9[%get3A_907, %get3A_908] {strides = array<i32>} : memref<64x128xf32, #tpu.memory_space<vmem>>, vector<16xf32>,
        %add3A_910 = arith.addf %while3A_872, %get3A_909 : vector<16xf32>
        %max3A_911 = arith.maximumf %while3A_880, %get3A_909 : vector<16xf32>
        %get3A_912 = arith.index_cast %while3A_866 : i32 to index
        %get3A_913 = arith.constant 96 : index
        %get3A_914 = tpu.vector_load %arg9[%get3A_912, %get3A_913] {strides = array<i32>} : memref<64x128xf32, #tpu.memory_space<vmem>>, vector<16xf32>,
        %add3A_915 = arith.addf %while3A_873, %get3A_914 : vector<16xf32>
        %max3A_916 = arith.maximumf %while3A_881, %get3A_914 : vector<16xf32>
        %get3A_917 = arith.index_cast %while3A_866 : i32 to index
        %get3A_918 = arith.constant 112 : index
        %get3A_919 = tpu.vector_load %arg9[%get3A_917, %get3A_918] {strides = array<i32>} : memref<64x128xf32, #tpu.memory_space<vmem>>, vector<16xf32>,
        %add3A_920 = arith.addf %while3A_874, %get3A_919 : vector<16xf32>
        %max3A_921 = arith.maximumf %while3A_882, %get3A_919 : vector<16xf32>
        scf.yield %add3A_886, %add3A_890, %add3A_895, %add3A_900, %add3A_905, %add3A_910, %add3A_915, %add3A_920, %max3A, %max3A_891, %max3A_896, %max3A_901, %max3A_906, %max3A_911, %max3A_916, %max3A_921 : vector<16xf32>, vector<16xf32>, vector<16xf32>, vector<16xf32>, vector<16xf32>, vector<16xf32>, vector<16xf32>, vector<16xf32>, vector<16xf32>, vector<16xf32>, vector<16xf32>, vector<16xf32>, vector<16xf32>, vector<16xf32>, vector<16xf32>, vector<16xf32>
      }
      %while3A_864 = arith.constant 1 : i32
      %while3A_865:16 = scf.for %while3A_866 = %while3A_861 to %while3A_857 step %while3A_864 iter_args(%while3A_867 = %while3A_863#0, %while3A_868 = %while3A_863#1, %while3A_869 = %while3A_863#2, %while3A_870 = %while3A_863#3, %while3A_871 = %while3A_863#4, %while3A_872 = %while3A_863#5, %while3A_873 = %while3A_863#6, %while3A_874 = %while3A_863#7, %while3A_875 = %while3A_863#8, %while3A_876 = %while3A_863#9, %while3A_877 = %while3A_863#10, %while3A_878 = %while3A_863#11, %while3A_879 = %while3A_863#12, %while3A_880 = %while3A_863#13, %while3A_881 = %while3A_863#14, %while3A_882 = %while3A_863#15) -> (vector<16xf32>, vector<16xf32>, vector<16xf32>, vector<16xf32>, vector<16xf32>, vector<16xf32>, vector<16xf32>, vector<16xf32>, vector<16xf32>, vector<16xf32>, vector<16xf32>, vector<16xf32>, vector<16xf32>, vector<16xf32>, vector<16xf32>, vector<16xf32>)  : i32 {
        %get3A_883 = arith.index_cast %while3A_866 : i32 to index
        %get3A_884 = arith.constant 0 : index
        %get3A_885 = tpu.vector_load %arg9[%get3A_883, %get3A_884] {strides = array<i32>} : memref<64x128xf32, #tpu.memory_space<vmem>>, vector<16xf32>,
        %add3A_886 = arith.addf %while3A_867, %get3A_885 : vector<16xf32>
        %max3A = arith.maximumf %while3A_875, %get3A_885 : vector<16xf32>
        %get3A_887 = arith.index_cast %while3A_866 : i32 to index
        %get3A_888 = arith.constant 16 : index
        %get3A_889 = tpu.vector_load %arg9[%get3A_887, %get3A_888] {strides = array<i32>} : memref<64x128xf32, #tpu.memory_space<vmem>>, vector<16xf32>,
        %add3A_890 = arith.addf %while3A_868, %get3A_889 : vector<16xf32>
        %max3A_891 = arith.maximumf %while3A_876, %get3A_889 : vector<16xf32>
        %get3A_892 = arith.index_cast %while3A_866 : i32 to index
        %get3A_893 = arith.constant 32 : index
        %get3A_894 = tpu.vector_load %arg9[%get3A_892, %get3A_893] {strides = array<i32>} : memref<64x128xf32, #tpu.memory_space<vmem>>, vector<16xf32>,
        %add3A_895 = arith.addf %while3A_869, %get3A_894 : vector<16xf32>
        %max3A_896 = arith.maximumf %while3A_877, %get3A_894 : vector<16xf32>
        %get3A_897 = arith.index_cast %while3A_866 : i32 to index
        %get3A_898 = arith.constant 48 : index
        %get3A_899 = tpu.vector_load %arg9[%get3A_897, %get3A_898] {strides = array<i32>} : memref<64x128xf32, #tpu.memory_space<vmem>>, vector<16xf32>,
        %add3A_900 = arith.addf %while3A_870, %get3A_899 : vector<16xf32>
        %max3A_901 = arith.maximumf %while3A_878, %get3A_899 : vector<16xf32>
        %get3A_902 = arith.index_cast %while3A_866 : i32 to index
        %get3A_903 = arith.constant 64 : index
        %get3A_904 = tpu.vector_load %arg9[%get3A_902, %get3A_903] {strides = array<i32>} : memref<64x128xf32, #tpu.memory_space<vmem>>, vector<16xf32>,
        %add3A_905 = arith.addf %while3A_871, %get3A_904 : vector<16xf32>
        %max3A_906 = arith.maximumf %while3A_879, %get3A_904 : vector<16xf32>
        %get3A_907 = arith.index_cast %while3A_866 : i32 to index
        %get3A_908 = arith.constant 80 : index
        %get3A_909 = tpu.vector_load %arg9[%get3A_907, %get3A_908] {strides = array<i32>} : memref<64x128xf32, #tpu.memory_space<vmem>>, vector<16xf32>,
        %add3A_910 = arith.addf %while3A_872, %get3A_909 : vector<16xf32>
        %max3A_911 = arith.maximumf %while3A_880, %get3A_909 : vector<16xf32>
        %get3A_912 = arith.index_cast %while3A_866 : i32 to index
        %get3A_913 = arith.constant 96 : index
        %get3A_914 = tpu.vector_load %arg9[%get3A_912, %get3A_913] {strides = array<i32>} : memref<64x128xf32, #tpu.memory_space<vmem>>, vector<16xf32>,
        %add3A_915 = arith.addf %while3A_873, %get3A_914 : vector<16xf32>
        %max3A_916 = arith.maximumf %while3A_881, %get3A_914 : vector<16xf32>
        %get3A_917 = arith.index_cast %while3A_866 : i32 to index
        %get3A_918 = arith.constant 112 : index
        %get3A_919 = tpu.vector_load %arg9[%get3A_917, %get3A_918] {strides = array<i32>} : memref<64x128xf32, #tpu.memory_space<vmem>>, vector<16xf32>,
        %add3A_920 = arith.addf %while3A_874, %get3A_919 : vector<16xf32>
        %max3A_921 = arith.maximumf %while3A_882, %get3A_919 : vector<16xf32>
        scf.yield %add3A_886, %add3A_890, %add3A_895, %add3A_900, %add3A_905, %add3A_910, %add3A_915, %add3A_920, %max3A, %max3A_891, %max3A_896, %max3A_901, %max3A_906, %max3A_911, %max3A_916, %max3A_921 : vector<16xf32>, vector<16xf32>, vector<16xf32>, vector<16xf32>, vector<16xf32>, vector<16xf32>, vector<16xf32>, vector<16xf32>, vector<16xf32>, vector<16xf32>, vector<16xf32>, vector<16xf32>, vector<16xf32>, vector<16xf32>, vector<16xf32>, vector<16xf32>
      }
      scf.yield %while3A_865#0, %while3A_865#1, %while3A_865#2, %while3A_865#3, %while3A_865#4, %while3A_865#5, %while3A_865#6, %while3A_865#7, %while3A_865#8, %while3A_865#9, %while3A_865#10, %while3A_865#11, %while3A_865#12, %while3A_865#13, %while3A_865#14, %while3A_865#15 : vector<16xf32>, vector<16xf32>, vector<16xf32>, vector<16xf32>, vector<16xf32>, vector<16xf32>, vector<16xf32>, vector<16xf32>, vector<16xf32>, vector<16xf32>, vector<16xf32>, vector<16xf32>, vector<16xf32>, vector<16xf32>, vector<16xf32>, vector<16xf32>
    }
    %while3A_796 = arith.constant 1 : i32
    %while3A_797:16 = scf.for %while3A_830 = %while3A_793 to %while3A_789 step %while3A_796 iter_args(%while3A_831 = %while3A_795#0, %while3A_832 = %while3A_795#1, %while3A_833 = %while3A_795#2, %while3A_834 = %while3A_795#3, %while3A_835 = %while3A_795#4, %while3A_836 = %while3A_795#5, %while3A_837 = %while3A_795#6, %while3A_838 = %while3A_795#7, %while3A_839 = %while3A_795#8, %while3A_840 = %while3A_795#9, %while3A_841 = %while3A_795#10, %while3A_842 = %while3A_795#11, %while3A_843 = %while3A_795#12, %while3A_844 = %while3A_795#13, %while3A_845 = %while3A_795#14, %while3A_846 = %while3A_795#15) -> (vector<16xf32>, vector<16xf32>, vector<16xf32>, vector<16xf32>, vector<16xf32>, vector<16xf32>, vector<16xf32>, vector<16xf32>, vector<16xf32>, vector<16xf32>, vector<16xf32>, vector<16xf32>, vector<16xf32>, vector<16xf32>, vector<16xf32>, vector<16xf32>)  : i32 {
      %mul3A_847 = arith.constant 64 : i32
      %mul3A_848 = arith.muli %while3A_830, %mul3A_847 : i32
      %add3A_849 = arith.addi %add3A_492, %mul3A_848 : i32
      %min3A = arith.constant 9936 : i32
      %min3A_850 = arith.minsi %add3A_849, %min3A : i32
      %sub3A_851 = arith.subi %add3A_849, %min3A_850 : i32
      %add3A_852 = arith.constant 64 : i32
      %add3A_853 = arith.addi %min3A_850, %add3A_852 : i32
      %min3A_854 = arith.minsi %add3A_575, %add3A_853 : i32
      %sub3A_855 = arith.subi %min3A_854, %min3A_850 : i32
      "tpu.region"() ({
        %run_scoped3A = tpu.sem_alloc : memref<!tpu.dma_semaphore, #tpu.memory_space<semaphore_mem>>
        %dma_start3A = arith.constant 0 : i32
        %dma_start3A_866 = tpu.memref_slice %arg4[%min3A_850, %dma_start3A] : memref<10000x128xf32, #tpu.memory_space<hbm>> -> memref<64x128xf32, #tpu.memory_space<hbm>>
        %dma_start3A_867 = arith.constant 0 : i32
        %dma_start3A_868 = tpu.memref_slice %arg4[%min3A_850, %dma_start3A_867] : memref<10000x128xf32, #tpu.memory_space<hbm>> -> memref<64x128xf32, #tpu.memory_space<hbm>>
        tpu.enqueue_dma source(%dma_start3A_868 : memref<64x128xf32, #tpu.memory_space<hbm>>) target(%arg9 : memref<64x128xf32, #tpu.memory_space<vmem>>) target_semaphore(%run_scoped3A : memref<!tpu.dma_semaphore, #tpu.memory_space<semaphore_mem>>)
        %dma_wait3A = arith.constant 0 : i32
        %dma_wait3A_869 = tpu.memref_slice %arg4[%min3A_850, %dma_wait3A] : memref<10000x128xf32, #tpu.memory_space<hbm>> -> memref<64x128xf32, #tpu.memory_space<hbm>>
        %dma_wait3A_870 = arith.constant 0 : i32
        %dma_wait3A_871 = tpu.memref_slice %arg4[%min3A_850, %dma_wait3A_870] : memref<10000x128xf32, #tpu.memory_space<hbm>> -> memref<64x128xf32, #tpu.memory_space<hbm>>
        tpu.wait_dma2 semaphore(%run_scoped3A : memref<!tpu.dma_semaphore, #tpu.memory_space<semaphore_mem>>) src(%dma_wait3A_871 : memref<64x128xf32, #tpu.memory_space<hbm>>) dst(%arg9 : memref<64x128xf32, #tpu.memory_space<vmem>>)
        tpu.yield
      }) : () -> ()
      %while3A_856 = arith.subi %sub3A_855, %sub3A_851 : i32
      %while3A_857 = arith.addi %sub3A_851, %while3A_856 : i32
      %while3A_858 = arith.constant 1 : i32
      %while3A_859 = arith.divsi %while3A_856, %while3A_858 : i32
      %while3A_860 = arith.muli %while3A_859, %while3A_858 : i32
      %while3A_861 = arith.addi %sub3A_851, %while3A_860 : i32
      %while3A_862 = arith.constant 1 : i32
      %while3A_863:16 = scf.for %while3A_866 = %sub3A_851 to %while3A_861 step %while3A_862 iter_args(%while3A_867 = %while3A_831, %while3A_868 = %while3A_832, %while3A_869 = %while3A_833, %while3A_870 = %while3A_834, %while3A_871 = %while3A_835, %while3A_872 = %while3A_836, %while3A_873 = %while3A_837, %while3A_874 = %while3A_838, %while3A_875 = %while3A_839, %while3A_876 = %while3A_840, %while3A_877 = %while3A_841, %while3A_878 = %while3A_842, %while3A_879 = %while3A_843, %while3A_880 = %while3A_844, %while3A_881 = %while3A_845, %while3A_882 = %while3A_846) -> (vector<16xf32>, vector<16xf32>, vector<16xf32>, vector<16xf32>, vector<16xf32>, vector<16xf32>, vector<16xf32>, vector<16xf32>, vector<16xf32>, vector<16xf32>, vector<16xf32>, vector<16xf32>, vector<16xf32>, vector<16xf32>, vector<16xf32>, vector<16xf32>)  : i32 {
        %get3A_883 = arith.index_cast %while3A_866 : i32 to index
        %get3A_884 = arith.constant 0 : index
        %get3A_885 = tpu.vector_load %arg9[%get3A_883, %get3A_884] {strides = array<i32>} : memref<64x128xf32, #tpu.memory_space<vmem>>, vector<16xf32>,
        %add3A_886 = arith.addf %while3A_867, %get3A_885 : vector<16xf32>
        %max3A = arith.maximumf %while3A_875, %get3A_885 : vector<16xf32>
        %get3A_887 = arith.index_cast %while3A_866 : i32 to index
        %get3A_888 = arith.constant 16 : index
        %get3A_889 = tpu.vector_load %arg9[%get3A_887, %get3A_888] {strides = array<i32>} : memref<64x128xf32, #tpu.memory_space<vmem>>, vector<16xf32>,
        %add3A_890 = arith.addf %while3A_868, %get3A_889 : vector<16xf32>
        %max3A_891 = arith.maximumf %while3A_876, %get3A_889 : vector<16xf32>
        %get3A_892 = arith.index_cast %while3A_866 : i32 to index
        %get3A_893 = arith.constant 32 : index
        %get3A_894 = tpu.vector_load %arg9[%get3A_892, %get3A_893] {strides = array<i32>} : memref<64x128xf32, #tpu.memory_space<vmem>>, vector<16xf32>,
        %add3A_895 = arith.addf %while3A_869, %get3A_894 : vector<16xf32>
        %max3A_896 = arith.maximumf %while3A_877, %get3A_894 : vector<16xf32>
        %get3A_897 = arith.index_cast %while3A_866 : i32 to index
        %get3A_898 = arith.constant 48 : index
        %get3A_899 = tpu.vector_load %arg9[%get3A_897, %get3A_898] {strides = array<i32>} : memref<64x128xf32, #tpu.memory_space<vmem>>, vector<16xf32>,
        %add3A_900 = arith.addf %while3A_870, %get3A_899 : vector<16xf32>
        %max3A_901 = arith.maximumf %while3A_878, %get3A_899 : vector<16xf32>
        %get3A_902 = arith.index_cast %while3A_866 : i32 to index
        %get3A_903 = arith.constant 64 : index
        %get3A_904 = tpu.vector_load %arg9[%get3A_902, %get3A_903] {strides = array<i32>} : memref<64x128xf32, #tpu.memory_space<vmem>>, vector<16xf32>,
        %add3A_905 = arith.addf %while3A_871, %get3A_904 : vector<16xf32>
        %max3A_906 = arith.maximumf %while3A_879, %get3A_904 : vector<16xf32>
        %get3A_907 = arith.index_cast %while3A_866 : i32 to index
        %get3A_908 = arith.constant 80 : index
        %get3A_909 = tpu.vector_load %arg9[%get3A_907, %get3A_908] {strides = array<i32>} : memref<64x128xf32, #tpu.memory_space<vmem>>, vector<16xf32>,
        %add3A_910 = arith.addf %while3A_872, %get3A_909 : vector<16xf32>
        %max3A_911 = arith.maximumf %while3A_880, %get3A_909 : vector<16xf32>
        %get3A_912 = arith.index_cast %while3A_866 : i32 to index
        %get3A_913 = arith.constant 96 : index
        %get3A_914 = tpu.vector_load %arg9[%get3A_912, %get3A_913] {strides = array<i32>} : memref<64x128xf32, #tpu.memory_space<vmem>>, vector<16xf32>,
        %add3A_915 = arith.addf %while3A_873, %get3A_914 : vector<16xf32>
        %max3A_916 = arith.maximumf %while3A_881, %get3A_914 : vector<16xf32>
        %get3A_917 = arith.index_cast %while3A_866 : i32 to index
        %get3A_918 = arith.constant 112 : index
        %get3A_919 = tpu.vector_load %arg9[%get3A_917, %get3A_918] {strides = array<i32>} : memref<64x128xf32, #tpu.memory_space<vmem>>, vector<16xf32>,
        %add3A_920 = arith.addf %while3A_874, %get3A_919 : vector<16xf32>
        %max3A_921 = arith.maximumf %while3A_882, %get3A_919 : vector<16xf32>
        scf.yield %add3A_886, %add3A_890, %add3A_895, %add3A_900, %add3A_905, %add3A_910, %add3A_915, %add3A_920, %max3A, %max3A_891, %max3A_896, %max3A_901, %max3A_906, %max3A_911, %max3A_916, %max3A_921 : vector<16xf32>, vector<16xf32>, vector<16xf32>, vector<16xf32>, vector<16xf32>, vector<16xf32>, vector<16xf32>, vector<16xf32>, vector<16xf32>, vector<16xf32>, vector<16xf32>, vector<16xf32>, vector<16xf32>, vector<16xf32>, vector<16xf32>, vector<16xf32>
      }
      %while3A_864 = arith.constant 1 : i32
      %while3A_865:16 = scf.for %while3A_866 = %while3A_861 to %while3A_857 step %while3A_864 iter_args(%while3A_867 = %while3A_863#0, %while3A_868 = %while3A_863#1, %while3A_869 = %while3A_863#2, %while3A_870 = %while3A_863#3, %while3A_871 = %while3A_863#4, %while3A_872 = %while3A_863#5, %while3A_873 = %while3A_863#6, %while3A_874 = %while3A_863#7, %while3A_875 = %while3A_863#8, %while3A_876 = %while3A_863#9, %while3A_877 = %while3A_863#10, %while3A_878 = %while3A_863#11, %while3A_879 = %while3A_863#12, %while3A_880 = %while3A_863#13, %while3A_881 = %while3A_863#14, %while3A_882 = %while3A_863#15) -> (vector<16xf32>, vector<16xf32>, vector<16xf32>, vector<16xf32>, vector<16xf32>, vector<16xf32>, vector<16xf32>, vector<16xf32>, vector<16xf32>, vector<16xf32>, vector<16xf32>, vector<16xf32>, vector<16xf32>, vector<16xf32>, vector<16xf32>, vector<16xf32>)  : i32 {
        %get3A_883 = arith.index_cast %while3A_866 : i32 to index
        %get3A_884 = arith.constant 0 : index
        %get3A_885 = tpu.vector_load %arg9[%get3A_883, %get3A_884] {strides = array<i32>} : memref<64x128xf32, #tpu.memory_space<vmem>>, vector<16xf32>,
        %add3A_886 = arith.addf %while3A_867, %get3A_885 : vector<16xf32>
        %max3A = arith.maximumf %while3A_875, %get3A_885 : vector<16xf32>
        %get3A_887 = arith.index_cast %while3A_866 : i32 to index
        %get3A_888 = arith.constant 16 : index
        %get3A_889 = tpu.vector_load %arg9[%get3A_887, %get3A_888] {strides = array<i32>} : memref<64x128xf32, #tpu.memory_space<vmem>>, vector<16xf32>,
        %add3A_890 = arith.addf %while3A_868, %get3A_889 : vector<16xf32>
        %max3A_891 = arith.maximumf %while3A_876, %get3A_889 : vector<16xf32>
        %get3A_892 = arith.index_cast %while3A_866 : i32 to index
        %get3A_893 = arith.constant 32 : index
        %get3A_894 = tpu.vector_load %arg9[%get3A_892, %get3A_893] {strides = array<i32>} : memref<64x128xf32, #tpu.memory_space<vmem>>, vector<16xf32>,
        %add3A_895 = arith.addf %while3A_869, %get3A_894 : vector<16xf32>
        %max3A_896 = arith.maximumf %while3A_877, %get3A_894 : vector<16xf32>
        %get3A_897 = arith.index_cast %while3A_866 : i32 to index
        %get3A_898 = arith.constant 48 : index
        %get3A_899 = tpu.vector_load %arg9[%get3A_897, %get3A_898] {strides = array<i32>} : memref<64x128xf32, #tpu.memory_space<vmem>>, vector<16xf32>,
        %add3A_900 = arith.addf %while3A_870, %get3A_899 : vector<16xf32>
        %max3A_901 = arith.maximumf %while3A_878, %get3A_899 : vector<16xf32>
        %get3A_902 = arith.index_cast %while3A_866 : i32 to index
        %get3A_903 = arith.constant 64 : index
        %get3A_904 = tpu.vector_load %arg9[%get3A_902, %get3A_903] {strides = array<i32>} : memref<64x128xf32, #tpu.memory_space<vmem>>, vector<16xf32>,
        %add3A_905 = arith.addf %while3A_871, %get3A_904 : vector<16xf32>
        %max3A_906 = arith.maximumf %while3A_879, %get3A_904 : vector<16xf32>
        %get3A_907 = arith.index_cast %while3A_866 : i32 to index
        %get3A_908 = arith.constant 80 : index
        %get3A_909 = tpu.vector_load %arg9[%get3A_907, %get3A_908] {strides = array<i32>} : memref<64x128xf32, #tpu.memory_space<vmem>>, vector<16xf32>,
        %add3A_910 = arith.addf %while3A_872, %get3A_909 : vector<16xf32>
        %max3A_911 = arith.maximumf %while3A_880, %get3A_909 : vector<16xf32>
        %get3A_912 = arith.index_cast %while3A_866 : i32 to index
        %get3A_913 = arith.constant 96 : index
        %get3A_914 = tpu.vector_load %arg9[%get3A_912, %get3A_913] {strides = array<i32>} : memref<64x128xf32, #tpu.memory_space<vmem>>, vector<16xf32>,
        %add3A_915 = arith.addf %while3A_873, %get3A_914 : vector<16xf32>
        %max3A_916 = arith.maximumf %while3A_881, %get3A_914 : vector<16xf32>
        %get3A_917 = arith.index_cast %while3A_866 : i32 to index
        %get3A_918 = arith.constant 112 : index
        %get3A_919 = tpu.vector_load %arg9[%get3A_917, %get3A_918] {strides = array<i32>} : memref<64x128xf32, #tpu.memory_space<vmem>>, vector<16xf32>,
        %add3A_920 = arith.addf %while3A_874, %get3A_919 : vector<16xf32>
        %max3A_921 = arith.maximumf %while3A_882, %get3A_919 : vector<16xf32>
        scf.yield %add3A_886, %add3A_890, %add3A_895, %add3A_900, %add3A_905, %add3A_910, %add3A_915, %add3A_920, %max3A, %max3A_891, %max3A_896, %max3A_901, %max3A_906, %max3A_911, %max3A_916, %max3A_921 : vector<16xf32>, vector<16xf32>, vector<16xf32>, vector<16xf32>, vector<16xf32>, vector<16xf32>, vector<16xf32>, vector<16xf32>, vector<16xf32>, vector<16xf32>, vector<16xf32>, vector<16xf32>, vector<16xf32>, vector<16xf32>, vector<16xf32>, vector<16xf32>
      }
      scf.yield %while3A_865#0, %while3A_865#1, %while3A_865#2, %while3A_865#3, %while3A_865#4, %while3A_865#5, %while3A_865#6, %while3A_865#7, %while3A_865#8, %while3A_865#9, %while3A_865#10, %while3A_865#11, %while3A_865#12, %while3A_865#13, %while3A_865#14, %while3A_865#15 : vector<16xf32>, vector<16xf32>, vector<16xf32>, vector<16xf32>, vector<16xf32>, vector<16xf32>, vector<16xf32>, vector<16xf32>, vector<16xf32>, vector<16xf32>, vector<16xf32>, vector<16xf32>, vector<16xf32>, vector<16xf32>, vector<16xf32>, vector<16xf32>
    }
    %swap3A_798 = arith.constant 256 : index
    %swap3A_799 = tpu.vector_load %arg10[%swap3A_798] {strides = array<i32>} : memref<384xf32, #tpu.memory_space<vmem>>, vector<16xf32>,
    tpu.vector_store %arg10[%swap3A_798], %while3A_797#0 {strides = array<i32>} : memref<384xf32, #tpu.memory_space<vmem>>, vector<16xf32>,
    %swap3A_800 = arith.constant 256 : index
    %swap3A_801 = tpu.vector_load %arg11[%swap3A_800] {strides = array<i32>} : memref<384xf32, #tpu.memory_space<vmem>>, vector<16xf32>,
    tpu.vector_store %arg11[%swap3A_800], %while3A_797#8 {strides = array<i32>} : memref<384xf32, #tpu.memory_space<vmem>>, vector<16xf32>,
    %swap3A_802 = arith.constant 272 : index
    %swap3A_803 = tpu.vector_load %arg10[%swap3A_802] {strides = array<i32>} : memref<384xf32, #tpu.memory_space<vmem>>, vector<16xf32>,
    tpu.vector_store %arg10[%swap3A_802], %while3A_797#1 {strides = array<i32>} : memref<384xf32, #tpu.memory_space<vmem>>, vector<16xf32>,
    %swap3A_804 = arith.constant 272 : index
    %swap3A_805 = tpu.vector_load %arg11[%swap3A_804] {strides = array<i32>} : memref<384xf32, #tpu.memory_space<vmem>>, vector<16xf32>,
    tpu.vector_store %arg11[%swap3A_804], %while3A_797#9 {strides = array<i32>} : memref<384xf32, #tpu.memory_space<vmem>>, vector<16xf32>,
    %swap3A_806 = arith.constant 288 : index
    %swap3A_807 = tpu.vector_load %arg10[%swap3A_806] {strides = array<i32>} : memref<384xf32, #tpu.memory_space<vmem>>, vector<16xf32>,
    tpu.vector_store %arg10[%swap3A_806], %while3A_797#2 {strides = array<i32>} : memref<384xf32, #tpu.memory_space<vmem>>, vector<16xf32>,
    %swap3A_808 = arith.constant 288 : index
    %swap3A_809 = tpu.vector_load %arg11[%swap3A_808] {strides = array<i32>} : memref<384xf32, #tpu.memory_space<vmem>>, vector<16xf32>,
    tpu.vector_store %arg11[%swap3A_808], %while3A_797#10 {strides = array<i32>} : memref<384xf32, #tpu.memory_space<vmem>>, vector<16xf32>,
    %swap3A_810 = arith.constant 304 : index
    %swap3A_811 = tpu.vector_load %arg10[%swap3A_810] {strides = array<i32>} : memref<384xf32, #tpu.memory_space<vmem>>, vector<16xf32>,
    tpu.vector_store %arg10[%swap3A_810], %while3A_797#3 {strides = array<i32>} : memref<384xf32, #tpu.memory_space<vmem>>, vector<16xf32>,
    %swap3A_812 = arith.constant 304 : index
    %swap3A_813 = tpu.vector_load %arg11[%swap3A_812] {strides = array<i32>} : memref<384xf32, #tpu.memory_space<vmem>>, vector<16xf32>,
    tpu.vector_store %arg11[%swap3A_812], %while3A_797#11 {strides = array<i32>} : memref<384xf32, #tpu.memory_space<vmem>>, vector<16xf32>,
    %swap3A_814 = arith.constant 320 : index
    %swap3A_815 = tpu.vector_load %arg10[%swap3A_814] {strides = array<i32>} : memref<384xf32, #tpu.memory_space<vmem>>, vector<16xf32>,
    tpu.vector_store %arg10[%swap3A_814], %while3A_797#4 {strides = array<i32>} : memref<384xf32, #tpu.memory_space<vmem>>, vector<16xf32>,
    %swap3A_816 = arith.constant 320 : index
    %swap3A_817 = tpu.vector_load %arg11[%swap3A_816] {strides = array<i32>} : memref<384xf32, #tpu.memory_space<vmem>>, vector<16xf32>,
    tpu.vector_store %arg11[%swap3A_816], %while3A_797#12 {strides = array<i32>} : memref<384xf32, #tpu.memory_space<vmem>>, vector<16xf32>,
    %swap3A_818 = arith.constant 336 : index
    %swap3A_819 = tpu.vector_load %arg10[%swap3A_818] {strides = array<i32>} : memref<384xf32, #tpu.memory_space<vmem>>, vector<16xf32>,
    tpu.vector_store %arg10[%swap3A_818], %while3A_797#5 {strides = array<i32>} : memref<384xf32, #tpu.memory_space<vmem>>, vector<16xf32>,
    %swap3A_820 = arith.constant 336 : index
    %swap3A_821 = tpu.vector_load %arg11[%swap3A_820] {strides = array<i32>} : memref<384xf32, #tpu.memory_space<vmem>>, vector<16xf32>,
    tpu.vector_store %arg11[%swap3A_820], %while3A_797#13 {strides = array<i32>} : memref<384xf32, #tpu.memory_space<vmem>>, vector<16xf32>,
    %swap3A_822 = arith.constant 352 : index
    %swap3A_823 = tpu.vector_load %arg10[%swap3A_822] {strides = array<i32>} : memref<384xf32, #tpu.memory_space<vmem>>, vector<16xf32>,
    tpu.vector_store %arg10[%swap3A_822], %while3A_797#6 {strides = array<i32>} : memref<384xf32, #tpu.memory_space<vmem>>, vector<16xf32>,
    %swap3A_824 = arith.constant 352 : index
    %swap3A_825 = tpu.vector_load %arg11[%swap3A_824] {strides = array<i32>} : memref<384xf32, #tpu.memory_space<vmem>>, vector<16xf32>,
    tpu.vector_store %arg11[%swap3A_824], %while3A_797#14 {strides = array<i32>} : memref<384xf32, #tpu.memory_space<vmem>>, vector<16xf32>,
    %swap3A_826 = arith.constant 368 : index
    %swap3A_827 = tpu.vector_load %arg10[%swap3A_826] {strides = array<i32>} : memref<384xf32, #tpu.memory_space<vmem>>, vector<16xf32>,
    tpu.vector_store %arg10[%swap3A_826], %while3A_797#7 {strides = array<i32>} : memref<384xf32, #tpu.memory_space<vmem>>, vector<16xf32>,
    %swap3A_828 = arith.constant 368 : index
    %swap3A_829 = tpu.vector_load %arg11[%swap3A_828] {strides = array<i32>} : memref<384xf32, #tpu.memory_space<vmem>>, vector<16xf32>,
    tpu.vector_store %arg11[%swap3A_828], %while3A_797#15 {strides = array<i32>} : memref<384xf32, #tpu.memory_space<vmem>>, vector<16xf32>,
    "tpu.region"() ({
      %run_scoped3A = tpu.sem_alloc : memref<!tpu.dma_semaphore, #tpu.memory_space<semaphore_mem>>
      %dma_start3A = arith.constant 0 : i32
      %dma_start3A_830 = tpu.memref_slice %arg6[%add3A_411, %dma_start3A] : memref<64x384xf32, #tpu.memory_space<hbm>> -> memref<1x384xf32, #tpu.memory_space<hbm>>
      %dma_start3A_831 = tpu.memref_squeeze %dma_start3A_830 : memref<1x384xf32, #tpu.memory_space<hbm>> -> memref<384xf32, #tpu.memory_space<hbm>>
      %dma_start3A_832 = arith.constant 0 : i32
      %dma_start3A_833 = tpu.memref_slice %arg6[%add3A_411, %dma_start3A_832] : memref<64x384xf32, #tpu.memory_space<hbm>> -> memref<1x384xf32, #tpu.memory_space<hbm>>
      %dma_start3A_834 = tpu.memref_squeeze %dma_start3A_833 : memref<1x384xf32, #tpu.memory_space<hbm>> -> memref<384xf32, #tpu.memory_space<hbm>>
      tpu.enqueue_dma source(%arg10 : memref<384xf32, #tpu.memory_space<vmem>>) target(%dma_start3A_834 : memref<384xf32, #tpu.memory_space<hbm>>) target_semaphore(%run_scoped3A : memref<!tpu.dma_semaphore, #tpu.memory_space<semaphore_mem>>)
      %dma_wait3A = arith.constant 0 : i32
      %dma_wait3A_835 = tpu.memref_slice %arg6[%add3A_411, %dma_wait3A] : memref<64x384xf32, #tpu.memory_space<hbm>> -> memref<1x384xf32, #tpu.memory_space<hbm>>
      %dma_wait3A_836 = tpu.memref_squeeze %dma_wait3A_835 : memref<1x384xf32, #tpu.memory_space<hbm>> -> memref<384xf32, #tpu.memory_space<hbm>>
      %dma_wait3A_837 = arith.constant 0 : i32
      %dma_wait3A_838 = tpu.memref_slice %arg6[%add3A_411, %dma_wait3A_837] : memref<64x384xf32, #tpu.memory_space<hbm>> -> memref<1x384xf32, #tpu.memory_space<hbm>>
      %dma_wait3A_839 = tpu.memref_squeeze %dma_wait3A_838 : memref<1x384xf32, #tpu.memory_space<hbm>> -> memref<384xf32, #tpu.memory_space<hbm>>
      tpu.wait_dma2 semaphore(%run_scoped3A : memref<!tpu.dma_semaphore, #tpu.memory_space<semaphore_mem>>) src(%arg10 : memref<384xf32, #tpu.memory_space<vmem>>) dst(%dma_wait3A_839 : memref<384xf32, #tpu.memory_space<hbm>>)
      tpu.yield
    }) : () -> ()
    "tpu.region"() ({
      %run_scoped3A = tpu.sem_alloc : memref<!tpu.dma_semaphore, #tpu.memory_space<semaphore_mem>>
      %dma_start3A = arith.constant 0 : i32
      %dma_start3A_830 = tpu.memref_slice %arg7[%add3A_411, %dma_start3A] : memref<64x384xf32, #tpu.memory_space<hbm>> -> memref<1x384xf32, #tpu.memory_space<hbm>>
      %dma_start3A_831 = tpu.memref_squeeze %dma_start3A_830 : memref<1x384xf32, #tpu.memory_space<hbm>> -> memref<384xf32, #tpu.memory_space<hbm>>
      %dma_start3A_832 = arith.constant 0 : i32
      %dma_start3A_833 = tpu.memref_slice %arg7[%add3A_411, %dma_start3A_832] : memref<64x384xf32, #tpu.memory_space<hbm>> -> memref<1x384xf32, #tpu.memory_space<hbm>>
      %dma_start3A_834 = tpu.memref_squeeze %dma_start3A_833 : memref<1x384xf32, #tpu.memory_space<hbm>> -> memref<384xf32, #tpu.memory_space<hbm>>
      tpu.enqueue_dma source(%arg11 : memref<384xf32, #tpu.memory_space<vmem>>) target(%dma_start3A_834 : memref<384xf32, #tpu.memory_space<hbm>>) target_semaphore(%run_scoped3A : memref<!tpu.dma_semaphore, #tpu.memory_space<semaphore_mem>>)
      %dma_wait3A = arith.constant 0 : i32
      %dma_wait3A_835 = tpu.memref_slice %arg7[%add3A_411, %dma_wait3A] : memref<64x384xf32, #tpu.memory_space<hbm>> -> memref<1x384xf32, #tpu.memory_space<hbm>>
      %dma_wait3A_836 = tpu.memref_squeeze %dma_wait3A_835 : memref<1x384xf32, #tpu.memory_space<hbm>> -> memref<384xf32, #tpu.memory_space<hbm>>
      %dma_wait3A_837 = arith.constant 0 : i32
      %dma_wait3A_838 = tpu.memref_slice %arg7[%add3A_411, %dma_wait3A_837] : memref<64x384xf32, #tpu.memory_space<hbm>> -> memref<1x384xf32, #tpu.memory_space<hbm>>
      %dma_wait3A_839 = tpu.memref_squeeze %dma_wait3A_838 : memref<1x384xf32, #tpu.memory_space<hbm>> -> memref<384xf32, #tpu.memory_space<hbm>>
      tpu.wait_dma2 semaphore(%run_scoped3A : memref<!tpu.dma_semaphore, #tpu.memory_space<semaphore_mem>>) src(%arg11 : memref<384xf32, #tpu.memory_space<vmem>>) dst(%dma_wait3A_839 : memref<384xf32, #tpu.memory_space<hbm>>)
      tpu.yield
    }) : () -> ()
    return
  }
}

module attributes {stable_mosaic.version = 14 : i64} {
  func.func @_tc_pre_body(%arg0: memref<10000x128xf32, #tpu.memory_space<vmem>>, %arg1: memref<128x128xf32, #tpu.memory_space<vmem>>, %arg2: memref<2x10000x16xf32, #tpu.memory_space<vmem>>, %arg3: memref<10000x128xf32, #tpu.memory_space<vmem>>) attributes {dimension_semantics = [], scalar_prefetch = 0 : i64, scratch_operands = 0 : i64, tpu.core_type = #tpu.core_type<tc>} {
    %get3A = arith.constant 0 : index
    %get3A_0 = arith.constant 0 : index
    %get3A_1 = arith.constant 0 : index
    %get3A_2 = vector.load %arg2[%get3A, %get3A_0, %get3A_1] : memref<2x10000x16xf32, #tpu.memory_space<vmem>>, vector<2x10000x16xf32>
    %slice3A = vector.extract_strided_slice %get3A_2 {offsets = [0, 0, 0], sizes = [1, 10000, 1], strides = [1, 1, 1]} : vector<2x10000x16xf32> to vector<1x10000x1xf32>
    %squeeze3A = vector.shape_cast %slice3A : vector<1x10000x1xf32> to vector<10000x1xf32>
    %slice3A_3 = vector.extract_strided_slice %get3A_2 {offsets = [1, 0, 0], sizes = [1, 10000, 1], strides = [1, 1, 1]} : vector<2x10000x16xf32> to vector<1x10000x1xf32>
    %squeeze3A_4 = vector.shape_cast %slice3A_3 : vector<1x10000x1xf32> to vector<10000x1xf32>
    %add3A = arith.addf %squeeze3A, %squeeze3A_4 : vector<10000x1xf32>
    %add3A_5 = arith.constant 1.000000e+00 : f32
    %add3A_6 = vector.broadcast %add3A_5 : f32 to vector<10000x1xf32>
    %add3A_7 = arith.addf %add3A, %add3A_6 : vector<10000x1xf32>
    %rsqrt3A = math.rsqrt %add3A_7 : vector<10000x1xf32>
    %get3A_8 = arith.constant 0 : index
    %get3A_9 = arith.constant 0 : index
    %get3A_10 = vector.load %arg0[%get3A_8, %get3A_9] : memref<10000x128xf32, #tpu.memory_space<vmem>>, vector<10000x128xf32>
    %get3A_11 = arith.constant 0 : index
    %get3A_12 = arith.constant 0 : index
    %get3A_13 = vector.load %arg1[%get3A_11, %get3A_12] : memref<128x128xf32, #tpu.memory_space<vmem>>, vector<128x128xf32>
    %dot_general3A = arith.constant dense<0.000000e+00> : vector<10000x128xf32>
    %dot_general3A_14 = tpu.matmul %get3A_10, %get3A_13, %dot_general3A {dimension_numbers = #tpu.dot_dimension_numbers<[1], [0], [0], [1], [0, 0, 1, 1], [], []>, transpose_lhs_hint = false} : vector<10000x128xf32>, vector<128x128xf32>, vector<10000x128xf32> -> vector<10000x128xf32>
    %mul3A = vector.broadcast %rsqrt3A : vector<10000x1xf32> to vector<10000x128xf32>
    %mul3A_15 = arith.mulf %dot_general3A_14, %mul3A : vector<10000x128xf32>
    %swap3A = arith.constant 0 : index
    %swap3A_16 = arith.constant 0 : index
    %swap3A_17 = vector.load %arg3[%swap3A, %swap3A_16] : memref<10000x128xf32, #tpu.memory_space<vmem>>, vector<10000x128xf32>
    tpu.vector_store %arg3[%swap3A, %swap3A_16], %mul3A_15 {strides = array<i32>} : memref<10000x128xf32, #tpu.memory_space<vmem>>, vector<10000x128xf32>,
    return
  }
}

module attributes {stable_mosaic.version = 14 : i64} {
  func.func @_tc_layer_body(%arg0: memref<2x10000x128xf32, #tpu.memory_space<vmem>>, %arg1: memref<10000x128xf32, #tpu.memory_space<vmem>>, %arg2: memref<2x10000x16xf32, #tpu.memory_space<vmem>>, %arg3: memref<1x128xf32, #tpu.memory_space<vmem>>, %arg4: memref<1x128xf32, #tpu.memory_space<vmem>>, %arg5: memref<1x128xf32, #tpu.memory_space<vmem>>, %arg6: memref<128x128xf32, #tpu.memory_space<vmem>>, %arg7: memref<10000x128xf32, #tpu.memory_space<vmem>>, %arg8: memref<10000x128xf32, #tpu.memory_space<vmem>>) attributes {dimension_semantics = [], scalar_prefetch = 0 : i64, scratch_operands = 0 : i64, tpu.core_type = #tpu.core_type<tc>} {
    %get3A = arith.constant 0 : index
    %get3A_0 = arith.constant 0 : index
    %get3A_1 = arith.constant 0 : index
    %get3A_2 = vector.load %arg2[%get3A, %get3A_0, %get3A_1] : memref<2x10000x16xf32, #tpu.memory_space<vmem>>, vector<2x10000x16xf32>
    %slice3A = vector.extract_strided_slice %get3A_2 {offsets = [0, 0, 0], sizes = [1, 10000, 1], strides = [1, 1, 1]} : vector<2x10000x16xf32> to vector<1x10000x1xf32>
    %squeeze3A = vector.shape_cast %slice3A : vector<1x10000x1xf32> to vector<10000x1xf32>
    %slice3A_3 = vector.extract_strided_slice %get3A_2 {offsets = [1, 0, 0], sizes = [1, 10000, 1], strides = [1, 1, 1]} : vector<2x10000x16xf32> to vector<1x10000x1xf32>
    %squeeze3A_4 = vector.shape_cast %slice3A_3 : vector<1x10000x1xf32> to vector<10000x1xf32>
    %add3A = arith.addf %squeeze3A, %squeeze3A_4 : vector<10000x1xf32>
    %add3A_5 = arith.constant 1.000000e+00 : f32
    %add3A_6 = vector.broadcast %add3A_5 : f32 to vector<10000x1xf32>
    %add3A_7 = arith.addf %add3A, %add3A_6 : vector<10000x1xf32>
    %rsqrt3A = math.rsqrt %add3A_7 : vector<10000x1xf32>
    %get3A_8 = arith.constant 0 : index
    %get3A_9 = arith.constant 0 : index
    %get3A_10 = arith.constant 0 : index
    %get3A_11 = vector.load %arg0[%get3A_8, %get3A_9, %get3A_10] : memref<2x10000x128xf32, #tpu.memory_space<vmem>>, vector<1x10000x128xf32>
    %get3A_12 = vector.shape_cast %get3A_11 : vector<1x10000x128xf32> to vector<10000x128xf32>
    %get3A_13 = arith.constant 1 : index
    %get3A_14 = arith.constant 0 : index
    %get3A_15 = arith.constant 0 : index
    %get3A_16 = vector.load %arg0[%get3A_13, %get3A_14, %get3A_15] : memref<2x10000x128xf32, #tpu.memory_space<vmem>>, vector<1x10000x128xf32>
    %get3A_17 = vector.shape_cast %get3A_16 : vector<1x10000x128xf32> to vector<10000x128xf32>
    %add3A_18 = arith.addf %get3A_12, %get3A_17 : vector<10000x128xf32>
    %get3A_19 = arith.constant 0 : index
    %get3A_20 = arith.constant 0 : index
    %get3A_21 = vector.load %arg1[%get3A_19, %get3A_20] : memref<10000x128xf32, #tpu.memory_space<vmem>>, vector<10000x128xf32>
    %add3A_22 = arith.addf %add3A_18, %get3A_21 : vector<10000x128xf32>
    %mul3A = vector.broadcast %rsqrt3A : vector<10000x1xf32> to vector<10000x128xf32>
    %mul3A_23 = arith.mulf %mul3A, %add3A_22 : vector<10000x128xf32>
    %get3A_24 = arith.constant 0 : index
    %get3A_25 = arith.constant 0 : index
    %get3A_26 = vector.load %arg3[%get3A_24, %get3A_25] : memref<1x128xf32, #tpu.memory_space<vmem>>, vector<1x128xf32>
    %add3A_27 = vector.broadcast %get3A_26 : vector<1x128xf32> to vector<10000x128xf32>
    %add3A_28 = arith.addf %mul3A_23, %add3A_27 : vector<10000x128xf32>
    %reduce_sum3A = arith.constant dense<0.000000e+00> : vector<128xf32>
    %reduce_sum3A_29 = vector.multi_reduction <add>, %add3A_28, %reduce_sum3A [0] : vector<10000x128xf32> to vector<128xf32>
    %broadcast_in_dim3A = vector.shape_cast %reduce_sum3A_29 : vector<128xf32> to vector<1x128xf32>
    %div3A = arith.constant 1.000000e+04 : f32
    %div3A_30 = vector.broadcast %div3A : f32 to vector<1x128xf32>
    %div3A_31 = arith.divf %broadcast_in_dim3A, %div3A_30 : vector<1x128xf32>
    %sub3A = vector.broadcast %div3A_31 : vector<1x128xf32> to vector<10000x128xf32>
    %sub3A_32 = arith.subf %add3A_28, %sub3A : vector<10000x128xf32>
    %integer_pow3A = arith.mulf %sub3A_32, %sub3A_32 : vector<10000x128xf32>
    %reduce_sum3A_33 = arith.constant dense<0.000000e+00> : vector<128xf32>
    %reduce_sum3A_34 = vector.multi_reduction <add>, %integer_pow3A, %reduce_sum3A_33 [0] : vector<10000x128xf32> to vector<128xf32>
    %broadcast_in_dim3A_35 = vector.shape_cast %reduce_sum3A_34 : vector<128xf32> to vector<1x128xf32>
    %div3A_36 = arith.constant 1.000000e+04 : f32
    %div3A_37 = vector.broadcast %div3A_36 : f32 to vector<1x128xf32>
    %div3A_38 = arith.divf %broadcast_in_dim3A_35, %div3A_37 : vector<1x128xf32>
    %sub3A_39 = vector.broadcast %div3A_31 : vector<1x128xf32> to vector<10000x128xf32>
    %sub3A_40 = arith.subf %add3A_28, %sub3A_39 : vector<10000x128xf32>
    %add3A_41 = arith.constant 9.99999974E-6 : f32
    %add3A_42 = vector.broadcast %add3A_41 : f32 to vector<1x128xf32>
    %add3A_43 = arith.addf %div3A_38, %add3A_42 : vector<1x128xf32>
    %rsqrt3A_44 = math.rsqrt %add3A_43 : vector<1x128xf32>
    %mul3A_45 = vector.broadcast %rsqrt3A_44 : vector<1x128xf32> to vector<10000x128xf32>
    %mul3A_46 = arith.mulf %sub3A_40, %mul3A_45 : vector<10000x128xf32>
    %get3A_47 = arith.constant 0 : index
    %get3A_48 = arith.constant 0 : index
    %get3A_49 = vector.load %arg4[%get3A_47, %get3A_48] : memref<1x128xf32, #tpu.memory_space<vmem>>, vector<1x128xf32>
    %mul3A_50 = vector.broadcast %get3A_49 : vector<1x128xf32> to vector<10000x128xf32>
    %mul3A_51 = arith.mulf %mul3A_46, %mul3A_50 : vector<10000x128xf32>
    %get3A_52 = arith.constant 0 : index
    %get3A_53 = arith.constant 0 : index
    %get3A_54 = vector.load %arg5[%get3A_52, %get3A_53] : memref<1x128xf32, #tpu.memory_space<vmem>>, vector<1x128xf32>
    %add3A_55 = vector.broadcast %get3A_54 : vector<1x128xf32> to vector<10000x128xf32>
    %add3A_56 = arith.addf %mul3A_51, %add3A_55 : vector<10000x128xf32>
    %swap3A = arith.constant 0 : index
    %swap3A_57 = arith.constant 0 : index
    %swap3A_58 = vector.load %arg7[%swap3A, %swap3A_57] : memref<10000x128xf32, #tpu.memory_space<vmem>>, vector<10000x128xf32>
    tpu.vector_store %arg7[%swap3A, %swap3A_57], %add3A_56 {strides = array<i32>} : memref<10000x128xf32, #tpu.memory_space<vmem>>, vector<10000x128xf32>,
    %get3A_59 = arith.constant 0 : index
    %get3A_60 = arith.constant 0 : index
    %get3A_61 = vector.load %arg6[%get3A_59, %get3A_60] : memref<128x128xf32, #tpu.memory_space<vmem>>, vector<128x128xf32>
    %dot_general3A = arith.constant dense<0.000000e+00> : vector<10000x128xf32>
    %dot_general3A_62 = tpu.matmul %add3A_56, %get3A_61, %dot_general3A {dimension_numbers = #tpu.dot_dimension_numbers<[1], [0], [0], [1], [0, 0, 1, 1], [], []>, transpose_lhs_hint = false} : vector<10000x128xf32>, vector<128x128xf32>, vector<10000x128xf32> -> vector<10000x128xf32>
    %mul3A_63 = vector.broadcast %rsqrt3A : vector<10000x1xf32> to vector<10000x128xf32>
    %mul3A_64 = arith.mulf %dot_general3A_62, %mul3A_63 : vector<10000x128xf32>
    %swap3A_65 = arith.constant 0 : index
    %swap3A_66 = arith.constant 0 : index
    %swap3A_67 = vector.load %arg8[%swap3A_65, %swap3A_66] : memref<10000x128xf32, #tpu.memory_space<vmem>>, vector<10000x128xf32>
    tpu.vector_store %arg8[%swap3A_65, %swap3A_66], %mul3A_64 {strides = array<i32>} : memref<10000x128xf32, #tpu.memory_space<vmem>>, vector<10000x128xf32>,
    return
  }
}

module attributes {stable_mosaic.version = 14 : i64} {
  func.func @_tc_layer_last_body(%arg0: memref<2x10000x128xf32, #tpu.memory_space<vmem>>, %arg1: memref<10000x128xf32, #tpu.memory_space<vmem>>, %arg2: memref<2x10000x16xf32, #tpu.memory_space<vmem>>, %arg3: memref<1x128xf32, #tpu.memory_space<vmem>>, %arg4: memref<1x128xf32, #tpu.memory_space<vmem>>, %arg5: memref<1x128xf32, #tpu.memory_space<vmem>>, %arg6: memref<10000x1xi32, #tpu.memory_space<vmem>>, %arg7: memref<10000x128xf32, #tpu.memory_space<vmem>>, %arg8: memref<80xi32, #tpu.memory_space<vmem>>) attributes {dimension_semantics = [], scalar_prefetch = 0 : i64, scratch_operands = 0 : i64, tpu.core_type = #tpu.core_type<tc>} {
    %get3A = arith.constant 0 : index
    %get3A_0 = arith.constant 0 : index
    %get3A_1 = arith.constant 0 : index
    %get3A_2 = vector.load %arg2[%get3A, %get3A_0, %get3A_1] : memref<2x10000x16xf32, #tpu.memory_space<vmem>>, vector<2x10000x16xf32>
    %slice3A = vector.extract_strided_slice %get3A_2 {offsets = [0, 0, 0], sizes = [1, 10000, 1], strides = [1, 1, 1]} : vector<2x10000x16xf32> to vector<1x10000x1xf32>
    %squeeze3A = vector.shape_cast %slice3A : vector<1x10000x1xf32> to vector<10000x1xf32>
    %slice3A_3 = vector.extract_strided_slice %get3A_2 {offsets = [1, 0, 0], sizes = [1, 10000, 1], strides = [1, 1, 1]} : vector<2x10000x16xf32> to vector<1x10000x1xf32>
    %squeeze3A_4 = vector.shape_cast %slice3A_3 : vector<1x10000x1xf32> to vector<10000x1xf32>
    %add3A = arith.addf %squeeze3A, %squeeze3A_4 : vector<10000x1xf32>
    %add3A_5 = arith.constant 1.000000e+00 : f32
    %add3A_6 = vector.broadcast %add3A_5 : f32 to vector<10000x1xf32>
    %add3A_7 = arith.addf %add3A, %add3A_6 : vector<10000x1xf32>
    %rsqrt3A = math.rsqrt %add3A_7 : vector<10000x1xf32>
    %get3A_8 = arith.constant 0 : index
    %get3A_9 = arith.constant 0 : index
    %get3A_10 = arith.constant 0 : index
    %get3A_11 = vector.load %arg0[%get3A_8, %get3A_9, %get3A_10] : memref<2x10000x128xf32, #tpu.memory_space<vmem>>, vector<1x10000x128xf32>
    %get3A_12 = vector.shape_cast %get3A_11 : vector<1x10000x128xf32> to vector<10000x128xf32>
    %get3A_13 = arith.constant 1 : index
    %get3A_14 = arith.constant 0 : index
    %get3A_15 = arith.constant 0 : index
    %get3A_16 = vector.load %arg0[%get3A_13, %get3A_14, %get3A_15] : memref<2x10000x128xf32, #tpu.memory_space<vmem>>, vector<1x10000x128xf32>
    %get3A_17 = vector.shape_cast %get3A_16 : vector<1x10000x128xf32> to vector<10000x128xf32>
    %add3A_18 = arith.addf %get3A_12, %get3A_17 : vector<10000x128xf32>
    %get3A_19 = arith.constant 0 : index
    %get3A_20 = arith.constant 0 : index
    %get3A_21 = vector.load %arg1[%get3A_19, %get3A_20] : memref<10000x128xf32, #tpu.memory_space<vmem>>, vector<10000x128xf32>
    %add3A_22 = arith.addf %add3A_18, %get3A_21 : vector<10000x128xf32>
    %mul3A = vector.broadcast %rsqrt3A : vector<10000x1xf32> to vector<10000x128xf32>
    %mul3A_23 = arith.mulf %mul3A, %add3A_22 : vector<10000x128xf32>
    %get3A_24 = arith.constant 0 : index
    %get3A_25 = arith.constant 0 : index
    %get3A_26 = vector.load %arg3[%get3A_24, %get3A_25] : memref<1x128xf32, #tpu.memory_space<vmem>>, vector<1x128xf32>
    %add3A_27 = vector.broadcast %get3A_26 : vector<1x128xf32> to vector<10000x128xf32>
    %add3A_28 = arith.addf %mul3A_23, %add3A_27 : vector<10000x128xf32>
    %reduce_sum3A = arith.constant dense<0.000000e+00> : vector<128xf32>
    %reduce_sum3A_29 = vector.multi_reduction <add>, %add3A_28, %reduce_sum3A [0] : vector<10000x128xf32> to vector<128xf32>
    %broadcast_in_dim3A = vector.shape_cast %reduce_sum3A_29 : vector<128xf32> to vector<1x128xf32>
    %div3A = arith.constant 1.000000e+04 : f32
    %div3A_30 = vector.broadcast %div3A : f32 to vector<1x128xf32>
    %div3A_31 = arith.divf %broadcast_in_dim3A, %div3A_30 : vector<1x128xf32>
    %sub3A = vector.broadcast %div3A_31 : vector<1x128xf32> to vector<10000x128xf32>
    %sub3A_32 = arith.subf %add3A_28, %sub3A : vector<10000x128xf32>
    %integer_pow3A = arith.mulf %sub3A_32, %sub3A_32 : vector<10000x128xf32>
    %reduce_sum3A_33 = arith.constant dense<0.000000e+00> : vector<128xf32>
    %reduce_sum3A_34 = vector.multi_reduction <add>, %integer_pow3A, %reduce_sum3A_33 [0] : vector<10000x128xf32> to vector<128xf32>
    %broadcast_in_dim3A_35 = vector.shape_cast %reduce_sum3A_34 : vector<128xf32> to vector<1x128xf32>
    %div3A_36 = arith.constant 1.000000e+04 : f32
    %div3A_37 = vector.broadcast %div3A_36 : f32 to vector<1x128xf32>
    %div3A_38 = arith.divf %broadcast_in_dim3A_35, %div3A_37 : vector<1x128xf32>
    %sub3A_39 = vector.broadcast %div3A_31 : vector<1x128xf32> to vector<10000x128xf32>
    %sub3A_40 = arith.subf %add3A_28, %sub3A_39 : vector<10000x128xf32>
    %add3A_41 = arith.constant 9.99999974E-6 : f32
    %add3A_42 = vector.broadcast %add3A_41 : f32 to vector<1x128xf32>
    %add3A_43 = arith.addf %div3A_38, %add3A_42 : vector<1x128xf32>
    %rsqrt3A_44 = math.rsqrt %add3A_43 : vector<1x128xf32>
    %mul3A_45 = vector.broadcast %rsqrt3A_44 : vector<1x128xf32> to vector<10000x128xf32>
    %mul3A_46 = arith.mulf %sub3A_40, %mul3A_45 : vector<10000x128xf32>
    %get3A_47 = arith.constant 0 : index
    %get3A_48 = arith.constant 0 : index
    %get3A_49 = vector.load %arg4[%get3A_47, %get3A_48] : memref<1x128xf32, #tpu.memory_space<vmem>>, vector<1x128xf32>
    %mul3A_50 = vector.broadcast %get3A_49 : vector<1x128xf32> to vector<10000x128xf32>
    %mul3A_51 = arith.mulf %mul3A_46, %mul3A_50 : vector<10000x128xf32>
    %get3A_52 = arith.constant 0 : index
    %get3A_53 = arith.constant 0 : index
    %get3A_54 = vector.load %arg5[%get3A_52, %get3A_53] : memref<1x128xf32, #tpu.memory_space<vmem>>, vector<1x128xf32>
    %add3A_55 = vector.broadcast %get3A_54 : vector<1x128xf32> to vector<10000x128xf32>
    %add3A_56 = arith.addf %mul3A_51, %add3A_55 : vector<10000x128xf32>
    %swap3A = arith.constant 0 : index
    %swap3A_57 = arith.constant 0 : index
    %swap3A_58 = vector.load %arg7[%swap3A, %swap3A_57] : memref<10000x128xf32, #tpu.memory_space<vmem>>, vector<10000x128xf32>
    tpu.vector_store %arg7[%swap3A, %swap3A_57], %add3A_56 {strides = array<i32>} : memref<10000x128xf32, #tpu.memory_space<vmem>>, vector<10000x128xf32>,
    %get3A_59 = arith.constant 0 : index
    %get3A_60 = arith.constant 0 : index
    %get3A_61 = vector.load %arg6[%get3A_59, %get3A_60] : memref<10000x1xi32, #tpu.memory_space<vmem>>, vector<10000x1xi32>
    %iota3A = tpu.iota {dimensions = array<i32: 1>} : vector<10000x64xi32>
    %eq3A = vector.broadcast %get3A_61 : vector<10000x1xi32> to vector<10000x64xi32>
    %eq3A_62 = arith.cmpi eq, %eq3A, %iota3A : vector<10000x64xi32>
    %convert_element_type3A = arith.extui %eq3A_62 : vector<10000x64xi1> to vector<10000x64xi32>
    %convert_element_type3A_63 = arith.sitofp %convert_element_type3A : vector<10000x64xi32> to vector<10000x64xf32>
    %reduce_sum3A_64 = arith.constant dense<0.000000e+00> : vector<64xf32>
    %reduce_sum3A_65 = vector.multi_reduction <add>, %convert_element_type3A_63, %reduce_sum3A_64 [0] : vector<10000x64xf32> to vector<64xf32>
    %iota3A_66 = tpu.iota {dimensions = array<i32: 0>} : vector<64x64xi32>
    %iota3A_67 = tpu.iota {dimensions = array<i32: 1>} : vector<64x64xi32>
    %lt3A = arith.cmpi slt, %iota3A_66, %iota3A_67 : vector<64x64xi32>
    %convert_element_type3A_68 = arith.extui %lt3A : vector<64x64xi1> to vector<64x64xi32>
    %convert_element_type3A_69 = arith.sitofp %convert_element_type3A_68 : vector<64x64xi32> to vector<64x64xf32>
    %dot_general3A = arith.constant dense<0.000000e+00> : vector<64xf32>
    %dot_general3A_70 = tpu.matmul %reduce_sum3A_65, %convert_element_type3A_69, %dot_general3A {dimension_numbers = #tpu.dot_dimension_numbers<[0], [0], [], [1], [1, 1], [], []>, transpose_lhs_hint = false} : vector<64xf32>, vector<64x64xf32>, vector<64xf32> -> vector<64xf32>
    %broadcast_in_dim3A_71 = arith.constant 1.000000e+04 : f32
    %broadcast_in_dim3A_72 = vector.broadcast %broadcast_in_dim3A_71 : f32 to vector<16xf32>
    %concatenate3A = tpu.concatenate %dot_general3A_70, %broadcast_in_dim3A_72 in 0 : vector<64xf32>, vector<16xf32> -> vector<80xf32>
    %convert_element_type3A_73 = arith.fptosi %concatenate3A : vector<80xf32> to vector<80xi32>
    %swap3A_74 = arith.constant 0 : index
    %swap3A_75 = vector.load %arg8[%swap3A_74] : memref<80xi32, #tpu.memory_space<vmem>>, vector<80xi32>
    tpu.vector_store %arg8[%swap3A_74], %convert_element_type3A_73 {strides = array<i32>} : memref<80xi32, #tpu.memory_space<vmem>>, vector<80xi32>,
    return
  }
}

module attributes {stable_mosaic.version = 14 : i64} {
  func.func @_tc_head_body(%arg0: memref<64x384xf32, #tpu.memory_space<vmem>>, %arg1: memref<64x384xf32, #tpu.memory_space<vmem>>, %arg2: memref<80xi32, #tpu.memory_space<vmem>>, %arg3: memref<1x1152xf32, #tpu.memory_space<vmem>>, %arg4: memref<1x1152xf32, #tpu.memory_space<vmem>>, %arg5: memref<1152x768xf32, #tpu.memory_space<vmem>>, %arg6: memref<1x768xf32, #tpu.memory_space<vmem>>, %arg7: memref<768x384xf32, #tpu.memory_space<vmem>>, %arg8: memref<1x384xf32, #tpu.memory_space<vmem>>, %arg9: memref<384x10xf32, #tpu.memory_space<vmem>>, %arg10: memref<1x10xf32, #tpu.memory_space<vmem>>, %arg11: memref<64x10xf32, #tpu.memory_space<vmem>>) attributes {dimension_semantics = [], scalar_prefetch = 0 : i64, scratch_operands = 0 : i64, tpu.core_type = #tpu.core_type<tc>} {
    %get3A = arith.constant 0 : index
    %get3A_0 = arith.constant 0 : index
    %get3A_1 = vector.load %arg0[%get3A, %get3A_0] : memref<64x384xf32, #tpu.memory_space<vmem>>, vector<64x384xf32>
    %get3A_2 = arith.constant 0 : index
    %get3A_3 = arith.constant 0 : index
    %get3A_4 = vector.load %arg1[%get3A_2, %get3A_3] : memref<64x384xf32, #tpu.memory_space<vmem>>, vector<64x384xf32>
    %get3A_5 = arith.constant 0 : index
    %get3A_6 = vector.load %arg2[%get3A_5] : memref<80xi32, #tpu.memory_space<vmem>>, vector<80xi32>
    %convert_element_type3A = arith.sitofp %get3A_6 : vector<80xi32> to vector<80xf32>
    %slice3A = vector.extract_strided_slice %convert_element_type3A {offsets = [1], sizes = [64], strides = [1]} : vector<80xf32> to vector<64xf32>
    %slice3A_7 = vector.extract_strided_slice %convert_element_type3A {offsets = [0], sizes = [64], strides = [1]} : vector<80xf32> to vector<64xf32>
    %sub3A = arith.subf %slice3A, %slice3A_7 : vector<64xf32>
    %max3A = arith.constant 1.000000e+00 : f32
    %max3A_8 = vector.broadcast %max3A : f32 to vector<64xf32>
    %max3A_9 = arith.maximumf %sub3A, %max3A_8 : vector<64xf32>
    %broadcast_in_dim3A = vector.shape_cast %max3A_9 : vector<64xf32> to vector<64x1xf32>
    %div3A = vector.broadcast %broadcast_in_dim3A : vector<64x1xf32> to vector<64x384xf32>
    %div3A_10 = arith.divf %get3A_1, %div3A : vector<64x384xf32>
    %concatenate3A = tpu.concatenate %div3A_10, %get3A_1, %get3A_4 in 1 : vector<64x384xf32>, vector<64x384xf32>, vector<64x384xf32> -> vector<64x1152xf32>
    %reduce_sum3A = arith.constant dense<0.000000e+00> : vector<1152xf32>
    %reduce_sum3A_11 = vector.multi_reduction <add>, %concatenate3A, %reduce_sum3A [0] : vector<64x1152xf32> to vector<1152xf32>
    %broadcast_in_dim3A_12 = vector.shape_cast %reduce_sum3A_11 : vector<1152xf32> to vector<1x1152xf32>
    %div3A_13 = arith.constant 6.400000e+01 : f32
    %div3A_14 = vector.broadcast %div3A_13 : f32 to vector<1x1152xf32>
    %div3A_15 = arith.divf %broadcast_in_dim3A_12, %div3A_14 : vector<1x1152xf32>
    %sub3A_16 = vector.broadcast %div3A_15 : vector<1x1152xf32> to vector<64x1152xf32>
    %sub3A_17 = arith.subf %concatenate3A, %sub3A_16 : vector<64x1152xf32>
    %integer_pow3A = arith.mulf %sub3A_17, %sub3A_17 : vector<64x1152xf32>
    %reduce_sum3A_18 = arith.constant dense<0.000000e+00> : vector<1152xf32>
    %reduce_sum3A_19 = vector.multi_reduction <add>, %integer_pow3A, %reduce_sum3A_18 [0] : vector<64x1152xf32> to vector<1152xf32>
    %broadcast_in_dim3A_20 = vector.shape_cast %reduce_sum3A_19 : vector<1152xf32> to vector<1x1152xf32>
    %div3A_21 = arith.constant 6.400000e+01 : f32
    %div3A_22 = vector.broadcast %div3A_21 : f32 to vector<1x1152xf32>
    %div3A_23 = arith.divf %broadcast_in_dim3A_20, %div3A_22 : vector<1x1152xf32>
    %sub3A_24 = vector.broadcast %div3A_15 : vector<1x1152xf32> to vector<64x1152xf32>
    %sub3A_25 = arith.subf %concatenate3A, %sub3A_24 : vector<64x1152xf32>
    %add3A = arith.constant 9.99999974E-6 : f32
    %add3A_26 = vector.broadcast %add3A : f32 to vector<1x1152xf32>
    %add3A_27 = arith.addf %div3A_23, %add3A_26 : vector<1x1152xf32>
    %rsqrt3A = math.rsqrt %add3A_27 : vector<1x1152xf32>
    %mul3A = vector.broadcast %rsqrt3A : vector<1x1152xf32> to vector<64x1152xf32>
    %mul3A_28 = arith.mulf %sub3A_25, %mul3A : vector<64x1152xf32>
    %get3A_29 = arith.constant 0 : index
    %get3A_30 = arith.constant 0 : index
    %get3A_31 = vector.load %arg3[%get3A_29, %get3A_30] : memref<1x1152xf32, #tpu.memory_space<vmem>>, vector<1x1152xf32>
    %mul3A_32 = vector.broadcast %get3A_31 : vector<1x1152xf32> to vector<64x1152xf32>
    %mul3A_33 = arith.mulf %mul3A_28, %mul3A_32 : vector<64x1152xf32>
    %get3A_34 = arith.constant 0 : index
    %get3A_35 = arith.constant 0 : index
    %get3A_36 = vector.load %arg4[%get3A_34, %get3A_35] : memref<1x1152xf32, #tpu.memory_space<vmem>>, vector<1x1152xf32>
    %add3A_37 = vector.broadcast %get3A_36 : vector<1x1152xf32> to vector<64x1152xf32>
    %add3A_38 = arith.addf %mul3A_33, %add3A_37 : vector<64x1152xf32>
    %get3A_39 = arith.constant 0 : index
    %get3A_40 = arith.constant 0 : index
    %get3A_41 = vector.load %arg5[%get3A_39, %get3A_40] : memref<1152x768xf32, #tpu.memory_space<vmem>>, vector<1152x768xf32>
    %dot_general3A = arith.constant dense<0.000000e+00> : vector<64x768xf32>
    %dot_general3A_42 = tpu.matmul %add3A_38, %get3A_41, %dot_general3A {dimension_numbers = #tpu.dot_dimension_numbers<[1], [0], [0], [1], [0, 0, 1, 1], [], []>, transpose_lhs_hint = false} : vector<64x1152xf32>, vector<1152x768xf32>, vector<64x768xf32> -> vector<64x768xf32>
    %get3A_43 = arith.constant 0 : index
    %get3A_44 = arith.constant 0 : index
    %get3A_45 = vector.load %arg6[%get3A_43, %get3A_44] : memref<1x768xf32, #tpu.memory_space<vmem>>, vector<1x768xf32>
    %add3A_46 = vector.broadcast %get3A_45 : vector<1x768xf32> to vector<64x768xf32>
    %add3A_47 = arith.addf %dot_general3A_42, %add3A_46 : vector<64x768xf32>
    %max3A_48 = arith.constant 0.000000e+00 : f32
    %max3A_49 = vector.broadcast %max3A_48 : f32 to vector<64x768xf32>
    %max3A_50 = arith.maximumf %add3A_47, %max3A_49 : vector<64x768xf32>
    %get3A_51 = arith.constant 0 : index
    %get3A_52 = arith.constant 0 : index
    %get3A_53 = vector.load %arg7[%get3A_51, %get3A_52] : memref<768x384xf32, #tpu.memory_space<vmem>>, vector<768x384xf32>
    %dot_general3A_54 = arith.constant dense<0.000000e+00> : vector<64x384xf32>
    %dot_general3A_55 = tpu.matmul %max3A_50, %get3A_53, %dot_general3A_54 {dimension_numbers = #tpu.dot_dimension_numbers<[1], [0], [0], [1], [0, 0, 1, 1], [], []>, transpose_lhs_hint = false} : vector<64x768xf32>, vector<768x384xf32>, vector<64x384xf32> -> vector<64x384xf32>
    %get3A_56 = arith.constant 0 : index
    %get3A_57 = arith.constant 0 : index
    %get3A_58 = vector.load %arg8[%get3A_56, %get3A_57] : memref<1x384xf32, #tpu.memory_space<vmem>>, vector<1x384xf32>
    %add3A_59 = vector.broadcast %get3A_58 : vector<1x384xf32> to vector<64x384xf32>
    %add3A_60 = arith.addf %dot_general3A_55, %add3A_59 : vector<64x384xf32>
    %max3A_61 = arith.constant 0.000000e+00 : f32
    %max3A_62 = vector.broadcast %max3A_61 : f32 to vector<64x384xf32>
    %max3A_63 = arith.maximumf %add3A_60, %max3A_62 : vector<64x384xf32>
    %get3A_64 = arith.constant 0 : index
    %get3A_65 = arith.constant 0 : index
    %get3A_66 = vector.load %arg9[%get3A_64, %get3A_65] : memref<384x10xf32, #tpu.memory_space<vmem>>, vector<384x10xf32>
    %dot_general3A_67 = arith.constant dense<0.000000e+00> : vector<64x10xf32>
    %dot_general3A_68 = tpu.matmul %max3A_63, %get3A_66, %dot_general3A_67 {dimension_numbers = #tpu.dot_dimension_numbers<[1], [0], [0], [1], [0, 0, 1, 1], [], []>, transpose_lhs_hint = false} : vector<64x384xf32>, vector<384x10xf32>, vector<64x10xf32> -> vector<64x10xf32>
    %get3A_69 = arith.constant 0 : index
    %get3A_70 = arith.constant 0 : index
    %get3A_71 = vector.load %arg10[%get3A_69, %get3A_70] : memref<1x10xf32, #tpu.memory_space<vmem>>, vector<1x10xf32>
    %add3A_72 = vector.broadcast %get3A_71 : vector<1x10xf32> to vector<64x10xf32>
    %add3A_73 = arith.addf %dot_general3A_68, %add3A_72 : vector<64x10xf32>
    %reduce_max3A = arith.constant dense<0xFF800000> : vector<64xf32>
    %reduce_max3A_74 = vector.multi_reduction <maximumf>, %add3A_73, %reduce_max3A [1] : vector<64x10xf32> to vector<64xf32>
    %broadcast_in_dim3A_75 = vector.shape_cast %reduce_max3A_74 : vector<64xf32> to vector<64x1xf32>
    %sub3A_76 = vector.broadcast %broadcast_in_dim3A_75 : vector<64x1xf32> to vector<64x10xf32>
    %sub3A_77 = arith.subf %add3A_73, %sub3A_76 : vector<64x10xf32>
    %exp3A = math.exp %sub3A_77 : vector<64x10xf32>
    %reduce_sum3A_78 = arith.constant dense<0.000000e+00> : vector<64xf32>
    %reduce_sum3A_79 = vector.multi_reduction <add>, %exp3A, %reduce_sum3A_78 [1] : vector<64x10xf32> to vector<64xf32>
    %broadcast_in_dim3A_80 = vector.shape_cast %reduce_sum3A_79 : vector<64xf32> to vector<64x1xf32>
    %log3A = math.log %broadcast_in_dim3A_80 : vector<64x1xf32>
    %add3A_81 = arith.addf %broadcast_in_dim3A_75, %log3A : vector<64x1xf32>
    %sub3A_82 = vector.broadcast %add3A_81 : vector<64x1xf32> to vector<64x10xf32>
    %sub3A_83 = arith.subf %add3A_73, %sub3A_82 : vector<64x10xf32>
    %swap3A = arith.constant 0 : index
    %swap3A_84 = arith.constant 0 : index
    %swap3A_85 = vector.load %arg11[%swap3A, %swap3A_84] : memref<64x10xf32, #tpu.memory_space<vmem>>, vector<64x10xf32>
    tpu.vector_store %arg11[%swap3A, %swap3A_84], %sub3A_83 {strides = array<i32>} : memref<64x10xf32, #tpu.memory_space<vmem>>, vector<64x10xf32>,
    return
  }
}

</mosaic_0001>

<sc_bundles>
// kernel: kernel.12.cloned.1.call-start
scs
__scs_entry_jumppad:
0x0: {  	(pc) =	sbr.rel $0x88, $3  }
0x1: {  	(tag) =	ssettag $0x0;
	lr =	simm.s32 $0x1  }
0x2: {  	[smem:$0x3F92] =	sst lr;
	_ =	strace $0xD0000000  }
0x3: {  	_ = 	snop  }
0x4: {  	_ = 	snop  }
0x5: {  	_ = 	snop  }
0x6: {  	_ = 	snop  }
0x7: {  	_ = 	snop  }
__scs_overlays_trampoline_lowered:
0x8: {  	[smem:$0x3FA1] =	sst s0  }
0x9: {  	[smem:$0x3FA2] =	sst s1  }
0xa: {  	[smem:$0x3FA3] =	sst s2  }
0xb: {  	[smem:$0x3FA4] =	sst s3  }
0xc: {  	[smem:$0x3FA5] =	sst s4  }
0xd: {  	[smem:$0x3FA6] =	sst s5  }
0xe: {  	[smem:$0x3FA7] =	sst s6  }
0xf: {  	[smem:$0x3FA8] =	sst s7  }
0x10: {  	[smem:$0x3FA9] =	sst s8  }
0x11: {  	[smem:$0x3FAA] =	sst s9;
	s0 =	simm.s32 @!p0 $0x0  }
0x12: {  	s1 =	sld [smem:$0x3F90];
	s0 =	simm.s32 @p0 $0x1  }
0x13: {  	[smem:$0x3FAB] =	sst s0;
	s0 =	simm.s32 @!p1 $0x0  }
0x14: {  	s2 =	sld [smem:$0x3F8F];
	s0 =	simm.s32 @p1 $0x1  }
0x15: {  	[smem:$0x3FAC] =	sst s0;
	s0 =	simm.s32 @!p2 $0x0  }
0x16: {  	s3 =	sld [smem:$0x3FDB];
	s0 =	simm.s32 @p2 $0x1  }
0x17: {  	s4 =	simm.s32 $0x1BF5;
	[smem:$0x3FAE] =	sst s0  }
0x18: {  	s0 =	sld [smem:$0x3F91];
	_ =	swait.ge [sflag:s4], $0x0  }
0x19: {  	s7 =	sld [smem:$0x3F92]  }
0x1a: {  	s8 =	sadd.s32 $0xFFFFE003, lr  }
0x1b: {  	s9 =	sadd.s32 $0xFFFFFEF7, lr;
	s5 =	simm.s32 $0xFFFFFFFF;
	p2 =	slt.u32 s8, $0xFFFFF086  }
0x1c: {  	p1 =	slt.u32 s9, $0xF7A;
	s5 =	simm.s32 @!p2 $0x0  }
0x1d: {  	s5 =	simm.s32 @p1 $0x1;
	p0 =	seq.s32 s7, s2  }
0x1e: {  	s7 =	smul.u32 @!p0 $0xF7A, s2;
	p2 =	seq.s32 @!p0 s5, $0x0  }
0x1f: {  	s9 =	smul.u32 $0xF7A, s1;
	s8 =	simm.s32 @!p0 $0x1BF5;
	p2 =	por !p2, p0  }
0x20: {  	[sflag:s8] =	ssyncset.s32 @!p0 $0xFFFFF086;
	s6 =	sadd.s32 @!p0 s3, s7;
	s7 =	simm.s32 @!p0 $0x108  }
0x21: {  	s3 =	sadd.s32 s3, s9;
	s6 =	sadd.s32 @!p0 $0x88, s6;
	s7 =	simm.s32 @p2 $0x1082  }
0x22: {  	[simem:s7], [sflag:s8] =	dma.local @!p0 [hbm:s6], $0xF7A  }
0x23: {  	s9 =	sor.u32 $0xD0000000, s2;
	s6 =	simm.s32 $0x108;
	_ =	swait.ge @!p0 [sflag:s8], $0x0  }
0x24: {  	s3 =	sadd.s32 $0x88, s3;
	s6 =	simm.s32 @!p1 $0x1082;
	[sflag:s4] =	ssyncset.s32 $0xFFFFF086  }
0x25: {  	[simem:s6], [sflag:s4] =	dma.local [hbm:s3], $0xF7A  }
0x26: {  	[smem:$0x3F92] =	sst s1;
	(tag) =	ssettag s2;
	_ =	strace s9  }
0x27: {  	s1 =	sld [smem:$0x3FA2]  }
0x28: {  	s2 =	sld [smem:$0x3FA3]  }
0x29: {  	s4 =	sld [smem:$0x3FA5]  }
0x2a: {  	p0 =	seq.s32 s5, $0x0;
	s5 =	sld [smem:$0x3FA6]  }
0x2b: {  	s6 =	sld [smem:$0x3FA7]  }
0x2c: {  	s7 =	sld [smem:$0x3FA8]  }
0x2d: {  	s3 =	simm.s32 $0x108;
	s8 =	sld [smem:$0x3FA9]  }
0x2e: {  	s3 =	simm.s32 @!p0 $0x1082;
	s9 =	sld [smem:$0x3FAA]  }
0x2f: {  	lr =	sadd.s32 s0, s3;
	s0 =	sld [smem:$0x3FA1]  }
0x30: {  	s3 =	sld [smem:$0x3FA4]  }
0x31: {  	[smem:$0x3FAD] =	sst s10  }
0x32: {  	s10 =	sld [smem:$0x3FAB];
	_ =	sdelay $0x3  }
0x33: {  	p0 =	seq.s32 s10, $0x1;
	s10 =	sld [smem:$0x3FAD];
	_ =	sdelay $0x3  }
0x34: {  	[smem:$0x3FAD] =	sst s10  }
0x35: {  	s10 =	sld [smem:$0x3FAC];
	_ =	sdelay $0x3  }
0x36: {  	p1 =	seq.s32 s10, $0x1;
	s10 =	sld [smem:$0x3FAD];
	_ =	sdelay $0x3  }
0x37: {  	[smem:$0x3FAD] =	sst s10  }
0x38: {  	s10 =	sld [smem:$0x3FAE]  }
0x39: {  	_ = 	snop;
	(pc) =	sbr.ind lr, $3  }
0x3a: {  	_ = 	snop  }
0x3b: {  	_ = 	snop  }
0x3c: {  	p2 =	seq.s32 s10, $0x1;
	s10 =	sld [smem:$0x3FAD]  }
0x3d: {  	_ =	shalt  }
0x3e: {  	_ =	shalt  }
0x3f: {  	_ =	shalt  }
0x40: {  	_ =	shalt  }
0x41: {  	_ =	shalt  }
0x42: {  	_ =	shalt  }
0x43: {  	_ =	shalt  }
0x44: {  	_ =	shalt  }
0x45: {  	_ =	shalt  }
0x46: {  	_ =	shalt  }
0x47: {  	_ =	shalt  }
0x48: {  	_ =	shalt  }
0x49: {  	_ =	shalt  }
0x4a: {  	_ =	shalt  }
0x4b: {  	_ =	shalt  }
0x4c: {  	_ =	shalt  }
0x4d: {  	_ =	shalt  }
0x4e: {  	_ =	shalt  }
0x4f: {  	_ =	shalt  }
0x50: {  	_ =	shalt  }
0x51: {  	_ =	shalt  }
0x52: {  	_ =	shalt  }
0x53: {  	_ =	shalt  }
0x54: {  	_ =	shalt  }
0x55: {  	_ =	shalt  }
0x56: {  	_ =	shalt  }
0x57: {  	_ =	shalt  }
0x58: {  	_ =	shalt  }
0x59: {  	_ =	shalt  }
0x5a: {  	_ =	shalt  }
0x5b: {  	_ =	shalt  }
0x5c: {  	_ =	shalt  }
0x5d: {  	_ =	shalt  }
0x5e: {  	_ =	shalt  }
0x5f: {  	_ =	shalt  }
0x60: {  	_ =	shalt  }
0x61: {  	_ =	shalt  }
0x62: {  	_ =	shalt  }
0x63: {  	_ =	shalt  }
0x64: {  	_ =	shalt  }
0x65: {  	_ =	shalt  }
0x66: {  	_ =	shalt  }
0x67: {  	_ =	shalt  }
0x68: {  	_ =	shalt  }
0x69: {  	_ =	shalt  }
0x6a: {  	_ =	shalt  }
0x6b: {  	_ =	shalt  }
0x6c: {  	_ =	shalt  }
0x6d: {  	_ =	shalt  }
0x6e: {  	_ =	shalt  }
0x6f: {  	_ =	shalt  }
0x70: {  	_ =	shalt  }
0x71: {  	_ =	shalt  }
0x72: {  	_ =	shalt  }
0x73: {  	_ =	shalt  }
0x74: {  	_ =	shalt  }
0x75: {  	_ =	shalt  }
0x76: {  	_ =	shalt  }
0x77: {  	_ =	shalt  }
0x78: {  	_ =	shalt  }
0x79: {  	_ =	shalt  }
0x7a: {  	_ =	shalt  }
0x7b: {  	_ =	shalt  }
0x7c: {  	_ =	shalt  }
0x7d: {  	_ =	shalt  }
0x7e: {  	_ =	shalt  }
0x7f: {  	_ =	shalt  }
0x80: {  	_ =	shalt  }
0x81: {  	_ =	shalt  }
0x82: {  	_ =	shalt  }
0x83: {  	_ =	shalt  }
0x84: {  	_ =	shalt  }
0x85: {  	_ =	shalt  }
0x86: {  	_ =	shalt  }
0x87: {  	_ =	shalt  }
.Lfunc_end0:
.L_simem_size_0:
called_computation_lowered:
.L_overlay_start_0:
0x88: {  	s2 =	sld [smem:$0x3FD9]  }
0x89: {  	s3 =	sld [smem:$0x3FFE];
	_ =	sdelay $0x1  }
0x8a: {  	s1 =	srdreg.scid  }
0x8b: {  	s0 =	sand.u32 $0x1, s1  }
0x8c: {  	s17 =	sshll.u32 s0, $0xA;
	s2 =	sadd.s32 s3, s2  }
0x8d: {  	s2 =	sadd.s32 s2, s17  }
0x8e: {  	[smem:$0x3FB9] =	sst s2  }
0x8f: {  	_ = 	snop  }
0x90: {  	s2 =	sld [smem:$0x3FD0];
	(tm) =	ssettm $0x1  }
0x91: {  	s18 =	sld [smem:$0x3FFB];
	_ =	sdelay $0x3  }
0x92: {  	_ =	strace s18  }
0x93: {  	s3 =	sld [smem:$0x3FFC];
	_ =	sdelay $0x3  }
0x94: {  	_ =	strace s3  }
0x95: {  	s3 =	sld [smem:$0x3FFD];
	_ =	sdelay $0x3  }
0x96: {  	_ =	strace s3  }
0x97: {  	_ =	strace $0x8FFFFFFF  }
0x98: {  	s19 =	sld [smem:$0x3FDB];
	_ =	sdelay $0x1  }
0x99: {  	s4 =	simm.s32 $_scs_section_size  }
0x9a: {  	s5 =	simm.s32 $_size__tile_overlayer_lowered;
	s6 =	simm.s32 $_tile_overlayer_lowered  }
0x9b: {  	s22 =	simm.s32 $0x1BFF;
	s21 =	sshll.u32 s6, $0x1;
	s3 =	sadd.s32 s4, s19  }
0x9c: {  	s7 =	simm.s32 $0x0;
	s20 =	sshll.u32 s5, $0x1;
	s5 =	sadd.s32 s21, s3  }
0x9d: {  	[timem:s7], [sflag:s22] =	dma.local [hbm:s5], s20  }
0x9e: {  	_ =	swait.ge [sflag:s22], s20  }
0x9f: {  	s4 =	ssub.s32 $0x0, s20;
	[sflag:s22] =	ssyncset.done $0x0  }
0xa0: {  	[sflag:s22] =	ssyncadd.s32 s4;
	_ =	sdelay $0x1  }
0xa1: {  	s23 =	simm.s32 $0x1B8B  }
0xa2: {  	_ =	swait.ge [sflag:s23], $0x1  }
0xa3: {  	[sflag:s23] =	ssyncset.done $0x0  }
0xa4: {  	s25 =	simm.s32 $0x1B8E;
	s24 =	sld [smem:$0x3FFE];
	[sflag:s23] =	ssyncadd.s32 $0xFFFFFFFF  }
0xa5: {  	s26 =	simm.s32 $execute0_lowered;
	[smem:$0x3FD2] =	sst s25  }
0xa6: {  	s5 =	sshll.u32 s26, $0x1;
	_ =	strace $0x80000046;
	[dreg:$0x1] =	wrdreg $0xFFFFFFFF  }
0xa7: {  	s28 =	simm.s32 $_size_execute0_lowered;
	s3 =	sadd.s32 s3, s5;
	[dreg:$0x0] =	wrdreg $0x0  }
0xa8: {  	s5 =	sshll.u32 s28, $0x1;
	[dreg:$0x2] =	wrdreg s3  }
0xa9: {  	[dreg:$0x3] =	wrdreg s5  }
0xaa: {  	[dreg:$0x4] =	wrdreg $0xC0  }
0xab: {  	_ =	task [dreg:s7], $0x5FFFF  }
0xac: {  	[dreg:$0x1] =	wrdreg $0xFFFFFFFF  }
0xad: {  	[dreg:$0x0] =	wrdreg $0x60  }
0xae: {  	[dreg:$0x2] =	wrdreg s24  }
0xaf: {  	[dreg:$0x3] =	wrdreg s2  }
0xb0: {  	[dreg:$0x4] =	wrdreg $0x2C100  }
0xb1: {  	[dreg:$0x5] =	wrdreg $0x9  }
0xb2: {  	_ =	task.clear_ibuf [dreg:s7], $0x6FFFF;
	_ =	strace $0x90000046  }
0xb3: {  	s29 =	simm.s32 $0x9;
	_ =	strace $0x80000048  }
0xb4: {  	_ =	swait.ge [sflag:s29], $0x1  }
0xb5: {  	[sflag:s29] =	ssyncadd.s32 $0xFFFFFFFF  }
0xb6: {  	_ =	strace $0x90000048  }
0xb7: {  	_ =	sfence  }
0xb8: {  	s30 =	sld [smem:$0x0];
	_ =	sdelay $0x2  }
0xb9: {  	s31 =	sshll.u32 s1, $0xD;
	s1 =	sshrl.u32 s1, $0x2  }
0xba: {  	s3 =	sand.u32 $0x4000, s31;
	s1 =	sadd.s32 s1, s30  }
0xbb: {  	s0 =	sor.u32 s3, s0;
	s1 =	sshll.u32 s1, $0x11  }
0xbc: {  	s0 =	sor.u32 s1, s0  }
0xbd: {  	s0 =	sadd.s32 $0x8F2B, s0  }
0xbe: {  	[sflag:s0] =	ssyncadd.remote.s32 $0x1  }
0xbf: {  	_ =	sfence.sel $0xFFFF  }
0xc0: {  	[dreg:$0x0] =	wrdreg $0xFFFFFFFF;
	(pc) =	sbr.abs _section_cstart, $3  }
0xc1: {  	[dreg:$0x1] =	wrdreg $0xFFFFFFFF  }
0xc2: {  	_ =	task.clear_ibuf [dreg:s7], $0x2FFFF;
	_ =	strace $0x9FFFFFFF  }
0xc3: {  	(tm) =	ssettm $0x7FFFFFFF  }
tec
execute0_lowered:
.L_overlay_start_1:
0x0: {  	(tag) =	ssettag $0x1  }
0x1: {  	s7 =	rddreg [dreg:$0x0]  }
0x2: {  	s1 =	rddreg [dreg:$0x1]  }
0x3: {  	s2 =	rddreg [dreg:$0x2]  }
0x4: {  	s0 =	rddreg [dreg:$0x3]  }
0x5: {  	s4 =	simm.s32 $0x0;
	s5 =	srdreg.scid;
	s3 =	stileid.u32  }
0x6: {  	s15 =	simm.s32 $0x1;
	s16 =	simm.s32 $0x50;
	s18 =	simm.s32 $0x0  }
0x7: {  	[smem:$0x7FF] =	sst s4;
	s6 =	sand.u32 $0x1, s5;
	s5 =	sadd.s32 $0x19800, s7  }
0x8: {  	s9 =	sshll.u32 s3, $0x1;
	s11 =	smul.u32 $0x2700, s3;
	s12 =	sadd.s32 $0x19E00, s7  }
0x9: {  	s17 =	sshll.u32 s3, $0x6;
	s14 =	sadd.s32 $0x27000, s2;
	p0 =	sne.s32 s3, $0xF  }
0xa: {  	_ =	strace $0x80000047;
	s8 =	ssub.s32 $0x2, s6;
	s9 =	sor.u32 s6, s9  }
0xb: {  	s30 =	smul.u32 $0x27100, s6;
	s6 =	sor.u32 $0x1C01, s17;
	s17 =	sor.u32 $0x1C02, s17  }
0xc: {  	s10 =	sshrl.u32 s8, $0x1;
	s29 =	smul.u32 $0x2710, s9;
	s13 =	sadd.s32 s11, s2  }
0xd: {  	s10 =	ssub.s32 s8, s10;
	s31 =	sadd.s32 s11, s30;
	s9 =	sshrl.u32 s30, $0x3  }
0xe: {  	s11 =	sshrl.u32 s13, $0x3;
	s13 =	simm.s32 $0x2710;
	s8 =	sshrl.u32 s29, $0x3  }
0xf: {  	s9 =	sadd.s32 s12, s9;
	s10 =	smax.u32 s10, $0x1;
	s7 =	sadd.s32 s7, s8  }
0x10: {  	s8 =	sshrl.u32 s31, $0x3;
	s9 =	sadd.s32 $0x4E00, s9;
	s7 =	sadd.s32 $0xFA40, s7  }
0x11: {  	s8 =	sadd.s32 s12, s8;
	s12 =	sshrl.u32 @!p0 s14, $0x3;
	s14 =	simm.s32 $0x2  }
.LBB2_1:
0x12: {  	[spmem:s11], [sflag:s6] =	dma.local [hbm:s5], $0x4E0  }
0x13: {  	[spmem:s12], [sflag:s6] =	dma.local @!p0 [hbm:s5], $0x20  }
0x14: {  	[tilespmem:s13], [sflag:$0x2] =	stream.linear.gather [hbm4b:s1+s4], $0x500, $0x38;
	[tilespmem:$0x5320] =	vst v63  }
0x15: {  	_ =	swait.ge [sflag:s14], $0x500  }
0x16: {  	[sflag:s14] =	ssyncset.done $0x0  }
0x17: {  	[sflag:s14] =	ssyncadd.s32 $0xFFFFFB00  }
0x18: {  	[tilespmem:s4], [sflag:$0x2] =	stream.linear.gather [hbm4b:s7+s4], $0x2710, $0x38;
	[tilespmem:$0x5320] =	vst v63  }
0x19: {  	_ =	swait.ge [sflag:s14], $0x2710  }
0x1a: {  	[sflag:s14] =	ssyncset.done $0x0  }
0x1b: {  	[sflag:s14] =	ssyncadd.s32 $0xFFFFD8F0  }
0x1c: {  	_ =	swait.ge [sflag:s15], $0x4E0  }
0x1d: {  	[sflag:s15] =	ssyncset.done $0x0  }
0x1e: {  	s19 =	simm.s32 @!p0 $0x1;
	[sflag:s15] =	ssyncadd.s32 $0xFFFFFB20  }
0x1f: {  	_ =	swait.ge @!p0 [sflag:s19], $0x20  }
0x20: {  	[sflag:s19] =	ssyncset.done @!p0 $0x0  }
0x21: {  	[sflag:s19] =	ssyncadd.s32 @!p0 $0xFFFFFFE0  }
0x22: {  	s19 =	simm.s32 $0x0;
	[bflag:$0x0] =	sbarrier.arrive $0xFFFF  }
.LBB2_2:
0x23: {  	p1 =	sne.s32 s19, $0x9B00  }
.Ltmp0:
0x24: {  	_ = 	snop;
	(pc) =	sbr.rel @p1 .LBB2_2-.Ltmp0, $3  }
0x25: {  	_ =	sdelay $0x1  }
0x26: {  	s20 =	sshra.s32 s19, $0x2;
	s19 =	sadd.s32 $0x140, s19  }
0x27: {  	[spmem:s2] =	stream.indirect.scatter.add.f32 [tilespmem:s13], [sflag:$0x1], $0x10, s20, s16, $0xb8;
	[tilespmem:$0x5320] =	vst v63  }
0x28: {  	_ =	swait.ge [sflag:s15], $0x500  }
0x29: {  	s19 =	simm.s32 $0x7C;
	[sflag:s15] =	ssyncset.done $0x0  }
.LBB2_4:
0x2a: {  	p1 =	sne.s32 s19, $0x1;
	s19 =	sadd.s32 $0xFFFFFFFF, s19;
	[sflag:s15] =	ssyncadd.s32 $0xFFFFFB00  }
.Ltmp1:
0x2b: {  	(pc) =	sbr.rel @p1 .LBB2_4-.Ltmp1, $3  }
0x2c: {  	_ =	sdelay $0x1  }
0x2d: {  	_ =	swait.ge [sflag:s15], $0x500  }
0x2e: {  	[sflag:s15] =	ssyncset.done $0x0  }
0x2f: {  	[sflag:s15] =	ssyncadd.s32 $0xFFFFFB00  }
0x30: {  	[bflag:$0x0] =	sbarrier.arrive $0xFFFF  }
0x31: {  	[hbm:s8], [sflag:s17] =	dma.local [spmem:s11], $0x4E0  }
0x32: {  	s18 =	sadd.s32 $0x1, s18;
	_ =	swait.ge [sflag:s14], $0x4E0  }
0x33: {  	p1 =	sne.s32 s18, s10;
	[sflag:s14] =	ssyncset.done $0x0  }
.Ltmp2:
0x34: {  	s19 =	simm.s32 @!p0 $0x2;
	[sflag:s14] =	ssyncadd.s32 $0xFFFFFB20;
	(pc) =	sbr.rel @p1 .LBB2_1-.Ltmp2, $4  }
0x35: {  	[hbm:s9], [sflag:s17] =	dma.local @!p0 [spmem:s12], $0x20  }
0x36: {  	_ =	swait.ge @!p0 [sflag:s19], $0x20  }
0x37: {  	[sflag:s19] =	ssyncset.done @!p0 $0x0  }
0x38: {  	[sflag:s19] =	ssyncadd.s32 @!p0 $0xFFFFFFE0  }
0x39: {  	_ =	sfence.sel $0x180000  }
0x3a: {  	[bflag:$0x0] =	sbarrier.arrive $0xFFFF  }
0x3b: {  	p0 =	sne.s32 s3, $0x0;
	_ =	strace $0x90000047  }
0x3c: {  	s0 =	sadd.s32 @!p0 $0x100000, s0;
	[bflag:$0x2] =	sbarrier.arrive $0xFFFF  }
0x3d: {  	[sflag:s0] =	ssyncadd.tile.s32 @!p0 $0x1;
	_ =	shalt  }
.Lfunc_end2:
_tile_overlayer_lowered:
.L_overlay_start_2:
0x3e: {  	(tag) =	ssettag $0x2  }
0x3f: {  	s0 =	rddreg [dreg:$0x0];
	s2 =	stileid.u32  }
0x40: {  	s1 =	rddreg [dreg:$0x1];
	p0 =	sne.s32 s2, $0x0  }
0x41: {  	s3 =	rddreg [dreg:$0x2];
	[bflag:$0x3] =	sbarrier.arrive $0xFFFF;
	s2 =	simm.s32 @!p0 $0x1C02  }
0x42: {  	[timem:s3], [sflag:s2] =	dma.local @!p0 [hbm:s0], s1  }
0x43: {  	s0 =	simm.s32 @!p0 $0x2  }
0x44: {  	_ =	swait.ge @!p0 [sflag:s0], s1  }
0x45: {  	s1 =	ssub.s32 @!p0 $0x0, s1;
	[sflag:s0] =	ssyncset.done @!p0 $0x0  }
0x46: {  	[sflag:s0] =	ssyncadd.s32 @!p0 s1  }
0x47: {  	[bflag:$0x3] =	sbarrier.arrive $0xFFFF  }
0x48: {  	_ =	shalt  }

// kernel: kernel.15.cloned.1.call-start
scs
__scs_entry_jumppad:
0x0: {  	(pc) =	sbr.rel $0x88, $3  }
0x1: {  	(tag) =	ssettag $0x0;
	lr =	simm.s32 $0x1  }
0x2: {  	[smem:$0x3F92] =	sst lr;
	_ =	strace $0xD0000000  }
0x3: {  	_ = 	snop  }
0x4: {  	_ = 	snop  }
0x5: {  	_ = 	snop  }
0x6: {  	_ = 	snop  }
0x7: {  	_ = 	snop  }
__scs_overlays_trampoline_lowered:
0x8: {  	[smem:$0x3FA1] =	sst s0  }
0x9: {  	[smem:$0x3FA2] =	sst s1  }
0xa: {  	[smem:$0x3FA3] =	sst s2  }
0xb: {  	[smem:$0x3FA4] =	sst s3  }
0xc: {  	[smem:$0x3FA5] =	sst s4  }
0xd: {  	[smem:$0x3FA6] =	sst s5  }
0xe: {  	[smem:$0x3FA7] =	sst s6  }
0xf: {  	[smem:$0x3FA8] =	sst s7  }
0x10: {  	[smem:$0x3FA9] =	sst s8  }
0x11: {  	[smem:$0x3FAA] =	sst s9;
	s0 =	simm.s32 @!p0 $0x0  }
0x12: {  	s1 =	sld [smem:$0x3F90];
	s0 =	simm.s32 @p0 $0x1  }
0x13: {  	[smem:$0x3FAB] =	sst s0;
	s0 =	simm.s32 @!p1 $0x0  }
0x14: {  	s2 =	sld [smem:$0x3F8F];
	s0 =	simm.s32 @p1 $0x1  }
0x15: {  	[smem:$0x3FAC] =	sst s0;
	s0 =	simm.s32 @!p2 $0x0  }
0x16: {  	s3 =	sld [smem:$0x3FDB];
	s0 =	simm.s32 @p2 $0x1  }
0x17: {  	s4 =	simm.s32 $0x1BF5;
	[smem:$0x3FAE] =	sst s0  }
0x18: {  	s0 =	sld [smem:$0x3F91];
	_ =	swait.ge [sflag:s4], $0x0  }
0x19: {  	s7 =	sld [smem:$0x3F92]  }
0x1a: {  	s8 =	sadd.s32 $0xFFFFE003, lr  }
0x1b: {  	s9 =	sadd.s32 $0xFFFFFEF7, lr;
	s5 =	simm.s32 $0xFFFFFFFF;
	p2 =	slt.u32 s8, $0xFFFFF086  }
0x1c: {  	p1 =	slt.u32 s9, $0xF7A;
	s5 =	simm.s32 @!p2 $0x0  }
0x1d: {  	s5 =	simm.s32 @p1 $0x1;
	p0 =	seq.s32 s7, s2  }
0x1e: {  	s7 =	smul.u32 @!p0 $0xF7A, s2;
	p2 =	seq.s32 @!p0 s5, $0x0  }
0x1f: {  	s9 =	smul.u32 $0xF7A, s1;
	s8 =	simm.s32 @!p0 $0x1BF5;
	p2 =	por !p2, p0  }
0x20: {  	[sflag:s8] =	ssyncset.s32 @!p0 $0xFFFFF086;
	s6 =	sadd.s32 @!p0 s3, s7;
	s7 =	simm.s32 @!p0 $0x108  }
0x21: {  	s3 =	sadd.s32 s3, s9;
	s6 =	sadd.s32 @!p0 $0x88, s6;
	s7 =	simm.s32 @p2 $0x1082  }
0x22: {  	[simem:s7], [sflag:s8] =	dma.local @!p0 [hbm:s6], $0xF7A  }
0x23: {  	s9 =	sor.u32 $0xD0000000, s2;
	s6 =	simm.s32 $0x108;
	_ =	swait.ge @!p0 [sflag:s8], $0x0  }
0x24: {  	s3 =	sadd.s32 $0x88, s3;
	s6 =	simm.s32 @!p1 $0x1082;
	[sflag:s4] =	ssyncset.s32 $0xFFFFF086  }
0x25: {  	[simem:s6], [sflag:s4] =	dma.local [hbm:s3], $0xF7A  }
0x26: {  	[smem:$0x3F92] =	sst s1;
	(tag) =	ssettag s2;
	_ =	strace s9  }
0x27: {  	s1 =	sld [smem:$0x3FA2]  }
0x28: {  	s2 =	sld [smem:$0x3FA3]  }
0x29: {  	s4 =	sld [smem:$0x3FA5]  }
0x2a: {  	p0 =	seq.s32 s5, $0x0;
	s5 =	sld [smem:$0x3FA6]  }
0x2b: {  	s6 =	sld [smem:$0x3FA7]  }
0x2c: {  	s7 =	sld [smem:$0x3FA8]  }
0x2d: {  	s3 =	simm.s32 $0x108;
	s8 =	sld [smem:$0x3FA9]  }
0x2e: {  	s3 =	simm.s32 @!p0 $0x1082;
	s9 =	sld [smem:$0x3FAA]  }
0x2f: {  	lr =	sadd.s32 s0, s3;
	s0 =	sld [smem:$0x3FA1]  }
0x30: {  	s3 =	sld [smem:$0x3FA4]  }
0x31: {  	[smem:$0x3FAD] =	sst s10  }
0x32: {  	s10 =	sld [smem:$0x3FAB];
	_ =	sdelay $0x3  }
0x33: {  	p0 =	seq.s32 s10, $0x1;
	s10 =	sld [smem:$0x3FAD];
	_ =	sdelay $0x3  }
0x34: {  	[smem:$0x3FAD] =	sst s10  }
0x35: {  	s10 =	sld [smem:$0x3FAC];
	_ =	sdelay $0x3  }
0x36: {  	p1 =	seq.s32 s10, $0x1;
	s10 =	sld [smem:$0x3FAD];
	_ =	sdelay $0x3  }
0x37: {  	[smem:$0x3FAD] =	sst s10  }
0x38: {  	s10 =	sld [smem:$0x3FAE]  }
0x39: {  	_ = 	snop;
	(pc) =	sbr.ind lr, $3  }
0x3a: {  	_ = 	snop  }
0x3b: {  	_ = 	snop  }
0x3c: {  	p2 =	seq.s32 s10, $0x1;
	s10 =	sld [smem:$0x3FAD]  }
0x3d: {  	_ =	shalt  }
0x3e: {  	_ =	shalt  }
0x3f: {  	_ =	shalt  }
0x40: {  	_ =	shalt  }
0x41: {  	_ =	shalt  }
0x42: {  	_ =	shalt  }
0x43: {  	_ =	shalt  }
0x44: {  	_ =	shalt  }
0x45: {  	_ =	shalt  }
0x46: {  	_ =	shalt  }
0x47: {  	_ =	shalt  }
0x48: {  	_ =	shalt  }
0x49: {  	_ =	shalt  }
0x4a: {  	_ =	shalt  }
0x4b: {  	_ =	shalt  }
0x4c: {  	_ =	shalt  }
0x4d: {  	_ =	shalt  }
0x4e: {  	_ =	shalt  }
0x4f: {  	_ =	shalt  }
0x50: {  	_ =	shalt  }
0x51: {  	_ =	shalt  }
0x52: {  	_ =	shalt  }
0x53: {  	_ =	shalt  }
0x54: {  	_ =	shalt  }
0x55: {  	_ =	shalt  }
0x56: {  	_ =	shalt  }
0x57: {  	_ =	shalt  }
0x58: {  	_ =	shalt  }
0x59: {  	_ =	shalt  }
0x5a: {  	_ =	shalt  }
0x5b: {  	_ =	shalt  }
0x5c: {  	_ =	shalt  }
0x5d: {  	_ =	shalt  }
0x5e: {  	_ =	shalt  }
0x5f: {  	_ =	shalt  }
0x60: {  	_ =	shalt  }
0x61: {  	_ =	shalt  }
0x62: {  	_ =	shalt  }
0x63: {  	_ =	shalt  }
0x64: {  	_ =	shalt  }
0x65: {  	_ =	shalt  }
0x66: {  	_ =	shalt  }
0x67: {  	_ =	shalt  }
0x68: {  	_ =	shalt  }
0x69: {  	_ =	shalt  }
0x6a: {  	_ =	shalt  }
0x6b: {  	_ =	shalt  }
0x6c: {  	_ =	shalt  }
0x6d: {  	_ =	shalt  }
0x6e: {  	_ =	shalt  }
0x6f: {  	_ =	shalt  }
0x70: {  	_ =	shalt  }
0x71: {  	_ =	shalt  }
0x72: {  	_ =	shalt  }
0x73: {  	_ =	shalt  }
0x74: {  	_ =	shalt  }
0x75: {  	_ =	shalt  }
0x76: {  	_ =	shalt  }
0x77: {  	_ =	shalt  }
0x78: {  	_ =	shalt  }
0x79: {  	_ =	shalt  }
0x7a: {  	_ =	shalt  }
0x7b: {  	_ =	shalt  }
0x7c: {  	_ =	shalt  }
0x7d: {  	_ =	shalt  }
0x7e: {  	_ =	shalt  }
0x7f: {  	_ =	shalt  }
0x80: {  	_ =	shalt  }
0x81: {  	_ =	shalt  }
0x82: {  	_ =	shalt  }
0x83: {  	_ =	shalt  }
0x84: {  	_ =	shalt  }
0x85: {  	_ =	shalt  }
0x86: {  	_ =	shalt  }
0x87: {  	_ =	shalt  }
.Lfunc_end0:
.L_simem_size_0:
called_computation.1_lowered:
.L_overlay_start_0:
0x88: {  	s2 =	sld [smem:$0x3FD9]  }
0x89: {  	s3 =	sld [smem:$0x3FFE];
	_ =	sdelay $0x1  }
0x8a: {  	s1 =	srdreg.scid  }
0x8b: {  	s0 =	sand.u32 $0x1, s1  }
0x8c: {  	s16 =	sshll.u32 s0, $0xA;
	s2 =	sadd.s32 s3, s2  }
0x8d: {  	s2 =	sadd.s32 s2, s16  }
0x8e: {  	[smem:$0x3FB9] =	sst s2  }
0x8f: {  	_ = 	snop  }
0x90: {  	(tm) =	ssettm $0x1  }
0x91: {  	s17 =	sld [smem:$0x3FFB];
	_ =	sdelay $0x3  }
0x92: {  	_ =	strace s17  }
0x93: {  	s2 =	sld [smem:$0x3FFC];
	_ =	sdelay $0x3  }
0x94: {  	_ =	strace s2  }
0x95: {  	s2 =	sld [smem:$0x3FFD];
	_ =	sdelay $0x3  }
0x96: {  	_ =	strace s2  }
0x97: {  	_ =	strace $0x8FFFFFFF  }
0x98: {  	s18 =	sld [smem:$0x3FDB];
	_ =	sdelay $0x1  }
0x99: {  	s19 =	simm.s32 $_scs_section_size  }
0x9a: {  	s4 =	simm.s32 $_size__tile_overlayer_lowered;
	s5 =	simm.s32 $_tile_overlayer_lowered  }
0x9b: {  	s22 =	simm.s32 $0x1BFF;
	s21 =	sshll.u32 s5, $0x1;
	s2 =	sadd.s32 s19, s18  }
0x9c: {  	s6 =	simm.s32 $0x0;
	s20 =	sshll.u32 s4, $0x1;
	s4 =	sadd.s32 s21, s2  }
0x9d: {  	[timem:s6], [sflag:s22] =	dma.local [hbm:s4], s20  }
0x9e: {  	_ =	swait.ge [sflag:s22], s20  }
0x9f: {  	s3 =	ssub.s32 $0x0, s20;
	[sflag:s22] =	ssyncset.done $0x0  }
0xa0: {  	[sflag:s22] =	ssyncadd.s32 s3;
	_ =	sdelay $0x1  }
0xa1: {  	s23 =	simm.s32 $0x1B8B  }
0xa2: {  	_ =	swait.ge [sflag:s23], $0x1  }
0xa3: {  	[sflag:s23] =	ssyncset.done $0x0  }
0xa4: {  	s25 =	simm.s32 $0x1B8E;
	s24 =	sld [smem:$0x3FFE];
	[sflag:s23] =	ssyncadd.s32 $0xFFFFFFFF  }
0xa5: {  	s26 =	simm.s32 $execute0_lowered;
	[smem:$0x3FD2] =	sst s25  }
0xa6: {  	s4 =	sshll.u32 s26, $0x1;
	_ =	strace $0x80000049;
	[dreg:$0x1] =	wrdreg $0xFFFFFFFF  }
0xa7: {  	s28 =	simm.s32 $_size_execute0_lowered;
	s2 =	sadd.s32 s2, s4;
	[dreg:$0x0] =	wrdreg $0x0  }
0xa8: {  	s4 =	sshll.u32 s28, $0x1;
	[dreg:$0x2] =	wrdreg s2  }
0xa9: {  	[dreg:$0x3] =	wrdreg s4  }
0xaa: {  	[dreg:$0x4] =	wrdreg $0xC0  }
0xab: {  	_ =	task [dreg:s6], $0x5FFFF  }
0xac: {  	[dreg:$0x1] =	wrdreg $0xFFFFFFFF  }
0xad: {  	[dreg:$0x0] =	wrdreg $0x60  }
0xae: {  	[dreg:$0x2] =	wrdreg s24  }
0xaf: {  	[dreg:$0x3] =	wrdreg $0xC6200  }
0xb0: {  	[dreg:$0x4] =	wrdreg $0x9  }
0xb1: {  	_ =	task.clear_ibuf [dreg:s6], $0x5FFFF;
	_ =	strace $0x90000049  }
0xb2: {  	s29 =	simm.s32 $0x9;
	_ =	strace $0x8000004B  }
0xb3: {  	_ =	swait.ge [sflag:s29], $0x1  }
0xb4: {  	[sflag:s29] =	ssyncadd.s32 $0xFFFFFFFF  }
0xb5: {  	_ =	strace $0x9000004B  }
0xb6: {  	_ =	sfence  }
0xb7: {  	s30 =	sld [smem:$0x0];
	_ =	sdelay $0x2  }
0xb8: {  	s31 =	sshll.u32 s1, $0xD;
	s1 =	sshrl.u32 s1, $0x2  }
0xb9: {  	s3 =	sand.u32 $0x4000, s31;
	s1 =	sadd.s32 s1, s30  }
0xba: {  	s0 =	sor.u32 s3, s0;
	s1 =	sshll.u32 s1, $0x11  }
0xbb: {  	s0 =	sor.u32 s1, s0  }
0xbc: {  	s0 =	sadd.s32 $0x8F2B, s0  }
0xbd: {  	[sflag:s0] =	ssyncadd.remote.s32 $0x1  }
0xbe: {  	_ =	sfence.sel $0xFFFF  }
0xbf: {  	[dreg:$0x0] =	wrdreg $0xFFFFFFFF;
	(pc) =	sbr.abs _section_cstart, $3  }
0xc0: {  	[dreg:$0x1] =	wrdreg $0xFFFFFFFF  }
0xc1: {  	_ =	task.clear_ibuf [dreg:s6], $0x2FFFF;
	_ =	strace $0x9FFFFFFF  }
0xc2: {  	(tm) =	ssettm $0x7FFFFFFF  }
0xc3: {  	_ =	shalt  }
tec
execute0_lowered:
.L_overlay_start_1:
0x0: {  	(tag) =	ssettag $0x1  }
0x1: {  	s0 =	srdreg.scid  }
0x2: {  	s15 =	stileid.u32;
	s1 =	rddreg [dreg:$0x0]  }
0x3: {  	s2 =	rddreg [dreg:$0x1];
	s17 =	simm.s32 $0x50;
	s18 =	simm.s32 $0x4E20  }
0x4: {  	s19 =	simm.s32 $0x7620;
	s20 =	simm.s32 $0x7;
	s21 =	simm.s32 $0x3  }
0x5: {  	s22 =	simm.s32 $0x9E20;
	s23 =	simm.s32 $0x5;
	s24 =	simm.s32 $0x4  }
0x6: {  	s25 =	simm.s32 $0x6;
	s26 =	simm.s32 $0x2;
	s28 =	simm.s32 $0x1  }
0x7: {  	s29 =	simm.s32 $0x0;
	s0 =	sand.u32 $0x1, s0;
	s3 =	sshll.u32 s15, $0x1  }
0x8: {  	s8 =	smul.u32 $0x13800, s15;
	s6 =	sshll.u32 s15, $0x6;
	s14 =	sadd.s32 $0x138000, s2  }
0x9: {  	p0 =	sne.s32 s15, $0xF;
	s15 =	simm.s32 $0x8;
	s4 =	sor.u32 s0, s3  }
0xa: {  	s3 =	simm.s32 $0x0;
	s7 =	ssub.s32 $0x2, s0;
	s0 =	smul.u32 $0x138800, s0  }
0xb: {  	s14 =	sshrl.u32 @!p0 s14, $0x3;
	s4 =	smul.u32 $0x2710, s4;
	[smem:$0x7FF] =	sst s3  }
0xc: {  	s10 =	sshrl.u32 s7, $0x1;
	s13 =	sadd.s32 s8, s2;
	_ =	strace $0x8000004A  }
0xd: {  	s12 =	ssub.s32 s7, s10;
	s7 =	sor.u32 $0x1C07, s6;
	s31 =	sadd.s32 s8, s0  }
.Ltmp0:
0xe: {  	s0 =	sshrl.u32 s0, $0x3;
	s13 =	sshrl.u32 s13, $0x3;
	(pc) =	sbr.rel .LBB2_1-.Ltmp0, $4  }
0xf: {  	s5 =	sshrl.u32 s4, $0x3;
	s4 =	sadd.s32 $0x67A00, s1;
	s10 =	sshrl.u32 s31, $0x3  }
0x10: {  	s9 =	sadd.s32 s5, s1;
	s5 =	sadd.s32 $0x8EC00, s1;
	s1 =	sadd.s32 $0x91400, s1  }
0x11: {  	s12 =	smax.u32 s12, $0x1;
	s8 =	sadd.s32 $0x5E00, s9;
	s0 =	sadd.s32 s1, s0  }
0x12: {  	s9 =	sadd.s32 $0xFA40, s9;
	s10 =	sadd.s32 s1, s10;
	s11 =	sadd.s32 $0x27000, s0  }
.LBB2_8:
0x13: {  	_ =	swait.ge [sflag:s23], $0x2800  }
0x14: {  	[sflag:s23] =	ssyncset.done $0x0  }
0x15: {  	[sflag:s23] =	ssyncadd.s32 $0xFFFFD800  }
0x16: {  	_ =	swait.ge [sflag:s24], $0x2800  }
0x17: {  	[sflag:s24] =	ssyncset.done $0x0  }
0x18: {  	[sflag:s24] =	ssyncadd.s32 $0xFFFFD800  }
0x19: {  	_ =	swait.ge [sflag:s25], $0x2800  }
0x1a: {  	[sflag:s25] =	ssyncset.done $0x0  }
0x1b: {  	[sflag:s25] =	ssyncadd.s32 $0xFFFFD800  }
0x1c: {  	s0 =	sor.u32 $0x1C08, s6;
	[bflag:$0x0] =	sbarrier.arrive $0xFFFF  }
0x1d: {  	[hbm:s10], [sflag:s0] =	dma.local [spmem:s13], $0x2700  }
0x1e: {  	_ =	swait.ge [sflag:s15], $0x2700  }
0x1f: {  	s29 =	sadd.s32 $0x1, s29;
	[sflag:s15] =	ssyncset.done $0x0  }
0x20: {  	p1 =	sne.s32 s29, s12;
	[sflag:s15] =	ssyncadd.s32 $0xFFFFD900  }
0x21: {  	[hbm:s11], [sflag:s0] =	dma.local @!p0 [spmem:s14], $0x100  }
.Ltmp1:
0x22: {  	_ = 	snop;
	(pc) =	sbr.rel @!p1 .LBB2_9-.Ltmp1, $4  }
0x23: {  	s0 =	simm.s32 @!p0 $0x8  }
0x24: {  	_ =	swait.ge @!p0 [sflag:s0], $0x100  }
0x25: {  	[sflag:s0] =	ssyncset.done @!p0 $0x0  }
0x26: {  	[sflag:s0] =	ssyncadd.s32 @!p0 $0xFFFFFF00  }
.LBB2_1:
0x27: {  	[spmem:s13], [sflag:s7] =	dma.local [hbm:s5], $0x2700  }
0x28: {  	[spmem:s14], [sflag:s7] =	dma.local @!p0 [hbm:s5], $0x100  }
0x29: {  	[tilespmem:s3], [sflag:$0x8] =	stream.linear.gather [hbm4b:s8+s3], $0x2710, $0x38;
	[tilespmem:$0x1FEA0] =	vst v63  }
0x2a: {  	_ =	swait.ge [sflag:s15], $0x2710  }
0x2b: {  	[sflag:s15] =	ssyncset.done $0x0  }
0x2c: {  	s0 =	simm.s32 $0x2710;
	[sflag:s15] =	ssyncadd.s32 $0xFFFFD8F0  }
0x2d: {  	[tilespmem:s0], [sflag:$0x8] =	stream.linear.gather [hbm4b:s9+s3], $0x2710, $0x38;
	[tilespmem:$0x1FEA0] =	vst v63  }
0x2e: {  	_ =	swait.ge [sflag:s15], $0x2710  }
0x2f: {  	[sflag:s15] =	ssyncset.done $0x0  }
0x30: {  	[sflag:s15] =	ssyncadd.s32 $0xFFFFD8F0  }
0x31: {  	[tilespmem:s18], [sflag:$0x1] =	stream.indirect.gather [hbm4b:s4+s17], $0x80, s3, s17, $0xb8;
	[tilespmem:$0x1FEA0] =	vst v63  }
0x32: {  	_ = 	snop  }
0x33: {  	[tilespmem:s19], [sflag:$0x2] =	stream.indirect.gather [hbm4b:s4+s17], $0x80, s17, s17, $0xb8;
	[tilespmem:$0x1FEA0] =	vst v63  }
0x34: {  	_ =	swait.ge [sflag:s20], $0x2700  }
0x35: {  	[sflag:s20] =	ssyncset.done $0x0  }
0x36: {  	s0 =	simm.s32 @!p0 $0x7;
	[sflag:s20] =	ssyncadd.s32 $0xFFFFD900  }
.Ltmp2:
0x37: {  	_ =	swait.ge @!p0 [sflag:s0], $0x100;
	(pc) =	sbr.rel .LBB2_2-.Ltmp2, $4  }
0x38: {  	[sflag:s0] =	ssyncset.done @!p0 $0x0  }
0x39: {  	[sflag:s0] =	ssyncadd.s32 @!p0 $0xFFFFFF00  }
0x3a: {  	[bflag:$0x0] =	sbarrier.arrive $0xFFFF  }
0x3b: {  	s30 =	simm.s32 $0xA0;
	s31 =	simm.s32 $0x2710;
	s1 =	simm.s32 $0x0  }
.LBB2_6:
0x3c: {  	_ =	swait.ge [sflag:s21], $0x2800  }
0x3d: {  	p1 =	sgt.u32 s1, $0x7A;
	[sflag:s21] =	ssyncset.done $0x0  }
0x3e: {  	s0 =	simm.s32 @!p1 $0x5;
	[sflag:s21] =	ssyncadd.s32 $0xFFFFD800  }
0x3f: {  	[spmem:s2] =	stream.indirect.scatter.add.f32 [tilespmem:s22], [sflag:$0x6], $0x80, s31, s17, $0xb8;
	[tilespmem:$0x1FEA0] =	vst v63  }
0x40: {  	_ =	swait.ge @!p1 [sflag:s0], $0x2800  }
0x41: {  	[sflag:s0] =	ssyncset.done @!p1 $0x0  }
0x42: {  	s16 =	simm.s32 @!p1 $0x7620;
	[sflag:s0] =	ssyncadd.s32 @!p1 $0xFFFFD800;
	s0 =	simm.s32 @!p1 $0x50  }
0x43: {  	[tilespmem:s16], [sflag:$0x2] =	stream.indirect.gather @!p1 [hbm4b:s4+s0], $0x80, s30, s0, $0xb8;
	[tilespmem:$0x1FEA0] =	vst v63  }
.LBB2_7:
0x44: {  	s1 =	sadd.s32 $0x1, s1  }
0x45: {  	p1 =	sne.s32 s1, $0x7D  }
.Ltmp3:
0x46: {  	_ = 	snop;
	(pc) =	sbr.rel @!p1 .LBB2_8-.Ltmp3, $2  }
0x47: {  	_ =	sdelay $0x2  }
0x48: {  	s30 =	sadd.s32 $0x50, s30;
	s31 =	sadd.s32 $0x50, s31  }
.LBB2_2:
0x49: {  	s0 =	smul.u32 $0xAB, s1;
	_ =	sdelay $0x1  }
0x4a: {  	s0 =	sshrl.u32 s0, $0x9  }
0x4b: {  	s0 =	sand.u32 $0x7F, s0  }
0x4c: {  	s0 =	smul.u32 $0x3, s0;
	_ =	sdelay $0x1  }
0x4d: {  	s0 =	ssub.s32 s1, s0  }
0x4e: {  	s0 =	sand.u32 $0xFF, s0  }
0x4f: {  	p1 =	seq.s32 s0, $0x2  }
.Ltmp4:
0x50: {  	_ = 	snop;
	(pc) =	sbr.rel @p1 .LBB2_6-.Ltmp4, $1  }
0x51: {  	_ =	sdelay $0x3  }
0x52: {  	p1 =	seq.s32 s0, $0x1  }
.Ltmp5:
0x53: {  	_ = 	snop;
	(pc) =	sbr.rel @!p1 .LBB2_4-.Ltmp5, $1  }
0x54: {  	_ =	sdelay $0x3  }
0x55: {  	_ =	swait.ge [sflag:s26], $0x2800  }
0x56: {  	[sflag:s26] =	ssyncset.done $0x0  }
0x57: {  	p1 =	sgt.u32 s1, $0x7A;
	[sflag:s26] =	ssyncadd.s32 $0xFFFFD800  }
0x58: {  	[spmem:s2] =	stream.indirect.scatter.add.f32 [tilespmem:s19], [sflag:$0x5], $0x80, s31, s17, $0xb8;
	[tilespmem:$0x1FEA0] =	vst v63  }
.Ltmp6:
0x59: {  	s0 =	simm.s32 @!p1 $0x4;
	(pc) =	sbr.rel .LBB2_7-.Ltmp6, $4  }
0x5a: {  	_ =	swait.ge @!p1 [sflag:s0], $0x2800  }
0x5b: {  	[sflag:s0] =	ssyncset.done @!p1 $0x0  }
0x5c: {  	s16 =	simm.s32 @!p1 $0x4E20;
	[sflag:s0] =	ssyncadd.s32 @!p1 $0xFFFFD800;
	s0 =	simm.s32 @!p1 $0x50  }
0x5d: {  	[tilespmem:s16], [sflag:$0x1] =	stream.indirect.gather @!p1 [hbm4b:s4+s0], $0x80, s30, s0, $0xb8;
	[tilespmem:$0x1FEA0] =	vst v63  }
.LBB2_4:
0x5e: {  	_ =	swait.ge [sflag:s28], $0x2800;
	p1 =	sgt.u32 s1, $0x7A  }
0x5f: {  	[sflag:s28] =	ssyncset.done $0x0;
	p2 =	seq.s32 @!p1 s1, $0x0  }
0x60: {  	[sflag:s28] =	ssyncadd.s32 $0xFFFFD800;
	p2 =	por p2, p1  }
0x61: {  	[spmem:s2] =	stream.indirect.scatter.add.f32 [tilespmem:s18], [sflag:$0x4], $0x80, s31, s17, $0xb8;
	[tilespmem:$0x1FEA0] =	vst v63  }
.Ltmp7:
0x62: {  	s0 =	simm.s32 @!p2 $0x6;
	(pc) =	sbr.rel .LBB2_7-.Ltmp7, $4  }
0x63: {  	_ =	swait.ge @!p2 [sflag:s0], $0x2800  }
0x64: {  	[sflag:s0] =	ssyncset.done @!p2 $0x0  }
0x65: {  	s16 =	simm.s32 @!p1 $0x9E20;
	[sflag:s0] =	ssyncadd.s32 @!p2 $0xFFFFD800;
	s0 =	simm.s32 @!p1 $0x50  }
0x66: {  	[tilespmem:s16], [sflag:$0x3] =	stream.indirect.gather @!p1 [hbm4b:s4+s0], $0x80, s30, s0, $0xb8;
	[tilespmem:$0x1FEA0] =	vst v63  }
.LBB2_9:
0x67: {  	_ =	sfence.sel $0x180000  }
0x68: {  	[bflag:$0x0] =	sbarrier.arrive $0xFFFF  }
0x69: {  	_ =	strace $0x9000004A  }
0x6a: {  	s0 =	stileid.u32;
	[bflag:$0x2] =	sbarrier.arrive $0xFFFF  }
0x6b: {  	p0 =	sne.s32 s0, $0x0;
	s0 =	rddreg [dreg:$0x2]  }
0x6c: {  	s0 =	sadd.s32 @!p0 $0x100000, s0  }
0x6d: {  	[sflag:s0] =	ssyncadd.tile.s32 @!p0 $0x1;
	_ =	shalt  }
.Lfunc_end2:
_tile_overlayer_lowered:
.L_overlay_start_2:
0x6e: {  	(tag) =	ssettag $0x2  }
0x6f: {  	s0 =	rddreg [dreg:$0x0];
	s2 =	stileid.u32  }
0x70: {  	s1 =	rddreg [dreg:$0x1];
	p0 =	sne.s32 s2, $0x0  }
0x71: {  	s3 =	rddreg [dreg:$0x2];
	[bflag:$0x3] =	sbarrier.arrive $0xFFFF;
	s2 =	simm.s32 @!p0 $0x1C08  }
0x72: {  	[timem:s3], [sflag:s2] =	dma.local @!p0 [hbm:s0], s1  }
0x73: {  	s0 =	simm.s32 @!p0 $0x8  }
0x74: {  	_ =	swait.ge @!p0 [sflag:s0], s1  }
0x75: {  	s1 =	ssub.s32 @!p0 $0x0, s1;
	[sflag:s0] =	ssyncset.done @!p0 $0x0  }
0x76: {  	[sflag:s0] =	ssyncadd.s32 @!p0 s1  }
0x77: {  	[bflag:$0x3] =	sbarrier.arrive $0xFFFF  }
0x78: {  	_ =	shalt  }

// kernel: kernel.18.cloned.1.call-start
scs
__scs_entry_jumppad:
0x0: {  	(pc) =	sbr.rel $0x88, $3  }
0x1: {  	(tag) =	ssettag $0x0;
	lr =	simm.s32 $0x1  }
0x2: {  	[smem:$0x3F92] =	sst lr;
	_ =	strace $0xD0000000  }
0x3: {  	_ = 	snop  }
0x4: {  	_ = 	snop  }
0x5: {  	_ = 	snop  }
0x6: {  	_ = 	snop  }
0x7: {  	_ = 	snop  }
__scs_overlays_trampoline_lowered:
0x8: {  	[smem:$0x3FA1] =	sst s0  }
0x9: {  	[smem:$0x3FA2] =	sst s1  }
0xa: {  	[smem:$0x3FA3] =	sst s2  }
0xb: {  	[smem:$0x3FA4] =	sst s3  }
0xc: {  	[smem:$0x3FA5] =	sst s4  }
0xd: {  	[smem:$0x3FA6] =	sst s5  }
0xe: {  	[smem:$0x3FA7] =	sst s6  }
0xf: {  	[smem:$0x3FA8] =	sst s7  }
0x10: {  	[smem:$0x3FA9] =	sst s8  }
0x11: {  	[smem:$0x3FAA] =	sst s9;
	s0 =	simm.s32 @!p0 $0x0  }
0x12: {  	s1 =	sld [smem:$0x3F90];
	s0 =	simm.s32 @p0 $0x1  }
0x13: {  	[smem:$0x3FAB] =	sst s0;
	s0 =	simm.s32 @!p1 $0x0  }
0x14: {  	s2 =	sld [smem:$0x3F8F];
	s0 =	simm.s32 @p1 $0x1  }
0x15: {  	[smem:$0x3FAC] =	sst s0;
	s0 =	simm.s32 @!p2 $0x0  }
0x16: {  	s3 =	sld [smem:$0x3FDB];
	s0 =	simm.s32 @p2 $0x1  }
0x17: {  	s4 =	simm.s32 $0x1BF5;
	[smem:$0x3FAE] =	sst s0  }
0x18: {  	s0 =	sld [smem:$0x3F91];
	_ =	swait.ge [sflag:s4], $0x0  }
0x19: {  	s7 =	sld [smem:$0x3F92]  }
0x1a: {  	s8 =	sadd.s32 $0xFFFFE003, lr  }
0x1b: {  	s9 =	sadd.s32 $0xFFFFFEF7, lr;
	s5 =	simm.s32 $0xFFFFFFFF;
	p2 =	slt.u32 s8, $0xFFFFF086  }
0x1c: {  	p1 =	slt.u32 s9, $0xF7A;
	s5 =	simm.s32 @!p2 $0x0  }
0x1d: {  	s5 =	simm.s32 @p1 $0x1;
	p0 =	seq.s32 s7, s2  }
0x1e: {  	s7 =	smul.u32 @!p0 $0xF7A, s2;
	p2 =	seq.s32 @!p0 s5, $0x0  }
0x1f: {  	s9 =	smul.u32 $0xF7A, s1;
	s8 =	simm.s32 @!p0 $0x1BF5;
	p2 =	por !p2, p0  }
0x20: {  	[sflag:s8] =	ssyncset.s32 @!p0 $0xFFFFF086;
	s6 =	sadd.s32 @!p0 s3, s7;
	s7 =	simm.s32 @!p0 $0x108  }
0x21: {  	s3 =	sadd.s32 s3, s9;
	s6 =	sadd.s32 @!p0 $0x88, s6;
	s7 =	simm.s32 @p2 $0x1082  }
0x22: {  	[simem:s7], [sflag:s8] =	dma.local @!p0 [hbm:s6], $0xF7A  }
0x23: {  	s9 =	sor.u32 $0xD0000000, s2;
	s6 =	simm.s32 $0x108;
	_ =	swait.ge @!p0 [sflag:s8], $0x0  }
0x24: {  	s3 =	sadd.s32 $0x88, s3;
	s6 =	simm.s32 @!p1 $0x1082;
	[sflag:s4] =	ssyncset.s32 $0xFFFFF086  }
0x25: {  	[simem:s6], [sflag:s4] =	dma.local [hbm:s3], $0xF7A  }
0x26: {  	[smem:$0x3F92] =	sst s1;
	(tag) =	ssettag s2;
	_ =	strace s9  }
0x27: {  	s1 =	sld [smem:$0x3FA2]  }
0x28: {  	s2 =	sld [smem:$0x3FA3]  }
0x29: {  	s4 =	sld [smem:$0x3FA5]  }
0x2a: {  	p0 =	seq.s32 s5, $0x0;
	s5 =	sld [smem:$0x3FA6]  }
0x2b: {  	s6 =	sld [smem:$0x3FA7]  }
0x2c: {  	s7 =	sld [smem:$0x3FA8]  }
0x2d: {  	s3 =	simm.s32 $0x108;
	s8 =	sld [smem:$0x3FA9]  }
0x2e: {  	s3 =	simm.s32 @!p0 $0x1082;
	s9 =	sld [smem:$0x3FAA]  }
0x2f: {  	lr =	sadd.s32 s0, s3;
	s0 =	sld [smem:$0x3FA1]  }
0x30: {  	s3 =	sld [smem:$0x3FA4]  }
0x31: {  	[smem:$0x3FAD] =	sst s10  }
0x32: {  	s10 =	sld [smem:$0x3FAB];
	_ =	sdelay $0x3  }
0x33: {  	p0 =	seq.s32 s10, $0x1;
	s10 =	sld [smem:$0x3FAD];
	_ =	sdelay $0x3  }
0x34: {  	[smem:$0x3FAD] =	sst s10  }
0x35: {  	s10 =	sld [smem:$0x3FAC];
	_ =	sdelay $0x3  }
0x36: {  	p1 =	seq.s32 s10, $0x1;
	s10 =	sld [smem:$0x3FAD];
	_ =	sdelay $0x3  }
0x37: {  	[smem:$0x3FAD] =	sst s10  }
0x38: {  	s10 =	sld [smem:$0x3FAE]  }
0x39: {  	_ = 	snop;
	(pc) =	sbr.ind lr, $3  }
0x3a: {  	_ = 	snop  }
0x3b: {  	_ = 	snop  }
0x3c: {  	p2 =	seq.s32 s10, $0x1;
	s10 =	sld [smem:$0x3FAD]  }
0x3d: {  	_ =	shalt  }
0x3e: {  	_ =	shalt  }
0x3f: {  	_ =	shalt  }
0x40: {  	_ =	shalt  }
0x41: {  	_ =	shalt  }
0x42: {  	_ =	shalt  }
0x43: {  	_ =	shalt  }
0x44: {  	_ =	shalt  }
0x45: {  	_ =	shalt  }
0x46: {  	_ =	shalt  }
0x47: {  	_ =	shalt  }
0x48: {  	_ =	shalt  }
0x49: {  	_ =	shalt  }
0x4a: {  	_ =	shalt  }
0x4b: {  	_ =	shalt  }
0x4c: {  	_ =	shalt  }
0x4d: {  	_ =	shalt  }
0x4e: {  	_ =	shalt  }
0x4f: {  	_ =	shalt  }
0x50: {  	_ =	shalt  }
0x51: {  	_ =	shalt  }
0x52: {  	_ =	shalt  }
0x53: {  	_ =	shalt  }
0x54: {  	_ =	shalt  }
0x55: {  	_ =	shalt  }
0x56: {  	_ =	shalt  }
0x57: {  	_ =	shalt  }
0x58: {  	_ =	shalt  }
0x59: {  	_ =	shalt  }
0x5a: {  	_ =	shalt  }
0x5b: {  	_ =	shalt  }
0x5c: {  	_ =	shalt  }
0x5d: {  	_ =	shalt  }
0x5e: {  	_ =	shalt  }
0x5f: {  	_ =	shalt  }
0x60: {  	_ =	shalt  }
0x61: {  	_ =	shalt  }
0x62: {  	_ =	shalt  }
0x63: {  	_ =	shalt  }
0x64: {  	_ =	shalt  }
0x65: {  	_ =	shalt  }
0x66: {  	_ =	shalt  }
0x67: {  	_ =	shalt  }
0x68: {  	_ =	shalt  }
0x69: {  	_ =	shalt  }
0x6a: {  	_ =	shalt  }
0x6b: {  	_ =	shalt  }
0x6c: {  	_ =	shalt  }
0x6d: {  	_ =	shalt  }
0x6e: {  	_ =	shalt  }
0x6f: {  	_ =	shalt  }
0x70: {  	_ =	shalt  }
0x71: {  	_ =	shalt  }
0x72: {  	_ =	shalt  }
0x73: {  	_ =	shalt  }
0x74: {  	_ =	shalt  }
0x75: {  	_ =	shalt  }
0x76: {  	_ =	shalt  }
0x77: {  	_ =	shalt  }
0x78: {  	_ =	shalt  }
0x79: {  	_ =	shalt  }
0x7a: {  	_ =	shalt  }
0x7b: {  	_ =	shalt  }
0x7c: {  	_ =	shalt  }
0x7d: {  	_ =	shalt  }
0x7e: {  	_ =	shalt  }
0x7f: {  	_ =	shalt  }
0x80: {  	_ =	shalt  }
0x81: {  	_ =	shalt  }
0x82: {  	_ =	shalt  }
0x83: {  	_ =	shalt  }
0x84: {  	_ =	shalt  }
0x85: {  	_ =	shalt  }
0x86: {  	_ =	shalt  }
0x87: {  	_ =	shalt  }
.Lfunc_end0:
.L_simem_size_0:
called_computation.2_lowered:
.L_overlay_start_0:
0x88: {  	s2 =	sld [smem:$0x3FD9]  }
0x89: {  	s3 =	sld [smem:$0x3FFE];
	_ =	sdelay $0x1  }
0x8a: {  	s1 =	srdreg.scid  }
0x8b: {  	s0 =	sand.u32 $0x1, s1  }
0x8c: {  	s16 =	sshll.u32 s0, $0xA;
	s2 =	sadd.s32 s3, s2  }
0x8d: {  	s2 =	sadd.s32 s2, s16  }
0x8e: {  	[smem:$0x3FB9] =	sst s2  }
0x8f: {  	_ = 	snop  }
0x90: {  	(tm) =	ssettm $0x1  }
0x91: {  	s17 =	sld [smem:$0x3FFB];
	_ =	sdelay $0x3  }
0x92: {  	_ =	strace s17  }
0x93: {  	s2 =	sld [smem:$0x3FFC];
	_ =	sdelay $0x3  }
0x94: {  	_ =	strace s2  }
0x95: {  	s2 =	sld [smem:$0x3FFD];
	_ =	sdelay $0x3  }
0x96: {  	_ =	strace s2  }
0x97: {  	_ =	strace $0x8FFFFFFF  }
0x98: {  	s18 =	sld [smem:$0x3FDB];
	_ =	sdelay $0x1  }
0x99: {  	s19 =	simm.s32 $_scs_section_size  }
0x9a: {  	s4 =	simm.s32 $_size__tile_overlayer_lowered;
	s5 =	simm.s32 $_tile_overlayer_lowered  }
0x9b: {  	s22 =	simm.s32 $0x1BFF;
	s21 =	sshll.u32 s5, $0x1;
	s2 =	sadd.s32 s19, s18  }
0x9c: {  	s6 =	simm.s32 $0x0;
	s20 =	sshll.u32 s4, $0x1;
	s4 =	sadd.s32 s21, s2  }
0x9d: {  	[timem:s6], [sflag:s22] =	dma.local [hbm:s4], s20  }
0x9e: {  	_ =	swait.ge [sflag:s22], s20  }
0x9f: {  	s3 =	ssub.s32 $0x0, s20;
	[sflag:s22] =	ssyncset.done $0x0  }
0xa0: {  	[sflag:s22] =	ssyncadd.s32 s3;
	_ =	sdelay $0x1  }
0xa1: {  	s23 =	simm.s32 $0x1B8B  }
0xa2: {  	_ =	swait.ge [sflag:s23], $0x1  }
0xa3: {  	[sflag:s23] =	ssyncset.done $0x0  }
0xa4: {  	s25 =	simm.s32 $0x1B8E;
	s24 =	sld [smem:$0x3FFE];
	[sflag:s23] =	ssyncadd.s32 $0xFFFFFFFF  }
0xa5: {  	s26 =	simm.s32 $execute0_lowered;
	[smem:$0x3FD2] =	sst s25  }
0xa6: {  	s4 =	sshll.u32 s26, $0x1;
	_ =	strace $0x8000004C;
	[dreg:$0x1] =	wrdreg $0xFFFFFFFF  }
0xa7: {  	s28 =	simm.s32 $_size_execute0_lowered;
	s2 =	sadd.s32 s2, s4;
	[dreg:$0x0] =	wrdreg $0x0  }
0xa8: {  	s4 =	sshll.u32 s28, $0x1;
	[dreg:$0x2] =	wrdreg s2  }
0xa9: {  	[dreg:$0x3] =	wrdreg s4  }
0xaa: {  	[dreg:$0x4] =	wrdreg $0xC0  }
0xab: {  	_ =	task [dreg:s6], $0x5FFFF  }
0xac: {  	[dreg:$0x1] =	wrdreg $0xFFFFFFFF  }
0xad: {  	[dreg:$0x0] =	wrdreg $0x60  }
0xae: {  	[dreg:$0x2] =	wrdreg s24  }
0xaf: {  	[dreg:$0x3] =	wrdreg $0xC6200  }
0xb0: {  	[dreg:$0x4] =	wrdreg $0x9  }
0xb1: {  	_ =	task.clear_ibuf [dreg:s6], $0x5FFFF;
	_ =	strace $0x9000004C  }
0xb2: {  	s29 =	simm.s32 $0x9;
	_ =	strace $0x8000004E  }
0xb3: {  	_ =	swait.ge [sflag:s29], $0x1  }
0xb4: {  	[sflag:s29] =	ssyncadd.s32 $0xFFFFFFFF  }
0xb5: {  	_ =	strace $0x9000004E  }
0xb6: {  	_ =	sfence  }
0xb7: {  	s30 =	sld [smem:$0x0];
	_ =	sdelay $0x2  }
0xb8: {  	s31 =	sshll.u32 s1, $0xD;
	s1 =	sshrl.u32 s1, $0x2  }
0xb9: {  	s3 =	sand.u32 $0x4000, s31;
	s1 =	sadd.s32 s1, s30  }
0xba: {  	s0 =	sor.u32 s3, s0;
	s1 =	sshll.u32 s1, $0x11  }
0xbb: {  	s0 =	sor.u32 s1, s0  }
0xbc: {  	s0 =	sadd.s32 $0x8F2B, s0  }
0xbd: {  	[sflag:s0] =	ssyncadd.remote.s32 $0x1  }
0xbe: {  	_ =	sfence.sel $0xFFFF  }
0xbf: {  	[dreg:$0x0] =	wrdreg $0xFFFFFFFF;
	(pc) =	sbr.abs _section_cstart, $3  }
0xc0: {  	[dreg:$0x1] =	wrdreg $0xFFFFFFFF  }
0xc1: {  	_ =	task.clear_ibuf [dreg:s6], $0x2FFFF;
	_ =	strace $0x9FFFFFFF  }
0xc2: {  	(tm) =	ssettm $0x7FFFFFFF  }
0xc3: {  	_ =	shalt  }
tec
execute0_lowered:
.L_overlay_start_1:
0x0: {  	(tag) =	ssettag $0x1  }
0x1: {  	s0 =	srdreg.scid  }
0x2: {  	s15 =	stileid.u32;
	s1 =	rddreg [dreg:$0x0]  }
0x3: {  	s2 =	rddreg [dreg:$0x1];
	s17 =	simm.s32 $0x50;
	s18 =	simm.s32 $0x4E20  }
0x4: {  	s19 =	simm.s32 $0x7620;
	s20 =	simm.s32 $0x7;
	s21 =	simm.s32 $0x3  }
0x5: {  	s22 =	simm.s32 $0x9E20;
	s23 =	simm.s32 $0x5;
	s24 =	simm.s32 $0x4  }
0x6: {  	s25 =	simm.s32 $0x6;
	s26 =	simm.s32 $0x2;
	s28 =	simm.s32 $0x1  }
0x7: {  	s29 =	simm.s32 $0x0;
	s0 =	sand.u32 $0x1, s0;
	s3 =	sshll.u32 s15, $0x1  }
0x8: {  	s8 =	smul.u32 $0x13800, s15;
	s6 =	sshll.u32 s15, $0x6;
	s14 =	sadd.s32 $0x138000, s2  }
0x9: {  	p0 =	sne.s32 s15, $0xF;
	s15 =	simm.s32 $0x8;
	s4 =	sor.u32 s0, s3  }
0xa: {  	s3 =	simm.s32 $0x0;
	s7 =	ssub.s32 $0x2, s0;
	s0 =	smul.u32 $0x138800, s0  }
0xb: {  	s14 =	sshrl.u32 @!p0 s14, $0x3;
	s4 =	smul.u32 $0x2710, s4;
	[smem:$0x7FF] =	sst s3  }
0xc: {  	s10 =	sshrl.u32 s7, $0x1;
	s13 =	sadd.s32 s8, s2;
	_ =	strace $0x8000004D  }
0xd: {  	s12 =	ssub.s32 s7, s10;
	s7 =	sor.u32 $0x1C07, s6;
	s31 =	sadd.s32 s8, s0  }
.Ltmp0:
0xe: {  	s0 =	sshrl.u32 s0, $0x3;
	s13 =	sshrl.u32 s13, $0x3;
	(pc) =	sbr.rel .LBB2_1-.Ltmp0, $4  }
0xf: {  	s5 =	sshrl.u32 s4, $0x3;
	s4 =	sadd.s32 $0x67A00, s1;
	s10 =	sshrl.u32 s31, $0x3  }
0x10: {  	s9 =	sadd.s32 s5, s1;
	s5 =	sadd.s32 $0x8EC00, s1;
	s1 =	sadd.s32 $0xB8600, s1  }
0x11: {  	s12 =	smax.u32 s12, $0x1;
	s8 =	sadd.s32 $0x5E00, s9;
	s0 =	sadd.s32 s1, s0  }
0x12: {  	s9 =	sadd.s32 $0xFA40, s9;
	s10 =	sadd.s32 s1, s10;
	s11 =	sadd.s32 $0x27000, s0  }
.LBB2_8:
0x13: {  	_ =	swait.ge [sflag:s23], $0x2800  }
0x14: {  	[sflag:s23] =	ssyncset.done $0x0  }
0x15: {  	[sflag:s23] =	ssyncadd.s32 $0xFFFFD800  }
0x16: {  	_ =	swait.ge [sflag:s24], $0x2800  }
0x17: {  	[sflag:s24] =	ssyncset.done $0x0  }
0x18: {  	[sflag:s24] =	ssyncadd.s32 $0xFFFFD800  }
0x19: {  	_ =	swait.ge [sflag:s25], $0x2800  }
0x1a: {  	[sflag:s25] =	ssyncset.done $0x0  }
0x1b: {  	[sflag:s25] =	ssyncadd.s32 $0xFFFFD800  }
0x1c: {  	s0 =	sor.u32 $0x1C08, s6;
	[bflag:$0x0] =	sbarrier.arrive $0xFFFF  }
0x1d: {  	[hbm:s10], [sflag:s0] =	dma.local [spmem:s13], $0x2700  }
0x1e: {  	_ =	swait.ge [sflag:s15], $0x2700  }
0x1f: {  	s29 =	sadd.s32 $0x1, s29;
	[sflag:s15] =	ssyncset.done $0x0  }
0x20: {  	p1 =	sne.s32 s29, s12;
	[sflag:s15] =	ssyncadd.s32 $0xFFFFD900  }
0x21: {  	[hbm:s11], [sflag:s0] =	dma.local @!p0 [spmem:s14], $0x100  }
.Ltmp1:
0x22: {  	_ = 	snop;
	(pc) =	sbr.rel @!p1 .LBB2_9-.Ltmp1, $4  }
0x23: {  	s0 =	simm.s32 @!p0 $0x8  }
0x24: {  	_ =	swait.ge @!p0 [sflag:s0], $0x100  }
0x25: {  	[sflag:s0] =	ssyncset.done @!p0 $0x0  }
0x26: {  	[sflag:s0] =	ssyncadd.s32 @!p0 $0xFFFFFF00  }
.LBB2_1:
0x27: {  	[spmem:s13], [sflag:s7] =	dma.local [hbm:s5], $0x2700  }
0x28: {  	[spmem:s14], [sflag:s7] =	dma.local @!p0 [hbm:s5], $0x100  }
0x29: {  	[tilespmem:s3], [sflag:$0x8] =	stream.linear.gather [hbm4b:s8+s3], $0x2710, $0x38;
	[tilespmem:$0x1FEA0] =	vst v63  }
0x2a: {  	_ =	swait.ge [sflag:s15], $0x2710  }
0x2b: {  	[sflag:s15] =	ssyncset.done $0x0  }
0x2c: {  	s0 =	simm.s32 $0x2710;
	[sflag:s15] =	ssyncadd.s32 $0xFFFFD8F0  }
0x2d: {  	[tilespmem:s0], [sflag:$0x8] =	stream.linear.gather [hbm4b:s9+s3], $0x2710, $0x38;
	[tilespmem:$0x1FEA0] =	vst v63  }
0x2e: {  	_ =	swait.ge [sflag:s15], $0x2710  }
0x2f: {  	[sflag:s15] =	ssyncset.done $0x0  }
0x30: {  	[sflag:s15] =	ssyncadd.s32 $0xFFFFD8F0  }
0x31: {  	[tilespmem:s18], [sflag:$0x1] =	stream.indirect.gather [hbm4b:s4+s17], $0x80, s3, s17, $0xb8;
	[tilespmem:$0x1FEA0] =	vst v63  }
0x32: {  	_ = 	snop  }
0x33: {  	[tilespmem:s19], [sflag:$0x2] =	stream.indirect.gather [hbm4b:s4+s17], $0x80, s17, s17, $0xb8;
	[tilespmem:$0x1FEA0] =	vst v63  }
0x34: {  	_ =	swait.ge [sflag:s20], $0x2700  }
0x35: {  	[sflag:s20] =	ssyncset.done $0x0  }
0x36: {  	s0 =	simm.s32 @!p0 $0x7;
	[sflag:s20] =	ssyncadd.s32 $0xFFFFD900  }
.Ltmp2:
0x37: {  	_ =	swait.ge @!p0 [sflag:s0], $0x100;
	(pc) =	sbr.rel .LBB2_2-.Ltmp2, $4  }
0x38: {  	[sflag:s0] =	ssyncset.done @!p0 $0x0  }
0x39: {  	[sflag:s0] =	ssyncadd.s32 @!p0 $0xFFFFFF00  }
0x3a: {  	[bflag:$0x0] =	sbarrier.arrive $0xFFFF  }
0x3b: {  	s30 =	simm.s32 $0xA0;
	s31 =	simm.s32 $0x2710;
	s1 =	simm.s32 $0x0  }
.LBB2_6:
0x3c: {  	_ =	swait.ge [sflag:s21], $0x2800  }
0x3d: {  	p1 =	sgt.u32 s1, $0x7A;
	[sflag:s21] =	ssyncset.done $0x0  }
0x3e: {  	s0 =	simm.s32 @!p1 $0x5;
	[sflag:s21] =	ssyncadd.s32 $0xFFFFD800  }
0x3f: {  	[spmem:s2] =	stream.indirect.scatter.add.f32 [tilespmem:s22], [sflag:$0x6], $0x80, s31, s17, $0xb8;
	[tilespmem:$0x1FEA0] =	vst v63  }
0x40: {  	_ =	swait.ge @!p1 [sflag:s0], $0x2800  }
0x41: {  	[sflag:s0] =	ssyncset.done @!p1 $0x0  }
0x42: {  	s16 =	simm.s32 @!p1 $0x7620;
	[sflag:s0] =	ssyncadd.s32 @!p1 $0xFFFFD800;
	s0 =	simm.s32 @!p1 $0x50  }
0x43: {  	[tilespmem:s16], [sflag:$0x2] =	stream.indirect.gather @!p1 [hbm4b:s4+s0], $0x80, s30, s0, $0xb8;
	[tilespmem:$0x1FEA0] =	vst v63  }
.LBB2_7:
0x44: {  	s1 =	sadd.s32 $0x1, s1  }
0x45: {  	p1 =	sne.s32 s1, $0x7D  }
.Ltmp3:
0x46: {  	_ = 	snop;
	(pc) =	sbr.rel @!p1 .LBB2_8-.Ltmp3, $2  }
0x47: {  	_ =	sdelay $0x2  }
0x48: {  	s30 =	sadd.s32 $0x50, s30;
	s31 =	sadd.s32 $0x50, s31  }
.LBB2_2:
0x49: {  	s0 =	smul.u32 $0xAB, s1;
	_ =	sdelay $0x1  }
0x4a: {  	s0 =	sshrl.u32 s0, $0x9  }
0x4b: {  	s0 =	sand.u32 $0x7F, s0  }
0x4c: {  	s0 =	smul.u32 $0x3, s0;
	_ =	sdelay $0x1  }
0x4d: {  	s0 =	ssub.s32 s1, s0  }
0x4e: {  	s0 =	sand.u32 $0xFF, s0  }
0x4f: {  	p1 =	seq.s32 s0, $0x2  }
.Ltmp4:
0x50: {  	_ = 	snop;
	(pc) =	sbr.rel @p1 .LBB2_6-.Ltmp4, $1  }
0x51: {  	_ =	sdelay $0x3  }
0x52: {  	p1 =	seq.s32 s0, $0x1  }
.Ltmp5:
0x53: {  	_ = 	snop;
	(pc) =	sbr.rel @!p1 .LBB2_4-.Ltmp5, $1  }
0x54: {  	_ =	sdelay $0x3  }
0x55: {  	_ =	swait.ge [sflag:s26], $0x2800  }
0x56: {  	[sflag:s26] =	ssyncset.done $0x0  }
0x57: {  	p1 =	sgt.u32 s1, $0x7A;
	[sflag:s26] =	ssyncadd.s32 $0xFFFFD800  }
0x58: {  	[spmem:s2] =	stream.indirect.scatter.add.f32 [tilespmem:s19], [sflag:$0x5], $0x80, s31, s17, $0xb8;
	[tilespmem:$0x1FEA0] =	vst v63  }
.Ltmp6:
0x59: {  	s0 =	simm.s32 @!p1 $0x4;
	(pc) =	sbr.rel .LBB2_7-.Ltmp6, $4  }
0x5a: {  	_ =	swait.ge @!p1 [sflag:s0], $0x2800  }
0x5b: {  	[sflag:s0] =	ssyncset.done @!p1 $0x0  }
0x5c: {  	s16 =	simm.s32 @!p1 $0x4E20;
	[sflag:s0] =	ssyncadd.s32 @!p1 $0xFFFFD800;
	s0 =	simm.s32 @!p1 $0x50  }
0x5d: {  	[tilespmem:s16], [sflag:$0x1] =	stream.indirect.gather @!p1 [hbm4b:s4+s0], $0x80, s30, s0, $0xb8;
	[tilespmem:$0x1FEA0] =	vst v63  }
.LBB2_4:
0x5e: {  	_ =	swait.ge [sflag:s28], $0x2800;
	p1 =	sgt.u32 s1, $0x7A  }
0x5f: {  	[sflag:s28] =	ssyncset.done $0x0;
	p2 =	seq.s32 @!p1 s1, $0x0  }
0x60: {  	[sflag:s28] =	ssyncadd.s32 $0xFFFFD800;
	p2 =	por p2, p1  }
0x61: {  	[spmem:s2] =	stream.indirect.scatter.add.f32 [tilespmem:s18], [sflag:$0x4], $0x80, s31, s17, $0xb8;
	[tilespmem:$0x1FEA0] =	vst v63  }
.Ltmp7:
0x62: {  	s0 =	simm.s32 @!p2 $0x6;
	(pc) =	sbr.rel .LBB2_7-.Ltmp7, $4  }
0x63: {  	_ =	swait.ge @!p2 [sflag:s0], $0x2800  }
0x64: {  	[sflag:s0] =	ssyncset.done @!p2 $0x0  }
0x65: {  	s16 =	simm.s32 @!p1 $0x9E20;
	[sflag:s0] =	ssyncadd.s32 @!p2 $0xFFFFD800;
	s0 =	simm.s32 @!p1 $0x50  }
0x66: {  	[tilespmem:s16], [sflag:$0x3] =	stream.indirect.gather @!p1 [hbm4b:s4+s0], $0x80, s30, s0, $0xb8;
	[tilespmem:$0x1FEA0] =	vst v63  }
.LBB2_9:
0x67: {  	_ =	sfence.sel $0x180000  }
0x68: {  	[bflag:$0x0] =	sbarrier.arrive $0xFFFF  }
0x69: {  	_ =	strace $0x9000004D  }
0x6a: {  	s0 =	stileid.u32;
	[bflag:$0x2] =	sbarrier.arrive $0xFFFF  }
0x6b: {  	p0 =	sne.s32 s0, $0x0;
	s0 =	rddreg [dreg:$0x2]  }
0x6c: {  	s0 =	sadd.s32 @!p0 $0x100000, s0  }
0x6d: {  	[sflag:s0] =	ssyncadd.tile.s32 @!p0 $0x1;
	_ =	shalt  }
.Lfunc_end2:
_tile_overlayer_lowered:
.L_overlay_start_2:
0x6e: {  	(tag) =	ssettag $0x2  }
0x6f: {  	s0 =	rddreg [dreg:$0x0];
	s2 =	stileid.u32  }
0x70: {  	s1 =	rddreg [dreg:$0x1];
	p0 =	sne.s32 s2, $0x0  }
0x71: {  	s3 =	rddreg [dreg:$0x2];
	[bflag:$0x3] =	sbarrier.arrive $0xFFFF;
	s2 =	simm.s32 @!p0 $0x1C08  }
0x72: {  	[timem:s3], [sflag:s2] =	dma.local @!p0 [hbm:s0], s1  }
0x73: {  	s0 =	simm.s32 @!p0 $0x8  }
0x74: {  	_ =	swait.ge @!p0 [sflag:s0], s1  }
0x75: {  	s1 =	ssub.s32 @!p0 $0x0, s1;
	[sflag:s0] =	ssyncset.done @!p0 $0x0  }
0x76: {  	[sflag:s0] =	ssyncadd.s32 @!p0 s1  }
0x77: {  	[bflag:$0x3] =	sbarrier.arrive $0xFFFF  }
0x78: {  	_ =	shalt  }

// kernel: kernel.21.cloned.1.call-start
scs
__scs_entry_jumppad:
0x0: {  	(pc) =	sbr.rel $0x88, $3  }
0x1: {  	(tag) =	ssettag $0x0;
	lr =	simm.s32 $0x1  }
0x2: {  	[smem:$0x3F92] =	sst lr;
	_ =	strace $0xD0000000  }
0x3: {  	_ = 	snop  }
0x4: {  	_ = 	snop  }
0x5: {  	_ = 	snop  }
0x6: {  	_ = 	snop  }
0x7: {  	_ = 	snop  }
__scs_overlays_trampoline_lowered:
0x8: {  	[smem:$0x3FA1] =	sst s0  }
0x9: {  	[smem:$0x3FA2] =	sst s1  }
0xa: {  	[smem:$0x3FA3] =	sst s2  }
0xb: {  	[smem:$0x3FA4] =	sst s3  }
0xc: {  	[smem:$0x3FA5] =	sst s4  }
0xd: {  	[smem:$0x3FA6] =	sst s5  }
0xe: {  	[smem:$0x3FA7] =	sst s6  }
0xf: {  	[smem:$0x3FA8] =	sst s7  }
0x10: {  	[smem:$0x3FA9] =	sst s8  }
0x11: {  	[smem:$0x3FAA] =	sst s9;
	s0 =	simm.s32 @!p0 $0x0  }
0x12: {  	s1 =	sld [smem:$0x3F90];
	s0 =	simm.s32 @p0 $0x1  }
0x13: {  	[smem:$0x3FAB] =	sst s0;
	s0 =	simm.s32 @!p1 $0x0  }
0x14: {  	s2 =	sld [smem:$0x3F8F];
	s0 =	simm.s32 @p1 $0x1  }
0x15: {  	[smem:$0x3FAC] =	sst s0;
	s0 =	simm.s32 @!p2 $0x0  }
0x16: {  	s3 =	sld [smem:$0x3FDB];
	s0 =	simm.s32 @p2 $0x1  }
0x17: {  	s4 =	simm.s32 $0x1BF5;
	[smem:$0x3FAE] =	sst s0  }
0x18: {  	s0 =	sld [smem:$0x3F91];
	_ =	swait.ge [sflag:s4], $0x0  }
0x19: {  	s7 =	sld [smem:$0x3F92]  }
0x1a: {  	s8 =	sadd.s32 $0xFFFFE003, lr  }
0x1b: {  	s9 =	sadd.s32 $0xFFFFFEF7, lr;
	s5 =	simm.s32 $0xFFFFFFFF;
	p2 =	slt.u32 s8, $0xFFFFF086  }
0x1c: {  	p1 =	slt.u32 s9, $0xF7A;
	s5 =	simm.s32 @!p2 $0x0  }
0x1d: {  	s5 =	simm.s32 @p1 $0x1;
	p0 =	seq.s32 s7, s2  }
0x1e: {  	s7 =	smul.u32 @!p0 $0xF7A, s2;
	p2 =	seq.s32 @!p0 s5, $0x0  }
0x1f: {  	s9 =	smul.u32 $0xF7A, s1;
	s8 =	simm.s32 @!p0 $0x1BF5;
	p2 =	por !p2, p0  }
0x20: {  	[sflag:s8] =	ssyncset.s32 @!p0 $0xFFFFF086;
	s6 =	sadd.s32 @!p0 s3, s7;
	s7 =	simm.s32 @!p0 $0x108  }
0x21: {  	s3 =	sadd.s32 s3, s9;
	s6 =	sadd.s32 @!p0 $0x88, s6;
	s7 =	simm.s32 @p2 $0x1082  }
0x22: {  	[simem:s7], [sflag:s8] =	dma.local @!p0 [hbm:s6], $0xF7A  }
0x23: {  	s9 =	sor.u32 $0xD0000000, s2;
	s6 =	simm.s32 $0x108;
	_ =	swait.ge @!p0 [sflag:s8], $0x0  }
0x24: {  	s3 =	sadd.s32 $0x88, s3;
	s6 =	simm.s32 @!p1 $0x1082;
	[sflag:s4] =	ssyncset.s32 $0xFFFFF086  }
0x25: {  	[simem:s6], [sflag:s4] =	dma.local [hbm:s3], $0xF7A  }
0x26: {  	[smem:$0x3F92] =	sst s1;
	(tag) =	ssettag s2;
	_ =	strace s9  }
0x27: {  	s1 =	sld [smem:$0x3FA2]  }
0x28: {  	s2 =	sld [smem:$0x3FA3]  }
0x29: {  	s4 =	sld [smem:$0x3FA5]  }
0x2a: {  	p0 =	seq.s32 s5, $0x0;
	s5 =	sld [smem:$0x3FA6]  }
0x2b: {  	s6 =	sld [smem:$0x3FA7]  }
0x2c: {  	s7 =	sld [smem:$0x3FA8]  }
0x2d: {  	s3 =	simm.s32 $0x108;
	s8 =	sld [smem:$0x3FA9]  }
0x2e: {  	s3 =	simm.s32 @!p0 $0x1082;
	s9 =	sld [smem:$0x3FAA]  }
0x2f: {  	lr =	sadd.s32 s0, s3;
	s0 =	sld [smem:$0x3FA1]  }
0x30: {  	s3 =	sld [smem:$0x3FA4]  }
0x31: {  	[smem:$0x3FAD] =	sst s10  }
0x32: {  	s10 =	sld [smem:$0x3FAB];
	_ =	sdelay $0x3  }
0x33: {  	p0 =	seq.s32 s10, $0x1;
	s10 =	sld [smem:$0x3FAD];
	_ =	sdelay $0x3  }
0x34: {  	[smem:$0x3FAD] =	sst s10  }
0x35: {  	s10 =	sld [smem:$0x3FAC];
	_ =	sdelay $0x3  }
0x36: {  	p1 =	seq.s32 s10, $0x1;
	s10 =	sld [smem:$0x3FAD];
	_ =	sdelay $0x3  }
0x37: {  	[smem:$0x3FAD] =	sst s10  }
0x38: {  	s10 =	sld [smem:$0x3FAE]  }
0x39: {  	_ = 	snop;
	(pc) =	sbr.ind lr, $3  }
0x3a: {  	_ = 	snop  }
0x3b: {  	_ = 	snop  }
0x3c: {  	p2 =	seq.s32 s10, $0x1;
	s10 =	sld [smem:$0x3FAD]  }
0x3d: {  	_ =	shalt  }
0x3e: {  	_ =	shalt  }
0x3f: {  	_ =	shalt  }
0x40: {  	_ =	shalt  }
0x41: {  	_ =	shalt  }
0x42: {  	_ =	shalt  }
0x43: {  	_ =	shalt  }
0x44: {  	_ =	shalt  }
0x45: {  	_ =	shalt  }
0x46: {  	_ =	shalt  }
0x47: {  	_ =	shalt  }
0x48: {  	_ =	shalt  }
0x49: {  	_ =	shalt  }
0x4a: {  	_ =	shalt  }
0x4b: {  	_ =	shalt  }
0x4c: {  	_ =	shalt  }
0x4d: {  	_ =	shalt  }
0x4e: {  	_ =	shalt  }
0x4f: {  	_ =	shalt  }
0x50: {  	_ =	shalt  }
0x51: {  	_ =	shalt  }
0x52: {  	_ =	shalt  }
0x53: {  	_ =	shalt  }
0x54: {  	_ =	shalt  }
0x55: {  	_ =	shalt  }
0x56: {  	_ =	shalt  }
0x57: {  	_ =	shalt  }
0x58: {  	_ =	shalt  }
0x59: {  	_ =	shalt  }
0x5a: {  	_ =	shalt  }
0x5b: {  	_ =	shalt  }
0x5c: {  	_ =	shalt  }
0x5d: {  	_ =	shalt  }
0x5e: {  	_ =	shalt  }
0x5f: {  	_ =	shalt  }
0x60: {  	_ =	shalt  }
0x61: {  	_ =	shalt  }
0x62: {  	_ =	shalt  }
0x63: {  	_ =	shalt  }
0x64: {  	_ =	shalt  }
0x65: {  	_ =	shalt  }
0x66: {  	_ =	shalt  }
0x67: {  	_ =	shalt  }
0x68: {  	_ =	shalt  }
0x69: {  	_ =	shalt  }
0x6a: {  	_ =	shalt  }
0x6b: {  	_ =	shalt  }
0x6c: {  	_ =	shalt  }
0x6d: {  	_ =	shalt  }
0x6e: {  	_ =	shalt  }
0x6f: {  	_ =	shalt  }
0x70: {  	_ =	shalt  }
0x71: {  	_ =	shalt  }
0x72: {  	_ =	shalt  }
0x73: {  	_ =	shalt  }
0x74: {  	_ =	shalt  }
0x75: {  	_ =	shalt  }
0x76: {  	_ =	shalt  }
0x77: {  	_ =	shalt  }
0x78: {  	_ =	shalt  }
0x79: {  	_ =	shalt  }
0x7a: {  	_ =	shalt  }
0x7b: {  	_ =	shalt  }
0x7c: {  	_ =	shalt  }
0x7d: {  	_ =	shalt  }
0x7e: {  	_ =	shalt  }
0x7f: {  	_ =	shalt  }
0x80: {  	_ =	shalt  }
0x81: {  	_ =	shalt  }
0x82: {  	_ =	shalt  }
0x83: {  	_ =	shalt  }
0x84: {  	_ =	shalt  }
0x85: {  	_ =	shalt  }
0x86: {  	_ =	shalt  }
0x87: {  	_ =	shalt  }
.Lfunc_end0:
.L_simem_size_0:
called_computation.3_lowered:
.L_overlay_start_0:
0x88: {  	s2 =	sld [smem:$0x3FD9]  }
0x89: {  	s3 =	sld [smem:$0x3FFE];
	_ =	sdelay $0x1  }
0x8a: {  	s1 =	srdreg.scid  }
0x8b: {  	s0 =	sand.u32 $0x1, s1  }
0x8c: {  	s16 =	sshll.u32 s0, $0xA;
	s2 =	sadd.s32 s3, s2  }
0x8d: {  	s2 =	sadd.s32 s2, s16  }
0x8e: {  	[smem:$0x3FB9] =	sst s2  }
0x8f: {  	_ = 	snop  }
0x90: {  	(tm) =	ssettm $0x1  }
0x91: {  	s17 =	sld [smem:$0x3FFB];
	_ =	sdelay $0x3  }
0x92: {  	_ =	strace s17  }
0x93: {  	s2 =	sld [smem:$0x3FFC];
	_ =	sdelay $0x3  }
0x94: {  	_ =	strace s2  }
0x95: {  	s2 =	sld [smem:$0x3FFD];
	_ =	sdelay $0x3  }
0x96: {  	_ =	strace s2  }
0x97: {  	_ =	strace $0x8FFFFFFF  }
0x98: {  	s18 =	sld [smem:$0x3FDB];
	_ =	sdelay $0x1  }
0x99: {  	s19 =	simm.s32 $_scs_section_size  }
0x9a: {  	s4 =	simm.s32 $_size__tile_overlayer_lowered;
	s5 =	simm.s32 $_tile_overlayer_lowered  }
0x9b: {  	s22 =	simm.s32 $0x1BFF;
	s21 =	sshll.u32 s5, $0x1;
	s2 =	sadd.s32 s19, s18  }
0x9c: {  	s6 =	simm.s32 $0x0;
	s20 =	sshll.u32 s4, $0x1;
	s4 =	sadd.s32 s21, s2  }
0x9d: {  	[timem:s6], [sflag:s22] =	dma.local [hbm:s4], s20  }
0x9e: {  	_ =	swait.ge [sflag:s22], s20  }
0x9f: {  	s3 =	ssub.s32 $0x0, s20;
	[sflag:s22] =	ssyncset.done $0x0  }
0xa0: {  	[sflag:s22] =	ssyncadd.s32 s3;
	_ =	sdelay $0x1  }
0xa1: {  	s23 =	simm.s32 $0x1B8B  }
0xa2: {  	_ =	swait.ge [sflag:s23], $0x1  }
0xa3: {  	[sflag:s23] =	ssyncset.done $0x0  }
0xa4: {  	s25 =	simm.s32 $0x1B8E;
	s24 =	sld [smem:$0x3FFE];
	[sflag:s23] =	ssyncadd.s32 $0xFFFFFFFF  }
0xa5: {  	s26 =	simm.s32 $execute0_lowered;
	[smem:$0x3FD2] =	sst s25  }
0xa6: {  	s4 =	sshll.u32 s26, $0x1;
	_ =	strace $0x8000004F;
	[dreg:$0x1] =	wrdreg $0xFFFFFFFF  }
0xa7: {  	s28 =	simm.s32 $_size_execute0_lowered;
	s2 =	sadd.s32 s2, s4;
	[dreg:$0x0] =	wrdreg $0x0  }
0xa8: {  	s4 =	sshll.u32 s28, $0x1;
	[dreg:$0x2] =	wrdreg s2  }
0xa9: {  	[dreg:$0x3] =	wrdreg s4  }
0xaa: {  	[dreg:$0x4] =	wrdreg $0xC0  }
0xab: {  	_ =	task [dreg:s6], $0x5FFFF  }
0xac: {  	[dreg:$0x1] =	wrdreg $0xFFFFFFFF  }
0xad: {  	[dreg:$0x0] =	wrdreg $0x60  }
0xae: {  	[dreg:$0x2] =	wrdreg s24  }
0xaf: {  	[dreg:$0x3] =	wrdreg $0xC6200  }
0xb0: {  	[dreg:$0x4] =	wrdreg $0x9  }
0xb1: {  	_ =	task.clear_ibuf [dreg:s6], $0x5FFFF;
	_ =	strace $0x9000004F  }
0xb2: {  	s29 =	simm.s32 $0x9;
	_ =	strace $0x80000051  }
0xb3: {  	_ =	swait.ge [sflag:s29], $0x1  }
0xb4: {  	[sflag:s29] =	ssyncadd.s32 $0xFFFFFFFF  }
0xb5: {  	_ =	strace $0x90000051  }
0xb6: {  	_ =	sfence  }
0xb7: {  	s30 =	sld [smem:$0x0];
	_ =	sdelay $0x2  }
0xb8: {  	s31 =	sshll.u32 s1, $0xD;
	s1 =	sshrl.u32 s1, $0x2  }
0xb9: {  	s3 =	sand.u32 $0x4000, s31;
	s1 =	sadd.s32 s1, s30  }
0xba: {  	s0 =	sor.u32 s3, s0;
	s1 =	sshll.u32 s1, $0x11  }
0xbb: {  	s0 =	sor.u32 s1, s0  }
0xbc: {  	s0 =	sadd.s32 $0x8F2B, s0  }
0xbd: {  	[sflag:s0] =	ssyncadd.remote.s32 $0x1  }
0xbe: {  	_ =	sfence.sel $0xFFFF  }
0xbf: {  	[dreg:$0x0] =	wrdreg $0xFFFFFFFF;
	(pc) =	sbr.abs _section_cstart, $3  }
0xc0: {  	[dreg:$0x1] =	wrdreg $0xFFFFFFFF  }
0xc1: {  	_ =	task.clear_ibuf [dreg:s6], $0x2FFFF;
	_ =	strace $0x9FFFFFFF  }
0xc2: {  	(tm) =	ssettm $0x7FFFFFFF  }
0xc3: {  	_ =	shalt  }
tec
execute0_lowered:
.L_overlay_start_1:
0x0: {  	(tag) =	ssettag $0x1  }
0x1: {  	s0 =	srdreg.scid  }
0x2: {  	s15 =	stileid.u32;
	s1 =	rddreg [dreg:$0x0]  }
0x3: {  	s2 =	rddreg [dreg:$0x1];
	s17 =	simm.s32 $0x50;
	s18 =	simm.s32 $0x4E20  }
0x4: {  	s19 =	simm.s32 $0x7620;
	s20 =	simm.s32 $0x7;
	s21 =	simm.s32 $0x3  }
0x5: {  	s22 =	simm.s32 $0x9E20;
	s23 =	simm.s32 $0x5;
	s24 =	simm.s32 $0x4  }
0x6: {  	s25 =	simm.s32 $0x6;
	s26 =	simm.s32 $0x2;
	s28 =	simm.s32 $0x1  }
0x7: {  	s29 =	simm.s32 $0x0;
	s0 =	sand.u32 $0x1, s0;
	s3 =	sshll.u32 s15, $0x1  }
0x8: {  	s8 =	smul.u32 $0x13800, s15;
	s6 =	sshll.u32 s15, $0x6;
	s14 =	sadd.s32 $0x138000, s2  }
0x9: {  	p0 =	sne.s32 s15, $0xF;
	s15 =	simm.s32 $0x8;
	s4 =	sor.u32 s0, s3  }
0xa: {  	s3 =	simm.s32 $0x0;
	s7 =	ssub.s32 $0x2, s0;
	s0 =	smul.u32 $0x138800, s0  }
0xb: {  	s14 =	sshrl.u32 @!p0 s14, $0x3;
	s4 =	smul.u32 $0x2710, s4;
	[smem:$0x7FF] =	sst s3  }
0xc: {  	s10 =	sshrl.u32 s7, $0x1;
	s13 =	sadd.s32 s8, s2;
	_ =	strace $0x80000050  }
0xd: {  	s12 =	ssub.s32 s7, s10;
	s7 =	sor.u32 $0x1C07, s6;
	s31 =	sadd.s32 s8, s0  }
.Ltmp0:
0xe: {  	s0 =	sshrl.u32 s0, $0x3;
	s13 =	sshrl.u32 s13, $0x3;
	(pc) =	sbr.rel .LBB2_1-.Ltmp0, $4  }
0xf: {  	s5 =	sshrl.u32 s4, $0x3;
	s4 =	sadd.s32 $0x67A00, s1;
	s10 =	sshrl.u32 s31, $0x3  }
0x10: {  	s9 =	sadd.s32 s5, s1;
	s5 =	sadd.s32 $0x8EC00, s1;
	s1 =	sadd.s32 $0xDF800, s1  }
0x11: {  	s12 =	smax.u32 s12, $0x1;
	s8 =	sadd.s32 $0x5E00, s9;
	s0 =	sadd.s32 s1, s0  }
0x12: {  	s9 =	sadd.s32 $0xFA40, s9;
	s10 =	sadd.s32 s1, s10;
	s11 =	sadd.s32 $0x27000, s0  }
.LBB2_8:
0x13: {  	_ =	swait.ge [sflag:s23], $0x2800  }
0x14: {  	[sflag:s23] =	ssyncset.done $0x0  }
0x15: {  	[sflag:s23] =	ssyncadd.s32 $0xFFFFD800  }
0x16: {  	_ =	swait.ge [sflag:s24], $0x2800  }
0x17: {  	[sflag:s24] =	ssyncset.done $0x0  }
0x18: {  	[sflag:s24] =	ssyncadd.s32 $0xFFFFD800  }
0x19: {  	_ =	swait.ge [sflag:s25], $0x2800  }
0x1a: {  	[sflag:s25] =	ssyncset.done $0x0  }
0x1b: {  	[sflag:s25] =	ssyncadd.s32 $0xFFFFD800  }
0x1c: {  	s0 =	sor.u32 $0x1C08, s6;
	[bflag:$0x0] =	sbarrier.arrive $0xFFFF  }
0x1d: {  	[hbm:s10], [sflag:s0] =	dma.local [spmem:s13], $0x2700  }
0x1e: {  	_ =	swait.ge [sflag:s15], $0x2700  }
0x1f: {  	s29 =	sadd.s32 $0x1, s29;
	[sflag:s15] =	ssyncset.done $0x0  }
0x20: {  	p1 =	sne.s32 s29, s12;
	[sflag:s15] =	ssyncadd.s32 $0xFFFFD900  }
0x21: {  	[hbm:s11], [sflag:s0] =	dma.local @!p0 [spmem:s14], $0x100  }
.Ltmp1:
0x22: {  	_ = 	snop;
	(pc) =	sbr.rel @!p1 .LBB2_9-.Ltmp1, $4  }
0x23: {  	s0 =	simm.s32 @!p0 $0x8  }
0x24: {  	_ =	swait.ge @!p0 [sflag:s0], $0x100  }
0x25: {  	[sflag:s0] =	ssyncset.done @!p0 $0x0  }
0x26: {  	[sflag:s0] =	ssyncadd.s32 @!p0 $0xFFFFFF00  }
.LBB2_1:
0x27: {  	[spmem:s13], [sflag:s7] =	dma.local [hbm:s5], $0x2700  }
0x28: {  	[spmem:s14], [sflag:s7] =	dma.local @!p0 [hbm:s5], $0x100  }
0x29: {  	[tilespmem:s3], [sflag:$0x8] =	stream.linear.gather [hbm4b:s8+s3], $0x2710, $0x38;
	[tilespmem:$0x1FEA0] =	vst v63  }
0x2a: {  	_ =	swait.ge [sflag:s15], $0x2710  }
0x2b: {  	[sflag:s15] =	ssyncset.done $0x0  }
0x2c: {  	s0 =	simm.s32 $0x2710;
	[sflag:s15] =	ssyncadd.s32 $0xFFFFD8F0  }
0x2d: {  	[tilespmem:s0], [sflag:$0x8] =	stream.linear.gather [hbm4b:s9+s3], $0x2710, $0x38;
	[tilespmem:$0x1FEA0] =	vst v63  }
0x2e: {  	_ =	swait.ge [sflag:s15], $0x2710  }
0x2f: {  	[sflag:s15] =	ssyncset.done $0x0  }
0x30: {  	[sflag:s15] =	ssyncadd.s32 $0xFFFFD8F0  }
0x31: {  	[tilespmem:s18], [sflag:$0x1] =	stream.indirect.gather [hbm4b:s4+s17], $0x80, s3, s17, $0xb8;
	[tilespmem:$0x1FEA0] =	vst v63  }
0x32: {  	_ = 	snop  }
0x33: {  	[tilespmem:s19], [sflag:$0x2] =	stream.indirect.gather [hbm4b:s4+s17], $0x80, s17, s17, $0xb8;
	[tilespmem:$0x1FEA0] =	vst v63  }
0x34: {  	_ =	swait.ge [sflag:s20], $0x2700  }
0x35: {  	[sflag:s20] =	ssyncset.done $0x0  }
0x36: {  	s0 =	simm.s32 @!p0 $0x7;
	[sflag:s20] =	ssyncadd.s32 $0xFFFFD900  }
.Ltmp2:
0x37: {  	_ =	swait.ge @!p0 [sflag:s0], $0x100;
	(pc) =	sbr.rel .LBB2_2-.Ltmp2, $4  }
0x38: {  	[sflag:s0] =	ssyncset.done @!p0 $0x0  }
0x39: {  	[sflag:s0] =	ssyncadd.s32 @!p0 $0xFFFFFF00  }
0x3a: {  	[bflag:$0x0] =	sbarrier.arrive $0xFFFF  }
0x3b: {  	s30 =	simm.s32 $0xA0;
	s31 =	simm.s32 $0x2710;
	s1 =	simm.s32 $0x0  }
.LBB2_6:
0x3c: {  	_ =	swait.ge [sflag:s21], $0x2800  }
0x3d: {  	p1 =	sgt.u32 s1, $0x7A;
	[sflag:s21] =	ssyncset.done $0x0  }
0x3e: {  	s0 =	simm.s32 @!p1 $0x5;
	[sflag:s21] =	ssyncadd.s32 $0xFFFFD800  }
0x3f: {  	[spmem:s2] =	stream.indirect.scatter.add.f32 [tilespmem:s22], [sflag:$0x6], $0x80, s31, s17, $0xb8;
	[tilespmem:$0x1FEA0] =	vst v63  }
0x40: {  	_ =	swait.ge @!p1 [sflag:s0], $0x2800  }
0x41: {  	[sflag:s0] =	ssyncset.done @!p1 $0x0  }
0x42: {  	s16 =	simm.s32 @!p1 $0x7620;
	[sflag:s0] =	ssyncadd.s32 @!p1 $0xFFFFD800;
	s0 =	simm.s32 @!p1 $0x50  }
0x43: {  	[tilespmem:s16], [sflag:$0x2] =	stream.indirect.gather @!p1 [hbm4b:s4+s0], $0x80, s30, s0, $0xb8;
	[tilespmem:$0x1FEA0] =	vst v63  }
.LBB2_7:
0x44: {  	s1 =	sadd.s32 $0x1, s1  }
0x45: {  	p1 =	sne.s32 s1, $0x7D  }
.Ltmp3:
0x46: {  	_ = 	snop;
	(pc) =	sbr.rel @!p1 .LBB2_8-.Ltmp3, $2  }
0x47: {  	_ =	sdelay $0x2  }
0x48: {  	s30 =	sadd.s32 $0x50, s30;
	s31 =	sadd.s32 $0x50, s31  }
.LBB2_2:
0x49: {  	s0 =	smul.u32 $0xAB, s1;
	_ =	sdelay $0x1  }
0x4a: {  	s0 =	sshrl.u32 s0, $0x9  }
0x4b: {  	s0 =	sand.u32 $0x7F, s0  }
0x4c: {  	s0 =	smul.u32 $0x3, s0;
	_ =	sdelay $0x1  }
0x4d: {  	s0 =	ssub.s32 s1, s0  }
0x4e: {  	s0 =	sand.u32 $0xFF, s0  }
0x4f: {  	p1 =	seq.s32 s0, $0x2  }
.Ltmp4:
0x50: {  	_ = 	snop;
	(pc) =	sbr.rel @p1 .LBB2_6-.Ltmp4, $1  }
0x51: {  	_ =	sdelay $0x3  }
0x52: {  	p1 =	seq.s32 s0, $0x1  }
.Ltmp5:
0x53: {  	_ = 	snop;
	(pc) =	sbr.rel @!p1 .LBB2_4-.Ltmp5, $1  }
0x54: {  	_ =	sdelay $0x3  }
0x55: {  	_ =	swait.ge [sflag:s26], $0x2800  }
0x56: {  	[sflag:s26] =	ssyncset.done $0x0  }
0x57: {  	p1 =	sgt.u32 s1, $0x7A;
	[sflag:s26] =	ssyncadd.s32 $0xFFFFD800  }
0x58: {  	[spmem:s2] =	stream.indirect.scatter.add.f32 [tilespmem:s19], [sflag:$0x5], $0x80, s31, s17, $0xb8;
	[tilespmem:$0x1FEA0] =	vst v63  }
.Ltmp6:
0x59: {  	s0 =	simm.s32 @!p1 $0x4;
	(pc) =	sbr.rel .LBB2_7-.Ltmp6, $4  }
0x5a: {  	_ =	swait.ge @!p1 [sflag:s0], $0x2800  }
0x5b: {  	[sflag:s0] =	ssyncset.done @!p1 $0x0  }
0x5c: {  	s16 =	simm.s32 @!p1 $0x4E20;
	[sflag:s0] =	ssyncadd.s32 @!p1 $0xFFFFD800;
	s0 =	simm.s32 @!p1 $0x50  }
0x5d: {  	[tilespmem:s16], [sflag:$0x1] =	stream.indirect.gather @!p1 [hbm4b:s4+s0], $0x80, s30, s0, $0xb8;
	[tilespmem:$0x1FEA0] =	vst v63  }
.LBB2_4:
0x5e: {  	_ =	swait.ge [sflag:s28], $0x2800;
	p1 =	sgt.u32 s1, $0x7A  }
0x5f: {  	[sflag:s28] =	ssyncset.done $0x0;
	p2 =	seq.s32 @!p1 s1, $0x0  }
0x60: {  	[sflag:s28] =	ssyncadd.s32 $0xFFFFD800;
	p2 =	por p2, p1  }
0x61: {  	[spmem:s2] =	stream.indirect.scatter.add.f32 [tilespmem:s18], [sflag:$0x4], $0x80, s31, s17, $0xb8;
	[tilespmem:$0x1FEA0] =	vst v63  }
.Ltmp7:
0x62: {  	s0 =	simm.s32 @!p2 $0x6;
	(pc) =	sbr.rel .LBB2_7-.Ltmp7, $4  }
0x63: {  	_ =	swait.ge @!p2 [sflag:s0], $0x2800  }
0x64: {  	[sflag:s0] =	ssyncset.done @!p2 $0x0  }
0x65: {  	s16 =	simm.s32 @!p1 $0x9E20;
	[sflag:s0] =	ssyncadd.s32 @!p2 $0xFFFFD800;
	s0 =	simm.s32 @!p1 $0x50  }
0x66: {  	[tilespmem:s16], [sflag:$0x3] =	stream.indirect.gather @!p1 [hbm4b:s4+s0], $0x80, s30, s0, $0xb8;
	[tilespmem:$0x1FEA0] =	vst v63  }
.LBB2_9:
0x67: {  	_ =	sfence.sel $0x180000  }
0x68: {  	[bflag:$0x0] =	sbarrier.arrive $0xFFFF  }
0x69: {  	_ =	strace $0x90000050  }
0x6a: {  	s0 =	stileid.u32;
	[bflag:$0x2] =	sbarrier.arrive $0xFFFF  }
0x6b: {  	p0 =	sne.s32 s0, $0x0;
	s0 =	rddreg [dreg:$0x2]  }
0x6c: {  	s0 =	sadd.s32 @!p0 $0x100000, s0  }
0x6d: {  	[sflag:s0] =	ssyncadd.tile.s32 @!p0 $0x1;
	_ =	shalt  }
.Lfunc_end2:
_tile_overlayer_lowered:
.L_overlay_start_2:
0x6e: {  	(tag) =	ssettag $0x2  }
0x6f: {  	s0 =	rddreg [dreg:$0x0];
	s2 =	stileid.u32  }
0x70: {  	s1 =	rddreg [dreg:$0x1];
	p0 =	sne.s32 s2, $0x0  }
0x71: {  	s3 =	rddreg [dreg:$0x2];
	[bflag:$0x3] =	sbarrier.arrive $0xFFFF;
	s2 =	simm.s32 @!p0 $0x1C08  }
0x72: {  	[timem:s3], [sflag:s2] =	dma.local @!p0 [hbm:s0], s1  }
0x73: {  	s0 =	simm.s32 @!p0 $0x8  }
0x74: {  	_ =	swait.ge @!p0 [sflag:s0], s1  }
0x75: {  	s1 =	ssub.s32 @!p0 $0x0, s1;
	[sflag:s0] =	ssyncset.done @!p0 $0x0  }
0x76: {  	[sflag:s0] =	ssyncadd.s32 @!p0 s1  }
0x77: {  	[bflag:$0x3] =	sbarrier.arrive $0xFFFF  }
0x78: {  	_ =	shalt  }

// kernel: kernel.24.cloned.1.call-start
scs
__scs_entry_jumppad:
0x0: {  	(pc) =	sbr.rel $0x88, $3  }
0x1: {  	(tag) =	ssettag $0x0;
	lr =	simm.s32 $0x1  }
0x2: {  	[smem:$0x3F92] =	sst lr;
	_ =	strace $0xD0000000  }
0x3: {  	_ = 	snop  }
0x4: {  	_ = 	snop  }
0x5: {  	_ = 	snop  }
0x6: {  	_ = 	snop  }
0x7: {  	_ = 	snop  }
__scs_overlays_trampoline_lowered:
0x8: {  	[smem:$0x3FA1] =	sst s0  }
0x9: {  	[smem:$0x3FA2] =	sst s1  }
0xa: {  	[smem:$0x3FA3] =	sst s2  }
0xb: {  	[smem:$0x3FA4] =	sst s3  }
0xc: {  	[smem:$0x3FA5] =	sst s4  }
0xd: {  	[smem:$0x3FA6] =	sst s5  }
0xe: {  	[smem:$0x3FA7] =	sst s6  }
0xf: {  	[smem:$0x3FA8] =	sst s7  }
0x10: {  	[smem:$0x3FA9] =	sst s8  }
0x11: {  	[smem:$0x3FAA] =	sst s9;
	s0 =	simm.s32 @!p0 $0x0  }
0x12: {  	s1 =	sld [smem:$0x3F90];
	s0 =	simm.s32 @p0 $0x1  }
0x13: {  	[smem:$0x3FAB] =	sst s0;
	s0 =	simm.s32 @!p1 $0x0  }
0x14: {  	s2 =	sld [smem:$0x3F8F];
	s0 =	simm.s32 @p1 $0x1  }
0x15: {  	[smem:$0x3FAC] =	sst s0;
	s0 =	simm.s32 @!p2 $0x0  }
0x16: {  	s3 =	sld [smem:$0x3FDB];
	s0 =	simm.s32 @p2 $0x1  }
0x17: {  	s4 =	simm.s32 $0x1BF5;
	[smem:$0x3FAE] =	sst s0  }
0x18: {  	s0 =	sld [smem:$0x3F91];
	_ =	swait.ge [sflag:s4], $0x0  }
0x19: {  	s7 =	sld [smem:$0x3F92]  }
0x1a: {  	s8 =	sadd.s32 $0xFFFFE003, lr  }
0x1b: {  	s9 =	sadd.s32 $0xFFFFFEF7, lr;
	s5 =	simm.s32 $0xFFFFFFFF;
	p2 =	slt.u32 s8, $0xFFFFF086  }
0x1c: {  	p1 =	slt.u32 s9, $0xF7A;
	s5 =	simm.s32 @!p2 $0x0  }
0x1d: {  	s5 =	simm.s32 @p1 $0x1;
	p0 =	seq.s32 s7, s2  }
0x1e: {  	s7 =	smul.u32 @!p0 $0xF7A, s2;
	p2 =	seq.s32 @!p0 s5, $0x0  }
0x1f: {  	s9 =	smul.u32 $0xF7A, s1;
	s8 =	simm.s32 @!p0 $0x1BF5;
	p2 =	por !p2, p0  }
0x20: {  	[sflag:s8] =	ssyncset.s32 @!p0 $0xFFFFF086;
	s6 =	sadd.s32 @!p0 s3, s7;
	s7 =	simm.s32 @!p0 $0x108  }
0x21: {  	s3 =	sadd.s32 s3, s9;
	s6 =	sadd.s32 @!p0 $0x88, s6;
	s7 =	simm.s32 @p2 $0x1082  }
0x22: {  	[simem:s7], [sflag:s8] =	dma.local @!p0 [hbm:s6], $0xF7A  }
0x23: {  	s9 =	sor.u32 $0xD0000000, s2;
	s6 =	simm.s32 $0x108;
	_ =	swait.ge @!p0 [sflag:s8], $0x0  }
0x24: {  	s3 =	sadd.s32 $0x88, s3;
	s6 =	simm.s32 @!p1 $0x1082;
	[sflag:s4] =	ssyncset.s32 $0xFFFFF086  }
0x25: {  	[simem:s6], [sflag:s4] =	dma.local [hbm:s3], $0xF7A  }
0x26: {  	[smem:$0x3F92] =	sst s1;
	(tag) =	ssettag s2;
	_ =	strace s9  }
0x27: {  	s1 =	sld [smem:$0x3FA2]  }
0x28: {  	s2 =	sld [smem:$0x3FA3]  }
0x29: {  	s4 =	sld [smem:$0x3FA5]  }
0x2a: {  	p0 =	seq.s32 s5, $0x0;
	s5 =	sld [smem:$0x3FA6]  }
0x2b: {  	s6 =	sld [smem:$0x3FA7]  }
0x2c: {  	s7 =	sld [smem:$0x3FA8]  }
0x2d: {  	s3 =	simm.s32 $0x108;
	s8 =	sld [smem:$0x3FA9]  }
0x2e: {  	s3 =	simm.s32 @!p0 $0x1082;
	s9 =	sld [smem:$0x3FAA]  }
0x2f: {  	lr =	sadd.s32 s0, s3;
	s0 =	sld [smem:$0x3FA1]  }
0x30: {  	s3 =	sld [smem:$0x3FA4]  }
0x31: {  	[smem:$0x3FAD] =	sst s10  }
0x32: {  	s10 =	sld [smem:$0x3FAB];
	_ =	sdelay $0x3  }
0x33: {  	p0 =	seq.s32 s10, $0x1;
	s10 =	sld [smem:$0x3FAD];
	_ =	sdelay $0x3  }
0x34: {  	[smem:$0x3FAD] =	sst s10  }
0x35: {  	s10 =	sld [smem:$0x3FAC];
	_ =	sdelay $0x3  }
0x36: {  	p1 =	seq.s32 s10, $0x1;
	s10 =	sld [smem:$0x3FAD];
	_ =	sdelay $0x3  }
0x37: {  	[smem:$0x3FAD] =	sst s10  }
0x38: {  	s10 =	sld [smem:$0x3FAE]  }
0x39: {  	_ = 	snop;
	(pc) =	sbr.ind lr, $3  }
0x3a: {  	_ = 	snop  }
0x3b: {  	_ = 	snop  }
0x3c: {  	p2 =	seq.s32 s10, $0x1;
	s10 =	sld [smem:$0x3FAD]  }
0x3d: {  	_ =	shalt  }
0x3e: {  	_ =	shalt  }
0x3f: {  	_ =	shalt  }
0x40: {  	_ =	shalt  }
0x41: {  	_ =	shalt  }
0x42: {  	_ =	shalt  }
0x43: {  	_ =	shalt  }
0x44: {  	_ =	shalt  }
0x45: {  	_ =	shalt  }
0x46: {  	_ =	shalt  }
0x47: {  	_ =	shalt  }
0x48: {  	_ =	shalt  }
0x49: {  	_ =	shalt  }
0x4a: {  	_ =	shalt  }
0x4b: {  	_ =	shalt  }
0x4c: {  	_ =	shalt  }
0x4d: {  	_ =	shalt  }
0x4e: {  	_ =	shalt  }
0x4f: {  	_ =	shalt  }
0x50: {  	_ =	shalt  }
0x51: {  	_ =	shalt  }
0x52: {  	_ =	shalt  }
0x53: {  	_ =	shalt  }
0x54: {  	_ =	shalt  }
0x55: {  	_ =	shalt  }
0x56: {  	_ =	shalt  }
0x57: {  	_ =	shalt  }
0x58: {  	_ =	shalt  }
0x59: {  	_ =	shalt  }
0x5a: {  	_ =	shalt  }
0x5b: {  	_ =	shalt  }
0x5c: {  	_ =	shalt  }
0x5d: {  	_ =	shalt  }
0x5e: {  	_ =	shalt  }
0x5f: {  	_ =	shalt  }
0x60: {  	_ =	shalt  }
0x61: {  	_ =	shalt  }
0x62: {  	_ =	shalt  }
0x63: {  	_ =	shalt  }
0x64: {  	_ =	shalt  }
0x65: {  	_ =	shalt  }
0x66: {  	_ =	shalt  }
0x67: {  	_ =	shalt  }
0x68: {  	_ =	shalt  }
0x69: {  	_ =	shalt  }
0x6a: {  	_ =	shalt  }
0x6b: {  	_ =	shalt  }
0x6c: {  	_ =	shalt  }
0x6d: {  	_ =	shalt  }
0x6e: {  	_ =	shalt  }
0x6f: {  	_ =	shalt  }
0x70: {  	_ =	shalt  }
0x71: {  	_ =	shalt  }
0x72: {  	_ =	shalt  }
0x73: {  	_ =	shalt  }
0x74: {  	_ =	shalt  }
0x75: {  	_ =	shalt  }
0x76: {  	_ =	shalt  }
0x77: {  	_ =	shalt  }
0x78: {  	_ =	shalt  }
0x79: {  	_ =	shalt  }
0x7a: {  	_ =	shalt  }
0x7b: {  	_ =	shalt  }
0x7c: {  	_ =	shalt  }
0x7d: {  	_ =	shalt  }
0x7e: {  	_ =	shalt  }
0x7f: {  	_ =	shalt  }
0x80: {  	_ =	shalt  }
0x81: {  	_ =	shalt  }
0x82: {  	_ =	shalt  }
0x83: {  	_ =	shalt  }
0x84: {  	_ =	shalt  }
0x85: {  	_ =	shalt  }
0x86: {  	_ =	shalt  }
0x87: {  	_ =	shalt  }
.Lfunc_end0:
.L_simem_size_0:
called_computation.4_lowered:
.L_overlay_start_0:
0x88: {  	s2 =	sld [smem:$0x3FD9]  }
0x89: {  	s3 =	sld [smem:$0x3FFE];
	_ =	sdelay $0x1  }
0x8a: {  	s1 =	srdreg.scid  }
0x8b: {  	s0 =	sand.u32 $0x1, s1  }
0x8c: {  	s17 =	sshll.u32 s0, $0xA;
	s2 =	sadd.s32 s3, s2  }
0x8d: {  	s2 =	sadd.s32 s2, s17  }
0x8e: {  	[smem:$0x3FB9] =	sst s2  }
0x8f: {  	_ = 	snop  }
0x90: {  	s2 =	sld [smem:$0x3FD0];
	(tm) =	ssettm $0x1  }
0x91: {  	s18 =	sld [smem:$0x3FFB];
	_ =	sdelay $0x3  }
0x92: {  	_ =	strace s18  }
0x93: {  	s3 =	sld [smem:$0x3FFC];
	_ =	sdelay $0x3  }
0x94: {  	_ =	strace s3  }
0x95: {  	s3 =	sld [smem:$0x3FFD];
	_ =	sdelay $0x3  }
0x96: {  	_ =	strace s3  }
0x97: {  	_ =	strace $0x8FFFFFFF  }
0x98: {  	s19 =	sld [smem:$0x3FDB];
	_ =	sdelay $0x1  }
0x99: {  	s4 =	simm.s32 $_scs_section_size  }
0x9a: {  	s5 =	simm.s32 $_size__tile_overlayer_lowered;
	s6 =	simm.s32 $_tile_overlayer_lowered  }
0x9b: {  	s22 =	simm.s32 $0x1BFF;
	s21 =	sshll.u32 s6, $0x1;
	s3 =	sadd.s32 s4, s19  }
0x9c: {  	s7 =	simm.s32 $0x0;
	s20 =	sshll.u32 s5, $0x1;
	s5 =	sadd.s32 s21, s3  }
0x9d: {  	[timem:s7], [sflag:s22] =	dma.local [hbm:s5], s20  }
0x9e: {  	_ =	swait.ge [sflag:s22], s20  }
0x9f: {  	s4 =	ssub.s32 $0x0, s20;
	[sflag:s22] =	ssyncset.done $0x0  }
0xa0: {  	[sflag:s22] =	ssyncadd.s32 s4;
	_ =	sdelay $0x1  }
0xa1: {  	s23 =	simm.s32 $0x1B8B  }
0xa2: {  	_ =	swait.ge [sflag:s23], $0x1  }
0xa3: {  	[sflag:s23] =	ssyncset.done $0x0  }
0xa4: {  	s25 =	simm.s32 $0x1B8E;
	s24 =	sld [smem:$0x3FFE];
	[sflag:s23] =	ssyncadd.s32 $0xFFFFFFFF  }
0xa5: {  	s26 =	simm.s32 $execute0_lowered;
	[smem:$0x3FD2] =	sst s25  }
0xa6: {  	s5 =	sshll.u32 s26, $0x1;
	_ =	strace $0x80000052;
	[dreg:$0x1] =	wrdreg $0xFFFFFFFF  }
0xa7: {  	s28 =	simm.s32 $_size_execute0_lowered;
	s3 =	sadd.s32 s3, s5;
	[dreg:$0x0] =	wrdreg $0x0  }
0xa8: {  	s5 =	sshll.u32 s28, $0x1;
	[dreg:$0x2] =	wrdreg s3  }
0xa9: {  	[dreg:$0x3] =	wrdreg s5  }
0xaa: {  	[dreg:$0x4] =	wrdreg $0xC0  }
0xab: {  	_ =	task [dreg:s7], $0x5FFFF  }
0xac: {  	[dreg:$0x1] =	wrdreg $0xFFFFFFFF  }
0xad: {  	[dreg:$0x0] =	wrdreg $0x60  }
0xae: {  	[dreg:$0x2] =	wrdreg s24  }
0xaf: {  	[dreg:$0x3] =	wrdreg s2  }
0xb0: {  	[dreg:$0x4] =	wrdreg $0x9  }
0xb1: {  	_ =	task.clear_ibuf [dreg:s7], $0x5FFFF;
	_ =	strace $0x90000052  }
0xb2: {  	s29 =	simm.s32 $0x9;
	_ =	strace $0x80000054  }
0xb3: {  	_ =	swait.ge [sflag:s29], $0x1  }
0xb4: {  	[sflag:s29] =	ssyncadd.s32 $0xFFFFFFFF  }
0xb5: {  	_ =	strace $0x90000054  }
0xb6: {  	_ =	sfence  }
0xb7: {  	s30 =	sld [smem:$0x0];
	_ =	sdelay $0x2  }
0xb8: {  	s31 =	sshll.u32 s1, $0xD;
	s1 =	sshrl.u32 s1, $0x2  }
0xb9: {  	s3 =	sand.u32 $0x4000, s31;
	s1 =	sadd.s32 s1, s30  }
0xba: {  	s0 =	sor.u32 s3, s0;
	s1 =	sshll.u32 s1, $0x11  }
0xbb: {  	s0 =	sor.u32 s1, s0  }
0xbc: {  	s0 =	sadd.s32 $0x8F2B, s0  }
0xbd: {  	[sflag:s0] =	ssyncadd.remote.s32 $0x1  }
0xbe: {  	_ =	sfence.sel $0xFFFF  }
0xbf: {  	[dreg:$0x0] =	wrdreg $0xFFFFFFFF;
	(pc) =	sbr.abs _section_cstart, $3  }
0xc0: {  	[dreg:$0x1] =	wrdreg $0xFFFFFFFF  }
0xc1: {  	_ =	task.clear_ibuf [dreg:s7], $0x2FFFF;
	_ =	strace $0x9FFFFFFF  }
0xc2: {  	(tm) =	ssettm $0x7FFFFFFF  }
0xc3: {  	_ =	shalt  }
tec
execute0_lowered:
.L_overlay_start_1:
0x0: {  	(tag) =	ssettag $0x1  }
0x1: {  	s7 =	rddreg [dreg:$0x0]  }
0x2: {  	s1 =	rddreg [dreg:$0x1];
	s2 =	simm.s32 $0x0  }
0x3: {  	[smem:$0x7FF] =	sst s2  }
0x4: {  	s0 =	rddreg [dreg:$0x2];
	v0 =	vimm.s32 $0x0;
	_ =	strace $0x80000053  }
0x5: {  	(xrf0) =	vadd.scan.msk.s32 $0xffff, v0;
	_ =	sdelay $0x5  }
0x6: {  	v0, _, _ =	vpop (xrf0)  }
0x7: {  	(v2sf) =	vpush v0, $0xF;
	_ =	sdelay $0x5  }
0x8: {  	s6 =	srdreg.scid;
	s3 =	stileid.u32;
	s16 =	simm.s32 $0x21D0  }
0x9: {  	s17 =	simm.s32 $0x0;
	s4 =	sadd.s32 $0x91400, s7;
	s8 =	sand.u32 $0x1, s6  }
0xa: {  	s5 =	sadd.s32 $0xB8600, s7;
	s9 =	sshll.u32 s3, $0x2;
	s10 =	sshll.u32 s8, $0x1  }
0xb: {  	s6 =	sadd.s32 $0x5E00, s7;
	s11 =	sadd.s32 $0x2D000, s7;
	s31 =	sor.u32 s10, s9  }
0xc: {  	s8 =	ssub.s32 $0x2, s8;
	s9 =	sor.u32 $0x1, s31;
	s10 =	smul.u32 $0x30, s31  }
.Ltmp0:
0xd: {  	s13 =	sshrl.u32 s8, $0x1;
	v5 =	vmov s31;
	s14 =	sadd.s32 $0x2, s31;
	v6 =	vmov s9;
	v0 =	vlaneseq.u32;
	(pc) =	sbr.rel .LBB2_1-.Ltmp0, $4  }
0xe: {  	s12 =	sadd.s32 $0x2DC00, s7;
	s13 =	ssub.s32 s8, s13;
	s15 =	smul.u32 $0x30, s9;
	v1 =	vmov s14;
	v2 =	vor.u32 $0x30, v0;
	v3 =	vor.u32 $0x20, v0  }
0xf: {  	s14 =	simm.s32 $0x50;
	s8 =	sadd.s32 s11, s10;
	s9 =	sadd.s32 s12, s10;
	v4 =	vor.u32 $0x10, v0;
	vm3 =	veq.s32 v6, v0;
	vm7 =	veq.s32 v5, v0  }
0x10: {  	s10 =	sadd.s32 s11, s15;
	s11 =	sadd.s32 s12, s15;
	s12 =	smax.u32 s13, $0x1;
	vm0 =	veq.s32 v6, v2;
	vm1 =	veq.s32 v6, v3;
	vm2 =	veq.s32 v6, v4  }
0x11: {  	s13 =	simm.s32 $0x1;
	s15 =	simm.s32 $0x2050;
	vm4 =	veq.s32 v5, v2;
	vm5 =	veq.s32 v5, v3;
	vm6 =	veq.s32 v5, v4;
	s7 =	spop (v2sf)  }
.LBB2_43:
0x12: {  	[tilespmem:$0x2150] =	vst v6  }
0x13: {  	[tilespmem:$0x22D0] =	vst v5  }
0x14: {  	[tilespmem:$0x2160] =	vst v20  }
0x15: {  	[tilespmem:$0x22E0] =	vst v18  }
0x16: {  	[tilespmem:$0x2170] =	vst v19  }
0x17: {  	[tilespmem:$0x22F0] =	vst v17  }
0x18: {  	[tilespmem:$0x2180] =	vst v15  }
0x19: {  	[tilespmem:$0x2300] =	vst v16  }
0x1a: {  	[tilespmem:$0x2190] =	vst v12  }
0x1b: {  	[tilespmem:$0x2310] =	vst v14  }
0x1c: {  	[tilespmem:$0x21A0] =	vst v11  }
0x1d: {  	[tilespmem:$0x2320] =	vst v13  }
0x1e: {  	[tilespmem:$0x21B0] =	vst v10  }
0x1f: {  	[tilespmem:$0x2330] =	vst v8  }
0x20: {  	[tilespmem:$0x21C0] =	vst v9  }
0x21: {  	[tilespmem:$0x2340] =	vst v7  }
0x22: {  	[hbm4b:s10+s2] =	stream.linear.scatter [tilespmem:s15], [sflag:$0x1], $0x180, $0x38;
	[tilespmem:$0x2350] =	vst v63  }
0x23: {  	s17 =	sadd.s32 $0x1, s17;
	_ =	swait.ge [sflag:s13], $0x180  }
0x24: {  	p0 =	sne.s32 s17, s12;
	[sflag:s13] =	ssyncset.done $0x0  }
.Ltmp1:
0x25: {  	[sflag:s13] =	ssyncadd.s32 $0xFFFFFE80;
	(pc) =	sbr.rel @!p0 .LBB2_44-.Ltmp1, $4  }
0x26: {  	[hbm4b:s11+s2] =	stream.linear.scatter [tilespmem:s16], [sflag:$0x1], $0x180, $0x38;
	[tilespmem:$0x2350] =	vst v63  }
0x27: {  	_ =	swait.ge [sflag:s13], $0x180  }
0x28: {  	[sflag:s13] =	ssyncset.done $0x0  }
0x29: {  	[sflag:s13] =	ssyncadd.s32 $0xFFFFFE80  }
.LBB2_1:
0x2a: {  	[tilespmem:s2], [sflag:$0x1] =	stream.linear.gather [hbm4b:s1+s2], $0x50, $0x38;
	[tilespmem:$0x2350] =	vst v63  }
0x2b: {  	_ =	swait.ge [sflag:s13], $0x50  }
0x2c: {  	[sflag:s13] =	ssyncset.done $0x0  }
0x2d: {  	[sflag:s13] =	ssyncadd.s32 $0xFFFFFFB0  }
0x2e: {  	v5 =	vld [tilespmem:$0x0]  }
0x2f: {  	v6 =	vld [tilespmem:$0x10]  }
0x30: {  	v7 =	vld [tilespmem:$0x20]  }
0x31: {  	v8 =	vld [tilespmem:$0x30];
	_ =	sdelay $0x1  }
0x32: {  	v9 =	vnsel vm7, $0x0, v5  }
0x33: {  	(xrf0) =	vadd.scan.msk.s32 $0xffff, v9;
	v9 =	vnsel vm6, $0x0, v6  }
0x34: {  	(xrf0) =	vadd.scan.msk.s32 $0xffff, v9;
	v9 =	vnsel vm5, $0x0, v7  }
0x35: {  	(xrf0) =	vadd.scan.msk.s32 $0xffff, v9;
	v9 =	vnsel vm4, $0x0, v8  }
0x36: {  	v5 =	vnsel vm3, $0x0, v5;
	(xrf0) =	vadd.scan.msk.s32 $0xffff, v9  }
0x37: {  	(xrf0) =	vadd.scan.msk.s32 $0xffff, v5;
	v5 =	vnsel vm2, $0x0, v6  }
0x38: {  	(xrf0) =	vadd.scan.msk.s32 $0xffff, v5;
	v5 =	vnsel vm1, $0x0, v7  }
0x39: {  	v6, _, _ =	vpop (xrf0);
	(xrf0) =	vadd.scan.msk.s32 $0xffff, v5;
	v5 =	vnsel vm0, $0x0, v8;
	_ =	sdelay $0x1  }
0x3a: {  	(v2sf) =	vpush v6, $0xF;
	v6, _, _ =	vpop (xrf0);
	(xrf0) =	vadd.scan.msk.s32 $0xffff, v5  }
0x3b: {  	(v2sf) =	vpush v6, $0xF;
	v5, _, _ =	vpop (xrf0)  }
0x3c: {  	v6, _, _ =	vpop (xrf0);
	(v2sf) =	vpush v5, $0xF  }
0x3d: {  	v5, _, _ =	vpop (xrf0);
	(v2sf) =	vpush v6, $0xF  }
0x3e: {  	v6, _, _ =	vpop (xrf0);
	(v2sf) =	vpush v5, $0xF  }
0x3f: {  	v5, _, _ =	vpop (xrf0);
	(v2sf) =	vpush v6, $0xF  }
0x40: {  	(v2sf) =	vpush v5, $0xF;
	v5, _, _ =	vpop (xrf0)  }
0x41: {  	(v2sf) =	vpush v5, $0xF;
	_ =	sdelay $0x7  }
0x42: {  	s18 =	spop (v2sf)  }
0x43: {  	s19 =	spop (v2sf)  }
0x44: {  	s20 =	spop (v2sf)  }
0x45: {  	s21 =	spop (v2sf)  }
0x46: {  	s22 =	spop (v2sf)  }
0x47: {  	s23 =	spop (v2sf)  }
0x48: {  	s18 =	sadd.s32 s18, s19;
	s25 =	sadd.s32 s22, s23;
	s26 =	spop (v2sf)  }
0x49: {  	s18 =	sadd.s32 s20, s18;
	s19 =	sadd.s32 s26, s25;
	s28 =	spop (v2sf)  }
0x4a: {  	s18 =	sadd.s32 s21, s18;
	s20 =	sadd.s32 s28, s19  }
0x4b: {  	s19 =	ssub.s32 s20, s18  }
0x4c: {  	s19 =	sadd.s32 $0x3F, s19  }
0x4d: {  	s29 =	sand.u32 $0x3F, s19  }
0x4e: {  	s30 =	sshra.s32 s19, $0x1F;
	p1 =	slt.s32 s19, $0x1;
	p0 =	sne.s32 s29, $0x0  }
0x4f: {  	s21 =	sshrl.u32 s30, $0x1A;
	p0 =	por !p1, !p0  }
0x50: {  	s19 =	sadd.s32 s21, s19;
	s21 =	simm.s32 $0x1;
	p0 =	por !p0, !p0  }
0x51: {  	s19 =	sshra.s32 s19, $0x6;
	s21 =	simm.s32 @!p0 $0x0  }
0x52: {  	s19 =	ssub.s32 s19, s21  }
0x53: {  	v17 =	vimm.f32 $0.0e+00;
	v19 =	vimm.f32 $0.0e+00;
	v16 =	vimm.f32 $0.0e+00;
	p0 =	slt.s32 s19, $0x1  }
.Ltmp2:
0x54: {  	v12 =	vimm.f32 $0.0e+00;
	v13 =	vimm.f32 $0.0e+00;
	v11 =	vimm.f32 $0.0e+00;
	(pc) =	sbr.rel @p0 .LBB2_8-.Ltmp2, $4  }
0x55: {  	v22 =	vimm.f32 $-Inf;
	v20 =	vimm.f32 $-Inf;
	v21 =	vimm.f32 $-Inf  }
0x56: {  	v18 =	vimm.f32 $-Inf;
	v14 =	vimm.f32 $-Inf;
	v15 =	vimm.f32 $-Inf;
	s18 =	sadd.s32 s7, s18  }
0x57: {  	v10 =	vimm.f32 $-Inf;
	v9 =	vimm.f32 $-Inf;
	v7 =	vimm.f32 $0.0e+00;
	s31 =	sshll.u32 s18, $0x9  }
0x58: {  	v8 =	vimm.f32 $0.0e+00;
	v6 =	vimm.f32 $0.0e+00;
	v5 =	vimm.f32 $-Inf;
	s20 =	sadd.s32 s7, s20;
	s21 =	sshra.s32 s31, $0x2  }
0x59: {  	v8 =	vimm.f32 $0.0e+00  }
.Ltmp3:
0x5a: {  	v9 =	vimm.f32 $-Inf;
	v10 =	vimm.f32 $-Inf;
	v15 =	vimm.f32 $-Inf;
	(pc) =	sbr.rel .LBB2_3-.Ltmp3, $4  }
0x5b: {  	v14 =	vimm.f32 $-Inf;
	v18 =	vimm.f32 $-Inf;
	v21 =	vimm.f32 $-Inf  }
0x5c: {  	v20 =	vimm.f32 $-Inf;
	v22 =	vimm.f32 $-Inf;
	v7 =	vimm.f32 $0.0e+00  }
0x5d: {  	v11 =	vimm.f32 $0.0e+00;
	v13 =	vimm.f32 $0.0e+00;
	v12 =	vimm.f32 $0.0e+00  }
0x5e: {  	s22 =	sor.u32 $0x50, s21;
	s23 =	simm.s32 $0x0;
	s24 =	smov.u32 s18;
	v16 =	vimm.f32 $0.0e+00;
	v19 =	vimm.f32 $0.0e+00;
	v17 =	vimm.f32 $0.0e+00  }
.LBB2_6:
0x5f: {  	v28 =	vld [tilespmem:s26+$0x50]  }
0x60: {  	v29 =	vld [tilespmem:s26+$0x60]  }
0x61: {  	v22 =	vmax.f32 v22, v27;
	v20 =	vmax.f32 v20, v26  }
0x62: {  	v21 =	vmax.f32 v21, v24;
	v17 =	vadd.f32 v27, v17;
	v19 =	vadd.f32 v26, v19  }
0x63: {  	v18 =	vmax.f32 v18, v25;
	v16 =	vadd.f32 v24, v16;
	v12 =	vadd.f32 v25, v12  }
0x64: {  	v14 =	vmax.f32 v14, v23;
	v13 =	vadd.f32 v23, v13;
	v11 =	vadd.f32 v28, v11  }
0x65: {  	v15 =	vmax.f32 v15, v28;
	v7 =	vadd.f32 v29, v7;
	v10 =	vmax.f32 v10, v29  }
.LBB2_7:
0x66: {  	s23 =	sadd.s32 $0x1, s23  }
0x67: {  	p1 =	sne.s32 s23, s19  }
.Ltmp4:
0x68: {  	_ = 	snop;
	(pc) =	sbr.rel @!p1 .LBB2_8-.Ltmp4, $2  }
0x69: {  	_ =	sdelay $0x2  }
0x6a: {  	s24 =	sadd.s32 $0x40, s24;
	s22 =	sadd.s32 $0x2000, s22  }
.LBB2_3:
0x6b: {  	s25 =	sshll.u32 s23, $0x6  }
0x6c: {  	s26 =	sadd.s32 s18, s25  }
0x6d: {  	p1 =	slt.s32 s26, $0x26D0;
	s28 =	smov.u32 s26  }
0x6e: {  	s28 =	simm.s32 @!p1 $0x26D0  }
0x6f: {  	s31 =	sshll.u32 s28, $0x4  }
0x70: {  	s25 =	sand.u32 $0x1FFFFFF0, s31  }
0x71: {  	s25 =	sadd.s32 s4, s25  }
0x72: {  	[tilespmem:s14], [sflag:$0x1] =	stream.linear.gather [hbm4b:s25+s2], $0x2000, $0x38;
	[tilespmem:$0x2350] =	vst v63  }
0x73: {  	s25 =	sadd.s32 $0x40, s28  }
0x74: {  	p1 =	slt.s32 s20, s25  }
0x75: {  	s25 =	smov.u32 @p1 s20  }
0x76: {  	s29 =	ssub.s32 s26, s28;
	s25 =	ssub.s32 s25, s28  }
0x77: {  	p1 =	sge.s32 s29, s25  }
.Ltmp5:
0x78: {  	_ = 	snop;
	(pc) =	sbr.rel @p1 .LBB2_7-.Ltmp5, $4  }
0x79: {  	_ = 	snop  }
0x7a: {  	_ =	swait.ge [sflag:s13], $0x2000  }
0x7b: {  	[sflag:s13] =	ssyncset.done $0x0  }
0x7c: {  	[sflag:s13] =	ssyncadd.s32 $0xFFFFE000  }
0x7d: {  	p1 =	slt.s32 s24, $0x26D0;
	s26 =	smov.u32 s24  }
0x7e: {  	s26 =	simm.s32 @!p1 $0x26D0  }
0x7f: {  	s26 =	sshll.u32 s26, $0x9  }
0x80: {  	s26 =	ssub.s32 $0x0, s26  }
0x81: {  	s28 =	sshra.s32 s26, $0x2  }
0x82: {  	s29 =	sadd.s32 $0x1, s29;
	s26 =	sadd.s32 s28, s22  }
0x83: {  	p1 =	slt.s32 s29, s25;
	v28 =	vld [tilespmem:s26+$0x70]  }
.Ltmp6:
0x84: {  	v27 =	vld [tilespmem:s26+$0x0];
	(pc) =	sbr.rel @!p1 .LBB2_6-.Ltmp6, $4  }
0x85: {  	v26 =	vld [tilespmem:s26+$0x10]  }
0x86: {  	v24 =	vld [tilespmem:s26+$0x20]  }
0x87: {  	v25 =	vld [tilespmem:s26+$0x30]  }
0x88: {  	s30 =	smov.u32 s22;
	v23 =	vld [tilespmem:s26+$0x40];
	v8 =	vadd.f32 v28, v8;
	v9 =	vmax.f32 v9, v28  }
.LBB2_5:
0x89: {  	s29 =	sadd.s32 $0x1, s29;
	v17 =	vadd.f32 v27, v17;
	v22 =	vmax.f32 v22, v27;
	v28 =	vld [tilespmem:s26+$0x50];
	s30 =	sadd.s32 $0x80, s30  }
0x8a: {  	v19 =	vadd.f32 v26, v19;
	v20 =	vmax.f32 v20, v26;
	p1 =	slt.s32 s29, s25;
	v29 =	vld [tilespmem:s26+$0x60];
	s26 =	sadd.s32 s28, s30  }
0x8b: {  	v16 =	vadd.f32 v24, v16;
	v21 =	vmax.f32 v21, v24;
	v30 =	vld [tilespmem:s26+$0x70]  }
.Ltmp7:
0x8c: {  	v12 =	vadd.f32 v25, v12;
	v18 =	vmax.f32 v18, v25;
	v27 =	vld [tilespmem:s26+$0x0];
	(pc) =	sbr.rel @p1 .LBB2_5-.Ltmp7, $4  }
0x8d: {  	v13 =	vadd.f32 v23, v13;
	v14 =	vmax.f32 v14, v23;
	v26 =	vld [tilespmem:s26+$0x10]  }
0x8e: {  	v24 =	vld [tilespmem:s26+$0x20];
	v11 =	vadd.f32 v28, v11;
	v15 =	vmax.f32 v15, v28  }
0x8f: {  	v25 =	vld [tilespmem:s26+$0x30];
	v7 =	vadd.f32 v29, v7;
	v10 =	vmax.f32 v10, v29  }
0x90: {  	v23 =	vld [tilespmem:s26+$0x40];
	v8 =	vadd.f32 v30, v8;
	v9 =	vmax.f32 v9, v30  }
.Ltmp8:
0x91: {  	_ = 	snop;
	(pc) =	sbr.rel .LBB2_6-.Ltmp8, $1  }
0x92: {  	_ =	sdelay $0x3  }
.LBB2_8:
0x93: {  	[tilespmem:$0x2050] =	vst v17  }
0x94: {  	[tilespmem:$0x21D0] =	vst v22  }
0x95: {  	[tilespmem:$0x2060] =	vst v19  }
0x96: {  	[tilespmem:$0x21E0] =	vst v20  }
0x97: {  	[tilespmem:$0x2070] =	vst v16  }
0x98: {  	[tilespmem:$0x21F0] =	vst v21  }
0x99: {  	[tilespmem:$0x2080] =	vst v12  }
0x9a: {  	[tilespmem:$0x2200] =	vst v18  }
0x9b: {  	[tilespmem:$0x2090] =	vst v13  }
0x9c: {  	[tilespmem:$0x2210] =	vst v14  }
0x9d: {  	[tilespmem:$0x20A0] =	vst v11  }
.Ltmp9:
0x9e: {  	[tilespmem:$0x2220] =	vst v15;
	v20 =	vimm.f32 $0.0e+00;
	v19 =	vimm.f32 $0.0e+00;
	(pc) =	sbr.rel @p0 .LBB2_15-.Ltmp9, $4  }
0x9f: {  	[tilespmem:$0x20B0] =	vst v7;
	v15 =	vimm.f32 $0.0e+00;
	v13 =	vimm.f32 $0.0e+00;
	v12 =	vimm.f32 $0.0e+00  }
0xa0: {  	[tilespmem:$0x2230] =	vst v10;
	v10 =	vimm.f32 $0.0e+00;
	v7 =	vimm.f32 $0.0e+00;
	v18 =	vimm.f32 $-Inf  }
0xa1: {  	[tilespmem:$0x20C0] =	vst v8;
	v17 =	vimm.f32 $-Inf;
	v16 =	vimm.f32 $-Inf;
	v14 =	vimm.f32 $-Inf  }
0xa2: {  	[tilespmem:$0x2240] =	vst v9;
	v11 =	vimm.f32 $-Inf;
	v9 =	vimm.f32 $-Inf;
	v8 =	vimm.f32 $-Inf  }
0xa3: {  	v7 =	vimm.f32 $0.0e+00  }
.Ltmp10:
0xa4: {  	v8 =	vimm.f32 $-Inf;
	v9 =	vimm.f32 $-Inf;
	v11 =	vimm.f32 $-Inf;
	(pc) =	sbr.rel .LBB2_10-.Ltmp10, $4  }
0xa5: {  	v14 =	vimm.f32 $-Inf;
	v16 =	vimm.f32 $-Inf;
	v17 =	vimm.f32 $-Inf  }
0xa6: {  	v18 =	vimm.f32 $-Inf;
	v5 =	vimm.f32 $-Inf;
	v10 =	vimm.f32 $0.0e+00  }
0xa7: {  	v12 =	vimm.f32 $0.0e+00;
	v13 =	vimm.f32 $0.0e+00;
	v15 =	vimm.f32 $0.0e+00  }
0xa8: {  	s22 =	sor.u32 $0x50, s21;
	s23 =	simm.s32 $0x0;
	s24 =	smov.u32 s18;
	v19 =	vimm.f32 $0.0e+00;
	v20 =	vimm.f32 $0.0e+00;
	v6 =	vimm.f32 $0.0e+00  }
.LBB2_13:
0xa9: {  	v26 =	vld [tilespmem:s26+$0x50]  }
0xaa: {  	v27 =	vld [tilespmem:s26+$0x60]  }
0xab: {  	v5 =	vmax.f32 v5, v25;
	v18 =	vmax.f32 v18, v24  }
0xac: {  	v17 =	vmax.f32 v17, v22;
	v6 =	vadd.f32 v25, v6;
	v20 =	vadd.f32 v24, v20  }
0xad: {  	v16 =	vmax.f32 v16, v23;
	v19 =	vadd.f32 v22, v19;
	v15 =	vadd.f32 v23, v15  }
0xae: {  	v14 =	vmax.f32 v14, v21;
	v13 =	vadd.f32 v21, v13;
	v12 =	vadd.f32 v26, v12  }
0xaf: {  	v11 =	vmax.f32 v11, v26;
	v10 =	vadd.f32 v27, v10;
	v9 =	vmax.f32 v9, v27  }
.LBB2_14:
0xb0: {  	s23 =	sadd.s32 $0x1, s23  }
0xb1: {  	p1 =	sne.s32 s23, s19  }
.Ltmp11:
0xb2: {  	_ = 	snop;
	(pc) =	sbr.rel @!p1 .LBB2_15-.Ltmp11, $2  }
0xb3: {  	_ =	sdelay $0x2  }
0xb4: {  	s24 =	sadd.s32 $0x40, s24;
	s22 =	sadd.s32 $0x2000, s22  }
.LBB2_10:
0xb5: {  	s25 =	sshll.u32 s23, $0x6  }
0xb6: {  	s26 =	sadd.s32 s18, s25  }
0xb7: {  	p1 =	slt.s32 s26, $0x26D0;
	s28 =	smov.u32 s26  }
0xb8: {  	s28 =	simm.s32 @!p1 $0x26D0  }
0xb9: {  	s31 =	sshll.u32 s28, $0x4  }
0xba: {  	s25 =	sand.u32 $0x1FFFFFF0, s31  }
0xbb: {  	s25 =	sadd.s32 s5, s25  }
0xbc: {  	[tilespmem:s14], [sflag:$0x1] =	stream.linear.gather [hbm4b:s25+s2], $0x2000, $0x38;
	[tilespmem:$0x2350] =	vst v63  }
0xbd: {  	s25 =	sadd.s32 $0x40, s28  }
0xbe: {  	p1 =	slt.s32 s20, s25  }
0xbf: {  	s25 =	smov.u32 @p1 s20  }
0xc0: {  	s29 =	ssub.s32 s26, s28;
	s25 =	ssub.s32 s25, s28  }
0xc1: {  	p1 =	sge.s32 s29, s25  }
.Ltmp12:
0xc2: {  	_ = 	snop;
	(pc) =	sbr.rel @p1 .LBB2_14-.Ltmp12, $4  }
0xc3: {  	_ = 	snop  }
0xc4: {  	_ =	swait.ge [sflag:s13], $0x2000  }
0xc5: {  	[sflag:s13] =	ssyncset.done $0x0  }
0xc6: {  	[sflag:s13] =	ssyncadd.s32 $0xFFFFE000  }
0xc7: {  	p1 =	slt.s32 s24, $0x26D0;
	s26 =	smov.u32 s24  }
0xc8: {  	s26 =	simm.s32 @!p1 $0x26D0  }
0xc9: {  	s26 =	sshll.u32 s26, $0x9  }
0xca: {  	s26 =	ssub.s32 $0x0, s26  }
0xcb: {  	s28 =	sshra.s32 s26, $0x2  }
0xcc: {  	s29 =	sadd.s32 $0x1, s29;
	s26 =	sadd.s32 s28, s22  }
0xcd: {  	p1 =	slt.s32 s29, s25;
	v26 =	vld [tilespmem:s26+$0x70]  }
.Ltmp13:
0xce: {  	v25 =	vld [tilespmem:s26+$0x0];
	(pc) =	sbr.rel @!p1 .LBB2_13-.Ltmp13, $4  }
0xcf: {  	v24 =	vld [tilespmem:s26+$0x10]  }
0xd0: {  	v22 =	vld [tilespmem:s26+$0x20]  }
0xd1: {  	v23 =	vld [tilespmem:s26+$0x30]  }
0xd2: {  	s30 =	smov.u32 s22;
	v21 =	vld [tilespmem:s26+$0x40];
	v7 =	vadd.f32 v26, v7;
	v8 =	vmax.f32 v8, v26  }
.LBB2_12:
0xd3: {  	s29 =	sadd.s32 $0x1, s29;
	v6 =	vadd.f32 v25, v6;
	v5 =	vmax.f32 v5, v25;
	v26 =	vld [tilespmem:s26+$0x50];
	s30 =	sadd.s32 $0x80, s30  }
0xd4: {  	v20 =	vadd.f32 v24, v20;
	v18 =	vmax.f32 v18, v24;
	p1 =	slt.s32 s29, s25;
	v27 =	vld [tilespmem:s26+$0x60];
	s26 =	sadd.s32 s28, s30  }
0xd5: {  	v19 =	vadd.f32 v22, v19;
	v17 =	vmax.f32 v17, v22;
	v28 =	vld [tilespmem:s26+$0x70]  }
.Ltmp14:
0xd6: {  	v15 =	vadd.f32 v23, v15;
	v16 =	vmax.f32 v16, v23;
	v25 =	vld [tilespmem:s26+$0x0];
	(pc) =	sbr.rel @p1 .LBB2_12-.Ltmp14, $4  }
0xd7: {  	v13 =	vadd.f32 v21, v13;
	v14 =	vmax.f32 v14, v21;
	v24 =	vld [tilespmem:s26+$0x10]  }
0xd8: {  	v22 =	vld [tilespmem:s26+$0x20];
	v12 =	vadd.f32 v26, v12;
	v11 =	vmax.f32 v11, v26  }
0xd9: {  	v23 =	vld [tilespmem:s26+$0x30];
	v10 =	vadd.f32 v27, v10;
	v9 =	vmax.f32 v9, v27  }
0xda: {  	v21 =	vld [tilespmem:s26+$0x40];
	v7 =	vadd.f32 v28, v7;
	v8 =	vmax.f32 v8, v28  }
.Ltmp15:
0xdb: {  	_ = 	snop;
	(pc) =	sbr.rel .LBB2_13-.Ltmp15, $1  }
0xdc: {  	_ =	sdelay $0x3  }
.LBB2_15:
0xdd: {  	[tilespmem:$0x20D0] =	vst v6  }
0xde: {  	[tilespmem:$0x2250] =	vst v5  }
0xdf: {  	[tilespmem:$0x20E0] =	vst v20  }
0xe0: {  	[tilespmem:$0x2260] =	vst v18  }
0xe1: {  	[tilespmem:$0x20F0] =	vst v19  }
0xe2: {  	[tilespmem:$0x2270] =	vst v17  }
0xe3: {  	[tilespmem:$0x2100] =	vst v15  }
0xe4: {  	[tilespmem:$0x2280] =	vst v16  }
0xe5: {  	[tilespmem:$0x2110] =	vst v13  }
0xe6: {  	[tilespmem:$0x2290] =	vst v14  }
0xe7: {  	[tilespmem:$0x2120] =	vst v12;
	v5 =	vimm.f32 $-Inf;
	v6 =	vimm.f32 $0.0e+00;
	v21 =	vimm.f32 $0.0e+00  }
.Ltmp16:
0xe8: {  	[tilespmem:$0x22A0] =	vst v11;
	v20 =	vimm.f32 $0.0e+00;
	v17 =	vimm.f32 $0.0e+00;
	v13 =	vimm.f32 $0.0e+00;
	(pc) =	sbr.rel @p0 .LBB2_22-.Ltmp16, $4  }
0xe9: {  	[tilespmem:$0x2130] =	vst v10;
	v12 =	vimm.f32 $0.0e+00;
	v11 =	vimm.f32 $0.0e+00;
	v10 =	vimm.f32 $0.0e+00  }
0xea: {  	[tilespmem:$0x22B0] =	vst v9;
	v9 =	vimm.f32 $0.0e+00;
	v22 =	vimm.f32 $-Inf;
	v19 =	vimm.f32 $-Inf  }
0xeb: {  	[tilespmem:$0x2140] =	vst v7;
	v18 =	vimm.f32 $-Inf;
	v16 =	vimm.f32 $-Inf;
	v15 =	vimm.f32 $-Inf  }
0xec: {  	[tilespmem:$0x22C0] =	vst v8;
	v14 =	vimm.f32 $-Inf;
	v8 =	vimm.f32 $-Inf;
	v7 =	vimm.f32 $-Inf  }
0xed: {  	v9 =	vimm.f32 $0.0e+00  }
.Ltmp17:
0xee: {  	v7 =	vimm.f32 $-Inf;
	v8 =	vimm.f32 $-Inf;
	v14 =	vimm.f32 $-Inf;
	(pc) =	sbr.rel .LBB2_17-.Ltmp17, $4  }
0xef: {  	v15 =	vimm.f32 $-Inf;
	v16 =	vimm.f32 $-Inf;
	v18 =	vimm.f32 $-Inf  }
0xf0: {  	v19 =	vimm.f32 $-Inf;
	v22 =	vimm.f32 $-Inf;
	v10 =	vimm.f32 $0.0e+00  }
0xf1: {  	v11 =	vimm.f32 $0.0e+00;
	v12 =	vimm.f32 $0.0e+00;
	v13 =	vimm.f32 $0.0e+00  }
0xf2: {  	s21 =	sor.u32 $0x50, s21;
	s22 =	simm.s32 $0x0;
	s23 =	smov.u32 s18;
	v17 =	vimm.f32 $0.0e+00;
	v20 =	vimm.f32 $0.0e+00;
	v21 =	vimm.f32 $0.0e+00  }
.LBB2_20:
0xf3: {  	v28 =	vld [tilespmem:s25+$0x50]  }
0xf4: {  	v29 =	vld [tilespmem:s25+$0x60]  }
0xf5: {  	v22 =	vmax.f32 v22, v27;
	v19 =	vmax.f32 v19, v26  }
0xf6: {  	v18 =	vmax.f32 v18, v24;
	v21 =	vadd.f32 v27, v21;
	v20 =	vadd.f32 v26, v20  }
0xf7: {  	v16 =	vmax.f32 v16, v25;
	v17 =	vadd.f32 v24, v17;
	v13 =	vadd.f32 v25, v13  }
0xf8: {  	v15 =	vmax.f32 v15, v23;
	v12 =	vadd.f32 v23, v12;
	v11 =	vadd.f32 v28, v11  }
0xf9: {  	v14 =	vmax.f32 v14, v28;
	v10 =	vadd.f32 v29, v10;
	v8 =	vmax.f32 v8, v29  }
.LBB2_21:
0xfa: {  	s22 =	sadd.s32 $0x1, s22  }
0xfb: {  	p0 =	sne.s32 s22, s19  }
.Ltmp18:
0xfc: {  	_ = 	snop;
	(pc) =	sbr.rel @!p0 .LBB2_22-.Ltmp18, $2  }
0xfd: {  	_ =	sdelay $0x2  }
0xfe: {  	s23 =	sadd.s32 $0x40, s23;
	s21 =	sadd.s32 $0x2000, s21  }
.LBB2_17:
0xff: {  	s24 =	sshll.u32 s22, $0x6  }
0x100: {  	s25 =	sadd.s32 s18, s24  }
0x101: {  	p0 =	slt.s32 s25, $0x26D0;
	s26 =	smov.u32 s25  }
0x102: {  	s26 =	simm.s32 @!p0 $0x26D0  }
0x103: {  	s31 =	sshll.u32 s26, $0x4  }
0x104: {  	s24 =	sand.u32 $0x1FFFFFF0, s31  }
0x105: {  	s24 =	sadd.s32 s6, s24  }
0x106: {  	[tilespmem:s14], [sflag:$0x1] =	stream.linear.gather [hbm4b:s24+s2], $0x2000, $0x38;
	[tilespmem:$0x2350] =	vst v63  }
0x107: {  	s24 =	sadd.s32 $0x40, s26  }
0x108: {  	p0 =	slt.s32 s20, s24  }
0x109: {  	s24 =	smov.u32 @p0 s20  }
0x10a: {  	s28 =	ssub.s32 s25, s26;
	s24 =	ssub.s32 s24, s26  }
0x10b: {  	p0 =	sge.s32 s28, s24  }
.Ltmp19:
0x10c: {  	_ = 	snop;
	(pc) =	sbr.rel @p0 .LBB2_21-.Ltmp19, $4  }
0x10d: {  	_ = 	snop  }
0x10e: {  	_ =	swait.ge [sflag:s13], $0x2000  }
0x10f: {  	[sflag:s13] =	ssyncset.done $0x0  }
0x110: {  	[sflag:s13] =	ssyncadd.s32 $0xFFFFE000  }
0x111: {  	p0 =	slt.s32 s23, $0x26D0;
	s25 =	smov.u32 s23  }
0x112: {  	s25 =	simm.s32 @!p0 $0x26D0  }
0x113: {  	s25 =	sshll.u32 s25, $0x9  }
0x114: {  	s25 =	ssub.s32 $0x0, s25  }
0x115: {  	s26 =	sshra.s32 s25, $0x2  }
0x116: {  	s28 =	sadd.s32 $0x1, s28;
	s25 =	sadd.s32 s26, s21  }
0x117: {  	p0 =	slt.s32 s28, s24;
	v28 =	vld [tilespmem:s25+$0x70]  }
.Ltmp20:
0x118: {  	v27 =	vld [tilespmem:s25+$0x0];
	(pc) =	sbr.rel @!p0 .LBB2_20-.Ltmp20, $4  }
0x119: {  	v26 =	vld [tilespmem:s25+$0x10]  }
0x11a: {  	v24 =	vld [tilespmem:s25+$0x20]  }
0x11b: {  	v25 =	vld [tilespmem:s25+$0x30]  }
0x11c: {  	s29 =	smov.u32 s21;
	v23 =	vld [tilespmem:s25+$0x40];
	v9 =	vadd.f32 v28, v9;
	v7 =	vmax.f32 v7, v28  }
.LBB2_19:
0x11d: {  	s28 =	sadd.s32 $0x1, s28;
	v21 =	vadd.f32 v27, v21;
	v22 =	vmax.f32 v22, v27;
	v28 =	vld [tilespmem:s25+$0x50];
	s29 =	sadd.s32 $0x80, s29  }
0x11e: {  	v20 =	vadd.f32 v26, v20;
	v19 =	vmax.f32 v19, v26;
	p0 =	slt.s32 s28, s24;
	v29 =	vld [tilespmem:s25+$0x60];
	s25 =	sadd.s32 s26, s29  }
0x11f: {  	v17 =	vadd.f32 v24, v17;
	v18 =	vmax.f32 v18, v24;
	v30 =	vld [tilespmem:s25+$0x70]  }
.Ltmp21:
0x120: {  	v13 =	vadd.f32 v25, v13;
	v16 =	vmax.f32 v16, v25;
	v27 =	vld [tilespmem:s25+$0x0];
	(pc) =	sbr.rel @p0 .LBB2_19-.Ltmp21, $4  }
0x121: {  	v12 =	vadd.f32 v23, v12;
	v15 =	vmax.f32 v15, v23;
	v26 =	vld [tilespmem:s25+$0x10]  }
0x122: {  	v24 =	vld [tilespmem:s25+$0x20];
	v11 =	vadd.f32 v28, v11;
	v14 =	vmax.f32 v14, v28  }
0x123: {  	v25 =	vld [tilespmem:s25+$0x30];
	v10 =	vadd.f32 v29, v10;
	v8 =	vmax.f32 v8, v29  }
0x124: {  	v23 =	vld [tilespmem:s25+$0x40];
	v9 =	vadd.f32 v30, v9;
	v7 =	vmax.f32 v7, v30  }
.Ltmp22:
0x125: {  	_ = 	snop;
	(pc) =	sbr.rel .LBB2_20-.Ltmp22, $1  }
0x126: {  	_ =	sdelay $0x3  }
.LBB2_22:
0x127: {  	[tilespmem:$0x2150] =	vst v21  }
0x128: {  	[tilespmem:$0x22D0] =	vst v22  }
0x129: {  	[tilespmem:$0x2160] =	vst v20  }
0x12a: {  	[tilespmem:$0x22E0] =	vst v19  }
0x12b: {  	[tilespmem:$0x2170] =	vst v17  }
0x12c: {  	[tilespmem:$0x22F0] =	vst v18  }
0x12d: {  	[tilespmem:$0x2180] =	vst v13  }
0x12e: {  	[tilespmem:$0x2300] =	vst v16  }
0x12f: {  	[tilespmem:$0x2190] =	vst v12  }
0x130: {  	[tilespmem:$0x2310] =	vst v15  }
0x131: {  	[tilespmem:$0x21A0] =	vst v11  }
0x132: {  	[tilespmem:$0x2320] =	vst v14  }
0x133: {  	[tilespmem:$0x21B0] =	vst v10  }
0x134: {  	[tilespmem:$0x2330] =	vst v8  }
0x135: {  	[tilespmem:$0x21C0] =	vst v9  }
0x136: {  	[tilespmem:$0x2340] =	vst v7  }
0x137: {  	[hbm4b:s8+s2] =	stream.linear.scatter [tilespmem:s15], [sflag:$0x1], $0x180, $0x38;
	[tilespmem:$0x2350] =	vst v63  }
0x138: {  	_ =	swait.ge [sflag:s13], $0x180  }
0x139: {  	[sflag:s13] =	ssyncset.done $0x0  }
0x13a: {  	[sflag:s13] =	ssyncadd.s32 $0xFFFFFE80  }
0x13b: {  	[hbm4b:s9+s2] =	stream.linear.scatter [tilespmem:s16], [sflag:$0x1], $0x180, $0x38;
	[tilespmem:$0x2350] =	vst v63  }
0x13c: {  	_ =	swait.ge [sflag:s13], $0x180  }
0x13d: {  	[sflag:s13] =	ssyncset.done $0x0  }
0x13e: {  	[sflag:s13] =	ssyncadd.s32 $0xFFFFFE80  }
0x13f: {  	v7 =	vld [tilespmem:$0x0]  }
0x140: {  	v8 =	vld [tilespmem:$0x10]  }
0x141: {  	v9 =	vld [tilespmem:$0x20]  }
0x142: {  	v10 =	vld [tilespmem:$0x30];
	_ =	sdelay $0x1  }
0x143: {  	v11 =	vnsel vm3, $0x0, v7  }
0x144: {  	(xrf0) =	vadd.scan.msk.s32 $0xffff, v11;
	v11 =	vnsel vm2, $0x0, v8  }
0x145: {  	(xrf0) =	vadd.scan.msk.s32 $0xffff, v11;
	v11 =	vnsel vm1, $0x0, v9  }
0x146: {  	vm8 =	veq.s32 v1, v0;
	(xrf0) =	vadd.scan.msk.s32 $0xffff, v11;
	v11 =	vnsel vm0, $0x0, v10  }
0x147: {  	vm9 =	veq.s32 v1, v4;
	v12 =	vld [tilespmem:$0x40];
	v7 =	vnsel vm8, $0x0, v7;
	(xrf0) =	vadd.scan.msk.s32 $0xffff, v11  }
0x148: {  	(xrf0) =	vadd.scan.msk.s32 $0xffff, v7;
	v7 =	vnsel vm9, $0x0, v8;
	v8 =	vor.u32 $0x40, v0  }
0x149: {  	vm8 =	veq.s32 v1, v3  }
0x14a: {  	vm15 =	veq.s32 v1, v2;
	(xrf0) =	vadd.scan.msk.s32 $0xffff, v7;
	v7 =	vnsel vm8, $0x0, v9  }
0x14b: {  	vm8 =	veq.s32 v1, v8;
	v8, _, _ =	vpop (xrf0);
	(xrf0) =	vadd.scan.msk.s32 $0xffff, v7;
	v7 =	vnsel vm15, $0x0, v10  }
0x14c: {  	(v2sf) =	vpush v8, $0xF;
	v8, _, _ =	vpop (xrf0);
	(xrf0) =	vadd.scan.msk.s32 $0xffff, v7;
	v7 =	vnsel vm8, $0x0, v12;
	_ =	sdelay $0x1  }
0x14d: {  	(v2sf) =	vpush v8, $0xF;
	v8, _, _ =	vpop (xrf0);
	(xrf0) =	vadd.scan.msk.s32 $0xffff, v7  }
0x14e: {  	(v2sf) =	vpush v8, $0xF;
	v7, _, _ =	vpop (xrf0)  }
0x14f: {  	v8, _, _ =	vpop (xrf0);
	(v2sf) =	vpush v7, $0xF  }
0x150: {  	v7, _, _ =	vpop (xrf0);
	(v2sf) =	vpush v8, $0xF  }
0x151: {  	v8, _, _ =	vpop (xrf0);
	(v2sf) =	vpush v7, $0xF  }
0x152: {  	v7, _, _ =	vpop (xrf0);
	(v2sf) =	vpush v8, $0xF  }
0x153: {  	(v2sf) =	vpush v7, $0xF;
	v7, _, _ =	vpop (xrf0)  }
0x154: {  	(v2sf) =	vpush v7, $0xF;
	_ =	sdelay $0x6  }
0x155: {  	s18 =	spop (v2sf)  }
0x156: {  	s19 =	spop (v2sf)  }
0x157: {  	s20 =	spop (v2sf)  }
0x158: {  	s21 =	spop (v2sf)  }
0x159: {  	s22 =	spop (v2sf)  }
0x15a: {  	s23 =	spop (v2sf)  }
0x15b: {  	s18 =	sadd.s32 s7, s18;
	s22 =	sadd.s32 s22, s23;
	s24 =	spop (v2sf)  }
0x15c: {  	s18 =	sadd.s32 s19, s18;
	s25 =	sadd.s32 s24, s22;
	s26 =	spop (v2sf)  }
0x15d: {  	s18 =	sadd.s32 s20, s18;
	s19 =	sadd.s32 s26, s25;
	s28 =	spop (v2sf)  }
0x15e: {  	s18 =	sadd.s32 s21, s18;
	s19 =	sadd.s32 s28, s19  }
0x15f: {  	s20 =	ssub.s32 s19, s18  }
0x160: {  	s20 =	sadd.s32 $0x3F, s20  }
0x161: {  	s29 =	sand.u32 $0x3F, s20  }
0x162: {  	s30 =	sshra.s32 s20, $0x1F;
	p1 =	slt.s32 s20, $0x1;
	p0 =	sne.s32 s29, $0x0  }
0x163: {  	s21 =	sshrl.u32 s30, $0x1A;
	p0 =	por !p1, !p0  }
0x164: {  	s20 =	sadd.s32 s21, s20;
	s21 =	simm.s32 $0x1;
	p0 =	por !p0, !p0  }
0x165: {  	s20 =	sshra.s32 s20, $0x6;
	s21 =	simm.s32 @!p0 $0x0  }
0x166: {  	s20 =	ssub.s32 s20, s21  }
0x167: {  	p0 =	slt.s32 s20, $0x1  }
.Ltmp23:
0x168: {  	v20 =	vimm.f32 $0.0e+00;
	v17 =	vimm.f32 $0.0e+00;
	(pc) =	sbr.rel @p0 .LBB2_29-.Ltmp23, $4  }
0x169: {  	v14 =	vimm.f32 $0.0e+00;
	v13 =	vimm.f32 $0.0e+00;
	v18 =	vimm.f32 $-Inf  }
0x16a: {  	v19 =	vimm.f32 $-Inf;
	v16 =	vimm.f32 $-Inf;
	v15 =	vimm.f32 $-Inf  }
0x16b: {  	v11 =	vimm.f32 $0.0e+00;
	v9 =	vimm.f32 $-Inf;
	v10 =	vimm.f32 $0.0e+00;
	s31 =	sshll.u32 s18, $0x9  }
0x16c: {  	v12 =	vimm.f32 $-Inf;
	v8 =	vimm.f32 $-Inf;
	v7 =	vimm.f32 $0.0e+00;
	s21 =	sshra.s32 s31, $0x2  }
0x16d: {  	v7 =	vimm.f32 $0.0e+00  }
.Ltmp24:
0x16e: {  	v9 =	vimm.f32 $-Inf;
	v8 =	vimm.f32 $-Inf;
	v12 =	vimm.f32 $-Inf;
	(pc) =	sbr.rel .LBB2_24-.Ltmp24, $4  }
0x16f: {  	v15 =	vimm.f32 $-Inf;
	v16 =	vimm.f32 $-Inf;
	v19 =	vimm.f32 $-Inf  }
0x170: {  	v18 =	vimm.f32 $-Inf;
	v5 =	vimm.f32 $-Inf;
	v10 =	vimm.f32 $0.0e+00  }
0x171: {  	v11 =	vimm.f32 $0.0e+00;
	v13 =	vimm.f32 $0.0e+00;
	v14 =	vimm.f32 $0.0e+00  }
0x172: {  	s22 =	sor.u32 $0x50, s21;
	s23 =	simm.s32 $0x0;
	s24 =	smov.u32 s18;
	v17 =	vimm.f32 $0.0e+00;
	v20 =	vimm.f32 $0.0e+00;
	v6 =	vimm.f32 $0.0e+00  }
.LBB2_27:
0x173: {  	v26 =	vld [tilespmem:s26+$0x50]  }
0x174: {  	v27 =	vld [tilespmem:s26+$0x60]  }
0x175: {  	v5 =	vmax.f32 v5, v25;
	v18 =	vmax.f32 v18, v24  }
0x176: {  	v19 =	vmax.f32 v19, v22;
	v6 =	vadd.f32 v25, v6;
	v20 =	vadd.f32 v24, v20  }
0x177: {  	v16 =	vmax.f32 v16, v23;
	v17 =	vadd.f32 v22, v17;
	v14 =	vadd.f32 v23, v14  }
0x178: {  	v15 =	vmax.f32 v15, v21;
	v13 =	vadd.f32 v21, v13;
	v11 =	vadd.f32 v26, v11  }
0x179: {  	v12 =	vmax.f32 v12, v26;
	v10 =	vadd.f32 v27, v10;
	v8 =	vmax.f32 v8, v27  }
.LBB2_28:
0x17a: {  	s23 =	sadd.s32 $0x1, s23  }
0x17b: {  	p1 =	sne.s32 s23, s20  }
.Ltmp25:
0x17c: {  	_ = 	snop;
	(pc) =	sbr.rel @!p1 .LBB2_29-.Ltmp25, $2  }
0x17d: {  	_ =	sdelay $0x2  }
0x17e: {  	s24 =	sadd.s32 $0x40, s24;
	s22 =	sadd.s32 $0x2000, s22  }
.LBB2_24:
0x17f: {  	s25 =	sshll.u32 s23, $0x6  }
0x180: {  	s26 =	sadd.s32 s18, s25  }
0x181: {  	p1 =	slt.s32 s26, $0x26D0;
	s28 =	smov.u32 s26  }
0x182: {  	s28 =	simm.s32 @!p1 $0x26D0  }
0x183: {  	s31 =	sshll.u32 s28, $0x4  }
0x184: {  	s25 =	sand.u32 $0x1FFFFFF0, s31  }
0x185: {  	s25 =	sadd.s32 s4, s25  }
0x186: {  	[tilespmem:s14], [sflag:$0x1] =	stream.linear.gather [hbm4b:s25+s2], $0x2000, $0x38;
	[tilespmem:$0x2350] =	vst v63  }
0x187: {  	s25 =	sadd.s32 $0x40, s28  }
0x188: {  	p1 =	slt.s32 s19, s25  }
0x189: {  	s25 =	smov.u32 @p1 s19  }
0x18a: {  	s29 =	ssub.s32 s26, s28;
	s25 =	ssub.s32 s25, s28  }
0x18b: {  	p1 =	sge.s32 s29, s25  }
.Ltmp26:
0x18c: {  	_ = 	snop;
	(pc) =	sbr.rel @p1 .LBB2_28-.Ltmp26, $4  }
0x18d: {  	_ = 	snop  }
0x18e: {  	_ =	swait.ge [sflag:s13], $0x2000  }
0x18f: {  	[sflag:s13] =	ssyncset.done $0x0  }
0x190: {  	[sflag:s13] =	ssyncadd.s32 $0xFFFFE000  }
0x191: {  	p1 =	slt.s32 s24, $0x26D0;
	s26 =	smov.u32 s24  }
0x192: {  	s26 =	simm.s32 @!p1 $0x26D0  }
0x193: {  	s26 =	sshll.u32 s26, $0x9  }
0x194: {  	s26 =	ssub.s32 $0x0, s26  }
0x195: {  	s28 =	sshra.s32 s26, $0x2  }
0x196: {  	s29 =	sadd.s32 $0x1, s29;
	s26 =	sadd.s32 s28, s22  }
0x197: {  	p1 =	slt.s32 s29, s25;
	v26 =	vld [tilespmem:s26+$0x70]  }
.Ltmp27:
0x198: {  	v25 =	vld [tilespmem:s26+$0x0];
	(pc) =	sbr.rel @!p1 .LBB2_27-.Ltmp27, $4  }
0x199: {  	v24 =	vld [tilespmem:s26+$0x10]  }
0x19a: {  	v22 =	vld [tilespmem:s26+$0x20]  }
0x19b: {  	v23 =	vld [tilespmem:s26+$0x30]  }
0x19c: {  	s30 =	smov.u32 s22;
	v21 =	vld [tilespmem:s26+$0x40];
	v7 =	vadd.f32 v26, v7;
	v9 =	vmax.f32 v9, v26  }
.LBB2_26:
0x19d: {  	s29 =	sadd.s32 $0x1, s29;
	v6 =	vadd.f32 v25, v6;
	v5 =	vmax.f32 v5, v25;
	v26 =	vld [tilespmem:s26+$0x50];
	s30 =	sadd.s32 $0x80, s30  }
0x19e: {  	v20 =	vadd.f32 v24, v20;
	v18 =	vmax.f32 v18, v24;
	p1 =	slt.s32 s29, s25;
	v27 =	vld [tilespmem:s26+$0x60];
	s26 =	sadd.s32 s28, s30  }
0x19f: {  	v17 =	vadd.f32 v22, v17;
	v19 =	vmax.f32 v19, v22;
	v28 =	vld [tilespmem:s26+$0x70]  }
.Ltmp28:
0x1a0: {  	v14 =	vadd.f32 v23, v14;
	v16 =	vmax.f32 v16, v23;
	v25 =	vld [tilespmem:s26+$0x0];
	(pc) =	sbr.rel @p1 .LBB2_26-.Ltmp28, $4  }
0x1a1: {  	v13 =	vadd.f32 v21, v13;
	v15 =	vmax.f32 v15, v21;
	v24 =	vld [tilespmem:s26+$0x10]  }
0x1a2: {  	v22 =	vld [tilespmem:s26+$0x20];
	v11 =	vadd.f32 v26, v11;
	v12 =	vmax.f32 v12, v26  }
0x1a3: {  	v23 =	vld [tilespmem:s26+$0x30];
	v10 =	vadd.f32 v27, v10;
	v8 =	vmax.f32 v8, v27  }
0x1a4: {  	v21 =	vld [tilespmem:s26+$0x40];
	v7 =	vadd.f32 v28, v7;
	v9 =	vmax.f32 v9, v28  }
.Ltmp29:
0x1a5: {  	_ = 	snop;
	(pc) =	sbr.rel .LBB2_27-.Ltmp29, $1  }
0x1a6: {  	_ =	sdelay $0x3  }
.LBB2_29:
0x1a7: {  	[tilespmem:$0x2050] =	vst v6  }
0x1a8: {  	[tilespmem:$0x21D0] =	vst v5  }
0x1a9: {  	[tilespmem:$0x2060] =	vst v20  }
0x1aa: {  	[tilespmem:$0x21E0] =	vst v18  }
0x1ab: {  	[tilespmem:$0x2070] =	vst v17  }
0x1ac: {  	[tilespmem:$0x21F0] =	vst v19  }
0x1ad: {  	[tilespmem:$0x2080] =	vst v14  }
0x1ae: {  	[tilespmem:$0x2200] =	vst v16  }
0x1af: {  	[tilespmem:$0x2090] =	vst v13  }
0x1b0: {  	[tilespmem:$0x2210] =	vst v15  }
0x1b1: {  	[tilespmem:$0x20A0] =	vst v11;
	v5 =	vimm.f32 $-Inf;
	v6 =	vimm.f32 $0.0e+00;
	v21 =	vimm.f32 $0.0e+00  }
.Ltmp30:
0x1b2: {  	[tilespmem:$0x2220] =	vst v12;
	v20 =	vimm.f32 $0.0e+00;
	v17 =	vimm.f32 $0.0e+00;
	v13 =	vimm.f32 $0.0e+00;
	(pc) =	sbr.rel @p0 .LBB2_36-.Ltmp30, $4  }
0x1b3: {  	[tilespmem:$0x20B0] =	vst v10;
	v12 =	vimm.f32 $0.0e+00;
	v11 =	vimm.f32 $0.0e+00;
	v10 =	vimm.f32 $0.0e+00  }
0x1b4: {  	[tilespmem:$0x2230] =	vst v8;
	v8 =	vimm.f32 $0.0e+00;
	v22 =	vimm.f32 $-Inf;
	v19 =	vimm.f32 $-Inf  }
0x1b5: {  	[tilespmem:$0x20C0] =	vst v7;
	v18 =	vimm.f32 $-Inf;
	v16 =	vimm.f32 $-Inf;
	v15 =	vimm.f32 $-Inf  }
0x1b6: {  	[tilespmem:$0x2240] =	vst v9;
	v14 =	vimm.f32 $-Inf;
	v9 =	vimm.f32 $-Inf;
	v7 =	vimm.f32 $-Inf  }
0x1b7: {  	v8 =	vimm.f32 $0.0e+00  }
.Ltmp31:
0x1b8: {  	v7 =	vimm.f32 $-Inf;
	v9 =	vimm.f32 $-Inf;
	v14 =	vimm.f32 $-Inf;
	(pc) =	sbr.rel .LBB2_31-.Ltmp31, $4  }
0x1b9: {  	v15 =	vimm.f32 $-Inf;
	v16 =	vimm.f32 $-Inf;
	v18 =	vimm.f32 $-Inf  }
0x1ba: {  	v19 =	vimm.f32 $-Inf;
	v22 =	vimm.f32 $-Inf;
	v10 =	vimm.f32 $0.0e+00  }
0x1bb: {  	v11 =	vimm.f32 $0.0e+00;
	v12 =	vimm.f32 $0.0e+00;
	v13 =	vimm.f32 $0.0e+00  }
0x1bc: {  	s22 =	sor.u32 $0x50, s21;
	s23 =	simm.s32 $0x0;
	s24 =	smov.u32 s18;
	v17 =	vimm.f32 $0.0e+00;
	v20 =	vimm.f32 $0.0e+00;
	v21 =	vimm.f32 $0.0e+00  }
.LBB2_34:
0x1bd: {  	v28 =	vld [tilespmem:s26+$0x50]  }
0x1be: {  	v29 =	vld [tilespmem:s26+$0x60]  }
0x1bf: {  	v22 =	vmax.f32 v22, v27;
	v19 =	vmax.f32 v19, v26  }
0x1c0: {  	v18 =	vmax.f32 v18, v24;
	v21 =	vadd.f32 v27, v21;
	v20 =	vadd.f32 v26, v20  }
0x1c1: {  	v16 =	vmax.f32 v16, v25;
	v17 =	vadd.f32 v24, v17;
	v13 =	vadd.f32 v25, v13  }
0x1c2: {  	v15 =	vmax.f32 v15, v23;
	v12 =	vadd.f32 v23, v12;
	v11 =	vadd.f32 v28, v11  }
0x1c3: {  	v14 =	vmax.f32 v14, v28;
	v10 =	vadd.f32 v29, v10;
	v9 =	vmax.f32 v9, v29  }
.LBB2_35:
0x1c4: {  	s23 =	sadd.s32 $0x1, s23  }
0x1c5: {  	p1 =	sne.s32 s23, s20  }
.Ltmp32:
0x1c6: {  	_ = 	snop;
	(pc) =	sbr.rel @!p1 .LBB2_36-.Ltmp32, $2  }
0x1c7: {  	_ =	sdelay $0x2  }
0x1c8: {  	s24 =	sadd.s32 $0x40, s24;
	s22 =	sadd.s32 $0x2000, s22  }
.LBB2_31:
0x1c9: {  	s25 =	sshll.u32 s23, $0x6  }
0x1ca: {  	s26 =	sadd.s32 s18, s25  }
0x1cb: {  	p1 =	slt.s32 s26, $0x26D0;
	s28 =	smov.u32 s26  }
0x1cc: {  	s28 =	simm.s32 @!p1 $0x26D0  }
0x1cd: {  	s31 =	sshll.u32 s28, $0x4  }
0x1ce: {  	s25 =	sand.u32 $0x1FFFFFF0, s31  }
0x1cf: {  	s25 =	sadd.s32 s5, s25  }
0x1d0: {  	[tilespmem:s14], [sflag:$0x1] =	stream.linear.gather [hbm4b:s25+s2], $0x2000, $0x38;
	[tilespmem:$0x2350] =	vst v63  }
0x1d1: {  	s25 =	sadd.s32 $0x40, s28  }
0x1d2: {  	p1 =	slt.s32 s19, s25  }
0x1d3: {  	s25 =	smov.u32 @p1 s19  }
0x1d4: {  	s29 =	ssub.s32 s26, s28;
	s25 =	ssub.s32 s25, s28  }
0x1d5: {  	p1 =	sge.s32 s29, s25  }
.Ltmp33:
0x1d6: {  	_ = 	snop;
	(pc) =	sbr.rel @p1 .LBB2_35-.Ltmp33, $4  }
0x1d7: {  	_ = 	snop  }
0x1d8: {  	_ =	swait.ge [sflag:s13], $0x2000  }
0x1d9: {  	[sflag:s13] =	ssyncset.done $0x0  }
0x1da: {  	[sflag:s13] =	ssyncadd.s32 $0xFFFFE000  }
0x1db: {  	p1 =	slt.s32 s24, $0x26D0;
	s26 =	smov.u32 s24  }
0x1dc: {  	s26 =	simm.s32 @!p1 $0x26D0  }
0x1dd: {  	s26 =	sshll.u32 s26, $0x9  }
0x1de: {  	s26 =	ssub.s32 $0x0, s26  }
0x1df: {  	s28 =	sshra.s32 s26, $0x2  }
0x1e0: {  	s29 =	sadd.s32 $0x1, s29;
	s26 =	sadd.s32 s28, s22  }
0x1e1: {  	p1 =	slt.s32 s29, s25;
	v28 =	vld [tilespmem:s26+$0x70]  }
.Ltmp34:
0x1e2: {  	v27 =	vld [tilespmem:s26+$0x0];
	(pc) =	sbr.rel @!p1 .LBB2_34-.Ltmp34, $4  }
0x1e3: {  	v26 =	vld [tilespmem:s26+$0x10]  }
0x1e4: {  	v24 =	vld [tilespmem:s26+$0x20]  }
0x1e5: {  	v25 =	vld [tilespmem:s26+$0x30]  }
0x1e6: {  	s30 =	smov.u32 s22;
	v23 =	vld [tilespmem:s26+$0x40];
	v8 =	vadd.f32 v28, v8;
	v7 =	vmax.f32 v7, v28  }
.LBB2_33:
0x1e7: {  	s29 =	sadd.s32 $0x1, s29;
	v21 =	vadd.f32 v27, v21;
	v22 =	vmax.f32 v22, v27;
	v28 =	vld [tilespmem:s26+$0x50];
	s30 =	sadd.s32 $0x80, s30  }
0x1e8: {  	v20 =	vadd.f32 v26, v20;
	v19 =	vmax.f32 v19, v26;
	p1 =	slt.s32 s29, s25;
	v29 =	vld [tilespmem:s26+$0x60];
	s26 =	sadd.s32 s28, s30  }
0x1e9: {  	v17 =	vadd.f32 v24, v17;
	v18 =	vmax.f32 v18, v24;
	v30 =	vld [tilespmem:s26+$0x70]  }
.Ltmp35:
0x1ea: {  	v13 =	vadd.f32 v25, v13;
	v16 =	vmax.f32 v16, v25;
	v27 =	vld [tilespmem:s26+$0x0];
	(pc) =	sbr.rel @p1 .LBB2_33-.Ltmp35, $4  }
0x1eb: {  	v12 =	vadd.f32 v23, v12;
	v15 =	vmax.f32 v15, v23;
	v26 =	vld [tilespmem:s26+$0x10]  }
0x1ec: {  	v24 =	vld [tilespmem:s26+$0x20];
	v11 =	vadd.f32 v28, v11;
	v14 =	vmax.f32 v14, v28  }
0x1ed: {  	v25 =	vld [tilespmem:s26+$0x30];
	v10 =	vadd.f32 v29, v10;
	v9 =	vmax.f32 v9, v29  }
0x1ee: {  	v23 =	vld [tilespmem:s26+$0x40];
	v8 =	vadd.f32 v30, v8;
	v7 =	vmax.f32 v7, v30  }
.Ltmp36:
0x1ef: {  	_ = 	snop;
	(pc) =	sbr.rel .LBB2_34-.Ltmp36, $1  }
0x1f0: {  	_ =	sdelay $0x3  }
.LBB2_36:
0x1f1: {  	[tilespmem:$0x20D0] =	vst v21  }
0x1f2: {  	[tilespmem:$0x2250] =	vst v22  }
0x1f3: {  	[tilespmem:$0x20E0] =	vst v20  }
0x1f4: {  	[tilespmem:$0x2260] =	vst v19  }
0x1f5: {  	[tilespmem:$0x20F0] =	vst v17  }
0x1f6: {  	[tilespmem:$0x2270] =	vst v18  }
0x1f7: {  	[tilespmem:$0x2100] =	vst v13  }
0x1f8: {  	[tilespmem:$0x2280] =	vst v16  }
0x1f9: {  	[tilespmem:$0x2110] =	vst v12  }
0x1fa: {  	[tilespmem:$0x2290] =	vst v15  }
0x1fb: {  	[tilespmem:$0x2120] =	vst v11  }
.Ltmp37:
0x1fc: {  	[tilespmem:$0x22A0] =	vst v14;
	v20 =	vimm.f32 $0.0e+00;
	v19 =	vimm.f32 $0.0e+00;
	(pc) =	sbr.rel @p0 .LBB2_43-.Ltmp37, $4  }
0x1fd: {  	[tilespmem:$0x2130] =	vst v10;
	v15 =	vimm.f32 $0.0e+00;
	v12 =	vimm.f32 $0.0e+00;
	v11 =	vimm.f32 $0.0e+00  }
0x1fe: {  	[tilespmem:$0x22B0] =	vst v9;
	v10 =	vimm.f32 $0.0e+00;
	v9 =	vimm.f32 $0.0e+00;
	v18 =	vimm.f32 $-Inf  }
0x1ff: {  	[tilespmem:$0x2140] =	vst v8;
	v17 =	vimm.f32 $-Inf;
	v16 =	vimm.f32 $-Inf;
	v14 =	vimm.f32 $-Inf  }
0x200: {  	[tilespmem:$0x22C0] =	vst v7;
	v13 =	vimm.f32 $-Inf;
	v8 =	vimm.f32 $-Inf;
	v7 =	vimm.f32 $-Inf  }
0x201: {  	v9 =	vimm.f32 $0.0e+00  }
.Ltmp38:
0x202: {  	v7 =	vimm.f32 $-Inf;
	v8 =	vimm.f32 $-Inf;
	v13 =	vimm.f32 $-Inf;
	(pc) =	sbr.rel .LBB2_38-.Ltmp38, $4  }
0x203: {  	v14 =	vimm.f32 $-Inf;
	v16 =	vimm.f32 $-Inf;
	v17 =	vimm.f32 $-Inf  }
0x204: {  	v18 =	vimm.f32 $-Inf;
	v5 =	vimm.f32 $-Inf;
	v10 =	vimm.f32 $0.0e+00  }
0x205: {  	v11 =	vimm.f32 $0.0e+00;
	v12 =	vimm.f32 $0.0e+00;
	v15 =	vimm.f32 $0.0e+00  }
0x206: {  	s21 =	sor.u32 $0x50, s21;
	s22 =	simm.s32 $0x0;
	s23 =	smov.u32 s18;
	v19 =	vimm.f32 $0.0e+00;
	v20 =	vimm.f32 $0.0e+00;
	v6 =	vimm.f32 $0.0e+00  }
.LBB2_41:
0x207: {  	v26 =	vld [tilespmem:s25+$0x50]  }
0x208: {  	v27 =	vld [tilespmem:s25+$0x60]  }
0x209: {  	v5 =	vmax.f32 v5, v25;
	v18 =	vmax.f32 v18, v24  }
0x20a: {  	v17 =	vmax.f32 v17, v22;
	v6 =	vadd.f32 v25, v6;
	v20 =	vadd.f32 v24, v20  }
0x20b: {  	v16 =	vmax.f32 v16, v23;
	v19 =	vadd.f32 v22, v19;
	v15 =	vadd.f32 v23, v15  }
0x20c: {  	v14 =	vmax.f32 v14, v21;
	v12 =	vadd.f32 v21, v12;
	v11 =	vadd.f32 v26, v11  }
0x20d: {  	v13 =	vmax.f32 v13, v26;
	v10 =	vadd.f32 v27, v10;
	v8 =	vmax.f32 v8, v27  }
.LBB2_42:
0x20e: {  	s22 =	sadd.s32 $0x1, s22  }
0x20f: {  	p0 =	sne.s32 s22, s20  }
.Ltmp39:
0x210: {  	_ = 	snop;
	(pc) =	sbr.rel @!p0 .LBB2_43-.Ltmp39, $2  }
0x211: {  	_ =	sdelay $0x2  }
0x212: {  	s23 =	sadd.s32 $0x40, s23;
	s21 =	sadd.s32 $0x2000, s21  }
.LBB2_38:
0x213: {  	s24 =	sshll.u32 s22, $0x6  }
0x214: {  	s25 =	sadd.s32 s18, s24  }
0x215: {  	p0 =	slt.s32 s25, $0x26D0;
	s26 =	smov.u32 s25  }
0x216: {  	s26 =	simm.s32 @!p0 $0x26D0  }
0x217: {  	s31 =	sshll.u32 s26, $0x4  }
0x218: {  	s24 =	sand.u32 $0x1FFFFFF0, s31  }
0x219: {  	s24 =	sadd.s32 s6, s24  }
0x21a: {  	[tilespmem:s14], [sflag:$0x1] =	stream.linear.gather [hbm4b:s24+s2], $0x2000, $0x38;
	[tilespmem:$0x2350] =	vst v63  }
0x21b: {  	s24 =	sadd.s32 $0x40, s26  }
0x21c: {  	p0 =	slt.s32 s19, s24  }
0x21d: {  	s24 =	smov.u32 @p0 s19  }
0x21e: {  	s28 =	ssub.s32 s25, s26;
	s24 =	ssub.s32 s24, s26  }
0x21f: {  	p0 =	sge.s32 s28, s24  }
.Ltmp40:
0x220: {  	_ = 	snop;
	(pc) =	sbr.rel @p0 .LBB2_42-.Ltmp40, $4  }
0x221: {  	_ = 	snop  }
0x222: {  	_ =	swait.ge [sflag:s13], $0x2000  }
0x223: {  	[sflag:s13] =	ssyncset.done $0x0  }
0x224: {  	[sflag:s13] =	ssyncadd.s32 $0xFFFFE000  }
0x225: {  	p0 =	slt.s32 s23, $0x26D0;
	s25 =	smov.u32 s23  }
0x226: {  	s25 =	simm.s32 @!p0 $0x26D0  }
0x227: {  	s25 =	sshll.u32 s25, $0x9  }
0x228: {  	s25 =	ssub.s32 $0x0, s25  }
0x229: {  	s26 =	sshra.s32 s25, $0x2  }
0x22a: {  	s28 =	sadd.s32 $0x1, s28;
	s25 =	sadd.s32 s26, s21  }
0x22b: {  	p0 =	slt.s32 s28, s24;
	v26 =	vld [tilespmem:s25+$0x70]  }
.Ltmp41:
0x22c: {  	v25 =	vld [tilespmem:s25+$0x0];
	(pc) =	sbr.rel @!p0 .LBB2_41-.Ltmp41, $4  }
0x22d: {  	v24 =	vld [tilespmem:s25+$0x10]  }
0x22e: {  	v22 =	vld [tilespmem:s25+$0x20]  }
0x22f: {  	v23 =	vld [tilespmem:s25+$0x30]  }
0x230: {  	s29 =	smov.u32 s21;
	v21 =	vld [tilespmem:s25+$0x40];
	v9 =	vadd.f32 v26, v9;
	v7 =	vmax.f32 v7, v26  }
.LBB2_40:
0x231: {  	s28 =	sadd.s32 $0x1, s28;
	v6 =	vadd.f32 v25, v6;
	v5 =	vmax.f32 v5, v25;
	v26 =	vld [tilespmem:s25+$0x50];
	s29 =	sadd.s32 $0x80, s29  }
0x232: {  	v20 =	vadd.f32 v24, v20;
	v18 =	vmax.f32 v18, v24;
	p0 =	slt.s32 s28, s24;
	v27 =	vld [tilespmem:s25+$0x60];
	s25 =	sadd.s32 s26, s29  }
0x233: {  	v19 =	vadd.f32 v22, v19;
	v17 =	vmax.f32 v17, v22;
	v28 =	vld [tilespmem:s25+$0x70]  }
.Ltmp42:
0x234: {  	v15 =	vadd.f32 v23, v15;
	v16 =	vmax.f32 v16, v23;
	v25 =	vld [tilespmem:s25+$0x0];
	(pc) =	sbr.rel @p0 .LBB2_40-.Ltmp42, $4  }
0x235: {  	v12 =	vadd.f32 v21, v12;
	v14 =	vmax.f32 v14, v21;
	v24 =	vld [tilespmem:s25+$0x10]  }
0x236: {  	v22 =	vld [tilespmem:s25+$0x20];
	v11 =	vadd.f32 v26, v11;
	v13 =	vmax.f32 v13, v26  }
0x237: {  	v23 =	vld [tilespmem:s25+$0x30];
	v10 =	vadd.f32 v27, v10;
	v8 =	vmax.f32 v8, v27  }
0x238: {  	v21 =	vld [tilespmem:s25+$0x40];
	v9 =	vadd.f32 v28, v9;
	v7 =	vmax.f32 v7, v28  }
.Ltmp43:
0x239: {  	_ = 	snop;
	(pc) =	sbr.rel .LBB2_41-.Ltmp43, $1  }
0x23a: {  	_ =	sdelay $0x3  }
.LBB2_44:
0x23b: {  	_ =	sfence.sel $0x180000  }
0x23c: {  	[bflag:$0x0] =	sbarrier.arrive $0xFFFF  }
0x23d: {  	p0 =	sne.s32 s3, $0x0;
	_ =	strace $0x90000053  }
0x23e: {  	s0 =	sadd.s32 @!p0 $0x100000, s0;
	[bflag:$0x2] =	sbarrier.arrive $0xFFFF  }
0x23f: {  	[sflag:s0] =	ssyncadd.tile.s32 @!p0 $0x1;
	_ =	shalt  }
.Lfunc_end2:
_tile_overlayer_lowered:
.L_overlay_start_2:
0x240: {  	(tag) =	ssettag $0x2  }
0x241: {  	s0 =	rddreg [dreg:$0x0];
	s2 =	stileid.u32  }
0x242: {  	s1 =	rddreg [dreg:$0x1];
	p0 =	sne.s32 s2, $0x0  }
0x243: {  	s3 =	rddreg [dreg:$0x2];
	[bflag:$0x3] =	sbarrier.arrive $0xFFFF;
	s2 =	simm.s32 @!p0 $0x1C01  }
0x244: {  	[timem:s3], [sflag:s2] =	dma.local @!p0 [hbm:s0], s1  }
0x245: {  	s0 =	simm.s32 @!p0 $0x1  }
0x246: {  	_ =	swait.ge @!p0 [sflag:s0], s1  }
0x247: {  	s1 =	ssub.s32 @!p0 $0x0, s1;
	[sflag:s0] =	ssyncset.done @!p0 $0x0  }
0x248: {  	[sflag:s0] =	ssyncadd.s32 @!p0 s1  }
0x249: {  	[bflag:$0x3] =	sbarrier.arrive $0xFFFF  }
0x24a: {  	_ =	shalt  }

</sc_bundles>
